<compile_context>
chip_gen: v7x
topology: tpu7x:2x2x1
jax: 0.10.2.dev20260603
libtpu: 0.0.44.dev20260713+nightly
codegen_flags: <defaults>
</compile_context>

<pallas_src>
import jax
import jax.numpy as jnp
from jax import lax
from jax.experimental import pallas as pl
from jax.experimental.pallas import tpu as pltpu
from jax.experimental.pallas import tpu_sc as plsc

VOCAB = 1000000
BATCH = 16384
HIST = 50
CLASSES = 5
SCALE = 1.0 / 16384

NUM_CORES = 2
NUM_SUBCORES = 16
LANES = 16
NW = NUM_CORES * NUM_SUBCORES
B_PER_W = BATCH // NW
CHUNK = 8
N_CHUNKS = B_PER_W // CHUNK
HALF_CHUNKS = N_CHUNKS // 2
IDX_PER_CHUNK = CHUNK * HIST
IDX_HALF = HALF_CHUNKS * IDX_PER_CHUNK
SW = 16
IDX_ROWS = IDX_PER_CHUNK // SW
PADC = 8
WIDE = 128


def _sc_body(idx_hbm, zeros_hbm, table_hbm, sums_hbm,
             idx_v, rows_v, comp_v, dst_idx_v, acc_sh, bounce_sh,
             gsem0, gsem1, asem0, asem1):
    core = lax.axis_index("c")
    sub = lax.axis_index("s")
    wid = sub * NUM_CORES + core
    lane = lax.iota(jnp.int32, LANES)
    idx_row0 = wid * (B_PER_W * HIST // 128)
    my_acc = acc_sh.at[pl.ds(sub * B_PER_W, B_PER_W)]
    my_bounce = bounce_sh.at[sub]

    def fire_gathers(k, p, sem):
        off = jnp.bitwise_and(k, HALF_CHUNKS - 1) * IDX_PER_CHUNK
        for j in range(IDX_ROWS):
            o = off + j * SW
            pltpu.async_copy(
                table_hbm.at[idx_v.at[
                    lax.shift_right_logical(o, 7),
                    pl.ds(pl.multiple_of(jnp.bitwise_and(o, 127), SW), SW)]],
                rows_v.at[p, pl.ds(j * SW, SW)],
                sem,
            )

    def drain_gathers(k, p, sem):
        pltpu.make_async_copy(
            table_hbm.at[pl.ds(0, IDX_PER_CHUNK)],
            rows_v.at[p],
            sem,
        ).wait()

    def fire_adds(k, p, sem):
        row0 = sub * B_PER_W + k * CHUNK
        for j in range(IDX_ROWS):
            q0, rem = divmod(j * SW, HIST)
            step = jnp.where(lane >= (HIST - rem), 1, 0)
            dst_idx_v[j, pl.ds(0, LANES)] = row0 + q0 + step
        for j in range(IDX_ROWS):
            pltpu.async_copy(
                comp_v.at[p, pl.ds(j * SW, SW)],
                acc_sh.at[dst_idx_v.at[j]],
                sem,
                add=True,
            )

    def drain_adds(p, sem):
        pltpu.make_async_copy(
            zeros_hbm.at[pl.ds(0, IDX_PER_CHUNK)],
            comp_v.at[p],
            sem,
        ).wait()

    def chunk_step(k, p, sem_g_mine, sem_g_other, sem_a_mine, sem_a_other):
        @pl.when(k == HALF_CHUNKS - 1)
        def _():
            pltpu.sync_copy(
                idx_hbm.at[pl.ds(idx_row0 + IDX_HALF // 128,
                                 IDX_HALF // 128)], idx_v)

        @pl.when(k + 1 < N_CHUNKS)
        def _():
            fire_gathers(k + 1, 1 - p, sem_g_other)

        drain_gathers(k, p, sem_g_mine)

        pltpu.sync_copy(rows_v.at[p, :, pl.ds(0, PADC)], my_bounce)
        pltpu.sync_copy(my_bounce, comp_v.at[p])

        @pl.when(k > 0)
        def _():
            drain_adds(1 - p, sem_a_other)

        fire_adds(k, p, sem_a_mine)

    pltpu.sync_copy(idx_hbm.at[pl.ds(idx_row0, IDX_HALF // 128)], idx_v)
    pltpu.sync_copy(zeros_hbm, my_acc)
    fire_gathers(0, 0, gsem0)

    def loop_body(k, _):
        parity = jnp.bitwise_and(k, 1)

        @pl.when(parity == 0)
        def _():
            chunk_step(k, 0, gsem0, gsem1, asem0, asem1)

        @pl.when(parity == 1)
        def _():
            chunk_step(k, 1, gsem1, gsem0, asem1, asem0)

        return ()

    lax.fori_loop(0, N_CHUNKS, loop_body, ())

    drain_adds(1, asem1)
    pltpu.sync_copy(my_acc, sums_hbm.at[wid])


@jax.jit
def _embed_sums(idx1d, zeros, table):
    mesh = plsc.VectorSubcoreMesh(
        core_axis_name="c", subcore_axis_name="s",
        num_cores=NUM_CORES, num_subcores=NUM_SUBCORES)
    return pl.kernel(
        _sc_body,
        out_type=jax.ShapeDtypeStruct(
            (NW, B_PER_W, PADC), jnp.float32),
        mesh=mesh,
        compiler_params=pltpu.CompilerParams(use_tc_tiling_on_sc=False),
        scratch_types=[
            pltpu.VMEM((IDX_HALF // 128, 128), jnp.int32),
            pltpu.VMEM((2, IDX_PER_CHUNK, WIDE), jnp.float32),
            pltpu.VMEM((2, IDX_PER_CHUNK, PADC), jnp.float32),
            pltpu.VMEM((IDX_ROWS, SW), jnp.int32),
            pltpu.VMEM_SHARED(
                (NUM_SUBCORES * B_PER_W, PADC), jnp.float32),
            pltpu.VMEM_SHARED(
                (NUM_SUBCORES, IDX_PER_CHUNK, PADC), jnp.float32),
            pltpu.SemaphoreType.DMA,
            pltpu.SemaphoreType.DMA,
            pltpu.SemaphoreType.DMA,
            pltpu.SemaphoreType.DMA,
        ],
    )(idx1d, zeros, table)


def _softmax_body(s_ref, o_ref):
    s = s_ref[:, :CLASSES] * SCALE
    m = jnp.max(s, axis=-1, keepdims=True)
    e = jnp.exp(s - m)
    o_ref[...] = e / jnp.sum(e, axis=-1, keepdims=True)


@jax.jit
def _softmax(sums):
    return pl.pallas_call(
        _softmax_body,
        out_shape=jax.ShapeDtypeStruct((BATCH, CLASSES), jnp.float32),
        grid=(8,),
        in_specs=[pl.BlockSpec((BATCH // 8, PADC), lambda i: (i, 0))],
        out_specs=pl.BlockSpec((BATCH // 8, CLASSES), lambda i: (i, 0)),
    )(sums)


def kernel(indices, table):
    idx1d = jnp.pad(jnp.bitwise_and(
        indices.astype(jnp.int32), jnp.int32(0xFFFFF)).reshape(
        BATCH * HIST // 128, 128), ((0, 8), (0, 0)))
    zeros = jnp.zeros((B_PER_W, PADC), jnp.float32)
    tablew = jnp.pad(table, ((0, 0), (0, WIDE - CLASSES)))
    sums = _embed_sums(idx1d, zeros, tablew).reshape(BATCH, PADC)
    return _softmax(sums)

# --- scband reference (transcript-rebuilt; emitter-appended) ---
"""Pipeline reference for scband-my-embedding-60395830117148 (READ-ONLY COPY).

The authoritative reference and input builder live on the scoring server;
editing this copy changes nothing except your own understanding.
"""

import jax, jax.numpy as jnp
import numpy as np

VOCAB = 1000000
CLASS_NUM = 5  # Hyperparameter.class_num (length of the hardcoded zero vector)
BATCH = 16384
HIST_LEN = 50
BATCH_SIZE = 16384  # Hyperparameter.batch_size used as 1/batch_size scale


def setup_inputs(seed: int = 0) -> dict:
    key = jax.random.key(seed)
    k1, k2 = jax.random.split(key)
    indices = jax.random.randint(k1, (BATCH, HIST_LEN), 0, VOCAB)
    # learned embedding table sized per init_kwargs (vocab_dim x class_num)
    table = jax.random.normal(k2, (VOCAB, CLASS_NUM), dtype=jnp.float32) * 0.02
    return {"indices": indices, "table": table}


def reference(indices, table):
    # For each batch element: sum embeddings of its word indices (bag-of-words sum),
    # scale by 1/batch_size, then numerically-stable softmax over the class dim.
    gathered = jnp.take(table, indices, axis=0)          # [B, L, C]
    summed = jnp.sum(gathered, axis=1)                   # [B, C]
    scaled = summed * (1.0 / BATCH_SIZE)                 # [B, C]
    m = jnp.max(scaled, axis=-1, keepdims=True)
    e = jnp.exp(scaled - m)
    out = e / jnp.sum(e, axis=-1, keepdims=True)         # [B, C]
    return out

if __name__ == "__main__":
    import jax
    _d = setup_inputs()
    print(jax.jit(kernel)(*tuple(_d.values())))

</pallas_src>

<mosaic_0001>
#map = affine_map<(d0, d1) -> (0, 0)>
#map1 = affine_map<(d0, d1) -> (0, 0, 0)>
module attributes {stable_mosaic.version = 14 : i64} {
  func.func @_sc_body(%arg0: i32, %arg1: i32, %arg2: memref<6408x128xi32, #tpu.memory_space<hbm>>, %arg3: memref<512x8xf32, #tpu.memory_space<hbm>>, %arg4: memref<1000000x128xf32, #tpu.memory_space<hbm>>, %arg5: memref<32x512x8xf32, #tpu.memory_space<hbm>>, %arg6: memref<100x128xi32, #tpu.memory_space<vmem>>, %arg7: memref<2x400x128xf32, #tpu.memory_space<vmem>>, %arg8: memref<2x400x8xf32, #tpu.memory_space<vmem>>, %arg9: memref<25x16xi32, #tpu.memory_space<vmem>>, %arg10: memref<8192x8xf32, #tpu.memory_space<vmem_shared>>, %arg11: memref<16x400x8xf32, #tpu.memory_space<vmem_shared>>, %arg12: memref<!tpu.dma_semaphore, #tpu.memory_space<semaphore_mem>>, %arg13: memref<!tpu.dma_semaphore, #tpu.memory_space<semaphore_mem>>, %arg14: memref<!tpu.dma_semaphore, #tpu.memory_space<semaphore_mem>>, %arg15: memref<!tpu.dma_semaphore, #tpu.memory_space<semaphore_mem>>) attributes {dimension_semantics = [#tpu.dimension_semantics<core_parallel>, #tpu.dimension_semantics<subcore_parallel>], iteration_bounds = array<i64: 2, 16>, scalar_prefetch = 0 : i64, scratch_operands = 10 : i64, tpu.core_type = #tpu.core_type<sc_vector_subcore>, window_params = [{transform_indices = #map}, {transform_indices = #map}, {transform_indices = #map}, {transform_indices = #map1}]} {
    %mul3A = arith.constant 2 : i32
    %mul3A_0 = arith.muli %arg1, %mul3A : i32
    %add3A = arith.addi %mul3A_0, %arg0 : i32
    %iota3A = tpu.iota {dimensions = array<i32: 0>} : vector<16xi32>
    %mul3A_1 = arith.constant 200 : i32
    %mul3A_2 = arith.muli %add3A, %mul3A_1 : i32
    %mul3A_3 = arith.constant 512 : i32
    %mul3A_4 = arith.muli %arg1, %mul3A_3 : i32
    "tpu.region"() ({
      %run_scoped3A = tpu.sem_alloc : memref<!tpu.dma_semaphore, #tpu.memory_space<semaphore_mem>>
      %dma_start3A_449 = arith.constant 0 : i32
      %dma_start3A_450 = tpu.memref_slice %arg2[%mul3A_2, %dma_start3A_449] : memref<6408x128xi32, #tpu.memory_space<hbm>> -> memref<100x128xi32, #tpu.memory_space<hbm>>
      %dma_start3A_451 = arith.constant 0 : i32
      %dma_start3A_452 = tpu.memref_slice %arg2[%mul3A_2, %dma_start3A_451] : memref<6408x128xi32, #tpu.memory_space<hbm>> -> memref<100x128xi32, #tpu.memory_space<hbm>>
      tpu.enqueue_dma source(%dma_start3A_452 : memref<100x128xi32, #tpu.memory_space<hbm>>) target(%arg6 : memref<100x128xi32, #tpu.memory_space<vmem>>) target_semaphore(%run_scoped3A : memref<!tpu.dma_semaphore, #tpu.memory_space<semaphore_mem>>)
      %dma_wait3A_453 = arith.constant 0 : i32
      %dma_wait3A_454 = tpu.memref_slice %arg2[%mul3A_2, %dma_wait3A_453] : memref<6408x128xi32, #tpu.memory_space<hbm>> -> memref<100x128xi32, #tpu.memory_space<hbm>>
      %dma_wait3A_455 = arith.constant 0 : i32
      %dma_wait3A_456 = tpu.memref_slice %arg2[%mul3A_2, %dma_wait3A_455] : memref<6408x128xi32, #tpu.memory_space<hbm>> -> memref<100x128xi32, #tpu.memory_space<hbm>>
      tpu.wait_dma2 semaphore(%run_scoped3A : memref<!tpu.dma_semaphore, #tpu.memory_space<semaphore_mem>>) src(%dma_wait3A_456 : memref<100x128xi32, #tpu.memory_space<hbm>>) dst(%arg6 : memref<100x128xi32, #tpu.memory_space<vmem>>)
      tpu.yield
    }) : () -> ()
    "tpu.region"() ({
      %run_scoped3A = tpu.sem_alloc : memref<!tpu.dma_semaphore, #tpu.memory_space<semaphore_mem>>
      %dma_start3A_449 = arith.constant 0 : i32
      %dma_start3A_450 = tpu.memref_slice %arg10[%mul3A_4, %dma_start3A_449] : memref<8192x8xf32, #tpu.memory_space<vmem_shared>> -> memref<512x8xf32, #tpu.memory_space<vmem_shared>>
      tpu.enqueue_dma source(%arg3 : memref<512x8xf32, #tpu.memory_space<hbm>>) target(%dma_start3A_450 : memref<512x8xf32, #tpu.memory_space<vmem_shared>>) target_semaphore(%run_scoped3A : memref<!tpu.dma_semaphore, #tpu.memory_space<semaphore_mem>>)
      %dma_wait3A_451 = arith.constant 0 : i32
      %dma_wait3A_452 = tpu.memref_slice %arg10[%mul3A_4, %dma_wait3A_451] : memref<8192x8xf32, #tpu.memory_space<vmem_shared>> -> memref<512x8xf32, #tpu.memory_space<vmem_shared>>
      tpu.wait_dma2 semaphore(%run_scoped3A : memref<!tpu.dma_semaphore, #tpu.memory_space<semaphore_mem>>) src(%arg3 : memref<512x8xf32, #tpu.memory_space<hbm>>) dst(%dma_wait3A_452 : memref<512x8xf32, #tpu.memory_space<vmem_shared>>)
      tpu.yield
    }) : () -> ()
    %and3A = arith.constant 0 : i32
    %and3A_5 = arith.constant 31 : i32
    %and3A_6 = arith.andi %and3A, %and3A_5 : i32
    %mul3A_7 = arith.constant 400 : i32
    %mul3A_8 = arith.muli %and3A_6, %mul3A_7 : i32
    %add3A_9 = arith.constant 0 : i32
    %add3A_10 = arith.addi %mul3A_8, %add3A_9 : i32
    %shift_right_logical3A = arith.constant 7 : i32
    %shift_right_logical3A_11 = arith.shrui %add3A_10, %shift_right_logical3A : i32
    %and3A_12 = arith.constant 127 : i32
    %and3A_13 = arith.andi %add3A_10, %and3A_12 : i32
    %multiple_of3A = tpu.assume_multiple %and3A_13, 16 : i32
    %dma_start3A = arith.constant 0 : i32
    %dma_start3A_14 = arith.constant 0 : i32
    %dma_start3A_15 = arith.constant 0 : i32
    %dma_start3A_16 = tpu.memref_slice %arg7[%dma_start3A, %dma_start3A_14, %dma_start3A_15] : memref<2x400x128xf32, #tpu.memory_space<vmem>> -> memref<1x16x128xf32, #tpu.memory_space<vmem>>
    %dma_start3A_17 = tpu.memref_squeeze %dma_start3A_16 : memref<1x16x128xf32, #tpu.memory_space<vmem>> -> memref<16x128xf32, #tpu.memory_space<vmem>>
    %dma_start3A_18 = tpu.memref_slice %arg6[%shift_right_logical3A_11, %multiple_of3A] : memref<100x128xi32, #tpu.memory_space<vmem>> -> memref<1x16xi32, #tpu.memory_space<vmem>>
    %dma_start3A_19 = tpu.memref_squeeze %dma_start3A_18 : memref<1x16xi32, #tpu.memory_space<vmem>> -> memref<16xi32, #tpu.memory_space<vmem>>
    %dma_start3A_20 = arith.constant 0 : i32
    %dma_start3A_21 = arith.constant 0 : i32
    %dma_start3A_22 = tpu.memref_slice %arg4[%dma_start3A_20, %dma_start3A_21] : memref<1000000x128xf32, #tpu.memory_space<hbm>> -> memref<1000000x128xf32, #tpu.memory_space<hbm>>
    tpu.enqueue_indirect_dma source(%dma_start3A_22 : memref<1000000x128xf32, #tpu.memory_space<hbm>>) target(%dma_start3A_17 : memref<16x128xf32, #tpu.memory_space<vmem>>) offsets(%dma_start3A_19 : memref<16xi32, #tpu.memory_space<vmem>>) semaphore(%arg12 : memref<!tpu.dma_semaphore, #tpu.memory_space<semaphore_mem>>)
    %add3A_23 = arith.constant 16 : i32
    %add3A_24 = arith.addi %mul3A_8, %add3A_23 : i32
    %shift_right_logical3A_25 = arith.constant 7 : i32
    %shift_right_logical3A_26 = arith.shrui %add3A_24, %shift_right_logical3A_25 : i32
    %and3A_27 = arith.constant 127 : i32
    %and3A_28 = arith.andi %add3A_24, %and3A_27 : i32
    %multiple_of3A_29 = tpu.assume_multiple %and3A_28, 16 : i32
    %dma_start3A_30 = arith.constant 0 : i32
    %dma_start3A_31 = arith.constant 16 : i32
    %dma_start3A_32 = arith.constant 0 : i32
    %dma_start3A_33 = tpu.memref_slice %arg7[%dma_start3A_30, %dma_start3A_31, %dma_start3A_32] : memref<2x400x128xf32, #tpu.memory_space<vmem>> -> memref<1x16x128xf32, #tpu.memory_space<vmem>>
    %dma_start3A_34 = tpu.memref_squeeze %dma_start3A_33 : memref<1x16x128xf32, #tpu.memory_space<vmem>> -> memref<16x128xf32, #tpu.memory_space<vmem>>
    %dma_start3A_35 = tpu.memref_slice %arg6[%shift_right_logical3A_26, %multiple_of3A_29] : memref<100x128xi32, #tpu.memory_space<vmem>> -> memref<1x16xi32, #tpu.memory_space<vmem>>
    %dma_start3A_36 = tpu.memref_squeeze %dma_start3A_35 : memref<1x16xi32, #tpu.memory_space<vmem>> -> memref<16xi32, #tpu.memory_space<vmem>>
    %dma_start3A_37 = arith.constant 0 : i32
    %dma_start3A_38 = arith.constant 0 : i32
    %dma_start3A_39 = tpu.memref_slice %arg4[%dma_start3A_37, %dma_start3A_38] : memref<1000000x128xf32, #tpu.memory_space<hbm>> -> memref<1000000x128xf32, #tpu.memory_space<hbm>>
    tpu.enqueue_indirect_dma source(%dma_start3A_39 : memref<1000000x128xf32, #tpu.memory_space<hbm>>) target(%dma_start3A_34 : memref<16x128xf32, #tpu.memory_space<vmem>>) offsets(%dma_start3A_36 : memref<16xi32, #tpu.memory_space<vmem>>) semaphore(%arg12 : memref<!tpu.dma_semaphore, #tpu.memory_space<semaphore_mem>>)
    %add3A_40 = arith.constant 32 : i32
    %add3A_41 = arith.addi %mul3A_8, %add3A_40 : i32
    %shift_right_logical3A_42 = arith.constant 7 : i32
    %shift_right_logical3A_43 = arith.shrui %add3A_41, %shift_right_logical3A_42 : i32
    %and3A_44 = arith.constant 127 : i32
    %and3A_45 = arith.andi %add3A_41, %and3A_44 : i32
    %multiple_of3A_46 = tpu.assume_multiple %and3A_45, 16 : i32
    %dma_start3A_47 = arith.constant 0 : i32
    %dma_start3A_48 = arith.constant 32 : i32
    %dma_start3A_49 = arith.constant 0 : i32
    %dma_start3A_50 = tpu.memref_slice %arg7[%dma_start3A_47, %dma_start3A_48, %dma_start3A_49] : memref<2x400x128xf32, #tpu.memory_space<vmem>> -> memref<1x16x128xf32, #tpu.memory_space<vmem>>
    %dma_start3A_51 = tpu.memref_squeeze %dma_start3A_50 : memref<1x16x128xf32, #tpu.memory_space<vmem>> -> memref<16x128xf32, #tpu.memory_space<vmem>>
    %dma_start3A_52 = tpu.memref_slice %arg6[%shift_right_logical3A_43, %multiple_of3A_46] : memref<100x128xi32, #tpu.memory_space<vmem>> -> memref<1x16xi32, #tpu.memory_space<vmem>>
    %dma_start3A_53 = tpu.memref_squeeze %dma_start3A_52 : memref<1x16xi32, #tpu.memory_space<vmem>> -> memref<16xi32, #tpu.memory_space<vmem>>
    %dma_start3A_54 = arith.constant 0 : i32
    %dma_start3A_55 = arith.constant 0 : i32
    %dma_start3A_56 = tpu.memref_slice %arg4[%dma_start3A_54, %dma_start3A_55] : memref<1000000x128xf32, #tpu.memory_space<hbm>> -> memref<1000000x128xf32, #tpu.memory_space<hbm>>
    tpu.enqueue_indirect_dma source(%dma_start3A_56 : memref<1000000x128xf32, #tpu.memory_space<hbm>>) target(%dma_start3A_51 : memref<16x128xf32, #tpu.memory_space<vmem>>) offsets(%dma_start3A_53 : memref<16xi32, #tpu.memory_space<vmem>>) semaphore(%arg12 : memref<!tpu.dma_semaphore, #tpu.memory_space<semaphore_mem>>)
    %add3A_57 = arith.constant 48 : i32
    %add3A_58 = arith.addi %mul3A_8, %add3A_57 : i32
    %shift_right_logical3A_59 = arith.constant 7 : i32
    %shift_right_logical3A_60 = arith.shrui %add3A_58, %shift_right_logical3A_59 : i32
    %and3A_61 = arith.constant 127 : i32
    %and3A_62 = arith.andi %add3A_58, %and3A_61 : i32
    %multiple_of3A_63 = tpu.assume_multiple %and3A_62, 16 : i32
    %dma_start3A_64 = arith.constant 0 : i32
    %dma_start3A_65 = arith.constant 48 : i32
    %dma_start3A_66 = arith.constant 0 : i32
    %dma_start3A_67 = tpu.memref_slice %arg7[%dma_start3A_64, %dma_start3A_65, %dma_start3A_66] : memref<2x400x128xf32, #tpu.memory_space<vmem>> -> memref<1x16x128xf32, #tpu.memory_space<vmem>>
    %dma_start3A_68 = tpu.memref_squeeze %dma_start3A_67 : memref<1x16x128xf32, #tpu.memory_space<vmem>> -> memref<16x128xf32, #tpu.memory_space<vmem>>
    %dma_start3A_69 = tpu.memref_slice %arg6[%shift_right_logical3A_60, %multiple_of3A_63] : memref<100x128xi32, #tpu.memory_space<vmem>> -> memref<1x16xi32, #tpu.memory_space<vmem>>
    %dma_start3A_70 = tpu.memref_squeeze %dma_start3A_69 : memref<1x16xi32, #tpu.memory_space<vmem>> -> memref<16xi32, #tpu.memory_space<vmem>>
    %dma_start3A_71 = arith.constant 0 : i32
    %dma_start3A_72 = arith.constant 0 : i32
    %dma_start3A_73 = tpu.memref_slice %arg4[%dma_start3A_71, %dma_start3A_72] : memref<1000000x128xf32, #tpu.memory_space<hbm>> -> memref<1000000x128xf32, #tpu.memory_space<hbm>>
    tpu.enqueue_indirect_dma source(%dma_start3A_73 : memref<1000000x128xf32, #tpu.memory_space<hbm>>) target(%dma_start3A_68 : memref<16x128xf32, #tpu.memory_space<vmem>>) offsets(%dma_start3A_70 : memref<16xi32, #tpu.memory_space<vmem>>) semaphore(%arg12 : memref<!tpu.dma_semaphore, #tpu.memory_space<semaphore_mem>>)
    %add3A_74 = arith.constant 64 : i32
    %add3A_75 = arith.addi %mul3A_8, %add3A_74 : i32
    %shift_right_logical3A_76 = arith.constant 7 : i32
    %shift_right_logical3A_77 = arith.shrui %add3A_75, %shift_right_logical3A_76 : i32
    %and3A_78 = arith.constant 127 : i32
    %and3A_79 = arith.andi %add3A_75, %and3A_78 : i32
    %multiple_of3A_80 = tpu.assume_multiple %and3A_79, 16 : i32
    %dma_start3A_81 = arith.constant 0 : i32
    %dma_start3A_82 = arith.constant 64 : i32
    %dma_start3A_83 = arith.constant 0 : i32
    %dma_start3A_84 = tpu.memref_slice %arg7[%dma_start3A_81, %dma_start3A_82, %dma_start3A_83] : memref<2x400x128xf32, #tpu.memory_space<vmem>> -> memref<1x16x128xf32, #tpu.memory_space<vmem>>
    %dma_start3A_85 = tpu.memref_squeeze %dma_start3A_84 : memref<1x16x128xf32, #tpu.memory_space<vmem>> -> memref<16x128xf32, #tpu.memory_space<vmem>>
    %dma_start3A_86 = tpu.memref_slice %arg6[%shift_right_logical3A_77, %multiple_of3A_80] : memref<100x128xi32, #tpu.memory_space<vmem>> -> memref<1x16xi32, #tpu.memory_space<vmem>>
    %dma_start3A_87 = tpu.memref_squeeze %dma_start3A_86 : memref<1x16xi32, #tpu.memory_space<vmem>> -> memref<16xi32, #tpu.memory_space<vmem>>
    %dma_start3A_88 = arith.constant 0 : i32
    %dma_start3A_89 = arith.constant 0 : i32
    %dma_start3A_90 = tpu.memref_slice %arg4[%dma_start3A_88, %dma_start3A_89] : memref<1000000x128xf32, #tpu.memory_space<hbm>> -> memref<1000000x128xf32, #tpu.memory_space<hbm>>
    tpu.enqueue_indirect_dma source(%dma_start3A_90 : memref<1000000x128xf32, #tpu.memory_space<hbm>>) target(%dma_start3A_85 : memref<16x128xf32, #tpu.memory_space<vmem>>) offsets(%dma_start3A_87 : memref<16xi32, #tpu.memory_space<vmem>>) semaphore(%arg12 : memref<!tpu.dma_semaphore, #tpu.memory_space<semaphore_mem>>)
    %add3A_91 = arith.constant 80 : i32
    %add3A_92 = arith.addi %mul3A_8, %add3A_91 : i32
    %shift_right_logical3A_93 = arith.constant 7 : i32
    %shift_right_logical3A_94 = arith.shrui %add3A_92, %shift_right_logical3A_93 : i32
    %and3A_95 = arith.constant 127 : i32
    %and3A_96 = arith.andi %add3A_92, %and3A_95 : i32
    %multiple_of3A_97 = tpu.assume_multiple %and3A_96, 16 : i32
    %dma_start3A_98 = arith.constant 0 : i32
    %dma_start3A_99 = arith.constant 80 : i32
    %dma_start3A_100 = arith.constant 0 : i32
    %dma_start3A_101 = tpu.memref_slice %arg7[%dma_start3A_98, %dma_start3A_99, %dma_start3A_100] : memref<2x400x128xf32, #tpu.memory_space<vmem>> -> memref<1x16x128xf32, #tpu.memory_space<vmem>>
    %dma_start3A_102 = tpu.memref_squeeze %dma_start3A_101 : memref<1x16x128xf32, #tpu.memory_space<vmem>> -> memref<16x128xf32, #tpu.memory_space<vmem>>
    %dma_start3A_103 = tpu.memref_slice %arg6[%shift_right_logical3A_94, %multiple_of3A_97] : memref<100x128xi32, #tpu.memory_space<vmem>> -> memref<1x16xi32, #tpu.memory_space<vmem>>
    %dma_start3A_104 = tpu.memref_squeeze %dma_start3A_103 : memref<1x16xi32, #tpu.memory_space<vmem>> -> memref<16xi32, #tpu.memory_space<vmem>>
    %dma_start3A_105 = arith.constant 0 : i32
    %dma_start3A_106 = arith.constant 0 : i32
    %dma_start3A_107 = tpu.memref_slice %arg4[%dma_start3A_105, %dma_start3A_106] : memref<1000000x128xf32, #tpu.memory_space<hbm>> -> memref<1000000x128xf32, #tpu.memory_space<hbm>>
    tpu.enqueue_indirect_dma source(%dma_start3A_107 : memref<1000000x128xf32, #tpu.memory_space<hbm>>) target(%dma_start3A_102 : memref<16x128xf32, #tpu.memory_space<vmem>>) offsets(%dma_start3A_104 : memref<16xi32, #tpu.memory_space<vmem>>) semaphore(%arg12 : memref<!tpu.dma_semaphore, #tpu.memory_space<semaphore_mem>>)
    %add3A_108 = arith.constant 96 : i32
    %add3A_109 = arith.addi %mul3A_8, %add3A_108 : i32
    %shift_right_logical3A_110 = arith.constant 7 : i32
    %shift_right_logical3A_111 = arith.shrui %add3A_109, %shift_right_logical3A_110 : i32
    %and3A_112 = arith.constant 127 : i32
    %and3A_113 = arith.andi %add3A_109, %and3A_112 : i32
    %multiple_of3A_114 = tpu.assume_multiple %and3A_113, 16 : i32
    %dma_start3A_115 = arith.constant 0 : i32
    %dma_start3A_116 = arith.constant 96 : i32
    %dma_start3A_117 = arith.constant 0 : i32
    %dma_start3A_118 = tpu.memref_slice %arg7[%dma_start3A_115, %dma_start3A_116, %dma_start3A_117] : memref<2x400x128xf32, #tpu.memory_space<vmem>> -> memref<1x16x128xf32, #tpu.memory_space<vmem>>
    %dma_start3A_119 = tpu.memref_squeeze %dma_start3A_118 : memref<1x16x128xf32, #tpu.memory_space<vmem>> -> memref<16x128xf32, #tpu.memory_space<vmem>>
    %dma_start3A_120 = tpu.memref_slice %arg6[%shift_right_logical3A_111, %multiple_of3A_114] : memref<100x128xi32, #tpu.memory_space<vmem>> -> memref<1x16xi32, #tpu.memory_space<vmem>>
    %dma_start3A_121 = tpu.memref_squeeze %dma_start3A_120 : memref<1x16xi32, #tpu.memory_space<vmem>> -> memref<16xi32, #tpu.memory_space<vmem>>
    %dma_start3A_122 = arith.constant 0 : i32
    %dma_start3A_123 = arith.constant 0 : i32
    %dma_start3A_124 = tpu.memref_slice %arg4[%dma_start3A_122, %dma_start3A_123] : memref<1000000x128xf32, #tpu.memory_space<hbm>> -> memref<1000000x128xf32, #tpu.memory_space<hbm>>
    tpu.enqueue_indirect_dma source(%dma_start3A_124 : memref<1000000x128xf32, #tpu.memory_space<hbm>>) target(%dma_start3A_119 : memref<16x128xf32, #tpu.memory_space<vmem>>) offsets(%dma_start3A_121 : memref<16xi32, #tpu.memory_space<vmem>>) semaphore(%arg12 : memref<!tpu.dma_semaphore, #tpu.memory_space<semaphore_mem>>)
    %add3A_125 = arith.constant 112 : i32
    %add3A_126 = arith.addi %mul3A_8, %add3A_125 : i32
    %shift_right_logical3A_127 = arith.constant 7 : i32
    %shift_right_logical3A_128 = arith.shrui %add3A_126, %shift_right_logical3A_127 : i32
    %and3A_129 = arith.constant 127 : i32
    %and3A_130 = arith.andi %add3A_126, %and3A_129 : i32
    %multiple_of3A_131 = tpu.assume_multiple %and3A_130, 16 : i32
    %dma_start3A_132 = arith.constant 0 : i32
    %dma_start3A_133 = arith.constant 112 : i32
    %dma_start3A_134 = arith.constant 0 : i32
    %dma_start3A_135 = tpu.memref_slice %arg7[%dma_start3A_132, %dma_start3A_133, %dma_start3A_134] : memref<2x400x128xf32, #tpu.memory_space<vmem>> -> memref<1x16x128xf32, #tpu.memory_space<vmem>>
    %dma_start3A_136 = tpu.memref_squeeze %dma_start3A_135 : memref<1x16x128xf32, #tpu.memory_space<vmem>> -> memref<16x128xf32, #tpu.memory_space<vmem>>
    %dma_start3A_137 = tpu.memref_slice %arg6[%shift_right_logical3A_128, %multiple_of3A_131] : memref<100x128xi32, #tpu.memory_space<vmem>> -> memref<1x16xi32, #tpu.memory_space<vmem>>
    %dma_start3A_138 = tpu.memref_squeeze %dma_start3A_137 : memref<1x16xi32, #tpu.memory_space<vmem>> -> memref<16xi32, #tpu.memory_space<vmem>>
    %dma_start3A_139 = arith.constant 0 : i32
    %dma_start3A_140 = arith.constant 0 : i32
    %dma_start3A_141 = tpu.memref_slice %arg4[%dma_start3A_139, %dma_start3A_140] : memref<1000000x128xf32, #tpu.memory_space<hbm>> -> memref<1000000x128xf32, #tpu.memory_space<hbm>>
    tpu.enqueue_indirect_dma source(%dma_start3A_141 : memref<1000000x128xf32, #tpu.memory_space<hbm>>) target(%dma_start3A_136 : memref<16x128xf32, #tpu.memory_space<vmem>>) offsets(%dma_start3A_138 : memref<16xi32, #tpu.memory_space<vmem>>) semaphore(%arg12 : memref<!tpu.dma_semaphore, #tpu.memory_space<semaphore_mem>>)
    %add3A_142 = arith.constant 128 : i32
    %add3A_143 = arith.addi %mul3A_8, %add3A_142 : i32
    %shift_right_logical3A_144 = arith.constant 7 : i32
    %shift_right_logical3A_145 = arith.shrui %add3A_143, %shift_right_logical3A_144 : i32
    %and3A_146 = arith.constant 127 : i32
    %and3A_147 = arith.andi %add3A_143, %and3A_146 : i32
    %multiple_of3A_148 = tpu.assume_multiple %and3A_147, 16 : i32
    %dma_start3A_149 = arith.constant 0 : i32
    %dma_start3A_150 = arith.constant 128 : i32
    %dma_start3A_151 = arith.constant 0 : i32
    %dma_start3A_152 = tpu.memref_slice %arg7[%dma_start3A_149, %dma_start3A_150, %dma_start3A_151] : memref<2x400x128xf32, #tpu.memory_space<vmem>> -> memref<1x16x128xf32, #tpu.memory_space<vmem>>
    %dma_start3A_153 = tpu.memref_squeeze %dma_start3A_152 : memref<1x16x128xf32, #tpu.memory_space<vmem>> -> memref<16x128xf32, #tpu.memory_space<vmem>>
    %dma_start3A_154 = tpu.memref_slice %arg6[%shift_right_logical3A_145, %multiple_of3A_148] : memref<100x128xi32, #tpu.memory_space<vmem>> -> memref<1x16xi32, #tpu.memory_space<vmem>>
    %dma_start3A_155 = tpu.memref_squeeze %dma_start3A_154 : memref<1x16xi32, #tpu.memory_space<vmem>> -> memref<16xi32, #tpu.memory_space<vmem>>
    %dma_start3A_156 = arith.constant 0 : i32
    %dma_start3A_157 = arith.constant 0 : i32
    %dma_start3A_158 = tpu.memref_slice %arg4[%dma_start3A_156, %dma_start3A_157] : memref<1000000x128xf32, #tpu.memory_space<hbm>> -> memref<1000000x128xf32, #tpu.memory_space<hbm>>
    tpu.enqueue_indirect_dma source(%dma_start3A_158 : memref<1000000x128xf32, #tpu.memory_space<hbm>>) target(%dma_start3A_153 : memref<16x128xf32, #tpu.memory_space<vmem>>) offsets(%dma_start3A_155 : memref<16xi32, #tpu.memory_space<vmem>>) semaphore(%arg12 : memref<!tpu.dma_semaphore, #tpu.memory_space<semaphore_mem>>)
    %add3A_159 = arith.constant 144 : i32
    %add3A_160 = arith.addi %mul3A_8, %add3A_159 : i32
    %shift_right_logical3A_161 = arith.constant 7 : i32
    %shift_right_logical3A_162 = arith.shrui %add3A_160, %shift_right_logical3A_161 : i32
    %and3A_163 = arith.constant 127 : i32
    %and3A_164 = arith.andi %add3A_160, %and3A_163 : i32
    %multiple_of3A_165 = tpu.assume_multiple %and3A_164, 16 : i32
    %dma_start3A_166 = arith.constant 0 : i32
    %dma_start3A_167 = arith.constant 144 : i32
    %dma_start3A_168 = arith.constant 0 : i32
    %dma_start3A_169 = tpu.memref_slice %arg7[%dma_start3A_166, %dma_start3A_167, %dma_start3A_168] : memref<2x400x128xf32, #tpu.memory_space<vmem>> -> memref<1x16x128xf32, #tpu.memory_space<vmem>>
    %dma_start3A_170 = tpu.memref_squeeze %dma_start3A_169 : memref<1x16x128xf32, #tpu.memory_space<vmem>> -> memref<16x128xf32, #tpu.memory_space<vmem>>
    %dma_start3A_171 = tpu.memref_slice %arg6[%shift_right_logical3A_162, %multiple_of3A_165] : memref<100x128xi32, #tpu.memory_space<vmem>> -> memref<1x16xi32, #tpu.memory_space<vmem>>
    %dma_start3A_172 = tpu.memref_squeeze %dma_start3A_171 : memref<1x16xi32, #tpu.memory_space<vmem>> -> memref<16xi32, #tpu.memory_space<vmem>>
    %dma_start3A_173 = arith.constant 0 : i32
    %dma_start3A_174 = arith.constant 0 : i32
    %dma_start3A_175 = tpu.memref_slice %arg4[%dma_start3A_173, %dma_start3A_174] : memref<1000000x128xf32, #tpu.memory_space<hbm>> -> memref<1000000x128xf32, #tpu.memory_space<hbm>>
    tpu.enqueue_indirect_dma source(%dma_start3A_175 : memref<1000000x128xf32, #tpu.memory_space<hbm>>) target(%dma_start3A_170 : memref<16x128xf32, #tpu.memory_space<vmem>>) offsets(%dma_start3A_172 : memref<16xi32, #tpu.memory_space<vmem>>) semaphore(%arg12 : memref<!tpu.dma_semaphore, #tpu.memory_space<semaphore_mem>>)
    %add3A_176 = arith.constant 160 : i32
    %add3A_177 = arith.addi %mul3A_8, %add3A_176 : i32
    %shift_right_logical3A_178 = arith.constant 7 : i32
    %shift_right_logical3A_179 = arith.shrui %add3A_177, %shift_right_logical3A_178 : i32
    %and3A_180 = arith.constant 127 : i32
    %and3A_181 = arith.andi %add3A_177, %and3A_180 : i32
    %multiple_of3A_182 = tpu.assume_multiple %and3A_181, 16 : i32
    %dma_start3A_183 = arith.constant 0 : i32
    %dma_start3A_184 = arith.constant 160 : i32
    %dma_start3A_185 = arith.constant 0 : i32
    %dma_start3A_186 = tpu.memref_slice %arg7[%dma_start3A_183, %dma_start3A_184, %dma_start3A_185] : memref<2x400x128xf32, #tpu.memory_space<vmem>> -> memref<1x16x128xf32, #tpu.memory_space<vmem>>
    %dma_start3A_187 = tpu.memref_squeeze %dma_start3A_186 : memref<1x16x128xf32, #tpu.memory_space<vmem>> -> memref<16x128xf32, #tpu.memory_space<vmem>>
    %dma_start3A_188 = tpu.memref_slice %arg6[%shift_right_logical3A_179, %multiple_of3A_182] : memref<100x128xi32, #tpu.memory_space<vmem>> -> memref<1x16xi32, #tpu.memory_space<vmem>>
    %dma_start3A_189 = tpu.memref_squeeze %dma_start3A_188 : memref<1x16xi32, #tpu.memory_space<vmem>> -> memref<16xi32, #tpu.memory_space<vmem>>
    %dma_start3A_190 = arith.constant 0 : i32
    %dma_start3A_191 = arith.constant 0 : i32
    %dma_start3A_192 = tpu.memref_slice %arg4[%dma_start3A_190, %dma_start3A_191] : memref<1000000x128xf32, #tpu.memory_space<hbm>> -> memref<1000000x128xf32, #tpu.memory_space<hbm>>
    tpu.enqueue_indirect_dma source(%dma_start3A_192 : memref<1000000x128xf32, #tpu.memory_space<hbm>>) target(%dma_start3A_187 : memref<16x128xf32, #tpu.memory_space<vmem>>) offsets(%dma_start3A_189 : memref<16xi32, #tpu.memory_space<vmem>>) semaphore(%arg12 : memref<!tpu.dma_semaphore, #tpu.memory_space<semaphore_mem>>)
    %add3A_193 = arith.constant 176 : i32
    %add3A_194 = arith.addi %mul3A_8, %add3A_193 : i32
    %shift_right_logical3A_195 = arith.constant 7 : i32
    %shift_right_logical3A_196 = arith.shrui %add3A_194, %shift_right_logical3A_195 : i32
    %and3A_197 = arith.constant 127 : i32
    %and3A_198 = arith.andi %add3A_194, %and3A_197 : i32
    %multiple_of3A_199 = tpu.assume_multiple %and3A_198, 16 : i32
    %dma_start3A_200 = arith.constant 0 : i32
    %dma_start3A_201 = arith.constant 176 : i32
    %dma_start3A_202 = arith.constant 0 : i32
    %dma_start3A_203 = tpu.memref_slice %arg7[%dma_start3A_200, %dma_start3A_201, %dma_start3A_202] : memref<2x400x128xf32, #tpu.memory_space<vmem>> -> memref<1x16x128xf32, #tpu.memory_space<vmem>>
    %dma_start3A_204 = tpu.memref_squeeze %dma_start3A_203 : memref<1x16x128xf32, #tpu.memory_space<vmem>> -> memref<16x128xf32, #tpu.memory_space<vmem>>
    %dma_start3A_205 = tpu.memref_slice %arg6[%shift_right_logical3A_196, %multiple_of3A_199] : memref<100x128xi32, #tpu.memory_space<vmem>> -> memref<1x16xi32, #tpu.memory_space<vmem>>
    %dma_start3A_206 = tpu.memref_squeeze %dma_start3A_205 : memref<1x16xi32, #tpu.memory_space<vmem>> -> memref<16xi32, #tpu.memory_space<vmem>>
    %dma_start3A_207 = arith.constant 0 : i32
    %dma_start3A_208 = arith.constant 0 : i32
    %dma_start3A_209 = tpu.memref_slice %arg4[%dma_start3A_207, %dma_start3A_208] : memref<1000000x128xf32, #tpu.memory_space<hbm>> -> memref<1000000x128xf32, #tpu.memory_space<hbm>>
    tpu.enqueue_indirect_dma source(%dma_start3A_209 : memref<1000000x128xf32, #tpu.memory_space<hbm>>) target(%dma_start3A_204 : memref<16x128xf32, #tpu.memory_space<vmem>>) offsets(%dma_start3A_206 : memref<16xi32, #tpu.memory_space<vmem>>) semaphore(%arg12 : memref<!tpu.dma_semaphore, #tpu.memory_space<semaphore_mem>>)
    %add3A_210 = arith.constant 192 : i32
    %add3A_211 = arith.addi %mul3A_8, %add3A_210 : i32
    %shift_right_logical3A_212 = arith.constant 7 : i32
    %shift_right_logical3A_213 = arith.shrui %add3A_211, %shift_right_logical3A_212 : i32
    %and3A_214 = arith.constant 127 : i32
    %and3A_215 = arith.andi %add3A_211, %and3A_214 : i32
    %multiple_of3A_216 = tpu.assume_multiple %and3A_215, 16 : i32
    %dma_start3A_217 = arith.constant 0 : i32
    %dma_start3A_218 = arith.constant 192 : i32
    %dma_start3A_219 = arith.constant 0 : i32
    %dma_start3A_220 = tpu.memref_slice %arg7[%dma_start3A_217, %dma_start3A_218, %dma_start3A_219] : memref<2x400x128xf32, #tpu.memory_space<vmem>> -> memref<1x16x128xf32, #tpu.memory_space<vmem>>
    %dma_start3A_221 = tpu.memref_squeeze %dma_start3A_220 : memref<1x16x128xf32, #tpu.memory_space<vmem>> -> memref<16x128xf32, #tpu.memory_space<vmem>>
    %dma_start3A_222 = tpu.memref_slice %arg6[%shift_right_logical3A_213, %multiple_of3A_216] : memref<100x128xi32, #tpu.memory_space<vmem>> -> memref<1x16xi32, #tpu.memory_space<vmem>>
    %dma_start3A_223 = tpu.memref_squeeze %dma_start3A_222 : memref<1x16xi32, #tpu.memory_space<vmem>> -> memref<16xi32, #tpu.memory_space<vmem>>
    %dma_start3A_224 = arith.constant 0 : i32
    %dma_start3A_225 = arith.constant 0 : i32
    %dma_start3A_226 = tpu.memref_slice %arg4[%dma_start3A_224, %dma_start3A_225] : memref<1000000x128xf32, #tpu.memory_space<hbm>> -> memref<1000000x128xf32, #tpu.memory_space<hbm>>
    tpu.enqueue_indirect_dma source(%dma_start3A_226 : memref<1000000x128xf32, #tpu.memory_space<hbm>>) target(%dma_start3A_221 : memref<16x128xf32, #tpu.memory_space<vmem>>) offsets(%dma_start3A_223 : memref<16xi32, #tpu.memory_space<vmem>>) semaphore(%arg12 : memref<!tpu.dma_semaphore, #tpu.memory_space<semaphore_mem>>)
    %add3A_227 = arith.constant 208 : i32
    %add3A_228 = arith.addi %mul3A_8, %add3A_227 : i32
    %shift_right_logical3A_229 = arith.constant 7 : i32
    %shift_right_logical3A_230 = arith.shrui %add3A_228, %shift_right_logical3A_229 : i32
    %and3A_231 = arith.constant 127 : i32
    %and3A_232 = arith.andi %add3A_228, %and3A_231 : i32
    %multiple_of3A_233 = tpu.assume_multiple %and3A_232, 16 : i32
    %dma_start3A_234 = arith.constant 0 : i32
    %dma_start3A_235 = arith.constant 208 : i32
    %dma_start3A_236 = arith.constant 0 : i32
    %dma_start3A_237 = tpu.memref_slice %arg7[%dma_start3A_234, %dma_start3A_235, %dma_start3A_236] : memref<2x400x128xf32, #tpu.memory_space<vmem>> -> memref<1x16x128xf32, #tpu.memory_space<vmem>>
    %dma_start3A_238 = tpu.memref_squeeze %dma_start3A_237 : memref<1x16x128xf32, #tpu.memory_space<vmem>> -> memref<16x128xf32, #tpu.memory_space<vmem>>
    %dma_start3A_239 = tpu.memref_slice %arg6[%shift_right_logical3A_230, %multiple_of3A_233] : memref<100x128xi32, #tpu.memory_space<vmem>> -> memref<1x16xi32, #tpu.memory_space<vmem>>
    %dma_start3A_240 = tpu.memref_squeeze %dma_start3A_239 : memref<1x16xi32, #tpu.memory_space<vmem>> -> memref<16xi32, #tpu.memory_space<vmem>>
    %dma_start3A_241 = arith.constant 0 : i32
    %dma_start3A_242 = arith.constant 0 : i32
    %dma_start3A_243 = tpu.memref_slice %arg4[%dma_start3A_241, %dma_start3A_242] : memref<1000000x128xf32, #tpu.memory_space<hbm>> -> memref<1000000x128xf32, #tpu.memory_space<hbm>>
    tpu.enqueue_indirect_dma source(%dma_start3A_243 : memref<1000000x128xf32, #tpu.memory_space<hbm>>) target(%dma_start3A_238 : memref<16x128xf32, #tpu.memory_space<vmem>>) offsets(%dma_start3A_240 : memref<16xi32, #tpu.memory_space<vmem>>) semaphore(%arg12 : memref<!tpu.dma_semaphore, #tpu.memory_space<semaphore_mem>>)
    %add3A_244 = arith.constant 224 : i32
    %add3A_245 = arith.addi %mul3A_8, %add3A_244 : i32
    %shift_right_logical3A_246 = arith.constant 7 : i32
    %shift_right_logical3A_247 = arith.shrui %add3A_245, %shift_right_logical3A_246 : i32
    %and3A_248 = arith.constant 127 : i32
    %and3A_249 = arith.andi %add3A_245, %and3A_248 : i32
    %multiple_of3A_250 = tpu.assume_multiple %and3A_249, 16 : i32
    %dma_start3A_251 = arith.constant 0 : i32
    %dma_start3A_252 = arith.constant 224 : i32
    %dma_start3A_253 = arith.constant 0 : i32
    %dma_start3A_254 = tpu.memref_slice %arg7[%dma_start3A_251, %dma_start3A_252, %dma_start3A_253] : memref<2x400x128xf32, #tpu.memory_space<vmem>> -> memref<1x16x128xf32, #tpu.memory_space<vmem>>
    %dma_start3A_255 = tpu.memref_squeeze %dma_start3A_254 : memref<1x16x128xf32, #tpu.memory_space<vmem>> -> memref<16x128xf32, #tpu.memory_space<vmem>>
    %dma_start3A_256 = tpu.memref_slice %arg6[%shift_right_logical3A_247, %multiple_of3A_250] : memref<100x128xi32, #tpu.memory_space<vmem>> -> memref<1x16xi32, #tpu.memory_space<vmem>>
    %dma_start3A_257 = tpu.memref_squeeze %dma_start3A_256 : memref<1x16xi32, #tpu.memory_space<vmem>> -> memref<16xi32, #tpu.memory_space<vmem>>
    %dma_start3A_258 = arith.constant 0 : i32
    %dma_start3A_259 = arith.constant 0 : i32
    %dma_start3A_260 = tpu.memref_slice %arg4[%dma_start3A_258, %dma_start3A_259] : memref<1000000x128xf32, #tpu.memory_space<hbm>> -> memref<1000000x128xf32, #tpu.memory_space<hbm>>
    tpu.enqueue_indirect_dma source(%dma_start3A_260 : memref<1000000x128xf32, #tpu.memory_space<hbm>>) target(%dma_start3A_255 : memref<16x128xf32, #tpu.memory_space<vmem>>) offsets(%dma_start3A_257 : memref<16xi32, #tpu.memory_space<vmem>>) semaphore(%arg12 : memref<!tpu.dma_semaphore, #tpu.memory_space<semaphore_mem>>)
    %add3A_261 = arith.constant 240 : i32
    %add3A_262 = arith.addi %mul3A_8, %add3A_261 : i32
    %shift_right_logical3A_263 = arith.constant 7 : i32
    %shift_right_logical3A_264 = arith.shrui %add3A_262, %shift_right_logical3A_263 : i32
    %and3A_265 = arith.constant 127 : i32
    %and3A_266 = arith.andi %add3A_262, %and3A_265 : i32
    %multiple_of3A_267 = tpu.assume_multiple %and3A_266, 16 : i32
    %dma_start3A_268 = arith.constant 0 : i32
    %dma_start3A_269 = arith.constant 240 : i32
    %dma_start3A_270 = arith.constant 0 : i32
    %dma_start3A_271 = tpu.memref_slice %arg7[%dma_start3A_268, %dma_start3A_269, %dma_start3A_270] : memref<2x400x128xf32, #tpu.memory_space<vmem>> -> memref<1x16x128xf32, #tpu.memory_space<vmem>>
    %dma_start3A_272 = tpu.memref_squeeze %dma_start3A_271 : memref<1x16x128xf32, #tpu.memory_space<vmem>> -> memref<16x128xf32, #tpu.memory_space<vmem>>
    %dma_start3A_273 = tpu.memref_slice %arg6[%shift_right_logical3A_264, %multiple_of3A_267] : memref<100x128xi32, #tpu.memory_space<vmem>> -> memref<1x16xi32, #tpu.memory_space<vmem>>
    %dma_start3A_274 = tpu.memref_squeeze %dma_start3A_273 : memref<1x16xi32, #tpu.memory_space<vmem>> -> memref<16xi32, #tpu.memory_space<vmem>>
    %dma_start3A_275 = arith.constant 0 : i32
    %dma_start3A_276 = arith.constant 0 : i32
    %dma_start3A_277 = tpu.memref_slice %arg4[%dma_start3A_275, %dma_start3A_276] : memref<1000000x128xf32, #tpu.memory_space<hbm>> -> memref<1000000x128xf32, #tpu.memory_space<hbm>>
    tpu.enqueue_indirect_dma source(%dma_start3A_277 : memref<1000000x128xf32, #tpu.memory_space<hbm>>) target(%dma_start3A_272 : memref<16x128xf32, #tpu.memory_space<vmem>>) offsets(%dma_start3A_274 : memref<16xi32, #tpu.memory_space<vmem>>) semaphore(%arg12 : memref<!tpu.dma_semaphore, #tpu.memory_space<semaphore_mem>>)
    %add3A_278 = arith.constant 256 : i32
    %add3A_279 = arith.addi %mul3A_8, %add3A_278 : i32
    %shift_right_logical3A_280 = arith.constant 7 : i32
    %shift_right_logical3A_281 = arith.shrui %add3A_279, %shift_right_logical3A_280 : i32
    %and3A_282 = arith.constant 127 : i32
    %and3A_283 = arith.andi %add3A_279, %and3A_282 : i32
    %multiple_of3A_284 = tpu.assume_multiple %and3A_283, 16 : i32
    %dma_start3A_285 = arith.constant 0 : i32
    %dma_start3A_286 = arith.constant 256 : i32
    %dma_start3A_287 = arith.constant 0 : i32
    %dma_start3A_288 = tpu.memref_slice %arg7[%dma_start3A_285, %dma_start3A_286, %dma_start3A_287] : memref<2x400x128xf32, #tpu.memory_space<vmem>> -> memref<1x16x128xf32, #tpu.memory_space<vmem>>
    %dma_start3A_289 = tpu.memref_squeeze %dma_start3A_288 : memref<1x16x128xf32, #tpu.memory_space<vmem>> -> memref<16x128xf32, #tpu.memory_space<vmem>>
    %dma_start3A_290 = tpu.memref_slice %arg6[%shift_right_logical3A_281, %multiple_of3A_284] : memref<100x128xi32, #tpu.memory_space<vmem>> -> memref<1x16xi32, #tpu.memory_space<vmem>>
    %dma_start3A_291 = tpu.memref_squeeze %dma_start3A_290 : memref<1x16xi32, #tpu.memory_space<vmem>> -> memref<16xi32, #tpu.memory_space<vmem>>
    %dma_start3A_292 = arith.constant 0 : i32
    %dma_start3A_293 = arith.constant 0 : i32
    %dma_start3A_294 = tpu.memref_slice %arg4[%dma_start3A_292, %dma_start3A_293] : memref<1000000x128xf32, #tpu.memory_space<hbm>> -> memref<1000000x128xf32, #tpu.memory_space<hbm>>
    tpu.enqueue_indirect_dma source(%dma_start3A_294 : memref<1000000x128xf32, #tpu.memory_space<hbm>>) target(%dma_start3A_289 : memref<16x128xf32, #tpu.memory_space<vmem>>) offsets(%dma_start3A_291 : memref<16xi32, #tpu.memory_space<vmem>>) semaphore(%arg12 : memref<!tpu.dma_semaphore, #tpu.memory_space<semaphore_mem>>)
    %add3A_295 = arith.constant 272 : i32
    %add3A_296 = arith.addi %mul3A_8, %add3A_295 : i32
    %shift_right_logical3A_297 = arith.constant 7 : i32
    %shift_right_logical3A_298 = arith.shrui %add3A_296, %shift_right_logical3A_297 : i32
    %and3A_299 = arith.constant 127 : i32
    %and3A_300 = arith.andi %add3A_296, %and3A_299 : i32
    %multiple_of3A_301 = tpu.assume_multiple %and3A_300, 16 : i32
    %dma_start3A_302 = arith.constant 0 : i32
    %dma_start3A_303 = arith.constant 272 : i32
    %dma_start3A_304 = arith.constant 0 : i32
    %dma_start3A_305 = tpu.memref_slice %arg7[%dma_start3A_302, %dma_start3A_303, %dma_start3A_304] : memref<2x400x128xf32, #tpu.memory_space<vmem>> -> memref<1x16x128xf32, #tpu.memory_space<vmem>>
    %dma_start3A_306 = tpu.memref_squeeze %dma_start3A_305 : memref<1x16x128xf32, #tpu.memory_space<vmem>> -> memref<16x128xf32, #tpu.memory_space<vmem>>
    %dma_start3A_307 = tpu.memref_slice %arg6[%shift_right_logical3A_298, %multiple_of3A_301] : memref<100x128xi32, #tpu.memory_space<vmem>> -> memref<1x16xi32, #tpu.memory_space<vmem>>
    %dma_start3A_308 = tpu.memref_squeeze %dma_start3A_307 : memref<1x16xi32, #tpu.memory_space<vmem>> -> memref<16xi32, #tpu.memory_space<vmem>>
    %dma_start3A_309 = arith.constant 0 : i32
    %dma_start3A_310 = arith.constant 0 : i32
    %dma_start3A_311 = tpu.memref_slice %arg4[%dma_start3A_309, %dma_start3A_310] : memref<1000000x128xf32, #tpu.memory_space<hbm>> -> memref<1000000x128xf32, #tpu.memory_space<hbm>>
    tpu.enqueue_indirect_dma source(%dma_start3A_311 : memref<1000000x128xf32, #tpu.memory_space<hbm>>) target(%dma_start3A_306 : memref<16x128xf32, #tpu.memory_space<vmem>>) offsets(%dma_start3A_308 : memref<16xi32, #tpu.memory_space<vmem>>) semaphore(%arg12 : memref<!tpu.dma_semaphore, #tpu.memory_space<semaphore_mem>>)
    %add3A_312 = arith.constant 288 : i32
    %add3A_313 = arith.addi %mul3A_8, %add3A_312 : i32
    %shift_right_logical3A_314 = arith.constant 7 : i32
    %shift_right_logical3A_315 = arith.shrui %add3A_313, %shift_right_logical3A_314 : i32
    %and3A_316 = arith.constant 127 : i32
    %and3A_317 = arith.andi %add3A_313, %and3A_316 : i32
    %multiple_of3A_318 = tpu.assume_multiple %and3A_317, 16 : i32
    %dma_start3A_319 = arith.constant 0 : i32
    %dma_start3A_320 = arith.constant 288 : i32
    %dma_start3A_321 = arith.constant 0 : i32
    %dma_start3A_322 = tpu.memref_slice %arg7[%dma_start3A_319, %dma_start3A_320, %dma_start3A_321] : memref<2x400x128xf32, #tpu.memory_space<vmem>> -> memref<1x16x128xf32, #tpu.memory_space<vmem>>
    %dma_start3A_323 = tpu.memref_squeeze %dma_start3A_322 : memref<1x16x128xf32, #tpu.memory_space<vmem>> -> memref<16x128xf32, #tpu.memory_space<vmem>>
    %dma_start3A_324 = tpu.memref_slice %arg6[%shift_right_logical3A_315, %multiple_of3A_318] : memref<100x128xi32, #tpu.memory_space<vmem>> -> memref<1x16xi32, #tpu.memory_space<vmem>>
    %dma_start3A_325 = tpu.memref_squeeze %dma_start3A_324 : memref<1x16xi32, #tpu.memory_space<vmem>> -> memref<16xi32, #tpu.memory_space<vmem>>
    %dma_start3A_326 = arith.constant 0 : i32
    %dma_start3A_327 = arith.constant 0 : i32
    %dma_start3A_328 = tpu.memref_slice %arg4[%dma_start3A_326, %dma_start3A_327] : memref<1000000x128xf32, #tpu.memory_space<hbm>> -> memref<1000000x128xf32, #tpu.memory_space<hbm>>
    tpu.enqueue_indirect_dma source(%dma_start3A_328 : memref<1000000x128xf32, #tpu.memory_space<hbm>>) target(%dma_start3A_323 : memref<16x128xf32, #tpu.memory_space<vmem>>) offsets(%dma_start3A_325 : memref<16xi32, #tpu.memory_space<vmem>>) semaphore(%arg12 : memref<!tpu.dma_semaphore, #tpu.memory_space<semaphore_mem>>)
    %add3A_329 = arith.constant 304 : i32
    %add3A_330 = arith.addi %mul3A_8, %add3A_329 : i32
    %shift_right_logical3A_331 = arith.constant 7 : i32
    %shift_right_logical3A_332 = arith.shrui %add3A_330, %shift_right_logical3A_331 : i32
    %and3A_333 = arith.constant 127 : i32
    %and3A_334 = arith.andi %add3A_330, %and3A_333 : i32
    %multiple_of3A_335 = tpu.assume_multiple %and3A_334, 16 : i32
    %dma_start3A_336 = arith.constant 0 : i32
    %dma_start3A_337 = arith.constant 304 : i32
    %dma_start3A_338 = arith.constant 0 : i32
    %dma_start3A_339 = tpu.memref_slice %arg7[%dma_start3A_336, %dma_start3A_337, %dma_start3A_338] : memref<2x400x128xf32, #tpu.memory_space<vmem>> -> memref<1x16x128xf32, #tpu.memory_space<vmem>>
    %dma_start3A_340 = tpu.memref_squeeze %dma_start3A_339 : memref<1x16x128xf32, #tpu.memory_space<vmem>> -> memref<16x128xf32, #tpu.memory_space<vmem>>
    %dma_start3A_341 = tpu.memref_slice %arg6[%shift_right_logical3A_332, %multiple_of3A_335] : memref<100x128xi32, #tpu.memory_space<vmem>> -> memref<1x16xi32, #tpu.memory_space<vmem>>
    %dma_start3A_342 = tpu.memref_squeeze %dma_start3A_341 : memref<1x16xi32, #tpu.memory_space<vmem>> -> memref<16xi32, #tpu.memory_space<vmem>>
    %dma_start3A_343 = arith.constant 0 : i32
    %dma_start3A_344 = arith.constant 0 : i32
    %dma_start3A_345 = tpu.memref_slice %arg4[%dma_start3A_343, %dma_start3A_344] : memref<1000000x128xf32, #tpu.memory_space<hbm>> -> memref<1000000x128xf32, #tpu.memory_space<hbm>>
    tpu.enqueue_indirect_dma source(%dma_start3A_345 : memref<1000000x128xf32, #tpu.memory_space<hbm>>) target(%dma_start3A_340 : memref<16x128xf32, #tpu.memory_space<vmem>>) offsets(%dma_start3A_342 : memref<16xi32, #tpu.memory_space<vmem>>) semaphore(%arg12 : memref<!tpu.dma_semaphore, #tpu.memory_space<semaphore_mem>>)
    %add3A_346 = arith.constant 320 : i32
    %add3A_347 = arith.addi %mul3A_8, %add3A_346 : i32
    %shift_right_logical3A_348 = arith.constant 7 : i32
    %shift_right_logical3A_349 = arith.shrui %add3A_347, %shift_right_logical3A_348 : i32
    %and3A_350 = arith.constant 127 : i32
    %and3A_351 = arith.andi %add3A_347, %and3A_350 : i32
    %multiple_of3A_352 = tpu.assume_multiple %and3A_351, 16 : i32
    %dma_start3A_353 = arith.constant 0 : i32
    %dma_start3A_354 = arith.constant 320 : i32
    %dma_start3A_355 = arith.constant 0 : i32
    %dma_start3A_356 = tpu.memref_slice %arg7[%dma_start3A_353, %dma_start3A_354, %dma_start3A_355] : memref<2x400x128xf32, #tpu.memory_space<vmem>> -> memref<1x16x128xf32, #tpu.memory_space<vmem>>
    %dma_start3A_357 = tpu.memref_squeeze %dma_start3A_356 : memref<1x16x128xf32, #tpu.memory_space<vmem>> -> memref<16x128xf32, #tpu.memory_space<vmem>>
    %dma_start3A_358 = tpu.memref_slice %arg6[%shift_right_logical3A_349, %multiple_of3A_352] : memref<100x128xi32, #tpu.memory_space<vmem>> -> memref<1x16xi32, #tpu.memory_space<vmem>>
    %dma_start3A_359 = tpu.memref_squeeze %dma_start3A_358 : memref<1x16xi32, #tpu.memory_space<vmem>> -> memref<16xi32, #tpu.memory_space<vmem>>
    %dma_start3A_360 = arith.constant 0 : i32
    %dma_start3A_361 = arith.constant 0 : i32
    %dma_start3A_362 = tpu.memref_slice %arg4[%dma_start3A_360, %dma_start3A_361] : memref<1000000x128xf32, #tpu.memory_space<hbm>> -> memref<1000000x128xf32, #tpu.memory_space<hbm>>
    tpu.enqueue_indirect_dma source(%dma_start3A_362 : memref<1000000x128xf32, #tpu.memory_space<hbm>>) target(%dma_start3A_357 : memref<16x128xf32, #tpu.memory_space<vmem>>) offsets(%dma_start3A_359 : memref<16xi32, #tpu.memory_space<vmem>>) semaphore(%arg12 : memref<!tpu.dma_semaphore, #tpu.memory_space<semaphore_mem>>)
    %add3A_363 = arith.constant 336 : i32
    %add3A_364 = arith.addi %mul3A_8, %add3A_363 : i32
    %shift_right_logical3A_365 = arith.constant 7 : i32
    %shift_right_logical3A_366 = arith.shrui %add3A_364, %shift_right_logical3A_365 : i32
    %and3A_367 = arith.constant 127 : i32
    %and3A_368 = arith.andi %add3A_364, %and3A_367 : i32
    %multiple_of3A_369 = tpu.assume_multiple %and3A_368, 16 : i32
    %dma_start3A_370 = arith.constant 0 : i32
    %dma_start3A_371 = arith.constant 336 : i32
    %dma_start3A_372 = arith.constant 0 : i32
    %dma_start3A_373 = tpu.memref_slice %arg7[%dma_start3A_370, %dma_start3A_371, %dma_start3A_372] : memref<2x400x128xf32, #tpu.memory_space<vmem>> -> memref<1x16x128xf32, #tpu.memory_space<vmem>>
    %dma_start3A_374 = tpu.memref_squeeze %dma_start3A_373 : memref<1x16x128xf32, #tpu.memory_space<vmem>> -> memref<16x128xf32, #tpu.memory_space<vmem>>
    %dma_start3A_375 = tpu.memref_slice %arg6[%shift_right_logical3A_366, %multiple_of3A_369] : memref<100x128xi32, #tpu.memory_space<vmem>> -> memref<1x16xi32, #tpu.memory_space<vmem>>
    %dma_start3A_376 = tpu.memref_squeeze %dma_start3A_375 : memref<1x16xi32, #tpu.memory_space<vmem>> -> memref<16xi32, #tpu.memory_space<vmem>>
    %dma_start3A_377 = arith.constant 0 : i32
    %dma_start3A_378 = arith.constant 0 : i32
    %dma_start3A_379 = tpu.memref_slice %arg4[%dma_start3A_377, %dma_start3A_378] : memref<1000000x128xf32, #tpu.memory_space<hbm>> -> memref<1000000x128xf32, #tpu.memory_space<hbm>>
    tpu.enqueue_indirect_dma source(%dma_start3A_379 : memref<1000000x128xf32, #tpu.memory_space<hbm>>) target(%dma_start3A_374 : memref<16x128xf32, #tpu.memory_space<vmem>>) offsets(%dma_start3A_376 : memref<16xi32, #tpu.memory_space<vmem>>) semaphore(%arg12 : memref<!tpu.dma_semaphore, #tpu.memory_space<semaphore_mem>>)
    %add3A_380 = arith.constant 352 : i32
    %add3A_381 = arith.addi %mul3A_8, %add3A_380 : i32
    %shift_right_logical3A_382 = arith.constant 7 : i32
    %shift_right_logical3A_383 = arith.shrui %add3A_381, %shift_right_logical3A_382 : i32
    %and3A_384 = arith.constant 127 : i32
    %and3A_385 = arith.andi %add3A_381, %and3A_384 : i32
    %multiple_of3A_386 = tpu.assume_multiple %and3A_385, 16 : i32
    %dma_start3A_387 = arith.constant 0 : i32
    %dma_start3A_388 = arith.constant 352 : i32
    %dma_start3A_389 = arith.constant 0 : i32
    %dma_start3A_390 = tpu.memref_slice %arg7[%dma_start3A_387, %dma_start3A_388, %dma_start3A_389] : memref<2x400x128xf32, #tpu.memory_space<vmem>> -> memref<1x16x128xf32, #tpu.memory_space<vmem>>
    %dma_start3A_391 = tpu.memref_squeeze %dma_start3A_390 : memref<1x16x128xf32, #tpu.memory_space<vmem>> -> memref<16x128xf32, #tpu.memory_space<vmem>>
    %dma_start3A_392 = tpu.memref_slice %arg6[%shift_right_logical3A_383, %multiple_of3A_386] : memref<100x128xi32, #tpu.memory_space<vmem>> -> memref<1x16xi32, #tpu.memory_space<vmem>>
    %dma_start3A_393 = tpu.memref_squeeze %dma_start3A_392 : memref<1x16xi32, #tpu.memory_space<vmem>> -> memref<16xi32, #tpu.memory_space<vmem>>
    %dma_start3A_394 = arith.constant 0 : i32
    %dma_start3A_395 = arith.constant 0 : i32
    %dma_start3A_396 = tpu.memref_slice %arg4[%dma_start3A_394, %dma_start3A_395] : memref<1000000x128xf32, #tpu.memory_space<hbm>> -> memref<1000000x128xf32, #tpu.memory_space<hbm>>
    tpu.enqueue_indirect_dma source(%dma_start3A_396 : memref<1000000x128xf32, #tpu.memory_space<hbm>>) target(%dma_start3A_391 : memref<16x128xf32, #tpu.memory_space<vmem>>) offsets(%dma_start3A_393 : memref<16xi32, #tpu.memory_space<vmem>>) semaphore(%arg12 : memref<!tpu.dma_semaphore, #tpu.memory_space<semaphore_mem>>)
    %add3A_397 = arith.constant 368 : i32
    %add3A_398 = arith.addi %mul3A_8, %add3A_397 : i32
    %shift_right_logical3A_399 = arith.constant 7 : i32
    %shift_right_logical3A_400 = arith.shrui %add3A_398, %shift_right_logical3A_399 : i32
    %and3A_401 = arith.constant 127 : i32
    %and3A_402 = arith.andi %add3A_398, %and3A_401 : i32
    %multiple_of3A_403 = tpu.assume_multiple %and3A_402, 16 : i32
    %dma_start3A_404 = arith.constant 0 : i32
    %dma_start3A_405 = arith.constant 368 : i32
    %dma_start3A_406 = arith.constant 0 : i32
    %dma_start3A_407 = tpu.memref_slice %arg7[%dma_start3A_404, %dma_start3A_405, %dma_start3A_406] : memref<2x400x128xf32, #tpu.memory_space<vmem>> -> memref<1x16x128xf32, #tpu.memory_space<vmem>>
    %dma_start3A_408 = tpu.memref_squeeze %dma_start3A_407 : memref<1x16x128xf32, #tpu.memory_space<vmem>> -> memref<16x128xf32, #tpu.memory_space<vmem>>
    %dma_start3A_409 = tpu.memref_slice %arg6[%shift_right_logical3A_400, %multiple_of3A_403] : memref<100x128xi32, #tpu.memory_space<vmem>> -> memref<1x16xi32, #tpu.memory_space<vmem>>
    %dma_start3A_410 = tpu.memref_squeeze %dma_start3A_409 : memref<1x16xi32, #tpu.memory_space<vmem>> -> memref<16xi32, #tpu.memory_space<vmem>>
    %dma_start3A_411 = arith.constant 0 : i32
    %dma_start3A_412 = arith.constant 0 : i32
    %dma_start3A_413 = tpu.memref_slice %arg4[%dma_start3A_411, %dma_start3A_412] : memref<1000000x128xf32, #tpu.memory_space<hbm>> -> memref<1000000x128xf32, #tpu.memory_space<hbm>>
    tpu.enqueue_indirect_dma source(%dma_start3A_413 : memref<1000000x128xf32, #tpu.memory_space<hbm>>) target(%dma_start3A_408 : memref<16x128xf32, #tpu.memory_space<vmem>>) offsets(%dma_start3A_410 : memref<16xi32, #tpu.memory_space<vmem>>) semaphore(%arg12 : memref<!tpu.dma_semaphore, #tpu.memory_space<semaphore_mem>>)
    %add3A_414 = arith.constant 384 : i32
    %add3A_415 = arith.addi %mul3A_8, %add3A_414 : i32
    %shift_right_logical3A_416 = arith.constant 7 : i32
    %shift_right_logical3A_417 = arith.shrui %add3A_415, %shift_right_logical3A_416 : i32
    %and3A_418 = arith.constant 127 : i32
    %and3A_419 = arith.andi %add3A_415, %and3A_418 : i32
    %multiple_of3A_420 = tpu.assume_multiple %and3A_419, 16 : i32
    %dma_start3A_421 = arith.constant 0 : i32
    %dma_start3A_422 = arith.constant 384 : i32
    %dma_start3A_423 = arith.constant 0 : i32
    %dma_start3A_424 = tpu.memref_slice %arg7[%dma_start3A_421, %dma_start3A_422, %dma_start3A_423] : memref<2x400x128xf32, #tpu.memory_space<vmem>> -> memref<1x16x128xf32, #tpu.memory_space<vmem>>
    %dma_start3A_425 = tpu.memref_squeeze %dma_start3A_424 : memref<1x16x128xf32, #tpu.memory_space<vmem>> -> memref<16x128xf32, #tpu.memory_space<vmem>>
    %dma_start3A_426 = tpu.memref_slice %arg6[%shift_right_logical3A_417, %multiple_of3A_420] : memref<100x128xi32, #tpu.memory_space<vmem>> -> memref<1x16xi32, #tpu.memory_space<vmem>>
    %dma_start3A_427 = tpu.memref_squeeze %dma_start3A_426 : memref<1x16xi32, #tpu.memory_space<vmem>> -> memref<16xi32, #tpu.memory_space<vmem>>
    %dma_start3A_428 = arith.constant 0 : i32
    %dma_start3A_429 = arith.constant 0 : i32
    %dma_start3A_430 = tpu.memref_slice %arg4[%dma_start3A_428, %dma_start3A_429] : memref<1000000x128xf32, #tpu.memory_space<hbm>> -> memref<1000000x128xf32, #tpu.memory_space<hbm>>
    tpu.enqueue_indirect_dma source(%dma_start3A_430 : memref<1000000x128xf32, #tpu.memory_space<hbm>>) target(%dma_start3A_425 : memref<16x128xf32, #tpu.memory_space<vmem>>) offsets(%dma_start3A_427 : memref<16xi32, #tpu.memory_space<vmem>>) semaphore(%arg12 : memref<!tpu.dma_semaphore, #tpu.memory_space<semaphore_mem>>)
    %scan3A = arith.constant 0 : i32
    %scan3A_431 = arith.constant 64 : i32
    %scan3A_432 = arith.addi %scan3A, %scan3A_431 : i32
    %scan3A_433 = arith.constant 1 : i32
    scf.for %scan3A_449 = %scan3A to %scan3A_432 step %scan3A_433  : i32 {
      %and3A_450 = arith.constant 1 : i32
      %and3A_451 = arith.andi %scan3A_449, %and3A_450 : i32
      %eq3A = arith.constant 0 : i32
      %eq3A_452 = arith.cmpi eq, %and3A_451, %eq3A : i32
      %convert_element_type3A = arith.extui %eq3A_452 : i1 to i32
      %cond3A = arith.constant 0 : i32
      %cond3A_453 = arith.cmpi ne, %convert_element_type3A, %cond3A : i32
      scf.if %cond3A_453 {
        %eq3A_459 = arith.constant 31 : i32
        %eq3A_460 = arith.cmpi eq, %scan3A_449, %eq3A_459 : i32
        %convert_element_type3A_461 = arith.extui %eq3A_460 : i1 to i32
        %cond3A_462 = arith.constant 0 : i32
        %cond3A_463 = arith.cmpi ne, %convert_element_type3A_461, %cond3A_462 : i32
        scf.if %cond3A_463 {
          %add3A_1240 = arith.constant 100 : i32
          %add3A_1241 = arith.addi %mul3A_2, %add3A_1240 : i32
          "tpu.region"() ({
            %run_scoped3A_1242 = tpu.sem_alloc : memref<!tpu.dma_semaphore, #tpu.memory_space<semaphore_mem>>
            %dma_start3A_1243 = arith.constant 0 : i32
            %dma_start3A_1244 = tpu.memref_slice %arg2[%add3A_1241, %dma_start3A_1243] : memref<6408x128xi32, #tpu.memory_space<hbm>> -> memref<100x128xi32, #tpu.memory_space<hbm>>
            %dma_start3A_1245 = arith.constant 0 : i32
            %dma_start3A_1246 = tpu.memref_slice %arg2[%add3A_1241, %dma_start3A_1245] : memref<6408x128xi32, #tpu.memory_space<hbm>> -> memref<100x128xi32, #tpu.memory_space<hbm>>
            tpu.enqueue_dma source(%dma_start3A_1246 : memref<100x128xi32, #tpu.memory_space<hbm>>) target(%arg6 : memref<100x128xi32, #tpu.memory_space<vmem>>) target_semaphore(%run_scoped3A_1242 : memref<!tpu.dma_semaphore, #tpu.memory_space<semaphore_mem>>)
            %dma_wait3A_1247 = arith.constant 0 : i32
            %dma_wait3A_1248 = tpu.memref_slice %arg2[%add3A_1241, %dma_wait3A_1247] : memref<6408x128xi32, #tpu.memory_space<hbm>> -> memref<100x128xi32, #tpu.memory_space<hbm>>
            %dma_wait3A_1249 = arith.constant 0 : i32
            %dma_wait3A_1250 = tpu.memref_slice %arg2[%add3A_1241, %dma_wait3A_1249] : memref<6408x128xi32, #tpu.memory_space<hbm>> -> memref<100x128xi32, #tpu.memory_space<hbm>>
            tpu.wait_dma2 semaphore(%run_scoped3A_1242 : memref<!tpu.dma_semaphore, #tpu.memory_space<semaphore_mem>>) src(%dma_wait3A_1250 : memref<100x128xi32, #tpu.memory_space<hbm>>) dst(%arg6 : memref<100x128xi32, #tpu.memory_space<vmem>>)
            tpu.yield
          }) : () -> ()
        } else {
        }
        %add3A_464 = arith.constant 1 : i32
        %add3A_465 = arith.addi %scan3A_449, %add3A_464 : i32
        %lt3A = arith.constant 64 : i32
        %lt3A_466 = arith.cmpi slt, %add3A_465, %lt3A : i32
        %convert_element_type3A_467 = arith.extui %lt3A_466 : i1 to i32
        %cond3A_468 = arith.constant 0 : i32
        %cond3A_469 = arith.cmpi ne, %convert_element_type3A_467, %cond3A_468 : i32
        scf.if %cond3A_469 {
          %add3A_1240 = arith.constant 1 : i32
          %add3A_1241 = arith.addi %scan3A_449, %add3A_1240 : i32
          %and3A_1242 = arith.constant 31 : i32
          %and3A_1243 = arith.andi %add3A_1241, %and3A_1242 : i32
          %mul3A_1244 = arith.constant 400 : i32
          %mul3A_1245 = arith.muli %and3A_1243, %mul3A_1244 : i32
          %add3A_1246 = arith.constant 0 : i32
          %add3A_1247 = arith.addi %mul3A_1245, %add3A_1246 : i32
          %shift_right_logical3A_1248 = arith.constant 7 : i32
          %shift_right_logical3A_1249 = arith.shrui %add3A_1247, %shift_right_logical3A_1248 : i32
          %and3A_1250 = arith.constant 127 : i32
          %and3A_1251 = arith.andi %add3A_1247, %and3A_1250 : i32
          %multiple_of3A_1252 = tpu.assume_multiple %and3A_1251, 16 : i32
          %dma_start3A_1253 = arith.constant 1 : i32
          %dma_start3A_1254 = arith.constant 0 : i32
          %dma_start3A_1255 = arith.constant 0 : i32
          %dma_start3A_1256 = tpu.memref_slice %arg7[%dma_start3A_1253, %dma_start3A_1254, %dma_start3A_1255] : memref<2x400x128xf32, #tpu.memory_space<vmem>> -> memref<1x16x128xf32, #tpu.memory_space<vmem>>
          %dma_start3A_1257 = tpu.memref_squeeze %dma_start3A_1256 : memref<1x16x128xf32, #tpu.memory_space<vmem>> -> memref<16x128xf32, #tpu.memory_space<vmem>>
          %dma_start3A_1258 = tpu.memref_slice %arg6[%shift_right_logical3A_1249, %multiple_of3A_1252] : memref<100x128xi32, #tpu.memory_space<vmem>> -> memref<1x16xi32, #tpu.memory_space<vmem>>
          %dma_start3A_1259 = tpu.memref_squeeze %dma_start3A_1258 : memref<1x16xi32, #tpu.memory_space<vmem>> -> memref<16xi32, #tpu.memory_space<vmem>>
          %dma_start3A_1260 = arith.constant 0 : i32
          %dma_start3A_1261 = arith.constant 0 : i32
          %dma_start3A_1262 = tpu.memref_slice %arg4[%dma_start3A_1260, %dma_start3A_1261] : memref<1000000x128xf32, #tpu.memory_space<hbm>> -> memref<1000000x128xf32, #tpu.memory_space<hbm>>
          tpu.enqueue_indirect_dma source(%dma_start3A_1262 : memref<1000000x128xf32, #tpu.memory_space<hbm>>) target(%dma_start3A_1257 : memref<16x128xf32, #tpu.memory_space<vmem>>) offsets(%dma_start3A_1259 : memref<16xi32, #tpu.memory_space<vmem>>) semaphore(%arg13 : memref<!tpu.dma_semaphore, #tpu.memory_space<semaphore_mem>>)
          %add3A_1263 = arith.constant 16 : i32
          %add3A_1264 = arith.addi %mul3A_1245, %add3A_1263 : i32
          %shift_right_logical3A_1265 = arith.constant 7 : i32
          %shift_right_logical3A_1266 = arith.shrui %add3A_1264, %shift_right_logical3A_1265 : i32
          %and3A_1267 = arith.constant 127 : i32
          %and3A_1268 = arith.andi %add3A_1264, %and3A_1267 : i32
          %multiple_of3A_1269 = tpu.assume_multiple %and3A_1268, 16 : i32
          %dma_start3A_1270 = arith.constant 1 : i32
          %dma_start3A_1271 = arith.constant 16 : i32
          %dma_start3A_1272 = arith.constant 0 : i32
          %dma_start3A_1273 = tpu.memref_slice %arg7[%dma_start3A_1270, %dma_start3A_1271, %dma_start3A_1272] : memref<2x400x128xf32, #tpu.memory_space<vmem>> -> memref<1x16x128xf32, #tpu.memory_space<vmem>>
          %dma_start3A_1274 = tpu.memref_squeeze %dma_start3A_1273 : memref<1x16x128xf32, #tpu.memory_space<vmem>> -> memref<16x128xf32, #tpu.memory_space<vmem>>
          %dma_start3A_1275 = tpu.memref_slice %arg6[%shift_right_logical3A_1266, %multiple_of3A_1269] : memref<100x128xi32, #tpu.memory_space<vmem>> -> memref<1x16xi32, #tpu.memory_space<vmem>>
          %dma_start3A_1276 = tpu.memref_squeeze %dma_start3A_1275 : memref<1x16xi32, #tpu.memory_space<vmem>> -> memref<16xi32, #tpu.memory_space<vmem>>
          %dma_start3A_1277 = arith.constant 0 : i32
          %dma_start3A_1278 = arith.constant 0 : i32
          %dma_start3A_1279 = tpu.memref_slice %arg4[%dma_start3A_1277, %dma_start3A_1278] : memref<1000000x128xf32, #tpu.memory_space<hbm>> -> memref<1000000x128xf32, #tpu.memory_space<hbm>>
          tpu.enqueue_indirect_dma source(%dma_start3A_1279 : memref<1000000x128xf32, #tpu.memory_space<hbm>>) target(%dma_start3A_1274 : memref<16x128xf32, #tpu.memory_space<vmem>>) offsets(%dma_start3A_1276 : memref<16xi32, #tpu.memory_space<vmem>>) semaphore(%arg13 : memref<!tpu.dma_semaphore, #tpu.memory_space<semaphore_mem>>)
          %add3A_1280 = arith.constant 32 : i32
          %add3A_1281 = arith.addi %mul3A_1245, %add3A_1280 : i32
          %shift_right_logical3A_1282 = arith.constant 7 : i32
          %shift_right_logical3A_1283 = arith.shrui %add3A_1281, %shift_right_logical3A_1282 : i32
          %and3A_1284 = arith.constant 127 : i32
          %and3A_1285 = arith.andi %add3A_1281, %and3A_1284 : i32
          %multiple_of3A_1286 = tpu.assume_multiple %and3A_1285, 16 : i32
          %dma_start3A_1287 = arith.constant 1 : i32
          %dma_start3A_1288 = arith.constant 32 : i32
          %dma_start3A_1289 = arith.constant 0 : i32
          %dma_start3A_1290 = tpu.memref_slice %arg7[%dma_start3A_1287, %dma_start3A_1288, %dma_start3A_1289] : memref<2x400x128xf32, #tpu.memory_space<vmem>> -> memref<1x16x128xf32, #tpu.memory_space<vmem>>
          %dma_start3A_1291 = tpu.memref_squeeze %dma_start3A_1290 : memref<1x16x128xf32, #tpu.memory_space<vmem>> -> memref<16x128xf32, #tpu.memory_space<vmem>>
          %dma_start3A_1292 = tpu.memref_slice %arg6[%shift_right_logical3A_1283, %multiple_of3A_1286] : memref<100x128xi32, #tpu.memory_space<vmem>> -> memref<1x16xi32, #tpu.memory_space<vmem>>
          %dma_start3A_1293 = tpu.memref_squeeze %dma_start3A_1292 : memref<1x16xi32, #tpu.memory_space<vmem>> -> memref<16xi32, #tpu.memory_space<vmem>>
          %dma_start3A_1294 = arith.constant 0 : i32
          %dma_start3A_1295 = arith.constant 0 : i32
          %dma_start3A_1296 = tpu.memref_slice %arg4[%dma_start3A_1294, %dma_start3A_1295] : memref<1000000x128xf32, #tpu.memory_space<hbm>> -> memref<1000000x128xf32, #tpu.memory_space<hbm>>
          tpu.enqueue_indirect_dma source(%dma_start3A_1296 : memref<1000000x128xf32, #tpu.memory_space<hbm>>) target(%dma_start3A_1291 : memref<16x128xf32, #tpu.memory_space<vmem>>) offsets(%dma_start3A_1293 : memref<16xi32, #tpu.memory_space<vmem>>) semaphore(%arg13 : memref<!tpu.dma_semaphore, #tpu.memory_space<semaphore_mem>>)
          %add3A_1297 = arith.constant 48 : i32
          %add3A_1298 = arith.addi %mul3A_1245, %add3A_1297 : i32
          %shift_right_logical3A_1299 = arith.constant 7 : i32
          %shift_right_logical3A_1300 = arith.shrui %add3A_1298, %shift_right_logical3A_1299 : i32
          %and3A_1301 = arith.constant 127 : i32
          %and3A_1302 = arith.andi %add3A_1298, %and3A_1301 : i32
          %multiple_of3A_1303 = tpu.assume_multiple %and3A_1302, 16 : i32
          %dma_start3A_1304 = arith.constant 1 : i32
          %dma_start3A_1305 = arith.constant 48 : i32
          %dma_start3A_1306 = arith.constant 0 : i32
          %dma_start3A_1307 = tpu.memref_slice %arg7[%dma_start3A_1304, %dma_start3A_1305, %dma_start3A_1306] : memref<2x400x128xf32, #tpu.memory_space<vmem>> -> memref<1x16x128xf32, #tpu.memory_space<vmem>>
          %dma_start3A_1308 = tpu.memref_squeeze %dma_start3A_1307 : memref<1x16x128xf32, #tpu.memory_space<vmem>> -> memref<16x128xf32, #tpu.memory_space<vmem>>
          %dma_start3A_1309 = tpu.memref_slice %arg6[%shift_right_logical3A_1300, %multiple_of3A_1303] : memref<100x128xi32, #tpu.memory_space<vmem>> -> memref<1x16xi32, #tpu.memory_space<vmem>>
          %dma_start3A_1310 = tpu.memref_squeeze %dma_start3A_1309 : memref<1x16xi32, #tpu.memory_space<vmem>> -> memref<16xi32, #tpu.memory_space<vmem>>
          %dma_start3A_1311 = arith.constant 0 : i32
          %dma_start3A_1312 = arith.constant 0 : i32
          %dma_start3A_1313 = tpu.memref_slice %arg4[%dma_start3A_1311, %dma_start3A_1312] : memref<1000000x128xf32, #tpu.memory_space<hbm>> -> memref<1000000x128xf32, #tpu.memory_space<hbm>>
          tpu.enqueue_indirect_dma source(%dma_start3A_1313 : memref<1000000x128xf32, #tpu.memory_space<hbm>>) target(%dma_start3A_1308 : memref<16x128xf32, #tpu.memory_space<vmem>>) offsets(%dma_start3A_1310 : memref<16xi32, #tpu.memory_space<vmem>>) semaphore(%arg13 : memref<!tpu.dma_semaphore, #tpu.memory_space<semaphore_mem>>)
          %add3A_1314 = arith.constant 64 : i32
          %add3A_1315 = arith.addi %mul3A_1245, %add3A_1314 : i32
          %shift_right_logical3A_1316 = arith.constant 7 : i32
          %shift_right_logical3A_1317 = arith.shrui %add3A_1315, %shift_right_logical3A_1316 : i32
          %and3A_1318 = arith.constant 127 : i32
          %and3A_1319 = arith.andi %add3A_1315, %and3A_1318 : i32
          %multiple_of3A_1320 = tpu.assume_multiple %and3A_1319, 16 : i32
          %dma_start3A_1321 = arith.constant 1 : i32
          %dma_start3A_1322 = arith.constant 64 : i32
          %dma_start3A_1323 = arith.constant 0 : i32
          %dma_start3A_1324 = tpu.memref_slice %arg7[%dma_start3A_1321, %dma_start3A_1322, %dma_start3A_1323] : memref<2x400x128xf32, #tpu.memory_space<vmem>> -> memref<1x16x128xf32, #tpu.memory_space<vmem>>
          %dma_start3A_1325 = tpu.memref_squeeze %dma_start3A_1324 : memref<1x16x128xf32, #tpu.memory_space<vmem>> -> memref<16x128xf32, #tpu.memory_space<vmem>>
          %dma_start3A_1326 = tpu.memref_slice %arg6[%shift_right_logical3A_1317, %multiple_of3A_1320] : memref<100x128xi32, #tpu.memory_space<vmem>> -> memref<1x16xi32, #tpu.memory_space<vmem>>
          %dma_start3A_1327 = tpu.memref_squeeze %dma_start3A_1326 : memref<1x16xi32, #tpu.memory_space<vmem>> -> memref<16xi32, #tpu.memory_space<vmem>>
          %dma_start3A_1328 = arith.constant 0 : i32
          %dma_start3A_1329 = arith.constant 0 : i32
          %dma_start3A_1330 = tpu.memref_slice %arg4[%dma_start3A_1328, %dma_start3A_1329] : memref<1000000x128xf32, #tpu.memory_space<hbm>> -> memref<1000000x128xf32, #tpu.memory_space<hbm>>
          tpu.enqueue_indirect_dma source(%dma_start3A_1330 : memref<1000000x128xf32, #tpu.memory_space<hbm>>) target(%dma_start3A_1325 : memref<16x128xf32, #tpu.memory_space<vmem>>) offsets(%dma_start3A_1327 : memref<16xi32, #tpu.memory_space<vmem>>) semaphore(%arg13 : memref<!tpu.dma_semaphore, #tpu.memory_space<semaphore_mem>>)
          %add3A_1331 = arith.constant 80 : i32
          %add3A_1332 = arith.addi %mul3A_1245, %add3A_1331 : i32
          %shift_right_logical3A_1333 = arith.constant 7 : i32
          %shift_right_logical3A_1334 = arith.shrui %add3A_1332, %shift_right_logical3A_1333 : i32
          %and3A_1335 = arith.constant 127 : i32
          %and3A_1336 = arith.andi %add3A_1332, %and3A_1335 : i32
          %multiple_of3A_1337 = tpu.assume_multiple %and3A_1336, 16 : i32
          %dma_start3A_1338 = arith.constant 1 : i32
          %dma_start3A_1339 = arith.constant 80 : i32
          %dma_start3A_1340 = arith.constant 0 : i32
          %dma_start3A_1341 = tpu.memref_slice %arg7[%dma_start3A_1338, %dma_start3A_1339, %dma_start3A_1340] : memref<2x400x128xf32, #tpu.memory_space<vmem>> -> memref<1x16x128xf32, #tpu.memory_space<vmem>>
          %dma_start3A_1342 = tpu.memref_squeeze %dma_start3A_1341 : memref<1x16x128xf32, #tpu.memory_space<vmem>> -> memref<16x128xf32, #tpu.memory_space<vmem>>
          %dma_start3A_1343 = tpu.memref_slice %arg6[%shift_right_logical3A_1334, %multiple_of3A_1337] : memref<100x128xi32, #tpu.memory_space<vmem>> -> memref<1x16xi32, #tpu.memory_space<vmem>>
          %dma_start3A_1344 = tpu.memref_squeeze %dma_start3A_1343 : memref<1x16xi32, #tpu.memory_space<vmem>> -> memref<16xi32, #tpu.memory_space<vmem>>
          %dma_start3A_1345 = arith.constant 0 : i32
          %dma_start3A_1346 = arith.constant 0 : i32
          %dma_start3A_1347 = tpu.memref_slice %arg4[%dma_start3A_1345, %dma_start3A_1346] : memref<1000000x128xf32, #tpu.memory_space<hbm>> -> memref<1000000x128xf32, #tpu.memory_space<hbm>>
          tpu.enqueue_indirect_dma source(%dma_start3A_1347 : memref<1000000x128xf32, #tpu.memory_space<hbm>>) target(%dma_start3A_1342 : memref<16x128xf32, #tpu.memory_space<vmem>>) offsets(%dma_start3A_1344 : memref<16xi32, #tpu.memory_space<vmem>>) semaphore(%arg13 : memref<!tpu.dma_semaphore, #tpu.memory_space<semaphore_mem>>)
          %add3A_1348 = arith.constant 96 : i32
          %add3A_1349 = arith.addi %mul3A_1245, %add3A_1348 : i32
          %shift_right_logical3A_1350 = arith.constant 7 : i32
          %shift_right_logical3A_1351 = arith.shrui %add3A_1349, %shift_right_logical3A_1350 : i32
          %and3A_1352 = arith.constant 127 : i32
          %and3A_1353 = arith.andi %add3A_1349, %and3A_1352 : i32
          %multiple_of3A_1354 = tpu.assume_multiple %and3A_1353, 16 : i32
          %dma_start3A_1355 = arith.constant 1 : i32
          %dma_start3A_1356 = arith.constant 96 : i32
          %dma_start3A_1357 = arith.constant 0 : i32
          %dma_start3A_1358 = tpu.memref_slice %arg7[%dma_start3A_1355, %dma_start3A_1356, %dma_start3A_1357] : memref<2x400x128xf32, #tpu.memory_space<vmem>> -> memref<1x16x128xf32, #tpu.memory_space<vmem>>
          %dma_start3A_1359 = tpu.memref_squeeze %dma_start3A_1358 : memref<1x16x128xf32, #tpu.memory_space<vmem>> -> memref<16x128xf32, #tpu.memory_space<vmem>>
          %dma_start3A_1360 = tpu.memref_slice %arg6[%shift_right_logical3A_1351, %multiple_of3A_1354] : memref<100x128xi32, #tpu.memory_space<vmem>> -> memref<1x16xi32, #tpu.memory_space<vmem>>
          %dma_start3A_1361 = tpu.memref_squeeze %dma_start3A_1360 : memref<1x16xi32, #tpu.memory_space<vmem>> -> memref<16xi32, #tpu.memory_space<vmem>>
          %dma_start3A_1362 = arith.constant 0 : i32
          %dma_start3A_1363 = arith.constant 0 : i32
          %dma_start3A_1364 = tpu.memref_slice %arg4[%dma_start3A_1362, %dma_start3A_1363] : memref<1000000x128xf32, #tpu.memory_space<hbm>> -> memref<1000000x128xf32, #tpu.memory_space<hbm>>
          tpu.enqueue_indirect_dma source(%dma_start3A_1364 : memref<1000000x128xf32, #tpu.memory_space<hbm>>) target(%dma_start3A_1359 : memref<16x128xf32, #tpu.memory_space<vmem>>) offsets(%dma_start3A_1361 : memref<16xi32, #tpu.memory_space<vmem>>) semaphore(%arg13 : memref<!tpu.dma_semaphore, #tpu.memory_space<semaphore_mem>>)
          %add3A_1365 = arith.constant 112 : i32
          %add3A_1366 = arith.addi %mul3A_1245, %add3A_1365 : i32
          %shift_right_logical3A_1367 = arith.constant 7 : i32
          %shift_right_logical3A_1368 = arith.shrui %add3A_1366, %shift_right_logical3A_1367 : i32
          %and3A_1369 = arith.constant 127 : i32
          %and3A_1370 = arith.andi %add3A_1366, %and3A_1369 : i32
          %multiple_of3A_1371 = tpu.assume_multiple %and3A_1370, 16 : i32
          %dma_start3A_1372 = arith.constant 1 : i32
          %dma_start3A_1373 = arith.constant 112 : i32
          %dma_start3A_1374 = arith.constant 0 : i32
          %dma_start3A_1375 = tpu.memref_slice %arg7[%dma_start3A_1372, %dma_start3A_1373, %dma_start3A_1374] : memref<2x400x128xf32, #tpu.memory_space<vmem>> -> memref<1x16x128xf32, #tpu.memory_space<vmem>>
          %dma_start3A_1376 = tpu.memref_squeeze %dma_start3A_1375 : memref<1x16x128xf32, #tpu.memory_space<vmem>> -> memref<16x128xf32, #tpu.memory_space<vmem>>
          %dma_start3A_1377 = tpu.memref_slice %arg6[%shift_right_logical3A_1368, %multiple_of3A_1371] : memref<100x128xi32, #tpu.memory_space<vmem>> -> memref<1x16xi32, #tpu.memory_space<vmem>>
          %dma_start3A_1378 = tpu.memref_squeeze %dma_start3A_1377 : memref<1x16xi32, #tpu.memory_space<vmem>> -> memref<16xi32, #tpu.memory_space<vmem>>
          %dma_start3A_1379 = arith.constant 0 : i32
          %dma_start3A_1380 = arith.constant 0 : i32
          %dma_start3A_1381 = tpu.memref_slice %arg4[%dma_start3A_1379, %dma_start3A_1380] : memref<1000000x128xf32, #tpu.memory_space<hbm>> -> memref<1000000x128xf32, #tpu.memory_space<hbm>>
          tpu.enqueue_indirect_dma source(%dma_start3A_1381 : memref<1000000x128xf32, #tpu.memory_space<hbm>>) target(%dma_start3A_1376 : memref<16x128xf32, #tpu.memory_space<vmem>>) offsets(%dma_start3A_1378 : memref<16xi32, #tpu.memory_space<vmem>>) semaphore(%arg13 : memref<!tpu.dma_semaphore, #tpu.memory_space<semaphore_mem>>)
          %add3A_1382 = arith.constant 128 : i32
          %add3A_1383 = arith.addi %mul3A_1245, %add3A_1382 : i32
          %shift_right_logical3A_1384 = arith.constant 7 : i32
          %shift_right_logical3A_1385 = arith.shrui %add3A_1383, %shift_right_logical3A_1384 : i32
          %and3A_1386 = arith.constant 127 : i32
          %and3A_1387 = arith.andi %add3A_1383, %and3A_1386 : i32
          %multiple_of3A_1388 = tpu.assume_multiple %and3A_1387, 16 : i32
          %dma_start3A_1389 = arith.constant 1 : i32
          %dma_start3A_1390 = arith.constant 128 : i32
          %dma_start3A_1391 = arith.constant 0 : i32
          %dma_start3A_1392 = tpu.memref_slice %arg7[%dma_start3A_1389, %dma_start3A_1390, %dma_start3A_1391] : memref<2x400x128xf32, #tpu.memory_space<vmem>> -> memref<1x16x128xf32, #tpu.memory_space<vmem>>
          %dma_start3A_1393 = tpu.memref_squeeze %dma_start3A_1392 : memref<1x16x128xf32, #tpu.memory_space<vmem>> -> memref<16x128xf32, #tpu.memory_space<vmem>>
          %dma_start3A_1394 = tpu.memref_slice %arg6[%shift_right_logical3A_1385, %multiple_of3A_1388] : memref<100x128xi32, #tpu.memory_space<vmem>> -> memref<1x16xi32, #tpu.memory_space<vmem>>
          %dma_start3A_1395 = tpu.memref_squeeze %dma_start3A_1394 : memref<1x16xi32, #tpu.memory_space<vmem>> -> memref<16xi32, #tpu.memory_space<vmem>>
          %dma_start3A_1396 = arith.constant 0 : i32
          %dma_start3A_1397 = arith.constant 0 : i32
          %dma_start3A_1398 = tpu.memref_slice %arg4[%dma_start3A_1396, %dma_start3A_1397] : memref<1000000x128xf32, #tpu.memory_space<hbm>> -> memref<1000000x128xf32, #tpu.memory_space<hbm>>
          tpu.enqueue_indirect_dma source(%dma_start3A_1398 : memref<1000000x128xf32, #tpu.memory_space<hbm>>) target(%dma_start3A_1393 : memref<16x128xf32, #tpu.memory_space<vmem>>) offsets(%dma_start3A_1395 : memref<16xi32, #tpu.memory_space<vmem>>) semaphore(%arg13 : memref<!tpu.dma_semaphore, #tpu.memory_space<semaphore_mem>>)
          %add3A_1399 = arith.constant 144 : i32
          %add3A_1400 = arith.addi %mul3A_1245, %add3A_1399 : i32
          %shift_right_logical3A_1401 = arith.constant 7 : i32
          %shift_right_logical3A_1402 = arith.shrui %add3A_1400, %shift_right_logical3A_1401 : i32
          %and3A_1403 = arith.constant 127 : i32
          %and3A_1404 = arith.andi %add3A_1400, %and3A_1403 : i32
          %multiple_of3A_1405 = tpu.assume_multiple %and3A_1404, 16 : i32
          %dma_start3A_1406 = arith.constant 1 : i32
          %dma_start3A_1407 = arith.constant 144 : i32
          %dma_start3A_1408 = arith.constant 0 : i32
          %dma_start3A_1409 = tpu.memref_slice %arg7[%dma_start3A_1406, %dma_start3A_1407, %dma_start3A_1408] : memref<2x400x128xf32, #tpu.memory_space<vmem>> -> memref<1x16x128xf32, #tpu.memory_space<vmem>>
          %dma_start3A_1410 = tpu.memref_squeeze %dma_start3A_1409 : memref<1x16x128xf32, #tpu.memory_space<vmem>> -> memref<16x128xf32, #tpu.memory_space<vmem>>
          %dma_start3A_1411 = tpu.memref_slice %arg6[%shift_right_logical3A_1402, %multiple_of3A_1405] : memref<100x128xi32, #tpu.memory_space<vmem>> -> memref<1x16xi32, #tpu.memory_space<vmem>>
          %dma_start3A_1412 = tpu.memref_squeeze %dma_start3A_1411 : memref<1x16xi32, #tpu.memory_space<vmem>> -> memref<16xi32, #tpu.memory_space<vmem>>
          %dma_start3A_1413 = arith.constant 0 : i32
          %dma_start3A_1414 = arith.constant 0 : i32
          %dma_start3A_1415 = tpu.memref_slice %arg4[%dma_start3A_1413, %dma_start3A_1414] : memref<1000000x128xf32, #tpu.memory_space<hbm>> -> memref<1000000x128xf32, #tpu.memory_space<hbm>>
          tpu.enqueue_indirect_dma source(%dma_start3A_1415 : memref<1000000x128xf32, #tpu.memory_space<hbm>>) target(%dma_start3A_1410 : memref<16x128xf32, #tpu.memory_space<vmem>>) offsets(%dma_start3A_1412 : memref<16xi32, #tpu.memory_space<vmem>>) semaphore(%arg13 : memref<!tpu.dma_semaphore, #tpu.memory_space<semaphore_mem>>)
          %add3A_1416 = arith.constant 160 : i32
          %add3A_1417 = arith.addi %mul3A_1245, %add3A_1416 : i32
          %shift_right_logical3A_1418 = arith.constant 7 : i32
          %shift_right_logical3A_1419 = arith.shrui %add3A_1417, %shift_right_logical3A_1418 : i32
          %and3A_1420 = arith.constant 127 : i32
          %and3A_1421 = arith.andi %add3A_1417, %and3A_1420 : i32
          %multiple_of3A_1422 = tpu.assume_multiple %and3A_1421, 16 : i32
          %dma_start3A_1423 = arith.constant 1 : i32
          %dma_start3A_1424 = arith.constant 160 : i32
          %dma_start3A_1425 = arith.constant 0 : i32
          %dma_start3A_1426 = tpu.memref_slice %arg7[%dma_start3A_1423, %dma_start3A_1424, %dma_start3A_1425] : memref<2x400x128xf32, #tpu.memory_space<vmem>> -> memref<1x16x128xf32, #tpu.memory_space<vmem>>
          %dma_start3A_1427 = tpu.memref_squeeze %dma_start3A_1426 : memref<1x16x128xf32, #tpu.memory_space<vmem>> -> memref<16x128xf32, #tpu.memory_space<vmem>>
          %dma_start3A_1428 = tpu.memref_slice %arg6[%shift_right_logical3A_1419, %multiple_of3A_1422] : memref<100x128xi32, #tpu.memory_space<vmem>> -> memref<1x16xi32, #tpu.memory_space<vmem>>
          %dma_start3A_1429 = tpu.memref_squeeze %dma_start3A_1428 : memref<1x16xi32, #tpu.memory_space<vmem>> -> memref<16xi32, #tpu.memory_space<vmem>>
          %dma_start3A_1430 = arith.constant 0 : i32
          %dma_start3A_1431 = arith.constant 0 : i32
          %dma_start3A_1432 = tpu.memref_slice %arg4[%dma_start3A_1430, %dma_start3A_1431] : memref<1000000x128xf32, #tpu.memory_space<hbm>> -> memref<1000000x128xf32, #tpu.memory_space<hbm>>
          tpu.enqueue_indirect_dma source(%dma_start3A_1432 : memref<1000000x128xf32, #tpu.memory_space<hbm>>) target(%dma_start3A_1427 : memref<16x128xf32, #tpu.memory_space<vmem>>) offsets(%dma_start3A_1429 : memref<16xi32, #tpu.memory_space<vmem>>) semaphore(%arg13 : memref<!tpu.dma_semaphore, #tpu.memory_space<semaphore_mem>>)
          %add3A_1433 = arith.constant 176 : i32
          %add3A_1434 = arith.addi %mul3A_1245, %add3A_1433 : i32
          %shift_right_logical3A_1435 = arith.constant 7 : i32
          %shift_right_logical3A_1436 = arith.shrui %add3A_1434, %shift_right_logical3A_1435 : i32
          %and3A_1437 = arith.constant 127 : i32
          %and3A_1438 = arith.andi %add3A_1434, %and3A_1437 : i32
          %multiple_of3A_1439 = tpu.assume_multiple %and3A_1438, 16 : i32
          %dma_start3A_1440 = arith.constant 1 : i32
          %dma_start3A_1441 = arith.constant 176 : i32
          %dma_start3A_1442 = arith.constant 0 : i32
          %dma_start3A_1443 = tpu.memref_slice %arg7[%dma_start3A_1440, %dma_start3A_1441, %dma_start3A_1442] : memref<2x400x128xf32, #tpu.memory_space<vmem>> -> memref<1x16x128xf32, #tpu.memory_space<vmem>>
          %dma_start3A_1444 = tpu.memref_squeeze %dma_start3A_1443 : memref<1x16x128xf32, #tpu.memory_space<vmem>> -> memref<16x128xf32, #tpu.memory_space<vmem>>
          %dma_start3A_1445 = tpu.memref_slice %arg6[%shift_right_logical3A_1436, %multiple_of3A_1439] : memref<100x128xi32, #tpu.memory_space<vmem>> -> memref<1x16xi32, #tpu.memory_space<vmem>>
          %dma_start3A_1446 = tpu.memref_squeeze %dma_start3A_1445 : memref<1x16xi32, #tpu.memory_space<vmem>> -> memref<16xi32, #tpu.memory_space<vmem>>
          %dma_start3A_1447 = arith.constant 0 : i32
          %dma_start3A_1448 = arith.constant 0 : i32
          %dma_start3A_1449 = tpu.memref_slice %arg4[%dma_start3A_1447, %dma_start3A_1448] : memref<1000000x128xf32, #tpu.memory_space<hbm>> -> memref<1000000x128xf32, #tpu.memory_space<hbm>>
          tpu.enqueue_indirect_dma source(%dma_start3A_1449 : memref<1000000x128xf32, #tpu.memory_space<hbm>>) target(%dma_start3A_1444 : memref<16x128xf32, #tpu.memory_space<vmem>>) offsets(%dma_start3A_1446 : memref<16xi32, #tpu.memory_space<vmem>>) semaphore(%arg13 : memref<!tpu.dma_semaphore, #tpu.memory_space<semaphore_mem>>)
          %add3A_1450 = arith.constant 192 : i32
          %add3A_1451 = arith.addi %mul3A_1245, %add3A_1450 : i32
          %shift_right_logical3A_1452 = arith.constant 7 : i32
          %shift_right_logical3A_1453 = arith.shrui %add3A_1451, %shift_right_logical3A_1452 : i32
          %and3A_1454 = arith.constant 127 : i32
          %and3A_1455 = arith.andi %add3A_1451, %and3A_1454 : i32
          %multiple_of3A_1456 = tpu.assume_multiple %and3A_1455, 16 : i32
          %dma_start3A_1457 = arith.constant 1 : i32
          %dma_start3A_1458 = arith.constant 192 : i32
          %dma_start3A_1459 = arith.constant 0 : i32
          %dma_start3A_1460 = tpu.memref_slice %arg7[%dma_start3A_1457, %dma_start3A_1458, %dma_start3A_1459] : memref<2x400x128xf32, #tpu.memory_space<vmem>> -> memref<1x16x128xf32, #tpu.memory_space<vmem>>
          %dma_start3A_1461 = tpu.memref_squeeze %dma_start3A_1460 : memref<1x16x128xf32, #tpu.memory_space<vmem>> -> memref<16x128xf32, #tpu.memory_space<vmem>>
          %dma_start3A_1462 = tpu.memref_slice %arg6[%shift_right_logical3A_1453, %multiple_of3A_1456] : memref<100x128xi32, #tpu.memory_space<vmem>> -> memref<1x16xi32, #tpu.memory_space<vmem>>
          %dma_start3A_1463 = tpu.memref_squeeze %dma_start3A_1462 : memref<1x16xi32, #tpu.memory_space<vmem>> -> memref<16xi32, #tpu.memory_space<vmem>>
          %dma_start3A_1464 = arith.constant 0 : i32
          %dma_start3A_1465 = arith.constant 0 : i32
          %dma_start3A_1466 = tpu.memref_slice %arg4[%dma_start3A_1464, %dma_start3A_1465] : memref<1000000x128xf32, #tpu.memory_space<hbm>> -> memref<1000000x128xf32, #tpu.memory_space<hbm>>
          tpu.enqueue_indirect_dma source(%dma_start3A_1466 : memref<1000000x128xf32, #tpu.memory_space<hbm>>) target(%dma_start3A_1461 : memref<16x128xf32, #tpu.memory_space<vmem>>) offsets(%dma_start3A_1463 : memref<16xi32, #tpu.memory_space<vmem>>) semaphore(%arg13 : memref<!tpu.dma_semaphore, #tpu.memory_space<semaphore_mem>>)
          %add3A_1467 = arith.constant 208 : i32
          %add3A_1468 = arith.addi %mul3A_1245, %add3A_1467 : i32
          %shift_right_logical3A_1469 = arith.constant 7 : i32
          %shift_right_logical3A_1470 = arith.shrui %add3A_1468, %shift_right_logical3A_1469 : i32
          %and3A_1471 = arith.constant 127 : i32
          %and3A_1472 = arith.andi %add3A_1468, %and3A_1471 : i32
          %multiple_of3A_1473 = tpu.assume_multiple %and3A_1472, 16 : i32
          %dma_start3A_1474 = arith.constant 1 : i32
          %dma_start3A_1475 = arith.constant 208 : i32
          %dma_start3A_1476 = arith.constant 0 : i32
          %dma_start3A_1477 = tpu.memref_slice %arg7[%dma_start3A_1474, %dma_start3A_1475, %dma_start3A_1476] : memref<2x400x128xf32, #tpu.memory_space<vmem>> -> memref<1x16x128xf32, #tpu.memory_space<vmem>>
          %dma_start3A_1478 = tpu.memref_squeeze %dma_start3A_1477 : memref<1x16x128xf32, #tpu.memory_space<vmem>> -> memref<16x128xf32, #tpu.memory_space<vmem>>
          %dma_start3A_1479 = tpu.memref_slice %arg6[%shift_right_logical3A_1470, %multiple_of3A_1473] : memref<100x128xi32, #tpu.memory_space<vmem>> -> memref<1x16xi32, #tpu.memory_space<vmem>>
          %dma_start3A_1480 = tpu.memref_squeeze %dma_start3A_1479 : memref<1x16xi32, #tpu.memory_space<vmem>> -> memref<16xi32, #tpu.memory_space<vmem>>
          %dma_start3A_1481 = arith.constant 0 : i32
          %dma_start3A_1482 = arith.constant 0 : i32
          %dma_start3A_1483 = tpu.memref_slice %arg4[%dma_start3A_1481, %dma_start3A_1482] : memref<1000000x128xf32, #tpu.memory_space<hbm>> -> memref<1000000x128xf32, #tpu.memory_space<hbm>>
          tpu.enqueue_indirect_dma source(%dma_start3A_1483 : memref<1000000x128xf32, #tpu.memory_space<hbm>>) target(%dma_start3A_1478 : memref<16x128xf32, #tpu.memory_space<vmem>>) offsets(%dma_start3A_1480 : memref<16xi32, #tpu.memory_space<vmem>>) semaphore(%arg13 : memref<!tpu.dma_semaphore, #tpu.memory_space<semaphore_mem>>)
          %add3A_1484 = arith.constant 224 : i32
          %add3A_1485 = arith.addi %mul3A_1245, %add3A_1484 : i32
          %shift_right_logical3A_1486 = arith.constant 7 : i32
          %shift_right_logical3A_1487 = arith.shrui %add3A_1485, %shift_right_logical3A_1486 : i32
          %and3A_1488 = arith.constant 127 : i32
          %and3A_1489 = arith.andi %add3A_1485, %and3A_1488 : i32
          %multiple_of3A_1490 = tpu.assume_multiple %and3A_1489, 16 : i32
          %dma_start3A_1491 = arith.constant 1 : i32
          %dma_start3A_1492 = arith.constant 224 : i32
          %dma_start3A_1493 = arith.constant 0 : i32
          %dma_start3A_1494 = tpu.memref_slice %arg7[%dma_start3A_1491, %dma_start3A_1492, %dma_start3A_1493] : memref<2x400x128xf32, #tpu.memory_space<vmem>> -> memref<1x16x128xf32, #tpu.memory_space<vmem>>
          %dma_start3A_1495 = tpu.memref_squeeze %dma_start3A_1494 : memref<1x16x128xf32, #tpu.memory_space<vmem>> -> memref<16x128xf32, #tpu.memory_space<vmem>>
          %dma_start3A_1496 = tpu.memref_slice %arg6[%shift_right_logical3A_1487, %multiple_of3A_1490] : memref<100x128xi32, #tpu.memory_space<vmem>> -> memref<1x16xi32, #tpu.memory_space<vmem>>
          %dma_start3A_1497 = tpu.memref_squeeze %dma_start3A_1496 : memref<1x16xi32, #tpu.memory_space<vmem>> -> memref<16xi32, #tpu.memory_space<vmem>>
          %dma_start3A_1498 = arith.constant 0 : i32
          %dma_start3A_1499 = arith.constant 0 : i32
          %dma_start3A_1500 = tpu.memref_slice %arg4[%dma_start3A_1498, %dma_start3A_1499] : memref<1000000x128xf32, #tpu.memory_space<hbm>> -> memref<1000000x128xf32, #tpu.memory_space<hbm>>
          tpu.enqueue_indirect_dma source(%dma_start3A_1500 : memref<1000000x128xf32, #tpu.memory_space<hbm>>) target(%dma_start3A_1495 : memref<16x128xf32, #tpu.memory_space<vmem>>) offsets(%dma_start3A_1497 : memref<16xi32, #tpu.memory_space<vmem>>) semaphore(%arg13 : memref<!tpu.dma_semaphore, #tpu.memory_space<semaphore_mem>>)
          %add3A_1501 = arith.constant 240 : i32
          %add3A_1502 = arith.addi %mul3A_1245, %add3A_1501 : i32
          %shift_right_logical3A_1503 = arith.constant 7 : i32
          %shift_right_logical3A_1504 = arith.shrui %add3A_1502, %shift_right_logical3A_1503 : i32
          %and3A_1505 = arith.constant 127 : i32
          %and3A_1506 = arith.andi %add3A_1502, %and3A_1505 : i32
          %multiple_of3A_1507 = tpu.assume_multiple %and3A_1506, 16 : i32
          %dma_start3A_1508 = arith.constant 1 : i32
          %dma_start3A_1509 = arith.constant 240 : i32
          %dma_start3A_1510 = arith.constant 0 : i32
          %dma_start3A_1511 = tpu.memref_slice %arg7[%dma_start3A_1508, %dma_start3A_1509, %dma_start3A_1510] : memref<2x400x128xf32, #tpu.memory_space<vmem>> -> memref<1x16x128xf32, #tpu.memory_space<vmem>>
          %dma_start3A_1512 = tpu.memref_squeeze %dma_start3A_1511 : memref<1x16x128xf32, #tpu.memory_space<vmem>> -> memref<16x128xf32, #tpu.memory_space<vmem>>
          %dma_start3A_1513 = tpu.memref_slice %arg6[%shift_right_logical3A_1504, %multiple_of3A_1507] : memref<100x128xi32, #tpu.memory_space<vmem>> -> memref<1x16xi32, #tpu.memory_space<vmem>>
          %dma_start3A_1514 = tpu.memref_squeeze %dma_start3A_1513 : memref<1x16xi32, #tpu.memory_space<vmem>> -> memref<16xi32, #tpu.memory_space<vmem>>
          %dma_start3A_1515 = arith.constant 0 : i32
          %dma_start3A_1516 = arith.constant 0 : i32
          %dma_start3A_1517 = tpu.memref_slice %arg4[%dma_start3A_1515, %dma_start3A_1516] : memref<1000000x128xf32, #tpu.memory_space<hbm>> -> memref<1000000x128xf32, #tpu.memory_space<hbm>>
          tpu.enqueue_indirect_dma source(%dma_start3A_1517 : memref<1000000x128xf32, #tpu.memory_space<hbm>>) target(%dma_start3A_1512 : memref<16x128xf32, #tpu.memory_space<vmem>>) offsets(%dma_start3A_1514 : memref<16xi32, #tpu.memory_space<vmem>>) semaphore(%arg13 : memref<!tpu.dma_semaphore, #tpu.memory_space<semaphore_mem>>)
          %add3A_1518 = arith.constant 256 : i32
          %add3A_1519 = arith.addi %mul3A_1245, %add3A_1518 : i32
          %shift_right_logical3A_1520 = arith.constant 7 : i32
          %shift_right_logical3A_1521 = arith.shrui %add3A_1519, %shift_right_logical3A_1520 : i32
          %and3A_1522 = arith.constant 127 : i32
          %and3A_1523 = arith.andi %add3A_1519, %and3A_1522 : i32
          %multiple_of3A_1524 = tpu.assume_multiple %and3A_1523, 16 : i32
          %dma_start3A_1525 = arith.constant 1 : i32
          %dma_start3A_1526 = arith.constant 256 : i32
          %dma_start3A_1527 = arith.constant 0 : i32
          %dma_start3A_1528 = tpu.memref_slice %arg7[%dma_start3A_1525, %dma_start3A_1526, %dma_start3A_1527] : memref<2x400x128xf32, #tpu.memory_space<vmem>> -> memref<1x16x128xf32, #tpu.memory_space<vmem>>
          %dma_start3A_1529 = tpu.memref_squeeze %dma_start3A_1528 : memref<1x16x128xf32, #tpu.memory_space<vmem>> -> memref<16x128xf32, #tpu.memory_space<vmem>>
          %dma_start3A_1530 = tpu.memref_slice %arg6[%shift_right_logical3A_1521, %multiple_of3A_1524] : memref<100x128xi32, #tpu.memory_space<vmem>> -> memref<1x16xi32, #tpu.memory_space<vmem>>
          %dma_start3A_1531 = tpu.memref_squeeze %dma_start3A_1530 : memref<1x16xi32, #tpu.memory_space<vmem>> -> memref<16xi32, #tpu.memory_space<vmem>>
          %dma_start3A_1532 = arith.constant 0 : i32
          %dma_start3A_1533 = arith.constant 0 : i32
          %dma_start3A_1534 = tpu.memref_slice %arg4[%dma_start3A_1532, %dma_start3A_1533] : memref<1000000x128xf32, #tpu.memory_space<hbm>> -> memref<1000000x128xf32, #tpu.memory_space<hbm>>
          tpu.enqueue_indirect_dma source(%dma_start3A_1534 : memref<1000000x128xf32, #tpu.memory_space<hbm>>) target(%dma_start3A_1529 : memref<16x128xf32, #tpu.memory_space<vmem>>) offsets(%dma_start3A_1531 : memref<16xi32, #tpu.memory_space<vmem>>) semaphore(%arg13 : memref<!tpu.dma_semaphore, #tpu.memory_space<semaphore_mem>>)
          %add3A_1535 = arith.constant 272 : i32
          %add3A_1536 = arith.addi %mul3A_1245, %add3A_1535 : i32
          %shift_right_logical3A_1537 = arith.constant 7 : i32
          %shift_right_logical3A_1538 = arith.shrui %add3A_1536, %shift_right_logical3A_1537 : i32
          %and3A_1539 = arith.constant 127 : i32
          %and3A_1540 = arith.andi %add3A_1536, %and3A_1539 : i32
          %multiple_of3A_1541 = tpu.assume_multiple %and3A_1540, 16 : i32
          %dma_start3A_1542 = arith.constant 1 : i32
          %dma_start3A_1543 = arith.constant 272 : i32
          %dma_start3A_1544 = arith.constant 0 : i32
          %dma_start3A_1545 = tpu.memref_slice %arg7[%dma_start3A_1542, %dma_start3A_1543, %dma_start3A_1544] : memref<2x400x128xf32, #tpu.memory_space<vmem>> -> memref<1x16x128xf32, #tpu.memory_space<vmem>>
          %dma_start3A_1546 = tpu.memref_squeeze %dma_start3A_1545 : memref<1x16x128xf32, #tpu.memory_space<vmem>> -> memref<16x128xf32, #tpu.memory_space<vmem>>
          %dma_start3A_1547 = tpu.memref_slice %arg6[%shift_right_logical3A_1538, %multiple_of3A_1541] : memref<100x128xi32, #tpu.memory_space<vmem>> -> memref<1x16xi32, #tpu.memory_space<vmem>>
          %dma_start3A_1548 = tpu.memref_squeeze %dma_start3A_1547 : memref<1x16xi32, #tpu.memory_space<vmem>> -> memref<16xi32, #tpu.memory_space<vmem>>
          %dma_start3A_1549 = arith.constant 0 : i32
          %dma_start3A_1550 = arith.constant 0 : i32
          %dma_start3A_1551 = tpu.memref_slice %arg4[%dma_start3A_1549, %dma_start3A_1550] : memref<1000000x128xf32, #tpu.memory_space<hbm>> -> memref<1000000x128xf32, #tpu.memory_space<hbm>>
          tpu.enqueue_indirect_dma source(%dma_start3A_1551 : memref<1000000x128xf32, #tpu.memory_space<hbm>>) target(%dma_start3A_1546 : memref<16x128xf32, #tpu.memory_space<vmem>>) offsets(%dma_start3A_1548 : memref<16xi32, #tpu.memory_space<vmem>>) semaphore(%arg13 : memref<!tpu.dma_semaphore, #tpu.memory_space<semaphore_mem>>)
          %add3A_1552 = arith.constant 288 : i32
          %add3A_1553 = arith.addi %mul3A_1245, %add3A_1552 : i32
          %shift_right_logical3A_1554 = arith.constant 7 : i32
          %shift_right_logical3A_1555 = arith.shrui %add3A_1553, %shift_right_logical3A_1554 : i32
          %and3A_1556 = arith.constant 127 : i32
          %and3A_1557 = arith.andi %add3A_1553, %and3A_1556 : i32
          %multiple_of3A_1558 = tpu.assume_multiple %and3A_1557, 16 : i32
          %dma_start3A_1559 = arith.constant 1 : i32
          %dma_start3A_1560 = arith.constant 288 : i32
          %dma_start3A_1561 = arith.constant 0 : i32
          %dma_start3A_1562 = tpu.memref_slice %arg7[%dma_start3A_1559, %dma_start3A_1560, %dma_start3A_1561] : memref<2x400x128xf32, #tpu.memory_space<vmem>> -> memref<1x16x128xf32, #tpu.memory_space<vmem>>
          %dma_start3A_1563 = tpu.memref_squeeze %dma_start3A_1562 : memref<1x16x128xf32, #tpu.memory_space<vmem>> -> memref<16x128xf32, #tpu.memory_space<vmem>>
          %dma_start3A_1564 = tpu.memref_slice %arg6[%shift_right_logical3A_1555, %multiple_of3A_1558] : memref<100x128xi32, #tpu.memory_space<vmem>> -> memref<1x16xi32, #tpu.memory_space<vmem>>
          %dma_start3A_1565 = tpu.memref_squeeze %dma_start3A_1564 : memref<1x16xi32, #tpu.memory_space<vmem>> -> memref<16xi32, #tpu.memory_space<vmem>>
          %dma_start3A_1566 = arith.constant 0 : i32
          %dma_start3A_1567 = arith.constant 0 : i32
          %dma_start3A_1568 = tpu.memref_slice %arg4[%dma_start3A_1566, %dma_start3A_1567] : memref<1000000x128xf32, #tpu.memory_space<hbm>> -> memref<1000000x128xf32, #tpu.memory_space<hbm>>
          tpu.enqueue_indirect_dma source(%dma_start3A_1568 : memref<1000000x128xf32, #tpu.memory_space<hbm>>) target(%dma_start3A_1563 : memref<16x128xf32, #tpu.memory_space<vmem>>) offsets(%dma_start3A_1565 : memref<16xi32, #tpu.memory_space<vmem>>) semaphore(%arg13 : memref<!tpu.dma_semaphore, #tpu.memory_space<semaphore_mem>>)
          %add3A_1569 = arith.constant 304 : i32
          %add3A_1570 = arith.addi %mul3A_1245, %add3A_1569 : i32
          %shift_right_logical3A_1571 = arith.constant 7 : i32
          %shift_right_logical3A_1572 = arith.shrui %add3A_1570, %shift_right_logical3A_1571 : i32
          %and3A_1573 = arith.constant 127 : i32
          %and3A_1574 = arith.andi %add3A_1570, %and3A_1573 : i32
          %multiple_of3A_1575 = tpu.assume_multiple %and3A_1574, 16 : i32
          %dma_start3A_1576 = arith.constant 1 : i32
          %dma_start3A_1577 = arith.constant 304 : i32
          %dma_start3A_1578 = arith.constant 0 : i32
          %dma_start3A_1579 = tpu.memref_slice %arg7[%dma_start3A_1576, %dma_start3A_1577, %dma_start3A_1578] : memref<2x400x128xf32, #tpu.memory_space<vmem>> -> memref<1x16x128xf32, #tpu.memory_space<vmem>>
          %dma_start3A_1580 = tpu.memref_squeeze %dma_start3A_1579 : memref<1x16x128xf32, #tpu.memory_space<vmem>> -> memref<16x128xf32, #tpu.memory_space<vmem>>
          %dma_start3A_1581 = tpu.memref_slice %arg6[%shift_right_logical3A_1572, %multiple_of3A_1575] : memref<100x128xi32, #tpu.memory_space<vmem>> -> memref<1x16xi32, #tpu.memory_space<vmem>>
          %dma_start3A_1582 = tpu.memref_squeeze %dma_start3A_1581 : memref<1x16xi32, #tpu.memory_space<vmem>> -> memref<16xi32, #tpu.memory_space<vmem>>
          %dma_start3A_1583 = arith.constant 0 : i32
          %dma_start3A_1584 = arith.constant 0 : i32
          %dma_start3A_1585 = tpu.memref_slice %arg4[%dma_start3A_1583, %dma_start3A_1584] : memref<1000000x128xf32, #tpu.memory_space<hbm>> -> memref<1000000x128xf32, #tpu.memory_space<hbm>>
          tpu.enqueue_indirect_dma source(%dma_start3A_1585 : memref<1000000x128xf32, #tpu.memory_space<hbm>>) target(%dma_start3A_1580 : memref<16x128xf32, #tpu.memory_space<vmem>>) offsets(%dma_start3A_1582 : memref<16xi32, #tpu.memory_space<vmem>>) semaphore(%arg13 : memref<!tpu.dma_semaphore, #tpu.memory_space<semaphore_mem>>)
          %add3A_1586 = arith.constant 320 : i32
          %add3A_1587 = arith.addi %mul3A_1245, %add3A_1586 : i32
          %shift_right_logical3A_1588 = arith.constant 7 : i32
          %shift_right_logical3A_1589 = arith.shrui %add3A_1587, %shift_right_logical3A_1588 : i32
          %and3A_1590 = arith.constant 127 : i32
          %and3A_1591 = arith.andi %add3A_1587, %and3A_1590 : i32
          %multiple_of3A_1592 = tpu.assume_multiple %and3A_1591, 16 : i32
          %dma_start3A_1593 = arith.constant 1 : i32
          %dma_start3A_1594 = arith.constant 320 : i32
          %dma_start3A_1595 = arith.constant 0 : i32
          %dma_start3A_1596 = tpu.memref_slice %arg7[%dma_start3A_1593, %dma_start3A_1594, %dma_start3A_1595] : memref<2x400x128xf32, #tpu.memory_space<vmem>> -> memref<1x16x128xf32, #tpu.memory_space<vmem>>
          %dma_start3A_1597 = tpu.memref_squeeze %dma_start3A_1596 : memref<1x16x128xf32, #tpu.memory_space<vmem>> -> memref<16x128xf32, #tpu.memory_space<vmem>>
          %dma_start3A_1598 = tpu.memref_slice %arg6[%shift_right_logical3A_1589, %multiple_of3A_1592] : memref<100x128xi32, #tpu.memory_space<vmem>> -> memref<1x16xi32, #tpu.memory_space<vmem>>
          %dma_start3A_1599 = tpu.memref_squeeze %dma_start3A_1598 : memref<1x16xi32, #tpu.memory_space<vmem>> -> memref<16xi32, #tpu.memory_space<vmem>>
          %dma_start3A_1600 = arith.constant 0 : i32
          %dma_start3A_1601 = arith.constant 0 : i32
          %dma_start3A_1602 = tpu.memref_slice %arg4[%dma_start3A_1600, %dma_start3A_1601] : memref<1000000x128xf32, #tpu.memory_space<hbm>> -> memref<1000000x128xf32, #tpu.memory_space<hbm>>
          tpu.enqueue_indirect_dma source(%dma_start3A_1602 : memref<1000000x128xf32, #tpu.memory_space<hbm>>) target(%dma_start3A_1597 : memref<16x128xf32, #tpu.memory_space<vmem>>) offsets(%dma_start3A_1599 : memref<16xi32, #tpu.memory_space<vmem>>) semaphore(%arg13 : memref<!tpu.dma_semaphore, #tpu.memory_space<semaphore_mem>>)
          %add3A_1603 = arith.constant 336 : i32
          %add3A_1604 = arith.addi %mul3A_1245, %add3A_1603 : i32
          %shift_right_logical3A_1605 = arith.constant 7 : i32
          %shift_right_logical3A_1606 = arith.shrui %add3A_1604, %shift_right_logical3A_1605 : i32
          %and3A_1607 = arith.constant 127 : i32
          %and3A_1608 = arith.andi %add3A_1604, %and3A_1607 : i32
          %multiple_of3A_1609 = tpu.assume_multiple %and3A_1608, 16 : i32
          %dma_start3A_1610 = arith.constant 1 : i32
          %dma_start3A_1611 = arith.constant 336 : i32
          %dma_start3A_1612 = arith.constant 0 : i32
          %dma_start3A_1613 = tpu.memref_slice %arg7[%dma_start3A_1610, %dma_start3A_1611, %dma_start3A_1612] : memref<2x400x128xf32, #tpu.memory_space<vmem>> -> memref<1x16x128xf32, #tpu.memory_space<vmem>>
          %dma_start3A_1614 = tpu.memref_squeeze %dma_start3A_1613 : memref<1x16x128xf32, #tpu.memory_space<vmem>> -> memref<16x128xf32, #tpu.memory_space<vmem>>
          %dma_start3A_1615 = tpu.memref_slice %arg6[%shift_right_logical3A_1606, %multiple_of3A_1609] : memref<100x128xi32, #tpu.memory_space<vmem>> -> memref<1x16xi32, #tpu.memory_space<vmem>>
          %dma_start3A_1616 = tpu.memref_squeeze %dma_start3A_1615 : memref<1x16xi32, #tpu.memory_space<vmem>> -> memref<16xi32, #tpu.memory_space<vmem>>
          %dma_start3A_1617 = arith.constant 0 : i32
          %dma_start3A_1618 = arith.constant 0 : i32
          %dma_start3A_1619 = tpu.memref_slice %arg4[%dma_start3A_1617, %dma_start3A_1618] : memref<1000000x128xf32, #tpu.memory_space<hbm>> -> memref<1000000x128xf32, #tpu.memory_space<hbm>>
          tpu.enqueue_indirect_dma source(%dma_start3A_1619 : memref<1000000x128xf32, #tpu.memory_space<hbm>>) target(%dma_start3A_1614 : memref<16x128xf32, #tpu.memory_space<vmem>>) offsets(%dma_start3A_1616 : memref<16xi32, #tpu.memory_space<vmem>>) semaphore(%arg13 : memref<!tpu.dma_semaphore, #tpu.memory_space<semaphore_mem>>)
          %add3A_1620 = arith.constant 352 : i32
          %add3A_1621 = arith.addi %mul3A_1245, %add3A_1620 : i32
          %shift_right_logical3A_1622 = arith.constant 7 : i32
          %shift_right_logical3A_1623 = arith.shrui %add3A_1621, %shift_right_logical3A_1622 : i32
          %and3A_1624 = arith.constant 127 : i32
          %and3A_1625 = arith.andi %add3A_1621, %and3A_1624 : i32
          %multiple_of3A_1626 = tpu.assume_multiple %and3A_1625, 16 : i32
          %dma_start3A_1627 = arith.constant 1 : i32
          %dma_start3A_1628 = arith.constant 352 : i32
          %dma_start3A_1629 = arith.constant 0 : i32
          %dma_start3A_1630 = tpu.memref_slice %arg7[%dma_start3A_1627, %dma_start3A_1628, %dma_start3A_1629] : memref<2x400x128xf32, #tpu.memory_space<vmem>> -> memref<1x16x128xf32, #tpu.memory_space<vmem>>
          %dma_start3A_1631 = tpu.memref_squeeze %dma_start3A_1630 : memref<1x16x128xf32, #tpu.memory_space<vmem>> -> memref<16x128xf32, #tpu.memory_space<vmem>>
          %dma_start3A_1632 = tpu.memref_slice %arg6[%shift_right_logical3A_1623, %multiple_of3A_1626] : memref<100x128xi32, #tpu.memory_space<vmem>> -> memref<1x16xi32, #tpu.memory_space<vmem>>
          %dma_start3A_1633 = tpu.memref_squeeze %dma_start3A_1632 : memref<1x16xi32, #tpu.memory_space<vmem>> -> memref<16xi32, #tpu.memory_space<vmem>>
          %dma_start3A_1634 = arith.constant 0 : i32
          %dma_start3A_1635 = arith.constant 0 : i32
          %dma_start3A_1636 = tpu.memref_slice %arg4[%dma_start3A_1634, %dma_start3A_1635] : memref<1000000x128xf32, #tpu.memory_space<hbm>> -> memref<1000000x128xf32, #tpu.memory_space<hbm>>
          tpu.enqueue_indirect_dma source(%dma_start3A_1636 : memref<1000000x128xf32, #tpu.memory_space<hbm>>) target(%dma_start3A_1631 : memref<16x128xf32, #tpu.memory_space<vmem>>) offsets(%dma_start3A_1633 : memref<16xi32, #tpu.memory_space<vmem>>) semaphore(%arg13 : memref<!tpu.dma_semaphore, #tpu.memory_space<semaphore_mem>>)
          %add3A_1637 = arith.constant 368 : i32
          %add3A_1638 = arith.addi %mul3A_1245, %add3A_1637 : i32
          %shift_right_logical3A_1639 = arith.constant 7 : i32
          %shift_right_logical3A_1640 = arith.shrui %add3A_1638, %shift_right_logical3A_1639 : i32
          %and3A_1641 = arith.constant 127 : i32
          %and3A_1642 = arith.andi %add3A_1638, %and3A_1641 : i32
          %multiple_of3A_1643 = tpu.assume_multiple %and3A_1642, 16 : i32
          %dma_start3A_1644 = arith.constant 1 : i32
          %dma_start3A_1645 = arith.constant 368 : i32
          %dma_start3A_1646 = arith.constant 0 : i32
          %dma_start3A_1647 = tpu.memref_slice %arg7[%dma_start3A_1644, %dma_start3A_1645, %dma_start3A_1646] : memref<2x400x128xf32, #tpu.memory_space<vmem>> -> memref<1x16x128xf32, #tpu.memory_space<vmem>>
          %dma_start3A_1648 = tpu.memref_squeeze %dma_start3A_1647 : memref<1x16x128xf32, #tpu.memory_space<vmem>> -> memref<16x128xf32, #tpu.memory_space<vmem>>
          %dma_start3A_1649 = tpu.memref_slice %arg6[%shift_right_logical3A_1640, %multiple_of3A_1643] : memref<100x128xi32, #tpu.memory_space<vmem>> -> memref<1x16xi32, #tpu.memory_space<vmem>>
          %dma_start3A_1650 = tpu.memref_squeeze %dma_start3A_1649 : memref<1x16xi32, #tpu.memory_space<vmem>> -> memref<16xi32, #tpu.memory_space<vmem>>
          %dma_start3A_1651 = arith.constant 0 : i32
          %dma_start3A_1652 = arith.constant 0 : i32
          %dma_start3A_1653 = tpu.memref_slice %arg4[%dma_start3A_1651, %dma_start3A_1652] : memref<1000000x128xf32, #tpu.memory_space<hbm>> -> memref<1000000x128xf32, #tpu.memory_space<hbm>>
          tpu.enqueue_indirect_dma source(%dma_start3A_1653 : memref<1000000x128xf32, #tpu.memory_space<hbm>>) target(%dma_start3A_1648 : memref<16x128xf32, #tpu.memory_space<vmem>>) offsets(%dma_start3A_1650 : memref<16xi32, #tpu.memory_space<vmem>>) semaphore(%arg13 : memref<!tpu.dma_semaphore, #tpu.memory_space<semaphore_mem>>)
          %add3A_1654 = arith.constant 384 : i32
          %add3A_1655 = arith.addi %mul3A_1245, %add3A_1654 : i32
          %shift_right_logical3A_1656 = arith.constant 7 : i32
          %shift_right_logical3A_1657 = arith.shrui %add3A_1655, %shift_right_logical3A_1656 : i32
          %and3A_1658 = arith.constant 127 : i32
          %and3A_1659 = arith.andi %add3A_1655, %and3A_1658 : i32
          %multiple_of3A_1660 = tpu.assume_multiple %and3A_1659, 16 : i32
          %dma_start3A_1661 = arith.constant 1 : i32
          %dma_start3A_1662 = arith.constant 384 : i32
          %dma_start3A_1663 = arith.constant 0 : i32
          %dma_start3A_1664 = tpu.memref_slice %arg7[%dma_start3A_1661, %dma_start3A_1662, %dma_start3A_1663] : memref<2x400x128xf32, #tpu.memory_space<vmem>> -> memref<1x16x128xf32, #tpu.memory_space<vmem>>
          %dma_start3A_1665 = tpu.memref_squeeze %dma_start3A_1664 : memref<1x16x128xf32, #tpu.memory_space<vmem>> -> memref<16x128xf32, #tpu.memory_space<vmem>>
          %dma_start3A_1666 = tpu.memref_slice %arg6[%shift_right_logical3A_1657, %multiple_of3A_1660] : memref<100x128xi32, #tpu.memory_space<vmem>> -> memref<1x16xi32, #tpu.memory_space<vmem>>
          %dma_start3A_1667 = tpu.memref_squeeze %dma_start3A_1666 : memref<1x16xi32, #tpu.memory_space<vmem>> -> memref<16xi32, #tpu.memory_space<vmem>>
          %dma_start3A_1668 = arith.constant 0 : i32
          %dma_start3A_1669 = arith.constant 0 : i32
          %dma_start3A_1670 = tpu.memref_slice %arg4[%dma_start3A_1668, %dma_start3A_1669] : memref<1000000x128xf32, #tpu.memory_space<hbm>> -> memref<1000000x128xf32, #tpu.memory_space<hbm>>
          tpu.enqueue_indirect_dma source(%dma_start3A_1670 : memref<1000000x128xf32, #tpu.memory_space<hbm>>) target(%dma_start3A_1665 : memref<16x128xf32, #tpu.memory_space<vmem>>) offsets(%dma_start3A_1667 : memref<16xi32, #tpu.memory_space<vmem>>) semaphore(%arg13 : memref<!tpu.dma_semaphore, #tpu.memory_space<semaphore_mem>>)
        } else {
        }
        %dma_wait3A_470 = arith.constant 0 : i32
        %dma_wait3A_471 = arith.constant 0 : i32
        %dma_wait3A_472 = arith.constant 0 : i32
        %dma_wait3A_473 = tpu.memref_slice %arg7[%dma_wait3A_470, %dma_wait3A_471, %dma_wait3A_472] : memref<2x400x128xf32, #tpu.memory_space<vmem>> -> memref<1x400x128xf32, #tpu.memory_space<vmem>>
        %dma_wait3A_474 = tpu.memref_squeeze %dma_wait3A_473 : memref<1x400x128xf32, #tpu.memory_space<vmem>> -> memref<400x128xf32, #tpu.memory_space<vmem>>
        %dma_wait3A_475 = arith.constant 0 : i32
        %dma_wait3A_476 = arith.constant 0 : i32
        %dma_wait3A_477 = tpu.memref_slice %arg4[%dma_wait3A_475, %dma_wait3A_476] : memref<1000000x128xf32, #tpu.memory_space<hbm>> -> memref<400x128xf32, #tpu.memory_space<hbm>>
        %dma_wait3A_478 = arith.constant 0 : i32
        %dma_wait3A_479 = arith.constant 0 : i32
        %dma_wait3A_480 = tpu.memref_slice %arg7[%dma_wait3A_470, %dma_wait3A_478, %dma_wait3A_479] : memref<2x400x128xf32, #tpu.memory_space<vmem>> -> memref<1x400x128xf32, #tpu.memory_space<vmem>>
        %dma_wait3A_481 = tpu.memref_squeeze %dma_wait3A_480 : memref<1x400x128xf32, #tpu.memory_space<vmem>> -> memref<400x128xf32, #tpu.memory_space<vmem>>
        %dma_wait3A_482 = arith.constant 0 : i32
        %dma_wait3A_483 = arith.constant 0 : i32
        %dma_wait3A_484 = tpu.memref_slice %arg4[%dma_wait3A_482, %dma_wait3A_483] : memref<1000000x128xf32, #tpu.memory_space<hbm>> -> memref<400x128xf32, #tpu.memory_space<hbm>>
        tpu.wait_dma2 semaphore(%arg12 : memref<!tpu.dma_semaphore, #tpu.memory_space<semaphore_mem>>) src(%dma_wait3A_484 : memref<400x128xf32, #tpu.memory_space<hbm>>) dst(%dma_wait3A_481 : memref<400x128xf32, #tpu.memory_space<vmem>>)
        %run_scoped3A = arith.constant 0 : i32
        "tpu.region"() ({
          %run_scoped3A_1240 = tpu.sem_alloc : memref<!tpu.dma_semaphore, #tpu.memory_space<semaphore_mem>>
          %dma_start3A_1241 = arith.constant 0 : i32
          %dma_start3A_1242 = arith.constant 0 : i32
          %dma_start3A_1243 = tpu.memref_slice %arg7[%run_scoped3A, %dma_start3A_1241, %dma_start3A_1242] : memref<2x400x128xf32, #tpu.memory_space<vmem>> -> memref<1x400x8xf32, #tpu.memory_space<vmem>>
          %dma_start3A_1244 = tpu.memref_squeeze %dma_start3A_1243 : memref<1x400x8xf32, #tpu.memory_space<vmem>> -> memref<400x8xf32, #tpu.memory_space<vmem>>
          %dma_start3A_1245 = arith.constant 0 : i32
          %dma_start3A_1246 = arith.constant 0 : i32
          %dma_start3A_1247 = tpu.memref_slice %arg11[%arg1, %dma_start3A_1245, %dma_start3A_1246] : memref<16x400x8xf32, #tpu.memory_space<vmem_shared>> -> memref<1x400x8xf32, #tpu.memory_space<vmem_shared>>
          %dma_start3A_1248 = tpu.memref_squeeze %dma_start3A_1247 : memref<1x400x8xf32, #tpu.memory_space<vmem_shared>> -> memref<400x8xf32, #tpu.memory_space<vmem_shared>>
          %dma_start3A_1249 = arith.constant 0 : i32
          %dma_start3A_1250 = arith.constant 0 : i32
          %dma_start3A_1251 = tpu.memref_slice %arg11[%arg1, %dma_start3A_1249, %dma_start3A_1250] : memref<16x400x8xf32, #tpu.memory_space<vmem_shared>> -> memref<1x400x8xf32, #tpu.memory_space<vmem_shared>>
          %dma_start3A_1252 = tpu.memref_squeeze %dma_start3A_1251 : memref<1x400x8xf32, #tpu.memory_space<vmem_shared>> -> memref<400x8xf32, #tpu.memory_space<vmem_shared>>
          %dma_start3A_1253 = arith.constant 0 : i32
          %dma_start3A_1254 = arith.constant 0 : i32
          %dma_start3A_1255 = tpu.memref_slice %arg7[%run_scoped3A, %dma_start3A_1253, %dma_start3A_1254] : memref<2x400x128xf32, #tpu.memory_space<vmem>> -> memref<1x400x8xf32, #tpu.memory_space<vmem>>
          %dma_start3A_1256 = tpu.memref_squeeze %dma_start3A_1255 : memref<1x400x8xf32, #tpu.memory_space<vmem>> -> memref<400x8xf32, #tpu.memory_space<vmem>>
          tpu.enqueue_dma source(%dma_start3A_1256 : memref<400x8xf32, #tpu.memory_space<vmem>>) target(%dma_start3A_1252 : memref<400x8xf32, #tpu.memory_space<vmem_shared>>) target_semaphore(%run_scoped3A_1240 : memref<!tpu.dma_semaphore, #tpu.memory_space<semaphore_mem>>)
          %dma_wait3A_1257 = arith.constant 0 : i32
          %dma_wait3A_1258 = arith.constant 0 : i32
          %dma_wait3A_1259 = tpu.memref_slice %arg7[%run_scoped3A, %dma_wait3A_1257, %dma_wait3A_1258] : memref<2x400x128xf32, #tpu.memory_space<vmem>> -> memref<1x400x8xf32, #tpu.memory_space<vmem>>
          %dma_wait3A_1260 = tpu.memref_squeeze %dma_wait3A_1259 : memref<1x400x8xf32, #tpu.memory_space<vmem>> -> memref<400x8xf32, #tpu.memory_space<vmem>>
          %dma_wait3A_1261 = arith.constant 0 : i32
          %dma_wait3A_1262 = arith.constant 0 : i32
          %dma_wait3A_1263 = tpu.memref_slice %arg11[%arg1, %dma_wait3A_1261, %dma_wait3A_1262] : memref<16x400x8xf32, #tpu.memory_space<vmem_shared>> -> memref<1x400x8xf32, #tpu.memory_space<vmem_shared>>
          %dma_wait3A_1264 = tpu.memref_squeeze %dma_wait3A_1263 : memref<1x400x8xf32, #tpu.memory_space<vmem_shared>> -> memref<400x8xf32, #tpu.memory_space<vmem_shared>>
          %dma_wait3A_1265 = arith.constant 0 : i32
          %dma_wait3A_1266 = arith.constant 0 : i32
          %dma_wait3A_1267 = tpu.memref_slice %arg11[%arg1, %dma_wait3A_1265, %dma_wait3A_1266] : memref<16x400x8xf32, #tpu.memory_space<vmem_shared>> -> memref<1x400x8xf32, #tpu.memory_space<vmem_shared>>
          %dma_wait3A_1268 = tpu.memref_squeeze %dma_wait3A_1267 : memref<1x400x8xf32, #tpu.memory_space<vmem_shared>> -> memref<400x8xf32, #tpu.memory_space<vmem_shared>>
          %dma_wait3A_1269 = arith.constant 0 : i32
          %dma_wait3A_1270 = arith.constant 0 : i32
          %dma_wait3A_1271 = tpu.memref_slice %arg7[%run_scoped3A, %dma_wait3A_1269, %dma_wait3A_1270] : memref<2x400x128xf32, #tpu.memory_space<vmem>> -> memref<1x400x8xf32, #tpu.memory_space<vmem>>
          %dma_wait3A_1272 = tpu.memref_squeeze %dma_wait3A_1271 : memref<1x400x8xf32, #tpu.memory_space<vmem>> -> memref<400x8xf32, #tpu.memory_space<vmem>>
          tpu.wait_dma2 semaphore(%run_scoped3A_1240 : memref<!tpu.dma_semaphore, #tpu.memory_space<semaphore_mem>>) src(%dma_wait3A_1272 : memref<400x8xf32, #tpu.memory_space<vmem>>) dst(%dma_wait3A_1268 : memref<400x8xf32, #tpu.memory_space<vmem_shared>>)
          tpu.yield
        }) : () -> ()
        %run_scoped3A_485 = arith.constant 0 : i32
        "tpu.region"() ({
          %run_scoped3A_1240 = tpu.sem_alloc : memref<!tpu.dma_semaphore, #tpu.memory_space<semaphore_mem>>
          %dma_start3A_1241 = arith.constant 0 : i32
          %dma_start3A_1242 = arith.constant 0 : i32
          %dma_start3A_1243 = tpu.memref_slice %arg8[%run_scoped3A_485, %dma_start3A_1241, %dma_start3A_1242] : memref<2x400x8xf32, #tpu.memory_space<vmem>> -> memref<1x400x8xf32, #tpu.memory_space<vmem>>
          %dma_start3A_1244 = tpu.memref_squeeze %dma_start3A_1243 : memref<1x400x8xf32, #tpu.memory_space<vmem>> -> memref<400x8xf32, #tpu.memory_space<vmem>>
          %dma_start3A_1245 = arith.constant 0 : i32
          %dma_start3A_1246 = arith.constant 0 : i32
          %dma_start3A_1247 = tpu.memref_slice %arg11[%arg1, %dma_start3A_1245, %dma_start3A_1246] : memref<16x400x8xf32, #tpu.memory_space<vmem_shared>> -> memref<1x400x8xf32, #tpu.memory_space<vmem_shared>>
          %dma_start3A_1248 = tpu.memref_squeeze %dma_start3A_1247 : memref<1x400x8xf32, #tpu.memory_space<vmem_shared>> -> memref<400x8xf32, #tpu.memory_space<vmem_shared>>
          %dma_start3A_1249 = arith.constant 0 : i32
          %dma_start3A_1250 = arith.constant 0 : i32
          %dma_start3A_1251 = tpu.memref_slice %arg8[%run_scoped3A_485, %dma_start3A_1249, %dma_start3A_1250] : memref<2x400x8xf32, #tpu.memory_space<vmem>> -> memref<1x400x8xf32, #tpu.memory_space<vmem>>
          %dma_start3A_1252 = tpu.memref_squeeze %dma_start3A_1251 : memref<1x400x8xf32, #tpu.memory_space<vmem>> -> memref<400x8xf32, #tpu.memory_space<vmem>>
          %dma_start3A_1253 = arith.constant 0 : i32
          %dma_start3A_1254 = arith.constant 0 : i32
          %dma_start3A_1255 = tpu.memref_slice %arg11[%arg1, %dma_start3A_1253, %dma_start3A_1254] : memref<16x400x8xf32, #tpu.memory_space<vmem_shared>> -> memref<1x400x8xf32, #tpu.memory_space<vmem_shared>>
          %dma_start3A_1256 = tpu.memref_squeeze %dma_start3A_1255 : memref<1x400x8xf32, #tpu.memory_space<vmem_shared>> -> memref<400x8xf32, #tpu.memory_space<vmem_shared>>
          tpu.enqueue_dma source(%dma_start3A_1256 : memref<400x8xf32, #tpu.memory_space<vmem_shared>>) target(%dma_start3A_1252 : memref<400x8xf32, #tpu.memory_space<vmem>>) target_semaphore(%run_scoped3A_1240 : memref<!tpu.dma_semaphore, #tpu.memory_space<semaphore_mem>>)
          %dma_wait3A_1257 = arith.constant 0 : i32
          %dma_wait3A_1258 = arith.constant 0 : i32
          %dma_wait3A_1259 = tpu.memref_slice %arg8[%run_scoped3A_485, %dma_wait3A_1257, %dma_wait3A_1258] : memref<2x400x8xf32, #tpu.memory_space<vmem>> -> memref<1x400x8xf32, #tpu.memory_space<vmem>>
          %dma_wait3A_1260 = tpu.memref_squeeze %dma_wait3A_1259 : memref<1x400x8xf32, #tpu.memory_space<vmem>> -> memref<400x8xf32, #tpu.memory_space<vmem>>
          %dma_wait3A_1261 = arith.constant 0 : i32
          %dma_wait3A_1262 = arith.constant 0 : i32
          %dma_wait3A_1263 = tpu.memref_slice %arg11[%arg1, %dma_wait3A_1261, %dma_wait3A_1262] : memref<16x400x8xf32, #tpu.memory_space<vmem_shared>> -> memref<1x400x8xf32, #tpu.memory_space<vmem_shared>>
          %dma_wait3A_1264 = tpu.memref_squeeze %dma_wait3A_1263 : memref<1x400x8xf32, #tpu.memory_space<vmem_shared>> -> memref<400x8xf32, #tpu.memory_space<vmem_shared>>
          %dma_wait3A_1265 = arith.constant 0 : i32
          %dma_wait3A_1266 = arith.constant 0 : i32
          %dma_wait3A_1267 = tpu.memref_slice %arg8[%run_scoped3A_485, %dma_wait3A_1265, %dma_wait3A_1266] : memref<2x400x8xf32, #tpu.memory_space<vmem>> -> memref<1x400x8xf32, #tpu.memory_space<vmem>>
          %dma_wait3A_1268 = tpu.memref_squeeze %dma_wait3A_1267 : memref<1x400x8xf32, #tpu.memory_space<vmem>> -> memref<400x8xf32, #tpu.memory_space<vmem>>
          %dma_wait3A_1269 = arith.constant 0 : i32
          %dma_wait3A_1270 = arith.constant 0 : i32
          %dma_wait3A_1271 = tpu.memref_slice %arg11[%arg1, %dma_wait3A_1269, %dma_wait3A_1270] : memref<16x400x8xf32, #tpu.memory_space<vmem_shared>> -> memref<1x400x8xf32, #tpu.memory_space<vmem_shared>>
          %dma_wait3A_1272 = tpu.memref_squeeze %dma_wait3A_1271 : memref<1x400x8xf32, #tpu.memory_space<vmem_shared>> -> memref<400x8xf32, #tpu.memory_space<vmem_shared>>
          tpu.wait_dma2 semaphore(%run_scoped3A_1240 : memref<!tpu.dma_semaphore, #tpu.memory_space<semaphore_mem>>) src(%dma_wait3A_1272 : memref<400x8xf32, #tpu.memory_space<vmem_shared>>) dst(%dma_wait3A_1268 : memref<400x8xf32, #tpu.memory_space<vmem>>)
          tpu.yield
        }) : () -> ()
        %gt3A = arith.constant 0 : i32
        %gt3A_486 = arith.cmpi sgt, %scan3A_449, %gt3A : i32
        %convert_element_type3A_487 = arith.extui %gt3A_486 : i1 to i32
        %cond3A_488 = arith.constant 0 : i32
        %cond3A_489 = arith.cmpi ne, %convert_element_type3A_487, %cond3A_488 : i32
        scf.if %cond3A_489 {
          %dma_wait3A_1240 = arith.constant 1 : i32
          %dma_wait3A_1241 = arith.constant 0 : i32
          %dma_wait3A_1242 = arith.constant 0 : i32
          %dma_wait3A_1243 = tpu.memref_slice %arg8[%dma_wait3A_1240, %dma_wait3A_1241, %dma_wait3A_1242] : memref<2x400x8xf32, #tpu.memory_space<vmem>> -> memref<1x400x8xf32, #tpu.memory_space<vmem>>
          %dma_wait3A_1244 = tpu.memref_squeeze %dma_wait3A_1243 : memref<1x400x8xf32, #tpu.memory_space<vmem>> -> memref<400x8xf32, #tpu.memory_space<vmem>>
          %dma_wait3A_1245 = arith.constant 0 : i32
          %dma_wait3A_1246 = arith.constant 0 : i32
          %dma_wait3A_1247 = tpu.memref_slice %arg3[%dma_wait3A_1245, %dma_wait3A_1246] : memref<512x8xf32, #tpu.memory_space<hbm>> -> memref<400x8xf32, #tpu.memory_space<hbm>>
          %dma_wait3A_1248 = arith.constant 0 : i32
          %dma_wait3A_1249 = arith.constant 0 : i32
          %dma_wait3A_1250 = tpu.memref_slice %arg8[%dma_wait3A_1240, %dma_wait3A_1248, %dma_wait3A_1249] : memref<2x400x8xf32, #tpu.memory_space<vmem>> -> memref<1x400x8xf32, #tpu.memory_space<vmem>>
          %dma_wait3A_1251 = tpu.memref_squeeze %dma_wait3A_1250 : memref<1x400x8xf32, #tpu.memory_space<vmem>> -> memref<400x8xf32, #tpu.memory_space<vmem>>
          %dma_wait3A_1252 = arith.constant 0 : i32
          %dma_wait3A_1253 = arith.constant 0 : i32
          %dma_wait3A_1254 = tpu.memref_slice %arg3[%dma_wait3A_1252, %dma_wait3A_1253] : memref<512x8xf32, #tpu.memory_space<hbm>> -> memref<400x8xf32, #tpu.memory_space<hbm>>
          tpu.wait_dma2 semaphore(%arg15 : memref<!tpu.dma_semaphore, #tpu.memory_space<semaphore_mem>>) src(%dma_wait3A_1254 : memref<400x8xf32, #tpu.memory_space<hbm>>) dst(%dma_wait3A_1251 : memref<400x8xf32, #tpu.memory_space<vmem>>)
        } else {
        }
        %mul3A_490 = arith.constant 512 : i32
        %mul3A_491 = arith.muli %arg1, %mul3A_490 : i32
        %mul3A_492 = arith.constant 8 : i32
        %mul3A_493 = arith.muli %scan3A_449, %mul3A_492 : i32
        %add3A_494 = arith.addi %mul3A_491, %mul3A_493 : i32
        %ge3A = arith.constant 50 : i32
        %ge3A_495 = vector.broadcast %ge3A : i32 to vector<16xi32>
        %ge3A_496 = arith.cmpi sge, %iota3A, %ge3A_495 : vector<16xi32>
        %jit3A = arith.constant 1 : i32
        %jit3A_497 = arith.constant 0 : i32
        %broadcast_in_dim3A = vector.broadcast %jit3A : i32 to vector<16xi32>
        %broadcast_in_dim3A_498 = vector.broadcast %jit3A_497 : i32 to vector<16xi32>
        %select_n3A = arith.select %ge3A_496, %broadcast_in_dim3A, %broadcast_in_dim3A_498 : vector<16xi1>, vector<16xi32>
        %add3A_499 = arith.constant 0 : i32
        %add3A_500 = arith.addi %add3A_494, %add3A_499 : i32
        %add3A_501 = vector.broadcast %add3A_500 : i32 to vector<16xi32>
        %add3A_502 = arith.addi %add3A_501, %select_n3A : vector<16xi32>
        %swap3A = arith.constant 0 : i32
        %swap3A_503 = arith.index_cast %swap3A : i32 to index
        %swap3A_504 = arith.constant 0 : index
        %swap3A_505 = tpu.vector_load %arg9[%swap3A_503, %swap3A_504] {strides = array<i32>} : memref<25x16xi32, #tpu.memory_space<vmem>>, vector<1x16xi32>,
        %swap3A_506 = vector.shape_cast %swap3A_505 : vector<1x16xi32> to vector<16xi32>
        %swap3A_507 = vector.shape_cast %add3A_502 : vector<16xi32> to vector<1x16xi32>
        tpu.vector_store %arg9[%swap3A_503, %swap3A_504], %swap3A_507 {strides = array<i32>} : memref<25x16xi32, #tpu.memory_space<vmem>>, vector<1x16xi32>,
        %ge3A_508 = arith.constant 34 : i32
        %ge3A_509 = vector.broadcast %ge3A_508 : i32 to vector<16xi32>
        %ge3A_510 = arith.cmpi sge, %iota3A, %ge3A_509 : vector<16xi32>
        %jit3A_511 = arith.constant 1 : i32
        %jit3A_512 = arith.constant 0 : i32
        %broadcast_in_dim3A_513 = vector.broadcast %jit3A_511 : i32 to vector<16xi32>
        %broadcast_in_dim3A_514 = vector.broadcast %jit3A_512 : i32 to vector<16xi32>
        %select_n3A_515 = arith.select %ge3A_510, %broadcast_in_dim3A_513, %broadcast_in_dim3A_514 : vector<16xi1>, vector<16xi32>
        %add3A_516 = arith.constant 0 : i32
        %add3A_517 = arith.addi %add3A_494, %add3A_516 : i32
        %add3A_518 = vector.broadcast %add3A_517 : i32 to vector<16xi32>
        %add3A_519 = arith.addi %add3A_518, %select_n3A_515 : vector<16xi32>
        %swap3A_520 = arith.constant 1 : i32
        %swap3A_521 = arith.index_cast %swap3A_520 : i32 to index
        %swap3A_522 = arith.constant 0 : index
        %swap3A_523 = tpu.vector_load %arg9[%swap3A_521, %swap3A_522] {strides = array<i32>} : memref<25x16xi32, #tpu.memory_space<vmem>>, vector<1x16xi32>,
        %swap3A_524 = vector.shape_cast %swap3A_523 : vector<1x16xi32> to vector<16xi32>
        %swap3A_525 = vector.shape_cast %add3A_519 : vector<16xi32> to vector<1x16xi32>
        tpu.vector_store %arg9[%swap3A_521, %swap3A_522], %swap3A_525 {strides = array<i32>} : memref<25x16xi32, #tpu.memory_space<vmem>>, vector<1x16xi32>,
        %ge3A_526 = arith.constant 18 : i32
        %ge3A_527 = vector.broadcast %ge3A_526 : i32 to vector<16xi32>
        %ge3A_528 = arith.cmpi sge, %iota3A, %ge3A_527 : vector<16xi32>
        %jit3A_529 = arith.constant 1 : i32
        %jit3A_530 = arith.constant 0 : i32
        %broadcast_in_dim3A_531 = vector.broadcast %jit3A_529 : i32 to vector<16xi32>
        %broadcast_in_dim3A_532 = vector.broadcast %jit3A_530 : i32 to vector<16xi32>
        %select_n3A_533 = arith.select %ge3A_528, %broadcast_in_dim3A_531, %broadcast_in_dim3A_532 : vector<16xi1>, vector<16xi32>
        %add3A_534 = arith.constant 0 : i32
        %add3A_535 = arith.addi %add3A_494, %add3A_534 : i32
        %add3A_536 = vector.broadcast %add3A_535 : i32 to vector<16xi32>
        %add3A_537 = arith.addi %add3A_536, %select_n3A_533 : vector<16xi32>
        %swap3A_538 = arith.constant 2 : i32
        %swap3A_539 = arith.index_cast %swap3A_538 : i32 to index
        %swap3A_540 = arith.constant 0 : index
        %swap3A_541 = tpu.vector_load %arg9[%swap3A_539, %swap3A_540] {strides = array<i32>} : memref<25x16xi32, #tpu.memory_space<vmem>>, vector<1x16xi32>,
        %swap3A_542 = vector.shape_cast %swap3A_541 : vector<1x16xi32> to vector<16xi32>
        %swap3A_543 = vector.shape_cast %add3A_537 : vector<16xi32> to vector<1x16xi32>
        tpu.vector_store %arg9[%swap3A_539, %swap3A_540], %swap3A_543 {strides = array<i32>} : memref<25x16xi32, #tpu.memory_space<vmem>>, vector<1x16xi32>,
        %ge3A_544 = arith.constant 2 : i32
        %ge3A_545 = vector.broadcast %ge3A_544 : i32 to vector<16xi32>
        %ge3A_546 = arith.cmpi sge, %iota3A, %ge3A_545 : vector<16xi32>
        %jit3A_547 = arith.constant 1 : i32
        %jit3A_548 = arith.constant 0 : i32
        %broadcast_in_dim3A_549 = vector.broadcast %jit3A_547 : i32 to vector<16xi32>
        %broadcast_in_dim3A_550 = vector.broadcast %jit3A_548 : i32 to vector<16xi32>
        %select_n3A_551 = arith.select %ge3A_546, %broadcast_in_dim3A_549, %broadcast_in_dim3A_550 : vector<16xi1>, vector<16xi32>
        %add3A_552 = arith.constant 0 : i32
        %add3A_553 = arith.addi %add3A_494, %add3A_552 : i32
        %add3A_554 = vector.broadcast %add3A_553 : i32 to vector<16xi32>
        %add3A_555 = arith.addi %add3A_554, %select_n3A_551 : vector<16xi32>
        %swap3A_556 = arith.constant 3 : i32
        %swap3A_557 = arith.index_cast %swap3A_556 : i32 to index
        %swap3A_558 = arith.constant 0 : index
        %swap3A_559 = tpu.vector_load %arg9[%swap3A_557, %swap3A_558] {strides = array<i32>} : memref<25x16xi32, #tpu.memory_space<vmem>>, vector<1x16xi32>,
        %swap3A_560 = vector.shape_cast %swap3A_559 : vector<1x16xi32> to vector<16xi32>
        %swap3A_561 = vector.shape_cast %add3A_555 : vector<16xi32> to vector<1x16xi32>
        tpu.vector_store %arg9[%swap3A_557, %swap3A_558], %swap3A_561 {strides = array<i32>} : memref<25x16xi32, #tpu.memory_space<vmem>>, vector<1x16xi32>,
        %ge3A_562 = arith.constant 36 : i32
        %ge3A_563 = vector.broadcast %ge3A_562 : i32 to vector<16xi32>
        %ge3A_564 = arith.cmpi sge, %iota3A, %ge3A_563 : vector<16xi32>
        %jit3A_565 = arith.constant 1 : i32
        %jit3A_566 = arith.constant 0 : i32
        %broadcast_in_dim3A_567 = vector.broadcast %jit3A_565 : i32 to vector<16xi32>
        %broadcast_in_dim3A_568 = vector.broadcast %jit3A_566 : i32 to vector<16xi32>
        %select_n3A_569 = arith.select %ge3A_564, %broadcast_in_dim3A_567, %broadcast_in_dim3A_568 : vector<16xi1>, vector<16xi32>
        %add3A_570 = arith.constant 1 : i32
        %add3A_571 = arith.addi %add3A_494, %add3A_570 : i32
        %add3A_572 = vector.broadcast %add3A_571 : i32 to vector<16xi32>
        %add3A_573 = arith.addi %add3A_572, %select_n3A_569 : vector<16xi32>
        %swap3A_574 = arith.constant 4 : i32
        %swap3A_575 = arith.index_cast %swap3A_574 : i32 to index
        %swap3A_576 = arith.constant 0 : index
        %swap3A_577 = tpu.vector_load %arg9[%swap3A_575, %swap3A_576] {strides = array<i32>} : memref<25x16xi32, #tpu.memory_space<vmem>>, vector<1x16xi32>,
        %swap3A_578 = vector.shape_cast %swap3A_577 : vector<1x16xi32> to vector<16xi32>
        %swap3A_579 = vector.shape_cast %add3A_573 : vector<16xi32> to vector<1x16xi32>
        tpu.vector_store %arg9[%swap3A_575, %swap3A_576], %swap3A_579 {strides = array<i32>} : memref<25x16xi32, #tpu.memory_space<vmem>>, vector<1x16xi32>,
        %ge3A_580 = arith.constant 20 : i32
        %ge3A_581 = vector.broadcast %ge3A_580 : i32 to vector<16xi32>
        %ge3A_582 = arith.cmpi sge, %iota3A, %ge3A_581 : vector<16xi32>
        %jit3A_583 = arith.constant 1 : i32
        %jit3A_584 = arith.constant 0 : i32
        %broadcast_in_dim3A_585 = vector.broadcast %jit3A_583 : i32 to vector<16xi32>
        %broadcast_in_dim3A_586 = vector.broadcast %jit3A_584 : i32 to vector<16xi32>
        %select_n3A_587 = arith.select %ge3A_582, %broadcast_in_dim3A_585, %broadcast_in_dim3A_586 : vector<16xi1>, vector<16xi32>
        %add3A_588 = arith.constant 1 : i32
        %add3A_589 = arith.addi %add3A_494, %add3A_588 : i32
        %add3A_590 = vector.broadcast %add3A_589 : i32 to vector<16xi32>
        %add3A_591 = arith.addi %add3A_590, %select_n3A_587 : vector<16xi32>
        %swap3A_592 = arith.constant 5 : i32
        %swap3A_593 = arith.index_cast %swap3A_592 : i32 to index
        %swap3A_594 = arith.constant 0 : index
        %swap3A_595 = tpu.vector_load %arg9[%swap3A_593, %swap3A_594] {strides = array<i32>} : memref<25x16xi32, #tpu.memory_space<vmem>>, vector<1x16xi32>,
        %swap3A_596 = vector.shape_cast %swap3A_595 : vector<1x16xi32> to vector<16xi32>
        %swap3A_597 = vector.shape_cast %add3A_591 : vector<16xi32> to vector<1x16xi32>
        tpu.vector_store %arg9[%swap3A_593, %swap3A_594], %swap3A_597 {strides = array<i32>} : memref<25x16xi32, #tpu.memory_space<vmem>>, vector<1x16xi32>,
        %ge3A_598 = arith.constant 4 : i32
        %ge3A_599 = vector.broadcast %ge3A_598 : i32 to vector<16xi32>
        %ge3A_600 = arith.cmpi sge, %iota3A, %ge3A_599 : vector<16xi32>
        %jit3A_601 = arith.constant 1 : i32
        %jit3A_602 = arith.constant 0 : i32
        %broadcast_in_dim3A_603 = vector.broadcast %jit3A_601 : i32 to vector<16xi32>
        %broadcast_in_dim3A_604 = vector.broadcast %jit3A_602 : i32 to vector<16xi32>
        %select_n3A_605 = arith.select %ge3A_600, %broadcast_in_dim3A_603, %broadcast_in_dim3A_604 : vector<16xi1>, vector<16xi32>
        %add3A_606 = arith.constant 1 : i32
        %add3A_607 = arith.addi %add3A_494, %add3A_606 : i32
        %add3A_608 = vector.broadcast %add3A_607 : i32 to vector<16xi32>
        %add3A_609 = arith.addi %add3A_608, %select_n3A_605 : vector<16xi32>
        %swap3A_610 = arith.constant 6 : i32
        %swap3A_611 = arith.index_cast %swap3A_610 : i32 to index
        %swap3A_612 = arith.constant 0 : index
        %swap3A_613 = tpu.vector_load %arg9[%swap3A_611, %swap3A_612] {strides = array<i32>} : memref<25x16xi32, #tpu.memory_space<vmem>>, vector<1x16xi32>,
        %swap3A_614 = vector.shape_cast %swap3A_613 : vector<1x16xi32> to vector<16xi32>
        %swap3A_615 = vector.shape_cast %add3A_609 : vector<16xi32> to vector<1x16xi32>
        tpu.vector_store %arg9[%swap3A_611, %swap3A_612], %swap3A_615 {strides = array<i32>} : memref<25x16xi32, #tpu.memory_space<vmem>>, vector<1x16xi32>,
        %ge3A_616 = arith.constant 38 : i32
        %ge3A_617 = vector.broadcast %ge3A_616 : i32 to vector<16xi32>
        %ge3A_618 = arith.cmpi sge, %iota3A, %ge3A_617 : vector<16xi32>
        %jit3A_619 = arith.constant 1 : i32
        %jit3A_620 = arith.constant 0 : i32
        %broadcast_in_dim3A_621 = vector.broadcast %jit3A_619 : i32 to vector<16xi32>
        %broadcast_in_dim3A_622 = vector.broadcast %jit3A_620 : i32 to vector<16xi32>
        %select_n3A_623 = arith.select %ge3A_618, %broadcast_in_dim3A_621, %broadcast_in_dim3A_622 : vector<16xi1>, vector<16xi32>
        %add3A_624 = arith.constant 2 : i32
        %add3A_625 = arith.addi %add3A_494, %add3A_624 : i32
        %add3A_626 = vector.broadcast %add3A_625 : i32 to vector<16xi32>
        %add3A_627 = arith.addi %add3A_626, %select_n3A_623 : vector<16xi32>
        %swap3A_628 = arith.constant 7 : i32
        %swap3A_629 = arith.index_cast %swap3A_628 : i32 to index
        %swap3A_630 = arith.constant 0 : index
        %swap3A_631 = tpu.vector_load %arg9[%swap3A_629, %swap3A_630] {strides = array<i32>} : memref<25x16xi32, #tpu.memory_space<vmem>>, vector<1x16xi32>,
        %swap3A_632 = vector.shape_cast %swap3A_631 : vector<1x16xi32> to vector<16xi32>
        %swap3A_633 = vector.shape_cast %add3A_627 : vector<16xi32> to vector<1x16xi32>
        tpu.vector_store %arg9[%swap3A_629, %swap3A_630], %swap3A_633 {strides = array<i32>} : memref<25x16xi32, #tpu.memory_space<vmem>>, vector<1x16xi32>,
        %ge3A_634 = arith.constant 22 : i32
        %ge3A_635 = vector.broadcast %ge3A_634 : i32 to vector<16xi32>
        %ge3A_636 = arith.cmpi sge, %iota3A, %ge3A_635 : vector<16xi32>
        %jit3A_637 = arith.constant 1 : i32
        %jit3A_638 = arith.constant 0 : i32
        %broadcast_in_dim3A_639 = vector.broadcast %jit3A_637 : i32 to vector<16xi32>
        %broadcast_in_dim3A_640 = vector.broadcast %jit3A_638 : i32 to vector<16xi32>
        %select_n3A_641 = arith.select %ge3A_636, %broadcast_in_dim3A_639, %broadcast_in_dim3A_640 : vector<16xi1>, vector<16xi32>
        %add3A_642 = arith.constant 2 : i32
        %add3A_643 = arith.addi %add3A_494, %add3A_642 : i32
        %add3A_644 = vector.broadcast %add3A_643 : i32 to vector<16xi32>
        %add3A_645 = arith.addi %add3A_644, %select_n3A_641 : vector<16xi32>
        %swap3A_646 = arith.constant 8 : i32
        %swap3A_647 = arith.index_cast %swap3A_646 : i32 to index
        %swap3A_648 = arith.constant 0 : index
        %swap3A_649 = tpu.vector_load %arg9[%swap3A_647, %swap3A_648] {strides = array<i32>} : memref<25x16xi32, #tpu.memory_space<vmem>>, vector<1x16xi32>,
        %swap3A_650 = vector.shape_cast %swap3A_649 : vector<1x16xi32> to vector<16xi32>
        %swap3A_651 = vector.shape_cast %add3A_645 : vector<16xi32> to vector<1x16xi32>
        tpu.vector_store %arg9[%swap3A_647, %swap3A_648], %swap3A_651 {strides = array<i32>} : memref<25x16xi32, #tpu.memory_space<vmem>>, vector<1x16xi32>,
        %ge3A_652 = arith.constant 6 : i32
        %ge3A_653 = vector.broadcast %ge3A_652 : i32 to vector<16xi32>
        %ge3A_654 = arith.cmpi sge, %iota3A, %ge3A_653 : vector<16xi32>
        %jit3A_655 = arith.constant 1 : i32
        %jit3A_656 = arith.constant 0 : i32
        %broadcast_in_dim3A_657 = vector.broadcast %jit3A_655 : i32 to vector<16xi32>
        %broadcast_in_dim3A_658 = vector.broadcast %jit3A_656 : i32 to vector<16xi32>
        %select_n3A_659 = arith.select %ge3A_654, %broadcast_in_dim3A_657, %broadcast_in_dim3A_658 : vector<16xi1>, vector<16xi32>
        %add3A_660 = arith.constant 2 : i32
        %add3A_661 = arith.addi %add3A_494, %add3A_660 : i32
        %add3A_662 = vector.broadcast %add3A_661 : i32 to vector<16xi32>
        %add3A_663 = arith.addi %add3A_662, %select_n3A_659 : vector<16xi32>
        %swap3A_664 = arith.constant 9 : i32
        %swap3A_665 = arith.index_cast %swap3A_664 : i32 to index
        %swap3A_666 = arith.constant 0 : index
        %swap3A_667 = tpu.vector_load %arg9[%swap3A_665, %swap3A_666] {strides = array<i32>} : memref<25x16xi32, #tpu.memory_space<vmem>>, vector<1x16xi32>,
        %swap3A_668 = vector.shape_cast %swap3A_667 : vector<1x16xi32> to vector<16xi32>
        %swap3A_669 = vector.shape_cast %add3A_663 : vector<16xi32> to vector<1x16xi32>
        tpu.vector_store %arg9[%swap3A_665, %swap3A_666], %swap3A_669 {strides = array<i32>} : memref<25x16xi32, #tpu.memory_space<vmem>>, vector<1x16xi32>,
        %ge3A_670 = arith.constant 40 : i32
        %ge3A_671 = vector.broadcast %ge3A_670 : i32 to vector<16xi32>
        %ge3A_672 = arith.cmpi sge, %iota3A, %ge3A_671 : vector<16xi32>
        %jit3A_673 = arith.constant 1 : i32
        %jit3A_674 = arith.constant 0 : i32
        %broadcast_in_dim3A_675 = vector.broadcast %jit3A_673 : i32 to vector<16xi32>
        %broadcast_in_dim3A_676 = vector.broadcast %jit3A_674 : i32 to vector<16xi32>
        %select_n3A_677 = arith.select %ge3A_672, %broadcast_in_dim3A_675, %broadcast_in_dim3A_676 : vector<16xi1>, vector<16xi32>
        %add3A_678 = arith.constant 3 : i32
        %add3A_679 = arith.addi %add3A_494, %add3A_678 : i32
        %add3A_680 = vector.broadcast %add3A_679 : i32 to vector<16xi32>
        %add3A_681 = arith.addi %add3A_680, %select_n3A_677 : vector<16xi32>
        %swap3A_682 = arith.constant 10 : i32
        %swap3A_683 = arith.index_cast %swap3A_682 : i32 to index
        %swap3A_684 = arith.constant 0 : index
        %swap3A_685 = tpu.vector_load %arg9[%swap3A_683, %swap3A_684] {strides = array<i32>} : memref<25x16xi32, #tpu.memory_space<vmem>>, vector<1x16xi32>,
        %swap3A_686 = vector.shape_cast %swap3A_685 : vector<1x16xi32> to vector<16xi32>
        %swap3A_687 = vector.shape_cast %add3A_681 : vector<16xi32> to vector<1x16xi32>
        tpu.vector_store %arg9[%swap3A_683, %swap3A_684], %swap3A_687 {strides = array<i32>} : memref<25x16xi32, #tpu.memory_space<vmem>>, vector<1x16xi32>,
        %ge3A_688 = arith.constant 24 : i32
        %ge3A_689 = vector.broadcast %ge3A_688 : i32 to vector<16xi32>
        %ge3A_690 = arith.cmpi sge, %iota3A, %ge3A_689 : vector<16xi32>
        %jit3A_691 = arith.constant 1 : i32
        %jit3A_692 = arith.constant 0 : i32
        %broadcast_in_dim3A_693 = vector.broadcast %jit3A_691 : i32 to vector<16xi32>
        %broadcast_in_dim3A_694 = vector.broadcast %jit3A_692 : i32 to vector<16xi32>
        %select_n3A_695 = arith.select %ge3A_690, %broadcast_in_dim3A_693, %broadcast_in_dim3A_694 : vector<16xi1>, vector<16xi32>
        %add3A_696 = arith.constant 3 : i32
        %add3A_697 = arith.addi %add3A_494, %add3A_696 : i32
        %add3A_698 = vector.broadcast %add3A_697 : i32 to vector<16xi32>
        %add3A_699 = arith.addi %add3A_698, %select_n3A_695 : vector<16xi32>
        %swap3A_700 = arith.constant 11 : i32
        %swap3A_701 = arith.index_cast %swap3A_700 : i32 to index
        %swap3A_702 = arith.constant 0 : index
        %swap3A_703 = tpu.vector_load %arg9[%swap3A_701, %swap3A_702] {strides = array<i32>} : memref<25x16xi32, #tpu.memory_space<vmem>>, vector<1x16xi32>,
        %swap3A_704 = vector.shape_cast %swap3A_703 : vector<1x16xi32> to vector<16xi32>
        %swap3A_705 = vector.shape_cast %add3A_699 : vector<16xi32> to vector<1x16xi32>
        tpu.vector_store %arg9[%swap3A_701, %swap3A_702], %swap3A_705 {strides = array<i32>} : memref<25x16xi32, #tpu.memory_space<vmem>>, vector<1x16xi32>,
        %ge3A_706 = arith.constant 8 : i32
        %ge3A_707 = vector.broadcast %ge3A_706 : i32 to vector<16xi32>
        %ge3A_708 = arith.cmpi sge, %iota3A, %ge3A_707 : vector<16xi32>
        %jit3A_709 = arith.constant 1 : i32
        %jit3A_710 = arith.constant 0 : i32
        %broadcast_in_dim3A_711 = vector.broadcast %jit3A_709 : i32 to vector<16xi32>
        %broadcast_in_dim3A_712 = vector.broadcast %jit3A_710 : i32 to vector<16xi32>
        %select_n3A_713 = arith.select %ge3A_708, %broadcast_in_dim3A_711, %broadcast_in_dim3A_712 : vector<16xi1>, vector<16xi32>
        %add3A_714 = arith.constant 3 : i32
        %add3A_715 = arith.addi %add3A_494, %add3A_714 : i32
        %add3A_716 = vector.broadcast %add3A_715 : i32 to vector<16xi32>
        %add3A_717 = arith.addi %add3A_716, %select_n3A_713 : vector<16xi32>
        %swap3A_718 = arith.constant 12 : i32
        %swap3A_719 = arith.index_cast %swap3A_718 : i32 to index
        %swap3A_720 = arith.constant 0 : index
        %swap3A_721 = tpu.vector_load %arg9[%swap3A_719, %swap3A_720] {strides = array<i32>} : memref<25x16xi32, #tpu.memory_space<vmem>>, vector<1x16xi32>,
        %swap3A_722 = vector.shape_cast %swap3A_721 : vector<1x16xi32> to vector<16xi32>
        %swap3A_723 = vector.shape_cast %add3A_717 : vector<16xi32> to vector<1x16xi32>
        tpu.vector_store %arg9[%swap3A_719, %swap3A_720], %swap3A_723 {strides = array<i32>} : memref<25x16xi32, #tpu.memory_space<vmem>>, vector<1x16xi32>,
        %ge3A_724 = arith.constant 42 : i32
        %ge3A_725 = vector.broadcast %ge3A_724 : i32 to vector<16xi32>
        %ge3A_726 = arith.cmpi sge, %iota3A, %ge3A_725 : vector<16xi32>
        %jit3A_727 = arith.constant 1 : i32
        %jit3A_728 = arith.constant 0 : i32
        %broadcast_in_dim3A_729 = vector.broadcast %jit3A_727 : i32 to vector<16xi32>
        %broadcast_in_dim3A_730 = vector.broadcast %jit3A_728 : i32 to vector<16xi32>
        %select_n3A_731 = arith.select %ge3A_726, %broadcast_in_dim3A_729, %broadcast_in_dim3A_730 : vector<16xi1>, vector<16xi32>
        %add3A_732 = arith.constant 4 : i32
        %add3A_733 = arith.addi %add3A_494, %add3A_732 : i32
        %add3A_734 = vector.broadcast %add3A_733 : i32 to vector<16xi32>
        %add3A_735 = arith.addi %add3A_734, %select_n3A_731 : vector<16xi32>
        %swap3A_736 = arith.constant 13 : i32
        %swap3A_737 = arith.index_cast %swap3A_736 : i32 to index
        %swap3A_738 = arith.constant 0 : index
        %swap3A_739 = tpu.vector_load %arg9[%swap3A_737, %swap3A_738] {strides = array<i32>} : memref<25x16xi32, #tpu.memory_space<vmem>>, vector<1x16xi32>,
        %swap3A_740 = vector.shape_cast %swap3A_739 : vector<1x16xi32> to vector<16xi32>
        %swap3A_741 = vector.shape_cast %add3A_735 : vector<16xi32> to vector<1x16xi32>
        tpu.vector_store %arg9[%swap3A_737, %swap3A_738], %swap3A_741 {strides = array<i32>} : memref<25x16xi32, #tpu.memory_space<vmem>>, vector<1x16xi32>,
        %ge3A_742 = arith.constant 26 : i32
        %ge3A_743 = vector.broadcast %ge3A_742 : i32 to vector<16xi32>
        %ge3A_744 = arith.cmpi sge, %iota3A, %ge3A_743 : vector<16xi32>
        %jit3A_745 = arith.constant 1 : i32
        %jit3A_746 = arith.constant 0 : i32
        %broadcast_in_dim3A_747 = vector.broadcast %jit3A_745 : i32 to vector<16xi32>
        %broadcast_in_dim3A_748 = vector.broadcast %jit3A_746 : i32 to vector<16xi32>
        %select_n3A_749 = arith.select %ge3A_744, %broadcast_in_dim3A_747, %broadcast_in_dim3A_748 : vector<16xi1>, vector<16xi32>
        %add3A_750 = arith.constant 4 : i32
        %add3A_751 = arith.addi %add3A_494, %add3A_750 : i32
        %add3A_752 = vector.broadcast %add3A_751 : i32 to vector<16xi32>
        %add3A_753 = arith.addi %add3A_752, %select_n3A_749 : vector<16xi32>
        %swap3A_754 = arith.constant 14 : i32
        %swap3A_755 = arith.index_cast %swap3A_754 : i32 to index
        %swap3A_756 = arith.constant 0 : index
        %swap3A_757 = tpu.vector_load %arg9[%swap3A_755, %swap3A_756] {strides = array<i32>} : memref<25x16xi32, #tpu.memory_space<vmem>>, vector<1x16xi32>,
        %swap3A_758 = vector.shape_cast %swap3A_757 : vector<1x16xi32> to vector<16xi32>
        %swap3A_759 = vector.shape_cast %add3A_753 : vector<16xi32> to vector<1x16xi32>
        tpu.vector_store %arg9[%swap3A_755, %swap3A_756], %swap3A_759 {strides = array<i32>} : memref<25x16xi32, #tpu.memory_space<vmem>>, vector<1x16xi32>,
        %ge3A_760 = arith.constant 10 : i32
        %ge3A_761 = vector.broadcast %ge3A_760 : i32 to vector<16xi32>
        %ge3A_762 = arith.cmpi sge, %iota3A, %ge3A_761 : vector<16xi32>
        %jit3A_763 = arith.constant 1 : i32
        %jit3A_764 = arith.constant 0 : i32
        %broadcast_in_dim3A_765 = vector.broadcast %jit3A_763 : i32 to vector<16xi32>
        %broadcast_in_dim3A_766 = vector.broadcast %jit3A_764 : i32 to vector<16xi32>
        %select_n3A_767 = arith.select %ge3A_762, %broadcast_in_dim3A_765, %broadcast_in_dim3A_766 : vector<16xi1>, vector<16xi32>
        %add3A_768 = arith.constant 4 : i32
        %add3A_769 = arith.addi %add3A_494, %add3A_768 : i32
        %add3A_770 = vector.broadcast %add3A_769 : i32 to vector<16xi32>
        %add3A_771 = arith.addi %add3A_770, %select_n3A_767 : vector<16xi32>
        %swap3A_772 = arith.constant 15 : i32
        %swap3A_773 = arith.index_cast %swap3A_772 : i32 to index
        %swap3A_774 = arith.constant 0 : index
        %swap3A_775 = tpu.vector_load %arg9[%swap3A_773, %swap3A_774] {strides = array<i32>} : memref<25x16xi32, #tpu.memory_space<vmem>>, vector<1x16xi32>,
        %swap3A_776 = vector.shape_cast %swap3A_775 : vector<1x16xi32> to vector<16xi32>
        %swap3A_777 = vector.shape_cast %add3A_771 : vector<16xi32> to vector<1x16xi32>
        tpu.vector_store %arg9[%swap3A_773, %swap3A_774], %swap3A_777 {strides = array<i32>} : memref<25x16xi32, #tpu.memory_space<vmem>>, vector<1x16xi32>,
        %ge3A_778 = arith.constant 44 : i32
        %ge3A_779 = vector.broadcast %ge3A_778 : i32 to vector<16xi32>
        %ge3A_780 = arith.cmpi sge, %iota3A, %ge3A_779 : vector<16xi32>
        %jit3A_781 = arith.constant 1 : i32
        %jit3A_782 = arith.constant 0 : i32
        %broadcast_in_dim3A_783 = vector.broadcast %jit3A_781 : i32 to vector<16xi32>
        %broadcast_in_dim3A_784 = vector.broadcast %jit3A_782 : i32 to vector<16xi32>
        %select_n3A_785 = arith.select %ge3A_780, %broadcast_in_dim3A_783, %broadcast_in_dim3A_784 : vector<16xi1>, vector<16xi32>
        %add3A_786 = arith.constant 5 : i32
        %add3A_787 = arith.addi %add3A_494, %add3A_786 : i32
        %add3A_788 = vector.broadcast %add3A_787 : i32 to vector<16xi32>
        %add3A_789 = arith.addi %add3A_788, %select_n3A_785 : vector<16xi32>
        %swap3A_790 = arith.constant 16 : i32
        %swap3A_791 = arith.index_cast %swap3A_790 : i32 to index
        %swap3A_792 = arith.constant 0 : index
        %swap3A_793 = tpu.vector_load %arg9[%swap3A_791, %swap3A_792] {strides = array<i32>} : memref<25x16xi32, #tpu.memory_space<vmem>>, vector<1x16xi32>,
        %swap3A_794 = vector.shape_cast %swap3A_793 : vector<1x16xi32> to vector<16xi32>
        %swap3A_795 = vector.shape_cast %add3A_789 : vector<16xi32> to vector<1x16xi32>
        tpu.vector_store %arg9[%swap3A_791, %swap3A_792], %swap3A_795 {strides = array<i32>} : memref<25x16xi32, #tpu.memory_space<vmem>>, vector<1x16xi32>,
        %ge3A_796 = arith.constant 28 : i32
        %ge3A_797 = vector.broadcast %ge3A_796 : i32 to vector<16xi32>
        %ge3A_798 = arith.cmpi sge, %iota3A, %ge3A_797 : vector<16xi32>
        %jit3A_799 = arith.constant 1 : i32
        %jit3A_800 = arith.constant 0 : i32
        %broadcast_in_dim3A_801 = vector.broadcast %jit3A_799 : i32 to vector<16xi32>
        %broadcast_in_dim3A_802 = vector.broadcast %jit3A_800 : i32 to vector<16xi32>
        %select_n3A_803 = arith.select %ge3A_798, %broadcast_in_dim3A_801, %broadcast_in_dim3A_802 : vector<16xi1>, vector<16xi32>
        %add3A_804 = arith.constant 5 : i32
        %add3A_805 = arith.addi %add3A_494, %add3A_804 : i32
        %add3A_806 = vector.broadcast %add3A_805 : i32 to vector<16xi32>
        %add3A_807 = arith.addi %add3A_806, %select_n3A_803 : vector<16xi32>
        %swap3A_808 = arith.constant 17 : i32
        %swap3A_809 = arith.index_cast %swap3A_808 : i32 to index
        %swap3A_810 = arith.constant 0 : index
        %swap3A_811 = tpu.vector_load %arg9[%swap3A_809, %swap3A_810] {strides = array<i32>} : memref<25x16xi32, #tpu.memory_space<vmem>>, vector<1x16xi32>,
        %swap3A_812 = vector.shape_cast %swap3A_811 : vector<1x16xi32> to vector<16xi32>
        %swap3A_813 = vector.shape_cast %add3A_807 : vector<16xi32> to vector<1x16xi32>
        tpu.vector_store %arg9[%swap3A_809, %swap3A_810], %swap3A_813 {strides = array<i32>} : memref<25x16xi32, #tpu.memory_space<vmem>>, vector<1x16xi32>,
        %ge3A_814 = arith.constant 12 : i32
        %ge3A_815 = vector.broadcast %ge3A_814 : i32 to vector<16xi32>
        %ge3A_816 = arith.cmpi sge, %iota3A, %ge3A_815 : vector<16xi32>
        %jit3A_817 = arith.constant 1 : i32
        %jit3A_818 = arith.constant 0 : i32
        %broadcast_in_dim3A_819 = vector.broadcast %jit3A_817 : i32 to vector<16xi32>
        %broadcast_in_dim3A_820 = vector.broadcast %jit3A_818 : i32 to vector<16xi32>
        %select_n3A_821 = arith.select %ge3A_816, %broadcast_in_dim3A_819, %broadcast_in_dim3A_820 : vector<16xi1>, vector<16xi32>
        %add3A_822 = arith.constant 5 : i32
        %add3A_823 = arith.addi %add3A_494, %add3A_822 : i32
        %add3A_824 = vector.broadcast %add3A_823 : i32 to vector<16xi32>
        %add3A_825 = arith.addi %add3A_824, %select_n3A_821 : vector<16xi32>
        %swap3A_826 = arith.constant 18 : i32
        %swap3A_827 = arith.index_cast %swap3A_826 : i32 to index
        %swap3A_828 = arith.constant 0 : index
        %swap3A_829 = tpu.vector_load %arg9[%swap3A_827, %swap3A_828] {strides = array<i32>} : memref<25x16xi32, #tpu.memory_space<vmem>>, vector<1x16xi32>,
        %swap3A_830 = vector.shape_cast %swap3A_829 : vector<1x16xi32> to vector<16xi32>
        %swap3A_831 = vector.shape_cast %add3A_825 : vector<16xi32> to vector<1x16xi32>
        tpu.vector_store %arg9[%swap3A_827, %swap3A_828], %swap3A_831 {strides = array<i32>} : memref<25x16xi32, #tpu.memory_space<vmem>>, vector<1x16xi32>,
        %ge3A_832 = arith.constant 46 : i32
        %ge3A_833 = vector.broadcast %ge3A_832 : i32 to vector<16xi32>
        %ge3A_834 = arith.cmpi sge, %iota3A, %ge3A_833 : vector<16xi32>
        %jit3A_835 = arith.constant 1 : i32
        %jit3A_836 = arith.constant 0 : i32
        %broadcast_in_dim3A_837 = vector.broadcast %jit3A_835 : i32 to vector<16xi32>
        %broadcast_in_dim3A_838 = vector.broadcast %jit3A_836 : i32 to vector<16xi32>
        %select_n3A_839 = arith.select %ge3A_834, %broadcast_in_dim3A_837, %broadcast_in_dim3A_838 : vector<16xi1>, vector<16xi32>
        %add3A_840 = arith.constant 6 : i32
        %add3A_841 = arith.addi %add3A_494, %add3A_840 : i32
        %add3A_842 = vector.broadcast %add3A_841 : i32 to vector<16xi32>
        %add3A_843 = arith.addi %add3A_842, %select_n3A_839 : vector<16xi32>
        %swap3A_844 = arith.constant 19 : i32
        %swap3A_845 = arith.index_cast %swap3A_844 : i32 to index
        %swap3A_846 = arith.constant 0 : index
        %swap3A_847 = tpu.vector_load %arg9[%swap3A_845, %swap3A_846] {strides = array<i32>} : memref<25x16xi32, #tpu.memory_space<vmem>>, vector<1x16xi32>,
        %swap3A_848 = vector.shape_cast %swap3A_847 : vector<1x16xi32> to vector<16xi32>
        %swap3A_849 = vector.shape_cast %add3A_843 : vector<16xi32> to vector<1x16xi32>
        tpu.vector_store %arg9[%swap3A_845, %swap3A_846], %swap3A_849 {strides = array<i32>} : memref<25x16xi32, #tpu.memory_space<vmem>>, vector<1x16xi32>,
        %ge3A_850 = arith.constant 30 : i32
        %ge3A_851 = vector.broadcast %ge3A_850 : i32 to vector<16xi32>
        %ge3A_852 = arith.cmpi sge, %iota3A, %ge3A_851 : vector<16xi32>
        %jit3A_853 = arith.constant 1 : i32
        %jit3A_854 = arith.constant 0 : i32
        %broadcast_in_dim3A_855 = vector.broadcast %jit3A_853 : i32 to vector<16xi32>
        %broadcast_in_dim3A_856 = vector.broadcast %jit3A_854 : i32 to vector<16xi32>
        %select_n3A_857 = arith.select %ge3A_852, %broadcast_in_dim3A_855, %broadcast_in_dim3A_856 : vector<16xi1>, vector<16xi32>
        %add3A_858 = arith.constant 6 : i32
        %add3A_859 = arith.addi %add3A_494, %add3A_858 : i32
        %add3A_860 = vector.broadcast %add3A_859 : i32 to vector<16xi32>
        %add3A_861 = arith.addi %add3A_860, %select_n3A_857 : vector<16xi32>
        %swap3A_862 = arith.constant 20 : i32
        %swap3A_863 = arith.index_cast %swap3A_862 : i32 to index
        %swap3A_864 = arith.constant 0 : index
        %swap3A_865 = tpu.vector_load %arg9[%swap3A_863, %swap3A_864] {strides = array<i32>} : memref<25x16xi32, #tpu.memory_space<vmem>>, vector<1x16xi32>,
        %swap3A_866 = vector.shape_cast %swap3A_865 : vector<1x16xi32> to vector<16xi32>
        %swap3A_867 = vector.shape_cast %add3A_861 : vector<16xi32> to vector<1x16xi32>
        tpu.vector_store %arg9[%swap3A_863, %swap3A_864], %swap3A_867 {strides = array<i32>} : memref<25x16xi32, #tpu.memory_space<vmem>>, vector<1x16xi32>,
        %ge3A_868 = arith.constant 14 : i32
        %ge3A_869 = vector.broadcast %ge3A_868 : i32 to vector<16xi32>
        %ge3A_870 = arith.cmpi sge, %iota3A, %ge3A_869 : vector<16xi32>
        %jit3A_871 = arith.constant 1 : i32
        %jit3A_872 = arith.constant 0 : i32
        %broadcast_in_dim3A_873 = vector.broadcast %jit3A_871 : i32 to vector<16xi32>
        %broadcast_in_dim3A_874 = vector.broadcast %jit3A_872 : i32 to vector<16xi32>
        %select_n3A_875 = arith.select %ge3A_870, %broadcast_in_dim3A_873, %broadcast_in_dim3A_874 : vector<16xi1>, vector<16xi32>
        %add3A_876 = arith.constant 6 : i32
        %add3A_877 = arith.addi %add3A_494, %add3A_876 : i32
        %add3A_878 = vector.broadcast %add3A_877 : i32 to vector<16xi32>
        %add3A_879 = arith.addi %add3A_878, %select_n3A_875 : vector<16xi32>
        %swap3A_880 = arith.constant 21 : i32
        %swap3A_881 = arith.index_cast %swap3A_880 : i32 to index
        %swap3A_882 = arith.constant 0 : index
        %swap3A_883 = tpu.vector_load %arg9[%swap3A_881, %swap3A_882] {strides = array<i32>} : memref<25x16xi32, #tpu.memory_space<vmem>>, vector<1x16xi32>,
        %swap3A_884 = vector.shape_cast %swap3A_883 : vector<1x16xi32> to vector<16xi32>
        %swap3A_885 = vector.shape_cast %add3A_879 : vector<16xi32> to vector<1x16xi32>
        tpu.vector_store %arg9[%swap3A_881, %swap3A_882], %swap3A_885 {strides = array<i32>} : memref<25x16xi32, #tpu.memory_space<vmem>>, vector<1x16xi32>,
        %ge3A_886 = arith.constant 48 : i32
        %ge3A_887 = vector.broadcast %ge3A_886 : i32 to vector<16xi32>
        %ge3A_888 = arith.cmpi sge, %iota3A, %ge3A_887 : vector<16xi32>
        %jit3A_889 = arith.constant 1 : i32
        %jit3A_890 = arith.constant 0 : i32
        %broadcast_in_dim3A_891 = vector.broadcast %jit3A_889 : i32 to vector<16xi32>
        %broadcast_in_dim3A_892 = vector.broadcast %jit3A_890 : i32 to vector<16xi32>
        %select_n3A_893 = arith.select %ge3A_888, %broadcast_in_dim3A_891, %broadcast_in_dim3A_892 : vector<16xi1>, vector<16xi32>
        %add3A_894 = arith.constant 7 : i32
        %add3A_895 = arith.addi %add3A_494, %add3A_894 : i32
        %add3A_896 = vector.broadcast %add3A_895 : i32 to vector<16xi32>
        %add3A_897 = arith.addi %add3A_896, %select_n3A_893 : vector<16xi32>
        %swap3A_898 = arith.constant 22 : i32
        %swap3A_899 = arith.index_cast %swap3A_898 : i32 to index
        %swap3A_900 = arith.constant 0 : index
        %swap3A_901 = tpu.vector_load %arg9[%swap3A_899, %swap3A_900] {strides = array<i32>} : memref<25x16xi32, #tpu.memory_space<vmem>>, vector<1x16xi32>,
        %swap3A_902 = vector.shape_cast %swap3A_901 : vector<1x16xi32> to vector<16xi32>
        %swap3A_903 = vector.shape_cast %add3A_897 : vector<16xi32> to vector<1x16xi32>
        tpu.vector_store %arg9[%swap3A_899, %swap3A_900], %swap3A_903 {strides = array<i32>} : memref<25x16xi32, #tpu.memory_space<vmem>>, vector<1x16xi32>,
        %ge3A_904 = arith.constant 32 : i32
        %ge3A_905 = vector.broadcast %ge3A_904 : i32 to vector<16xi32>
        %ge3A_906 = arith.cmpi sge, %iota3A, %ge3A_905 : vector<16xi32>
        %jit3A_907 = arith.constant 1 : i32
        %jit3A_908 = arith.constant 0 : i32
        %broadcast_in_dim3A_909 = vector.broadcast %jit3A_907 : i32 to vector<16xi32>
        %broadcast_in_dim3A_910 = vector.broadcast %jit3A_908 : i32 to vector<16xi32>
        %select_n3A_911 = arith.select %ge3A_906, %broadcast_in_dim3A_909, %broadcast_in_dim3A_910 : vector<16xi1>, vector<16xi32>
        %add3A_912 = arith.constant 7 : i32
        %add3A_913 = arith.addi %add3A_494, %add3A_912 : i32
        %add3A_914 = vector.broadcast %add3A_913 : i32 to vector<16xi32>
        %add3A_915 = arith.addi %add3A_914, %select_n3A_911 : vector<16xi32>
        %swap3A_916 = arith.constant 23 : i32
        %swap3A_917 = arith.index_cast %swap3A_916 : i32 to index
        %swap3A_918 = arith.constant 0 : index
        %swap3A_919 = tpu.vector_load %arg9[%swap3A_917, %swap3A_918] {strides = array<i32>} : memref<25x16xi32, #tpu.memory_space<vmem>>, vector<1x16xi32>,
        %swap3A_920 = vector.shape_cast %swap3A_919 : vector<1x16xi32> to vector<16xi32>
        %swap3A_921 = vector.shape_cast %add3A_915 : vector<16xi32> to vector<1x16xi32>
        tpu.vector_store %arg9[%swap3A_917, %swap3A_918], %swap3A_921 {strides = array<i32>} : memref<25x16xi32, #tpu.memory_space<vmem>>, vector<1x16xi32>,
        %ge3A_922 = arith.constant 16 : i32
        %ge3A_923 = vector.broadcast %ge3A_922 : i32 to vector<16xi32>
        %ge3A_924 = arith.cmpi sge, %iota3A, %ge3A_923 : vector<16xi32>
        %jit3A_925 = arith.constant 1 : i32
        %jit3A_926 = arith.constant 0 : i32
        %broadcast_in_dim3A_927 = vector.broadcast %jit3A_925 : i32 to vector<16xi32>
        %broadcast_in_dim3A_928 = vector.broadcast %jit3A_926 : i32 to vector<16xi32>
        %select_n3A_929 = arith.select %ge3A_924, %broadcast_in_dim3A_927, %broadcast_in_dim3A_928 : vector<16xi1>, vector<16xi32>
        %add3A_930 = arith.constant 7 : i32
        %add3A_931 = arith.addi %add3A_494, %add3A_930 : i32
        %add3A_932 = vector.broadcast %add3A_931 : i32 to vector<16xi32>
        %add3A_933 = arith.addi %add3A_932, %select_n3A_929 : vector<16xi32>
        %swap3A_934 = arith.constant 24 : i32
        %swap3A_935 = arith.index_cast %swap3A_934 : i32 to index
        %swap3A_936 = arith.constant 0 : index
        %swap3A_937 = tpu.vector_load %arg9[%swap3A_935, %swap3A_936] {strides = array<i32>} : memref<25x16xi32, #tpu.memory_space<vmem>>, vector<1x16xi32>,
        %swap3A_938 = vector.shape_cast %swap3A_937 : vector<1x16xi32> to vector<16xi32>
        %swap3A_939 = vector.shape_cast %add3A_933 : vector<16xi32> to vector<1x16xi32>
        tpu.vector_store %arg9[%swap3A_935, %swap3A_936], %swap3A_939 {strides = array<i32>} : memref<25x16xi32, #tpu.memory_space<vmem>>, vector<1x16xi32>,
        %dma_start3A_940 = arith.constant 0 : i32
        %dma_start3A_941 = arith.constant 0 : i32
        %dma_start3A_942 = arith.constant 0 : i32
        %dma_start3A_943 = arith.constant 0 : i32
        %dma_start3A_944 = tpu.memref_slice %arg8[%dma_start3A_940, %dma_start3A_942, %dma_start3A_943] : memref<2x400x8xf32, #tpu.memory_space<vmem>> -> memref<1x16x8xf32, #tpu.memory_space<vmem>>
        %dma_start3A_945 = tpu.memref_squeeze %dma_start3A_944 : memref<1x16x8xf32, #tpu.memory_space<vmem>> -> memref<16x8xf32, #tpu.memory_space<vmem>>
        %dma_start3A_946 = arith.constant 0 : i32
        %dma_start3A_947 = tpu.memref_slice %arg9[%dma_start3A_941, %dma_start3A_946] : memref<25x16xi32, #tpu.memory_space<vmem>> -> memref<1x16xi32, #tpu.memory_space<vmem>>
        %dma_start3A_948 = tpu.memref_squeeze %dma_start3A_947 : memref<1x16xi32, #tpu.memory_space<vmem>> -> memref<16xi32, #tpu.memory_space<vmem>>
        %dma_start3A_949 = arith.constant 0 : i32
        %dma_start3A_950 = arith.constant 0 : i32
        %dma_start3A_951 = tpu.memref_slice %arg10[%dma_start3A_949, %dma_start3A_950] : memref<8192x8xf32, #tpu.memory_space<vmem_shared>> -> memref<8192x8xf32, #tpu.memory_space<vmem_shared>>
        tpu.enqueue_indirect_dma source(%dma_start3A_945 : memref<16x8xf32, #tpu.memory_space<vmem>>) target(%dma_start3A_951 : memref<8192x8xf32, #tpu.memory_space<vmem_shared>>) offsets(%dma_start3A_948 : memref<16xi32, #tpu.memory_space<vmem>>) semaphore(%arg14 : memref<!tpu.dma_semaphore, #tpu.memory_space<semaphore_mem>>) {add = true}
        %dma_start3A_952 = arith.constant 0 : i32
        %dma_start3A_953 = arith.constant 1 : i32
        %dma_start3A_954 = arith.constant 16 : i32
        %dma_start3A_955 = arith.constant 0 : i32
        %dma_start3A_956 = tpu.memref_slice %arg8[%dma_start3A_952, %dma_start3A_954, %dma_start3A_955] : memref<2x400x8xf32, #tpu.memory_space<vmem>> -> memref<1x16x8xf32, #tpu.memory_space<vmem>>
        %dma_start3A_957 = tpu.memref_squeeze %dma_start3A_956 : memref<1x16x8xf32, #tpu.memory_space<vmem>> -> memref<16x8xf32, #tpu.memory_space<vmem>>
        %dma_start3A_958 = arith.constant 0 : i32
        %dma_start3A_959 = tpu.memref_slice %arg9[%dma_start3A_953, %dma_start3A_958] : memref<25x16xi32, #tpu.memory_space<vmem>> -> memref<1x16xi32, #tpu.memory_space<vmem>>
        %dma_start3A_960 = tpu.memref_squeeze %dma_start3A_959 : memref<1x16xi32, #tpu.memory_space<vmem>> -> memref<16xi32, #tpu.memory_space<vmem>>
        %dma_start3A_961 = arith.constant 0 : i32
        %dma_start3A_962 = arith.constant 0 : i32
        %dma_start3A_963 = tpu.memref_slice %arg10[%dma_start3A_961, %dma_start3A_962] : memref<8192x8xf32, #tpu.memory_space<vmem_shared>> -> memref<8192x8xf32, #tpu.memory_space<vmem_shared>>
        tpu.enqueue_indirect_dma source(%dma_start3A_957 : memref<16x8xf32, #tpu.memory_space<vmem>>) target(%dma_start3A_963 : memref<8192x8xf32, #tpu.memory_space<vmem_shared>>) offsets(%dma_start3A_960 : memref<16xi32, #tpu.memory_space<vmem>>) semaphore(%arg14 : memref<!tpu.dma_semaphore, #tpu.memory_space<semaphore_mem>>) {add = true}
        %dma_start3A_964 = arith.constant 0 : i32
        %dma_start3A_965 = arith.constant 2 : i32
        %dma_start3A_966 = arith.constant 32 : i32
        %dma_start3A_967 = arith.constant 0 : i32
        %dma_start3A_968 = tpu.memref_slice %arg8[%dma_start3A_964, %dma_start3A_966, %dma_start3A_967] : memref<2x400x8xf32, #tpu.memory_space<vmem>> -> memref<1x16x8xf32, #tpu.memory_space<vmem>>
        %dma_start3A_969 = tpu.memref_squeeze %dma_start3A_968 : memref<1x16x8xf32, #tpu.memory_space<vmem>> -> memref<16x8xf32, #tpu.memory_space<vmem>>
        %dma_start3A_970 = arith.constant 0 : i32
        %dma_start3A_971 = tpu.memref_slice %arg9[%dma_start3A_965, %dma_start3A_970] : memref<25x16xi32, #tpu.memory_space<vmem>> -> memref<1x16xi32, #tpu.memory_space<vmem>>
        %dma_start3A_972 = tpu.memref_squeeze %dma_start3A_971 : memref<1x16xi32, #tpu.memory_space<vmem>> -> memref<16xi32, #tpu.memory_space<vmem>>
        %dma_start3A_973 = arith.constant 0 : i32
        %dma_start3A_974 = arith.constant 0 : i32
        %dma_start3A_975 = tpu.memref_slice %arg10[%dma_start3A_973, %dma_start3A_974] : memref<8192x8xf32, #tpu.memory_space<vmem_shared>> -> memref<8192x8xf32, #tpu.memory_space<vmem_shared>>
        tpu.enqueue_indirect_dma source(%dma_start3A_969 : memref<16x8xf32, #tpu.memory_space<vmem>>) target(%dma_start3A_975 : memref<8192x8xf32, #tpu.memory_space<vmem_shared>>) offsets(%dma_start3A_972 : memref<16xi32, #tpu.memory_space<vmem>>) semaphore(%arg14 : memref<!tpu.dma_semaphore, #tpu.memory_space<semaphore_mem>>) {add = true}
        %dma_start3A_976 = arith.constant 0 : i32
        %dma_start3A_977 = arith.constant 3 : i32
        %dma_start3A_978 = arith.constant 48 : i32
        %dma_start3A_979 = arith.constant 0 : i32
        %dma_start3A_980 = tpu.memref_slice %arg8[%dma_start3A_976, %dma_start3A_978, %dma_start3A_979] : memref<2x400x8xf32, #tpu.memory_space<vmem>> -> memref<1x16x8xf32, #tpu.memory_space<vmem>>
        %dma_start3A_981 = tpu.memref_squeeze %dma_start3A_980 : memref<1x16x8xf32, #tpu.memory_space<vmem>> -> memref<16x8xf32, #tpu.memory_space<vmem>>
        %dma_start3A_982 = arith.constant 0 : i32
        %dma_start3A_983 = tpu.memref_slice %arg9[%dma_start3A_977, %dma_start3A_982] : memref<25x16xi32, #tpu.memory_space<vmem>> -> memref<1x16xi32, #tpu.memory_space<vmem>>
        %dma_start3A_984 = tpu.memref_squeeze %dma_start3A_983 : memref<1x16xi32, #tpu.memory_space<vmem>> -> memref<16xi32, #tpu.memory_space<vmem>>
        %dma_start3A_985 = arith.constant 0 : i32
        %dma_start3A_986 = arith.constant 0 : i32
        %dma_start3A_987 = tpu.memref_slice %arg10[%dma_start3A_985, %dma_start3A_986] : memref<8192x8xf32, #tpu.memory_space<vmem_shared>> -> memref<8192x8xf32, #tpu.memory_space<vmem_shared>>
        tpu.enqueue_indirect_dma source(%dma_start3A_981 : memref<16x8xf32, #tpu.memory_space<vmem>>) target(%dma_start3A_987 : memref<8192x8xf32, #tpu.memory_space<vmem_shared>>) offsets(%dma_start3A_984 : memref<16xi32, #tpu.memory_space<vmem>>) semaphore(%arg14 : memref<!tpu.dma_semaphore, #tpu.memory_space<semaphore_mem>>) {add = true}
        %dma_start3A_988 = arith.constant 0 : i32
        %dma_start3A_989 = arith.constant 4 : i32
        %dma_start3A_990 = arith.constant 64 : i32
        %dma_start3A_991 = arith.constant 0 : i32
        %dma_start3A_992 = tpu.memref_slice %arg8[%dma_start3A_988, %dma_start3A_990, %dma_start3A_991] : memref<2x400x8xf32, #tpu.memory_space<vmem>> -> memref<1x16x8xf32, #tpu.memory_space<vmem>>
        %dma_start3A_993 = tpu.memref_squeeze %dma_start3A_992 : memref<1x16x8xf32, #tpu.memory_space<vmem>> -> memref<16x8xf32, #tpu.memory_space<vmem>>
        %dma_start3A_994 = arith.constant 0 : i32
        %dma_start3A_995 = tpu.memref_slice %arg9[%dma_start3A_989, %dma_start3A_994] : memref<25x16xi32, #tpu.memory_space<vmem>> -> memref<1x16xi32, #tpu.memory_space<vmem>>
        %dma_start3A_996 = tpu.memref_squeeze %dma_start3A_995 : memref<1x16xi32, #tpu.memory_space<vmem>> -> memref<16xi32, #tpu.memory_space<vmem>>
        %dma_start3A_997 = arith.constant 0 : i32
        %dma_start3A_998 = arith.constant 0 : i32
        %dma_start3A_999 = tpu.memref_slice %arg10[%dma_start3A_997, %dma_start3A_998] : memref<8192x8xf32, #tpu.memory_space<vmem_shared>> -> memref<8192x8xf32, #tpu.memory_space<vmem_shared>>
        tpu.enqueue_indirect_dma source(%dma_start3A_993 : memref<16x8xf32, #tpu.memory_space<vmem>>) target(%dma_start3A_999 : memref<8192x8xf32, #tpu.memory_space<vmem_shared>>) offsets(%dma_start3A_996 : memref<16xi32, #tpu.memory_space<vmem>>) semaphore(%arg14 : memref<!tpu.dma_semaphore, #tpu.memory_space<semaphore_mem>>) {add = true}
        %dma_start3A_1000 = arith.constant 0 : i32
        %dma_start3A_1001 = arith.constant 5 : i32
        %dma_start3A_1002 = arith.constant 80 : i32
        %dma_start3A_1003 = arith.constant 0 : i32
        %dma_start3A_1004 = tpu.memref_slice %arg8[%dma_start3A_1000, %dma_start3A_1002, %dma_start3A_1003] : memref<2x400x8xf32, #tpu.memory_space<vmem>> -> memref<1x16x8xf32, #tpu.memory_space<vmem>>
        %dma_start3A_1005 = tpu.memref_squeeze %dma_start3A_1004 : memref<1x16x8xf32, #tpu.memory_space<vmem>> -> memref<16x8xf32, #tpu.memory_space<vmem>>
        %dma_start3A_1006 = arith.constant 0 : i32
        %dma_start3A_1007 = tpu.memref_slice %arg9[%dma_start3A_1001, %dma_start3A_1006] : memref<25x16xi32, #tpu.memory_space<vmem>> -> memref<1x16xi32, #tpu.memory_space<vmem>>
        %dma_start3A_1008 = tpu.memref_squeeze %dma_start3A_1007 : memref<1x16xi32, #tpu.memory_space<vmem>> -> memref<16xi32, #tpu.memory_space<vmem>>
        %dma_start3A_1009 = arith.constant 0 : i32
        %dma_start3A_1010 = arith.constant 0 : i32
        %dma_start3A_1011 = tpu.memref_slice %arg10[%dma_start3A_1009, %dma_start3A_1010] : memref<8192x8xf32, #tpu.memory_space<vmem_shared>> -> memref<8192x8xf32, #tpu.memory_space<vmem_shared>>
        tpu.enqueue_indirect_dma source(%dma_start3A_1005 : memref<16x8xf32, #tpu.memory_space<vmem>>) target(%dma_start3A_1011 : memref<8192x8xf32, #tpu.memory_space<vmem_shared>>) offsets(%dma_start3A_1008 : memref<16xi32, #tpu.memory_space<vmem>>) semaphore(%arg14 : memref<!tpu.dma_semaphore, #tpu.memory_space<semaphore_mem>>) {add = true}
        %dma_start3A_1012 = arith.constant 0 : i32
        %dma_start3A_1013 = arith.constant 6 : i32
        %dma_start3A_1014 = arith.constant 96 : i32
        %dma_start3A_1015 = arith.constant 0 : i32
        %dma_start3A_1016 = tpu.memref_slice %arg8[%dma_start3A_1012, %dma_start3A_1014, %dma_start3A_1015] : memref<2x400x8xf32, #tpu.memory_space<vmem>> -> memref<1x16x8xf32, #tpu.memory_space<vmem>>
        %dma_start3A_1017 = tpu.memref_squeeze %dma_start3A_1016 : memref<1x16x8xf32, #tpu.memory_space<vmem>> -> memref<16x8xf32, #tpu.memory_space<vmem>>
        %dma_start3A_1018 = arith.constant 0 : i32
        %dma_start3A_1019 = tpu.memref_slice %arg9[%dma_start3A_1013, %dma_start3A_1018] : memref<25x16xi32, #tpu.memory_space<vmem>> -> memref<1x16xi32, #tpu.memory_space<vmem>>
        %dma_start3A_1020 = tpu.memref_squeeze %dma_start3A_1019 : memref<1x16xi32, #tpu.memory_space<vmem>> -> memref<16xi32, #tpu.memory_space<vmem>>
        %dma_start3A_1021 = arith.constant 0 : i32
        %dma_start3A_1022 = arith.constant 0 : i32
        %dma_start3A_1023 = tpu.memref_slice %arg10[%dma_start3A_1021, %dma_start3A_1022] : memref<8192x8xf32, #tpu.memory_space<vmem_shared>> -> memref<8192x8xf32, #tpu.memory_space<vmem_shared>>
        tpu.enqueue_indirect_dma source(%dma_start3A_1017 : memref<16x8xf32, #tpu.memory_space<vmem>>) target(%dma_start3A_1023 : memref<8192x8xf32, #tpu.memory_space<vmem_shared>>) offsets(%dma_start3A_1020 : memref<16xi32, #tpu.memory_space<vmem>>) semaphore(%arg14 : memref<!tpu.dma_semaphore, #tpu.memory_space<semaphore_mem>>) {add = true}
        %dma_start3A_1024 = arith.constant 0 : i32
        %dma_start3A_1025 = arith.constant 7 : i32
        %dma_start3A_1026 = arith.constant 112 : i32
        %dma_start3A_1027 = arith.constant 0 : i32
        %dma_start3A_1028 = tpu.memref_slice %arg8[%dma_start3A_1024, %dma_start3A_1026, %dma_start3A_1027] : memref<2x400x8xf32, #tpu.memory_space<vmem>> -> memref<1x16x8xf32, #tpu.memory_space<vmem>>
        %dma_start3A_1029 = tpu.memref_squeeze %dma_start3A_1028 : memref<1x16x8xf32, #tpu.memory_space<vmem>> -> memref<16x8xf32, #tpu.memory_space<vmem>>
        %dma_start3A_1030 = arith.constant 0 : i32
        %dma_start3A_1031 = tpu.memref_slice %arg9[%dma_start3A_1025, %dma_start3A_1030] : memref<25x16xi32, #tpu.memory_space<vmem>> -> memref<1x16xi32, #tpu.memory_space<vmem>>
        %dma_start3A_1032 = tpu.memref_squeeze %dma_start3A_1031 : memref<1x16xi32, #tpu.memory_space<vmem>> -> memref<16xi32, #tpu.memory_space<vmem>>
        %dma_start3A_1033 = arith.constant 0 : i32
        %dma_start3A_1034 = arith.constant 0 : i32
        %dma_start3A_1035 = tpu.memref_slice %arg10[%dma_start3A_1033, %dma_start3A_1034] : memref<8192x8xf32, #tpu.memory_space<vmem_shared>> -> memref<8192x8xf32, #tpu.memory_space<vmem_shared>>
        tpu.enqueue_indirect_dma source(%dma_start3A_1029 : memref<16x8xf32, #tpu.memory_space<vmem>>) target(%dma_start3A_1035 : memref<8192x8xf32, #tpu.memory_space<vmem_shared>>) offsets(%dma_start3A_1032 : memref<16xi32, #tpu.memory_space<vmem>>) semaphore(%arg14 : memref<!tpu.dma_semaphore, #tpu.memory_space<semaphore_mem>>) {add = true}
        %dma_start3A_1036 = arith.constant 0 : i32
        %dma_start3A_1037 = arith.constant 8 : i32
        %dma_start3A_1038 = arith.constant 128 : i32
        %dma_start3A_1039 = arith.constant 0 : i32
        %dma_start3A_1040 = tpu.memref_slice %arg8[%dma_start3A_1036, %dma_start3A_1038, %dma_start3A_1039] : memref<2x400x8xf32, #tpu.memory_space<vmem>> -> memref<1x16x8xf32, #tpu.memory_space<vmem>>
        %dma_start3A_1041 = tpu.memref_squeeze %dma_start3A_1040 : memref<1x16x8xf32, #tpu.memory_space<vmem>> -> memref<16x8xf32, #tpu.memory_space<vmem>>
        %dma_start3A_1042 = arith.constant 0 : i32
        %dma_start3A_1043 = tpu.memref_slice %arg9[%dma_start3A_1037, %dma_start3A_1042] : memref<25x16xi32, #tpu.memory_space<vmem>> -> memref<1x16xi32, #tpu.memory_space<vmem>>
        %dma_start3A_1044 = tpu.memref_squeeze %dma_start3A_1043 : memref<1x16xi32, #tpu.memory_space<vmem>> -> memref<16xi32, #tpu.memory_space<vmem>>
        %dma_start3A_1045 = arith.constant 0 : i32
        %dma_start3A_1046 = arith.constant 0 : i32
        %dma_start3A_1047 = tpu.memref_slice %arg10[%dma_start3A_1045, %dma_start3A_1046] : memref<8192x8xf32, #tpu.memory_space<vmem_shared>> -> memref<8192x8xf32, #tpu.memory_space<vmem_shared>>
        tpu.enqueue_indirect_dma source(%dma_start3A_1041 : memref<16x8xf32, #tpu.memory_space<vmem>>) target(%dma_start3A_1047 : memref<8192x8xf32, #tpu.memory_space<vmem_shared>>) offsets(%dma_start3A_1044 : memref<16xi32, #tpu.memory_space<vmem>>) semaphore(%arg14 : memref<!tpu.dma_semaphore, #tpu.memory_space<semaphore_mem>>) {add = true}
        %dma_start3A_1048 = arith.constant 0 : i32
        %dma_start3A_1049 = arith.constant 9 : i32
        %dma_start3A_1050 = arith.constant 144 : i32
        %dma_start3A_1051 = arith.constant 0 : i32
        %dma_start3A_1052 = tpu.memref_slice %arg8[%dma_start3A_1048, %dma_start3A_1050, %dma_start3A_1051] : memref<2x400x8xf32, #tpu.memory_space<vmem>> -> memref<1x16x8xf32, #tpu.memory_space<vmem>>
        %dma_start3A_1053 = tpu.memref_squeeze %dma_start3A_1052 : memref<1x16x8xf32, #tpu.memory_space<vmem>> -> memref<16x8xf32, #tpu.memory_space<vmem>>
        %dma_start3A_1054 = arith.constant 0 : i32
        %dma_start3A_1055 = tpu.memref_slice %arg9[%dma_start3A_1049, %dma_start3A_1054] : memref<25x16xi32, #tpu.memory_space<vmem>> -> memref<1x16xi32, #tpu.memory_space<vmem>>
        %dma_start3A_1056 = tpu.memref_squeeze %dma_start3A_1055 : memref<1x16xi32, #tpu.memory_space<vmem>> -> memref<16xi32, #tpu.memory_space<vmem>>
        %dma_start3A_1057 = arith.constant 0 : i32
        %dma_start3A_1058 = arith.constant 0 : i32
        %dma_start3A_1059 = tpu.memref_slice %arg10[%dma_start3A_1057, %dma_start3A_1058] : memref<8192x8xf32, #tpu.memory_space<vmem_shared>> -> memref<8192x8xf32, #tpu.memory_space<vmem_shared>>
        tpu.enqueue_indirect_dma source(%dma_start3A_1053 : memref<16x8xf32, #tpu.memory_space<vmem>>) target(%dma_start3A_1059 : memref<8192x8xf32, #tpu.memory_space<vmem_shared>>) offsets(%dma_start3A_1056 : memref<16xi32, #tpu.memory_space<vmem>>) semaphore(%arg14 : memref<!tpu.dma_semaphore, #tpu.memory_space<semaphore_mem>>) {add = true}
        %dma_start3A_1060 = arith.constant 0 : i32
        %dma_start3A_1061 = arith.constant 10 : i32
        %dma_start3A_1062 = arith.constant 160 : i32
        %dma_start3A_1063 = arith.constant 0 : i32
        %dma_start3A_1064 = tpu.memref_slice %arg8[%dma_start3A_1060, %dma_start3A_1062, %dma_start3A_1063] : memref<2x400x8xf32, #tpu.memory_space<vmem>> -> memref<1x16x8xf32, #tpu.memory_space<vmem>>
        %dma_start3A_1065 = tpu.memref_squeeze %dma_start3A_1064 : memref<1x16x8xf32, #tpu.memory_space<vmem>> -> memref<16x8xf32, #tpu.memory_space<vmem>>
        %dma_start3A_1066 = arith.constant 0 : i32
        %dma_start3A_1067 = tpu.memref_slice %arg9[%dma_start3A_1061, %dma_start3A_1066] : memref<25x16xi32, #tpu.memory_space<vmem>> -> memref<1x16xi32, #tpu.memory_space<vmem>>
        %dma_start3A_1068 = tpu.memref_squeeze %dma_start3A_1067 : memref<1x16xi32, #tpu.memory_space<vmem>> -> memref<16xi32, #tpu.memory_space<vmem>>
        %dma_start3A_1069 = arith.constant 0 : i32
        %dma_start3A_1070 = arith.constant 0 : i32
        %dma_start3A_1071 = tpu.memref_slice %arg10[%dma_start3A_1069, %dma_start3A_1070] : memref<8192x8xf32, #tpu.memory_space<vmem_shared>> -> memref<8192x8xf32, #tpu.memory_space<vmem_shared>>
        tpu.enqueue_indirect_dma source(%dma_start3A_1065 : memref<16x8xf32, #tpu.memory_space<vmem>>) target(%dma_start3A_1071 : memref<8192x8xf32, #tpu.memory_space<vmem_shared>>) offsets(%dma_start3A_1068 : memref<16xi32, #tpu.memory_space<vmem>>) semaphore(%arg14 : memref<!tpu.dma_semaphore, #tpu.memory_space<semaphore_mem>>) {add = true}
        %dma_start3A_1072 = arith.constant 0 : i32
        %dma_start3A_1073 = arith.constant 11 : i32
        %dma_start3A_1074 = arith.constant 176 : i32
        %dma_start3A_1075 = arith.constant 0 : i32
        %dma_start3A_1076 = tpu.memref_slice %arg8[%dma_start3A_1072, %dma_start3A_1074, %dma_start3A_1075] : memref<2x400x8xf32, #tpu.memory_space<vmem>> -> memref<1x16x8xf32, #tpu.memory_space<vmem>>
        %dma_start3A_1077 = tpu.memref_squeeze %dma_start3A_1076 : memref<1x16x8xf32, #tpu.memory_space<vmem>> -> memref<16x8xf32, #tpu.memory_space<vmem>>
        %dma_start3A_1078 = arith.constant 0 : i32
        %dma_start3A_1079 = tpu.memref_slice %arg9[%dma_start3A_1073, %dma_start3A_1078] : memref<25x16xi32, #tpu.memory_space<vmem>> -> memref<1x16xi32, #tpu.memory_space<vmem>>
        %dma_start3A_1080 = tpu.memref_squeeze %dma_start3A_1079 : memref<1x16xi32, #tpu.memory_space<vmem>> -> memref<16xi32, #tpu.memory_space<vmem>>
        %dma_start3A_1081 = arith.constant 0 : i32
        %dma_start3A_1082 = arith.constant 0 : i32
        %dma_start3A_1083 = tpu.memref_slice %arg10[%dma_start3A_1081, %dma_start3A_1082] : memref<8192x8xf32, #tpu.memory_space<vmem_shared>> -> memref<8192x8xf32, #tpu.memory_space<vmem_shared>>
        tpu.enqueue_indirect_dma source(%dma_start3A_1077 : memref<16x8xf32, #tpu.memory_space<vmem>>) target(%dma_start3A_1083 : memref<8192x8xf32, #tpu.memory_space<vmem_shared>>) offsets(%dma_start3A_1080 : memref<16xi32, #tpu.memory_space<vmem>>) semaphore(%arg14 : memref<!tpu.dma_semaphore, #tpu.memory_space<semaphore_mem>>) {add = true}
        %dma_start3A_1084 = arith.constant 0 : i32
        %dma_start3A_1085 = arith.constant 12 : i32
        %dma_start3A_1086 = arith.constant 192 : i32
        %dma_start3A_1087 = arith.constant 0 : i32
        %dma_start3A_1088 = tpu.memref_slice %arg8[%dma_start3A_1084, %dma_start3A_1086, %dma_start3A_1087] : memref<2x400x8xf32, #tpu.memory_space<vmem>> -> memref<1x16x8xf32, #tpu.memory_space<vmem>>
        %dma_start3A_1089 = tpu.memref_squeeze %dma_start3A_1088 : memref<1x16x8xf32, #tpu.memory_space<vmem>> -> memref<16x8xf32, #tpu.memory_space<vmem>>
        %dma_start3A_1090 = arith.constant 0 : i32
        %dma_start3A_1091 = tpu.memref_slice %arg9[%dma_start3A_1085, %dma_start3A_1090] : memref<25x16xi32, #tpu.memory_space<vmem>> -> memref<1x16xi32, #tpu.memory_space<vmem>>
        %dma_start3A_1092 = tpu.memref_squeeze %dma_start3A_1091 : memref<1x16xi32, #tpu.memory_space<vmem>> -> memref<16xi32, #tpu.memory_space<vmem>>
        %dma_start3A_1093 = arith.constant 0 : i32
        %dma_start3A_1094 = arith.constant 0 : i32
        %dma_start3A_1095 = tpu.memref_slice %arg10[%dma_start3A_1093, %dma_start3A_1094] : memref<8192x8xf32, #tpu.memory_space<vmem_shared>> -> memref<8192x8xf32, #tpu.memory_space<vmem_shared>>
        tpu.enqueue_indirect_dma source(%dma_start3A_1089 : memref<16x8xf32, #tpu.memory_space<vmem>>) target(%dma_start3A_1095 : memref<8192x8xf32, #tpu.memory_space<vmem_shared>>) offsets(%dma_start3A_1092 : memref<16xi32, #tpu.memory_space<vmem>>) semaphore(%arg14 : memref<!tpu.dma_semaphore, #tpu.memory_space<semaphore_mem>>) {add = true}
        %dma_start3A_1096 = arith.constant 0 : i32
        %dma_start3A_1097 = arith.constant 13 : i32
        %dma_start3A_1098 = arith.constant 208 : i32
        %dma_start3A_1099 = arith.constant 0 : i32
        %dma_start3A_1100 = tpu.memref_slice %arg8[%dma_start3A_1096, %dma_start3A_1098, %dma_start3A_1099] : memref<2x400x8xf32, #tpu.memory_space<vmem>> -> memref<1x16x8xf32, #tpu.memory_space<vmem>>
        %dma_start3A_1101 = tpu.memref_squeeze %dma_start3A_1100 : memref<1x16x8xf32, #tpu.memory_space<vmem>> -> memref<16x8xf32, #tpu.memory_space<vmem>>
        %dma_start3A_1102 = arith.constant 0 : i32
        %dma_start3A_1103 = tpu.memref_slice %arg9[%dma_start3A_1097, %dma_start3A_1102] : memref<25x16xi32, #tpu.memory_space<vmem>> -> memref<1x16xi32, #tpu.memory_space<vmem>>
        %dma_start3A_1104 = tpu.memref_squeeze %dma_start3A_1103 : memref<1x16xi32, #tpu.memory_space<vmem>> -> memref<16xi32, #tpu.memory_space<vmem>>
        %dma_start3A_1105 = arith.constant 0 : i32
        %dma_start3A_1106 = arith.constant 0 : i32
        %dma_start3A_1107 = tpu.memref_slice %arg10[%dma_start3A_1105, %dma_start3A_1106] : memref<8192x8xf32, #tpu.memory_space<vmem_shared>> -> memref<8192x8xf32, #tpu.memory_space<vmem_shared>>
        tpu.enqueue_indirect_dma source(%dma_start3A_1101 : memref<16x8xf32, #tpu.memory_space<vmem>>) target(%dma_start3A_1107 : memref<8192x8xf32, #tpu.memory_space<vmem_shared>>) offsets(%dma_start3A_1104 : memref<16xi32, #tpu.memory_space<vmem>>) semaphore(%arg14 : memref<!tpu.dma_semaphore, #tpu.memory_space<semaphore_mem>>) {add = true}
        %dma_start3A_1108 = arith.constant 0 : i32
        %dma_start3A_1109 = arith.constant 14 : i32
        %dma_start3A_1110 = arith.constant 224 : i32
        %dma_start3A_1111 = arith.constant 0 : i32
        %dma_start3A_1112 = tpu.memref_slice %arg8[%dma_start3A_1108, %dma_start3A_1110, %dma_start3A_1111] : memref<2x400x8xf32, #tpu.memory_space<vmem>> -> memref<1x16x8xf32, #tpu.memory_space<vmem>>
        %dma_start3A_1113 = tpu.memref_squeeze %dma_start3A_1112 : memref<1x16x8xf32, #tpu.memory_space<vmem>> -> memref<16x8xf32, #tpu.memory_space<vmem>>
        %dma_start3A_1114 = arith.constant 0 : i32
        %dma_start3A_1115 = tpu.memref_slice %arg9[%dma_start3A_1109, %dma_start3A_1114] : memref<25x16xi32, #tpu.memory_space<vmem>> -> memref<1x16xi32, #tpu.memory_space<vmem>>
        %dma_start3A_1116 = tpu.memref_squeeze %dma_start3A_1115 : memref<1x16xi32, #tpu.memory_space<vmem>> -> memref<16xi32, #tpu.memory_space<vmem>>
        %dma_start3A_1117 = arith.constant 0 : i32
        %dma_start3A_1118 = arith.constant 0 : i32
        %dma_start3A_1119 = tpu.memref_slice %arg10[%dma_start3A_1117, %dma_start3A_1118] : memref<8192x8xf32, #tpu.memory_space<vmem_shared>> -> memref<8192x8xf32, #tpu.memory_space<vmem_shared>>
        tpu.enqueue_indirect_dma source(%dma_start3A_1113 : memref<16x8xf32, #tpu.memory_space<vmem>>) target(%dma_start3A_1119 : memref<8192x8xf32, #tpu.memory_space<vmem_shared>>) offsets(%dma_start3A_1116 : memref<16xi32, #tpu.memory_space<vmem>>) semaphore(%arg14 : memref<!tpu.dma_semaphore, #tpu.memory_space<semaphore_mem>>) {add = true}
        %dma_start3A_1120 = arith.constant 0 : i32
        %dma_start3A_1121 = arith.constant 15 : i32
        %dma_start3A_1122 = arith.constant 240 : i32
        %dma_start3A_1123 = arith.constant 0 : i32
        %dma_start3A_1124 = tpu.memref_slice %arg8[%dma_start3A_1120, %dma_start3A_1122, %dma_start3A_1123] : memref<2x400x8xf32, #tpu.memory_space<vmem>> -> memref<1x16x8xf32, #tpu.memory_space<vmem>>
        %dma_start3A_1125 = tpu.memref_squeeze %dma_start3A_1124 : memref<1x16x8xf32, #tpu.memory_space<vmem>> -> memref<16x8xf32, #tpu.memory_space<vmem>>
        %dma_start3A_1126 = arith.constant 0 : i32
        %dma_start3A_1127 = tpu.memref_slice %arg9[%dma_start3A_1121, %dma_start3A_1126] : memref<25x16xi32, #tpu.memory_space<vmem>> -> memref<1x16xi32, #tpu.memory_space<vmem>>
        %dma_start3A_1128 = tpu.memref_squeeze %dma_start3A_1127 : memref<1x16xi32, #tpu.memory_space<vmem>> -> memref<16xi32, #tpu.memory_space<vmem>>
        %dma_start3A_1129 = arith.constant 0 : i32
        %dma_start3A_1130 = arith.constant 0 : i32
        %dma_start3A_1131 = tpu.memref_slice %arg10[%dma_start3A_1129, %dma_start3A_1130] : memref<8192x8xf32, #tpu.memory_space<vmem_shared>> -> memref<8192x8xf32, #tpu.memory_space<vmem_shared>>
        tpu.enqueue_indirect_dma source(%dma_start3A_1125 : memref<16x8xf32, #tpu.memory_space<vmem>>) target(%dma_start3A_1131 : memref<8192x8xf32, #tpu.memory_space<vmem_shared>>) offsets(%dma_start3A_1128 : memref<16xi32, #tpu.memory_space<vmem>>) semaphore(%arg14 : memref<!tpu.dma_semaphore, #tpu.memory_space<semaphore_mem>>) {add = true}
        %dma_start3A_1132 = arith.constant 0 : i32
        %dma_start3A_1133 = arith.constant 16 : i32
        %dma_start3A_1134 = arith.constant 256 : i32
        %dma_start3A_1135 = arith.constant 0 : i32
        %dma_start3A_1136 = tpu.memref_slice %arg8[%dma_start3A_1132, %dma_start3A_1134, %dma_start3A_1135] : memref<2x400x8xf32, #tpu.memory_space<vmem>> -> memref<1x16x8xf32, #tpu.memory_space<vmem>>
        %dma_start3A_1137 = tpu.memref_squeeze %dma_start3A_1136 : memref<1x16x8xf32, #tpu.memory_space<vmem>> -> memref<16x8xf32, #tpu.memory_space<vmem>>
        %dma_start3A_1138 = arith.constant 0 : i32
        %dma_start3A_1139 = tpu.memref_slice %arg9[%dma_start3A_1133, %dma_start3A_1138] : memref<25x16xi32, #tpu.memory_space<vmem>> -> memref<1x16xi32, #tpu.memory_space<vmem>>
        %dma_start3A_1140 = tpu.memref_squeeze %dma_start3A_1139 : memref<1x16xi32, #tpu.memory_space<vmem>> -> memref<16xi32, #tpu.memory_space<vmem>>
        %dma_start3A_1141 = arith.constant 0 : i32
        %dma_start3A_1142 = arith.constant 0 : i32
        %dma_start3A_1143 = tpu.memref_slice %arg10[%dma_start3A_1141, %dma_start3A_1142] : memref<8192x8xf32, #tpu.memory_space<vmem_shared>> -> memref<8192x8xf32, #tpu.memory_space<vmem_shared>>
        tpu.enqueue_indirect_dma source(%dma_start3A_1137 : memref<16x8xf32, #tpu.memory_space<vmem>>) target(%dma_start3A_1143 : memref<8192x8xf32, #tpu.memory_space<vmem_shared>>) offsets(%dma_start3A_1140 : memref<16xi32, #tpu.memory_space<vmem>>) semaphore(%arg14 : memref<!tpu.dma_semaphore, #tpu.memory_space<semaphore_mem>>) {add = true}
        %dma_start3A_1144 = arith.constant 0 : i32
        %dma_start3A_1145 = arith.constant 17 : i32
        %dma_start3A_1146 = arith.constant 272 : i32
        %dma_start3A_1147 = arith.constant 0 : i32
        %dma_start3A_1148 = tpu.memref_slice %arg8[%dma_start3A_1144, %dma_start3A_1146, %dma_start3A_1147] : memref<2x400x8xf32, #tpu.memory_space<vmem>> -> memref<1x16x8xf32, #tpu.memory_space<vmem>>
        %dma_start3A_1149 = tpu.memref_squeeze %dma_start3A_1148 : memref<1x16x8xf32, #tpu.memory_space<vmem>> -> memref<16x8xf32, #tpu.memory_space<vmem>>
        %dma_start3A_1150 = arith.constant 0 : i32
        %dma_start3A_1151 = tpu.memref_slice %arg9[%dma_start3A_1145, %dma_start3A_1150] : memref<25x16xi32, #tpu.memory_space<vmem>> -> memref<1x16xi32, #tpu.memory_space<vmem>>
        %dma_start3A_1152 = tpu.memref_squeeze %dma_start3A_1151 : memref<1x16xi32, #tpu.memory_space<vmem>> -> memref<16xi32, #tpu.memory_space<vmem>>
        %dma_start3A_1153 = arith.constant 0 : i32
        %dma_start3A_1154 = arith.constant 0 : i32
        %dma_start3A_1155 = tpu.memref_slice %arg10[%dma_start3A_1153, %dma_start3A_1154] : memref<8192x8xf32, #tpu.memory_space<vmem_shared>> -> memref<8192x8xf32, #tpu.memory_space<vmem_shared>>
        tpu.enqueue_indirect_dma source(%dma_start3A_1149 : memref<16x8xf32, #tpu.memory_space<vmem>>) target(%dma_start3A_1155 : memref<8192x8xf32, #tpu.memory_space<vmem_shared>>) offsets(%dma_start3A_1152 : memref<16xi32, #tpu.memory_space<vmem>>) semaphore(%arg14 : memref<!tpu.dma_semaphore, #tpu.memory_space<semaphore_mem>>) {add = true}
        %dma_start3A_1156 = arith.constant 0 : i32
        %dma_start3A_1157 = arith.constant 18 : i32
        %dma_start3A_1158 = arith.constant 288 : i32
        %dma_start3A_1159 = arith.constant 0 : i32
        %dma_start3A_1160 = tpu.memref_slice %arg8[%dma_start3A_1156, %dma_start3A_1158, %dma_start3A_1159] : memref<2x400x8xf32, #tpu.memory_space<vmem>> -> memref<1x16x8xf32, #tpu.memory_space<vmem>>
        %dma_start3A_1161 = tpu.memref_squeeze %dma_start3A_1160 : memref<1x16x8xf32, #tpu.memory_space<vmem>> -> memref<16x8xf32, #tpu.memory_space<vmem>>
        %dma_start3A_1162 = arith.constant 0 : i32
        %dma_start3A_1163 = tpu.memref_slice %arg9[%dma_start3A_1157, %dma_start3A_1162] : memref<25x16xi32, #tpu.memory_space<vmem>> -> memref<1x16xi32, #tpu.memory_space<vmem>>
        %dma_start3A_1164 = tpu.memref_squeeze %dma_start3A_1163 : memref<1x16xi32, #tpu.memory_space<vmem>> -> memref<16xi32, #tpu.memory_space<vmem>>
        %dma_start3A_1165 = arith.constant 0 : i32
        %dma_start3A_1166 = arith.constant 0 : i32
        %dma_start3A_1167 = tpu.memref_slice %arg10[%dma_start3A_1165, %dma_start3A_1166] : memref<8192x8xf32, #tpu.memory_space<vmem_shared>> -> memref<8192x8xf32, #tpu.memory_space<vmem_shared>>
        tpu.enqueue_indirect_dma source(%dma_start3A_1161 : memref<16x8xf32, #tpu.memory_space<vmem>>) target(%dma_start3A_1167 : memref<8192x8xf32, #tpu.memory_space<vmem_shared>>) offsets(%dma_start3A_1164 : memref<16xi32, #tpu.memory_space<vmem>>) semaphore(%arg14 : memref<!tpu.dma_semaphore, #tpu.memory_space<semaphore_mem>>) {add = true}
        %dma_start3A_1168 = arith.constant 0 : i32
        %dma_start3A_1169 = arith.constant 19 : i32
        %dma_start3A_1170 = arith.constant 304 : i32
        %dma_start3A_1171 = arith.constant 0 : i32
        %dma_start3A_1172 = tpu.memref_slice %arg8[%dma_start3A_1168, %dma_start3A_1170, %dma_start3A_1171] : memref<2x400x8xf32, #tpu.memory_space<vmem>> -> memref<1x16x8xf32, #tpu.memory_space<vmem>>
        %dma_start3A_1173 = tpu.memref_squeeze %dma_start3A_1172 : memref<1x16x8xf32, #tpu.memory_space<vmem>> -> memref<16x8xf32, #tpu.memory_space<vmem>>
        %dma_start3A_1174 = arith.constant 0 : i32
        %dma_start3A_1175 = tpu.memref_slice %arg9[%dma_start3A_1169, %dma_start3A_1174] : memref<25x16xi32, #tpu.memory_space<vmem>> -> memref<1x16xi32, #tpu.memory_space<vmem>>
        %dma_start3A_1176 = tpu.memref_squeeze %dma_start3A_1175 : memref<1x16xi32, #tpu.memory_space<vmem>> -> memref<16xi32, #tpu.memory_space<vmem>>
        %dma_start3A_1177 = arith.constant 0 : i32
        %dma_start3A_1178 = arith.constant 0 : i32
        %dma_start3A_1179 = tpu.memref_slice %arg10[%dma_start3A_1177, %dma_start3A_1178] : memref<8192x8xf32, #tpu.memory_space<vmem_shared>> -> memref<8192x8xf32, #tpu.memory_space<vmem_shared>>
        tpu.enqueue_indirect_dma source(%dma_start3A_1173 : memref<16x8xf32, #tpu.memory_space<vmem>>) target(%dma_start3A_1179 : memref<8192x8xf32, #tpu.memory_space<vmem_shared>>) offsets(%dma_start3A_1176 : memref<16xi32, #tpu.memory_space<vmem>>) semaphore(%arg14 : memref<!tpu.dma_semaphore, #tpu.memory_space<semaphore_mem>>) {add = true}
        %dma_start3A_1180 = arith.constant 0 : i32
        %dma_start3A_1181 = arith.constant 20 : i32
        %dma_start3A_1182 = arith.constant 320 : i32
        %dma_start3A_1183 = arith.constant 0 : i32
        %dma_start3A_1184 = tpu.memref_slice %arg8[%dma_start3A_1180, %dma_start3A_1182, %dma_start3A_1183] : memref<2x400x8xf32, #tpu.memory_space<vmem>> -> memref<1x16x8xf32, #tpu.memory_space<vmem>>
        %dma_start3A_1185 = tpu.memref_squeeze %dma_start3A_1184 : memref<1x16x8xf32, #tpu.memory_space<vmem>> -> memref<16x8xf32, #tpu.memory_space<vmem>>
        %dma_start3A_1186 = arith.constant 0 : i32
        %dma_start3A_1187 = tpu.memref_slice %arg9[%dma_start3A_1181, %dma_start3A_1186] : memref<25x16xi32, #tpu.memory_space<vmem>> -> memref<1x16xi32, #tpu.memory_space<vmem>>
        %dma_start3A_1188 = tpu.memref_squeeze %dma_start3A_1187 : memref<1x16xi32, #tpu.memory_space<vmem>> -> memref<16xi32, #tpu.memory_space<vmem>>
        %dma_start3A_1189 = arith.constant 0 : i32
        %dma_start3A_1190 = arith.constant 0 : i32
        %dma_start3A_1191 = tpu.memref_slice %arg10[%dma_start3A_1189, %dma_start3A_1190] : memref<8192x8xf32, #tpu.memory_space<vmem_shared>> -> memref<8192x8xf32, #tpu.memory_space<vmem_shared>>
        tpu.enqueue_indirect_dma source(%dma_start3A_1185 : memref<16x8xf32, #tpu.memory_space<vmem>>) target(%dma_start3A_1191 : memref<8192x8xf32, #tpu.memory_space<vmem_shared>>) offsets(%dma_start3A_1188 : memref<16xi32, #tpu.memory_space<vmem>>) semaphore(%arg14 : memref<!tpu.dma_semaphore, #tpu.memory_space<semaphore_mem>>) {add = true}
        %dma_start3A_1192 = arith.constant 0 : i32
        %dma_start3A_1193 = arith.constant 21 : i32
        %dma_start3A_1194 = arith.constant 336 : i32
        %dma_start3A_1195 = arith.constant 0 : i32
        %dma_start3A_1196 = tpu.memref_slice %arg8[%dma_start3A_1192, %dma_start3A_1194, %dma_start3A_1195] : memref<2x400x8xf32, #tpu.memory_space<vmem>> -> memref<1x16x8xf32, #tpu.memory_space<vmem>>
        %dma_start3A_1197 = tpu.memref_squeeze %dma_start3A_1196 : memref<1x16x8xf32, #tpu.memory_space<vmem>> -> memref<16x8xf32, #tpu.memory_space<vmem>>
        %dma_start3A_1198 = arith.constant 0 : i32
        %dma_start3A_1199 = tpu.memref_slice %arg9[%dma_start3A_1193, %dma_start3A_1198] : memref<25x16xi32, #tpu.memory_space<vmem>> -> memref<1x16xi32, #tpu.memory_space<vmem>>
        %dma_start3A_1200 = tpu.memref_squeeze %dma_start3A_1199 : memref<1x16xi32, #tpu.memory_space<vmem>> -> memref<16xi32, #tpu.memory_space<vmem>>
        %dma_start3A_1201 = arith.constant 0 : i32
        %dma_start3A_1202 = arith.constant 0 : i32
        %dma_start3A_1203 = tpu.memref_slice %arg10[%dma_start3A_1201, %dma_start3A_1202] : memref<8192x8xf32, #tpu.memory_space<vmem_shared>> -> memref<8192x8xf32, #tpu.memory_space<vmem_shared>>
        tpu.enqueue_indirect_dma source(%dma_start3A_1197 : memref<16x8xf32, #tpu.memory_space<vmem>>) target(%dma_start3A_1203 : memref<8192x8xf32, #tpu.memory_space<vmem_shared>>) offsets(%dma_start3A_1200 : memref<16xi32, #tpu.memory_space<vmem>>) semaphore(%arg14 : memref<!tpu.dma_semaphore, #tpu.memory_space<semaphore_mem>>) {add = true}
        %dma_start3A_1204 = arith.constant 0 : i32
        %dma_start3A_1205 = arith.constant 22 : i32
        %dma_start3A_1206 = arith.constant 352 : i32
        %dma_start3A_1207 = arith.constant 0 : i32
        %dma_start3A_1208 = tpu.memref_slice %arg8[%dma_start3A_1204, %dma_start3A_1206, %dma_start3A_1207] : memref<2x400x8xf32, #tpu.memory_space<vmem>> -> memref<1x16x8xf32, #tpu.memory_space<vmem>>
        %dma_start3A_1209 = tpu.memref_squeeze %dma_start3A_1208 : memref<1x16x8xf32, #tpu.memory_space<vmem>> -> memref<16x8xf32, #tpu.memory_space<vmem>>
        %dma_start3A_1210 = arith.constant 0 : i32
        %dma_start3A_1211 = tpu.memref_slice %arg9[%dma_start3A_1205, %dma_start3A_1210] : memref<25x16xi32, #tpu.memory_space<vmem>> -> memref<1x16xi32, #tpu.memory_space<vmem>>
        %dma_start3A_1212 = tpu.memref_squeeze %dma_start3A_1211 : memref<1x16xi32, #tpu.memory_space<vmem>> -> memref<16xi32, #tpu.memory_space<vmem>>
        %dma_start3A_1213 = arith.constant 0 : i32
        %dma_start3A_1214 = arith.constant 0 : i32
        %dma_start3A_1215 = tpu.memref_slice %arg10[%dma_start3A_1213, %dma_start3A_1214] : memref<8192x8xf32, #tpu.memory_space<vmem_shared>> -> memref<8192x8xf32, #tpu.memory_space<vmem_shared>>
        tpu.enqueue_indirect_dma source(%dma_start3A_1209 : memref<16x8xf32, #tpu.memory_space<vmem>>) target(%dma_start3A_1215 : memref<8192x8xf32, #tpu.memory_space<vmem_shared>>) offsets(%dma_start3A_1212 : memref<16xi32, #tpu.memory_space<vmem>>) semaphore(%arg14 : memref<!tpu.dma_semaphore, #tpu.memory_space<semaphore_mem>>) {add = true}
        %dma_start3A_1216 = arith.constant 0 : i32
        %dma_start3A_1217 = arith.constant 23 : i32
        %dma_start3A_1218 = arith.constant 368 : i32
        %dma_start3A_1219 = arith.constant 0 : i32
        %dma_start3A_1220 = tpu.memref_slice %arg8[%dma_start3A_1216, %dma_start3A_1218, %dma_start3A_1219] : memref<2x400x8xf32, #tpu.memory_space<vmem>> -> memref<1x16x8xf32, #tpu.memory_space<vmem>>
        %dma_start3A_1221 = tpu.memref_squeeze %dma_start3A_1220 : memref<1x16x8xf32, #tpu.memory_space<vmem>> -> memref<16x8xf32, #tpu.memory_space<vmem>>
        %dma_start3A_1222 = arith.constant 0 : i32
        %dma_start3A_1223 = tpu.memref_slice %arg9[%dma_start3A_1217, %dma_start3A_1222] : memref<25x16xi32, #tpu.memory_space<vmem>> -> memref<1x16xi32, #tpu.memory_space<vmem>>
        %dma_start3A_1224 = tpu.memref_squeeze %dma_start3A_1223 : memref<1x16xi32, #tpu.memory_space<vmem>> -> memref<16xi32, #tpu.memory_space<vmem>>
        %dma_start3A_1225 = arith.constant 0 : i32
        %dma_start3A_1226 = arith.constant 0 : i32
        %dma_start3A_1227 = tpu.memref_slice %arg10[%dma_start3A_1225, %dma_start3A_1226] : memref<8192x8xf32, #tpu.memory_space<vmem_shared>> -> memref<8192x8xf32, #tpu.memory_space<vmem_shared>>
        tpu.enqueue_indirect_dma source(%dma_start3A_1221 : memref<16x8xf32, #tpu.memory_space<vmem>>) target(%dma_start3A_1227 : memref<8192x8xf32, #tpu.memory_space<vmem_shared>>) offsets(%dma_start3A_1224 : memref<16xi32, #tpu.memory_space<vmem>>) semaphore(%arg14 : memref<!tpu.dma_semaphore, #tpu.memory_space<semaphore_mem>>) {add = true}
        %dma_start3A_1228 = arith.constant 0 : i32
        %dma_start3A_1229 = arith.constant 24 : i32
        %dma_start3A_1230 = arith.constant 384 : i32
        %dma_start3A_1231 = arith.constant 0 : i32
        %dma_start3A_1232 = tpu.memref_slice %arg8[%dma_start3A_1228, %dma_start3A_1230, %dma_start3A_1231] : memref<2x400x8xf32, #tpu.memory_space<vmem>> -> memref<1x16x8xf32, #tpu.memory_space<vmem>>
        %dma_start3A_1233 = tpu.memref_squeeze %dma_start3A_1232 : memref<1x16x8xf32, #tpu.memory_space<vmem>> -> memref<16x8xf32, #tpu.memory_space<vmem>>
        %dma_start3A_1234 = arith.constant 0 : i32
        %dma_start3A_1235 = tpu.memref_slice %arg9[%dma_start3A_1229, %dma_start3A_1234] : memref<25x16xi32, #tpu.memory_space<vmem>> -> memref<1x16xi32, #tpu.memory_space<vmem>>
        %dma_start3A_1236 = tpu.memref_squeeze %dma_start3A_1235 : memref<1x16xi32, #tpu.memory_space<vmem>> -> memref<16xi32, #tpu.memory_space<vmem>>
        %dma_start3A_1237 = arith.constant 0 : i32
        %dma_start3A_1238 = arith.constant 0 : i32
        %dma_start3A_1239 = tpu.memref_slice %arg10[%dma_start3A_1237, %dma_start3A_1238] : memref<8192x8xf32, #tpu.memory_space<vmem_shared>> -> memref<8192x8xf32, #tpu.memory_space<vmem_shared>>
        tpu.enqueue_indirect_dma source(%dma_start3A_1233 : memref<16x8xf32, #tpu.memory_space<vmem>>) target(%dma_start3A_1239 : memref<8192x8xf32, #tpu.memory_space<vmem_shared>>) offsets(%dma_start3A_1236 : memref<16xi32, #tpu.memory_space<vmem>>) semaphore(%arg14 : memref<!tpu.dma_semaphore, #tpu.memory_space<semaphore_mem>>) {add = true}
      } else {
      }
      %eq3A_454 = arith.constant 1 : i32
      %eq3A_455 = arith.cmpi eq, %and3A_451, %eq3A_454 : i32
      %convert_element_type3A_456 = arith.extui %eq3A_455 : i1 to i32
      %cond3A_457 = arith.constant 0 : i32
      %cond3A_458 = arith.cmpi ne, %convert_element_type3A_456, %cond3A_457 : i32
      scf.if %cond3A_458 {
        %eq3A_459 = arith.constant 31 : i32
        %eq3A_460 = arith.cmpi eq, %scan3A_449, %eq3A_459 : i32
        %convert_element_type3A_461 = arith.extui %eq3A_460 : i1 to i32
        %cond3A_462 = arith.constant 0 : i32
        %cond3A_463 = arith.cmpi ne, %convert_element_type3A_461, %cond3A_462 : i32
        scf.if %cond3A_463 {
          %add3A_1240 = arith.constant 100 : i32
          %add3A_1241 = arith.addi %mul3A_2, %add3A_1240 : i32
          "tpu.region"() ({
            %run_scoped3A_1242 = tpu.sem_alloc : memref<!tpu.dma_semaphore, #tpu.memory_space<semaphore_mem>>
            %dma_start3A_1243 = arith.constant 0 : i32
            %dma_start3A_1244 = tpu.memref_slice %arg2[%add3A_1241, %dma_start3A_1243] : memref<6408x128xi32, #tpu.memory_space<hbm>> -> memref<100x128xi32, #tpu.memory_space<hbm>>
            %dma_start3A_1245 = arith.constant 0 : i32
            %dma_start3A_1246 = tpu.memref_slice %arg2[%add3A_1241, %dma_start3A_1245] : memref<6408x128xi32, #tpu.memory_space<hbm>> -> memref<100x128xi32, #tpu.memory_space<hbm>>
            tpu.enqueue_dma source(%dma_start3A_1246 : memref<100x128xi32, #tpu.memory_space<hbm>>) target(%arg6 : memref<100x128xi32, #tpu.memory_space<vmem>>) target_semaphore(%run_scoped3A_1242 : memref<!tpu.dma_semaphore, #tpu.memory_space<semaphore_mem>>)
            %dma_wait3A_1247 = arith.constant 0 : i32
            %dma_wait3A_1248 = tpu.memref_slice %arg2[%add3A_1241, %dma_wait3A_1247] : memref<6408x128xi32, #tpu.memory_space<hbm>> -> memref<100x128xi32, #tpu.memory_space<hbm>>
            %dma_wait3A_1249 = arith.constant 0 : i32
            %dma_wait3A_1250 = tpu.memref_slice %arg2[%add3A_1241, %dma_wait3A_1249] : memref<6408x128xi32, #tpu.memory_space<hbm>> -> memref<100x128xi32, #tpu.memory_space<hbm>>
            tpu.wait_dma2 semaphore(%run_scoped3A_1242 : memref<!tpu.dma_semaphore, #tpu.memory_space<semaphore_mem>>) src(%dma_wait3A_1250 : memref<100x128xi32, #tpu.memory_space<hbm>>) dst(%arg6 : memref<100x128xi32, #tpu.memory_space<vmem>>)
            tpu.yield
          }) : () -> ()
        } else {
        }
        %add3A_464 = arith.constant 1 : i32
        %add3A_465 = arith.addi %scan3A_449, %add3A_464 : i32
        %lt3A = arith.constant 64 : i32
        %lt3A_466 = arith.cmpi slt, %add3A_465, %lt3A : i32
        %convert_element_type3A_467 = arith.extui %lt3A_466 : i1 to i32
        %cond3A_468 = arith.constant 0 : i32
        %cond3A_469 = arith.cmpi ne, %convert_element_type3A_467, %cond3A_468 : i32
        scf.if %cond3A_469 {
          %add3A_1240 = arith.constant 1 : i32
          %add3A_1241 = arith.addi %scan3A_449, %add3A_1240 : i32
          %and3A_1242 = arith.constant 31 : i32
          %and3A_1243 = arith.andi %add3A_1241, %and3A_1242 : i32
          %mul3A_1244 = arith.constant 400 : i32
          %mul3A_1245 = arith.muli %and3A_1243, %mul3A_1244 : i32
          %add3A_1246 = arith.constant 0 : i32
          %add3A_1247 = arith.addi %mul3A_1245, %add3A_1246 : i32
          %shift_right_logical3A_1248 = arith.constant 7 : i32
          %shift_right_logical3A_1249 = arith.shrui %add3A_1247, %shift_right_logical3A_1248 : i32
          %and3A_1250 = arith.constant 127 : i32
          %and3A_1251 = arith.andi %add3A_1247, %and3A_1250 : i32
          %multiple_of3A_1252 = tpu.assume_multiple %and3A_1251, 16 : i32
          %dma_start3A_1253 = arith.constant 0 : i32
          %dma_start3A_1254 = arith.constant 0 : i32
          %dma_start3A_1255 = arith.constant 0 : i32
          %dma_start3A_1256 = tpu.memref_slice %arg7[%dma_start3A_1253, %dma_start3A_1254, %dma_start3A_1255] : memref<2x400x128xf32, #tpu.memory_space<vmem>> -> memref<1x16x128xf32, #tpu.memory_space<vmem>>
          %dma_start3A_1257 = tpu.memref_squeeze %dma_start3A_1256 : memref<1x16x128xf32, #tpu.memory_space<vmem>> -> memref<16x128xf32, #tpu.memory_space<vmem>>
          %dma_start3A_1258 = tpu.memref_slice %arg6[%shift_right_logical3A_1249, %multiple_of3A_1252] : memref<100x128xi32, #tpu.memory_space<vmem>> -> memref<1x16xi32, #tpu.memory_space<vmem>>
          %dma_start3A_1259 = tpu.memref_squeeze %dma_start3A_1258 : memref<1x16xi32, #tpu.memory_space<vmem>> -> memref<16xi32, #tpu.memory_space<vmem>>
          %dma_start3A_1260 = arith.constant 0 : i32
          %dma_start3A_1261 = arith.constant 0 : i32
          %dma_start3A_1262 = tpu.memref_slice %arg4[%dma_start3A_1260, %dma_start3A_1261] : memref<1000000x128xf32, #tpu.memory_space<hbm>> -> memref<1000000x128xf32, #tpu.memory_space<hbm>>
          tpu.enqueue_indirect_dma source(%dma_start3A_1262 : memref<1000000x128xf32, #tpu.memory_space<hbm>>) target(%dma_start3A_1257 : memref<16x128xf32, #tpu.memory_space<vmem>>) offsets(%dma_start3A_1259 : memref<16xi32, #tpu.memory_space<vmem>>) semaphore(%arg12 : memref<!tpu.dma_semaphore, #tpu.memory_space<semaphore_mem>>)
          %add3A_1263 = arith.constant 16 : i32
          %add3A_1264 = arith.addi %mul3A_1245, %add3A_1263 : i32
          %shift_right_logical3A_1265 = arith.constant 7 : i32
          %shift_right_logical3A_1266 = arith.shrui %add3A_1264, %shift_right_logical3A_1265 : i32
          %and3A_1267 = arith.constant 127 : i32
          %and3A_1268 = arith.andi %add3A_1264, %and3A_1267 : i32
          %multiple_of3A_1269 = tpu.assume_multiple %and3A_1268, 16 : i32
          %dma_start3A_1270 = arith.constant 0 : i32
          %dma_start3A_1271 = arith.constant 16 : i32
          %dma_start3A_1272 = arith.constant 0 : i32
          %dma_start3A_1273 = tpu.memref_slice %arg7[%dma_start3A_1270, %dma_start3A_1271, %dma_start3A_1272] : memref<2x400x128xf32, #tpu.memory_space<vmem>> -> memref<1x16x128xf32, #tpu.memory_space<vmem>>
          %dma_start3A_1274 = tpu.memref_squeeze %dma_start3A_1273 : memref<1x16x128xf32, #tpu.memory_space<vmem>> -> memref<16x128xf32, #tpu.memory_space<vmem>>
          %dma_start3A_1275 = tpu.memref_slice %arg6[%shift_right_logical3A_1266, %multiple_of3A_1269] : memref<100x128xi32, #tpu.memory_space<vmem>> -> memref<1x16xi32, #tpu.memory_space<vmem>>
          %dma_start3A_1276 = tpu.memref_squeeze %dma_start3A_1275 : memref<1x16xi32, #tpu.memory_space<vmem>> -> memref<16xi32, #tpu.memory_space<vmem>>
          %dma_start3A_1277 = arith.constant 0 : i32
          %dma_start3A_1278 = arith.constant 0 : i32
          %dma_start3A_1279 = tpu.memref_slice %arg4[%dma_start3A_1277, %dma_start3A_1278] : memref<1000000x128xf32, #tpu.memory_space<hbm>> -> memref<1000000x128xf32, #tpu.memory_space<hbm>>
          tpu.enqueue_indirect_dma source(%dma_start3A_1279 : memref<1000000x128xf32, #tpu.memory_space<hbm>>) target(%dma_start3A_1274 : memref<16x128xf32, #tpu.memory_space<vmem>>) offsets(%dma_start3A_1276 : memref<16xi32, #tpu.memory_space<vmem>>) semaphore(%arg12 : memref<!tpu.dma_semaphore, #tpu.memory_space<semaphore_mem>>)
          %add3A_1280 = arith.constant 32 : i32
          %add3A_1281 = arith.addi %mul3A_1245, %add3A_1280 : i32
          %shift_right_logical3A_1282 = arith.constant 7 : i32
          %shift_right_logical3A_1283 = arith.shrui %add3A_1281, %shift_right_logical3A_1282 : i32
          %and3A_1284 = arith.constant 127 : i32
          %and3A_1285 = arith.andi %add3A_1281, %and3A_1284 : i32
          %multiple_of3A_1286 = tpu.assume_multiple %and3A_1285, 16 : i32
          %dma_start3A_1287 = arith.constant 0 : i32
          %dma_start3A_1288 = arith.constant 32 : i32
          %dma_start3A_1289 = arith.constant 0 : i32
          %dma_start3A_1290 = tpu.memref_slice %arg7[%dma_start3A_1287, %dma_start3A_1288, %dma_start3A_1289] : memref<2x400x128xf32, #tpu.memory_space<vmem>> -> memref<1x16x128xf32, #tpu.memory_space<vmem>>
          %dma_start3A_1291 = tpu.memref_squeeze %dma_start3A_1290 : memref<1x16x128xf32, #tpu.memory_space<vmem>> -> memref<16x128xf32, #tpu.memory_space<vmem>>
          %dma_start3A_1292 = tpu.memref_slice %arg6[%shift_right_logical3A_1283, %multiple_of3A_1286] : memref<100x128xi32, #tpu.memory_space<vmem>> -> memref<1x16xi32, #tpu.memory_space<vmem>>
          %dma_start3A_1293 = tpu.memref_squeeze %dma_start3A_1292 : memref<1x16xi32, #tpu.memory_space<vmem>> -> memref<16xi32, #tpu.memory_space<vmem>>
          %dma_start3A_1294 = arith.constant 0 : i32
          %dma_start3A_1295 = arith.constant 0 : i32
          %dma_start3A_1296 = tpu.memref_slice %arg4[%dma_start3A_1294, %dma_start3A_1295] : memref<1000000x128xf32, #tpu.memory_space<hbm>> -> memref<1000000x128xf32, #tpu.memory_space<hbm>>
          tpu.enqueue_indirect_dma source(%dma_start3A_1296 : memref<1000000x128xf32, #tpu.memory_space<hbm>>) target(%dma_start3A_1291 : memref<16x128xf32, #tpu.memory_space<vmem>>) offsets(%dma_start3A_1293 : memref<16xi32, #tpu.memory_space<vmem>>) semaphore(%arg12 : memref<!tpu.dma_semaphore, #tpu.memory_space<semaphore_mem>>)
          %add3A_1297 = arith.constant 48 : i32
          %add3A_1298 = arith.addi %mul3A_1245, %add3A_1297 : i32
          %shift_right_logical3A_1299 = arith.constant 7 : i32
          %shift_right_logical3A_1300 = arith.shrui %add3A_1298, %shift_right_logical3A_1299 : i32
          %and3A_1301 = arith.constant 127 : i32
          %and3A_1302 = arith.andi %add3A_1298, %and3A_1301 : i32
          %multiple_of3A_1303 = tpu.assume_multiple %and3A_1302, 16 : i32
          %dma_start3A_1304 = arith.constant 0 : i32
          %dma_start3A_1305 = arith.constant 48 : i32
          %dma_start3A_1306 = arith.constant 0 : i32
          %dma_start3A_1307 = tpu.memref_slice %arg7[%dma_start3A_1304, %dma_start3A_1305, %dma_start3A_1306] : memref<2x400x128xf32, #tpu.memory_space<vmem>> -> memref<1x16x128xf32, #tpu.memory_space<vmem>>
          %dma_start3A_1308 = tpu.memref_squeeze %dma_start3A_1307 : memref<1x16x128xf32, #tpu.memory_space<vmem>> -> memref<16x128xf32, #tpu.memory_space<vmem>>
          %dma_start3A_1309 = tpu.memref_slice %arg6[%shift_right_logical3A_1300, %multiple_of3A_1303] : memref<100x128xi32, #tpu.memory_space<vmem>> -> memref<1x16xi32, #tpu.memory_space<vmem>>
          %dma_start3A_1310 = tpu.memref_squeeze %dma_start3A_1309 : memref<1x16xi32, #tpu.memory_space<vmem>> -> memref<16xi32, #tpu.memory_space<vmem>>
          %dma_start3A_1311 = arith.constant 0 : i32
          %dma_start3A_1312 = arith.constant 0 : i32
          %dma_start3A_1313 = tpu.memref_slice %arg4[%dma_start3A_1311, %dma_start3A_1312] : memref<1000000x128xf32, #tpu.memory_space<hbm>> -> memref<1000000x128xf32, #tpu.memory_space<hbm>>
          tpu.enqueue_indirect_dma source(%dma_start3A_1313 : memref<1000000x128xf32, #tpu.memory_space<hbm>>) target(%dma_start3A_1308 : memref<16x128xf32, #tpu.memory_space<vmem>>) offsets(%dma_start3A_1310 : memref<16xi32, #tpu.memory_space<vmem>>) semaphore(%arg12 : memref<!tpu.dma_semaphore, #tpu.memory_space<semaphore_mem>>)
          %add3A_1314 = arith.constant 64 : i32
          %add3A_1315 = arith.addi %mul3A_1245, %add3A_1314 : i32
          %shift_right_logical3A_1316 = arith.constant 7 : i32
          %shift_right_logical3A_1317 = arith.shrui %add3A_1315, %shift_right_logical3A_1316 : i32
          %and3A_1318 = arith.constant 127 : i32
          %and3A_1319 = arith.andi %add3A_1315, %and3A_1318 : i32
          %multiple_of3A_1320 = tpu.assume_multiple %and3A_1319, 16 : i32
          %dma_start3A_1321 = arith.constant 0 : i32
          %dma_start3A_1322 = arith.constant 64 : i32
          %dma_start3A_1323 = arith.constant 0 : i32
          %dma_start3A_1324 = tpu.memref_slice %arg7[%dma_start3A_1321, %dma_start3A_1322, %dma_start3A_1323] : memref<2x400x128xf32, #tpu.memory_space<vmem>> -> memref<1x16x128xf32, #tpu.memory_space<vmem>>
          %dma_start3A_1325 = tpu.memref_squeeze %dma_start3A_1324 : memref<1x16x128xf32, #tpu.memory_space<vmem>> -> memref<16x128xf32, #tpu.memory_space<vmem>>
          %dma_start3A_1326 = tpu.memref_slice %arg6[%shift_right_logical3A_1317, %multiple_of3A_1320] : memref<100x128xi32, #tpu.memory_space<vmem>> -> memref<1x16xi32, #tpu.memory_space<vmem>>
          %dma_start3A_1327 = tpu.memref_squeeze %dma_start3A_1326 : memref<1x16xi32, #tpu.memory_space<vmem>> -> memref<16xi32, #tpu.memory_space<vmem>>
          %dma_start3A_1328 = arith.constant 0 : i32
          %dma_start3A_1329 = arith.constant 0 : i32
          %dma_start3A_1330 = tpu.memref_slice %arg4[%dma_start3A_1328, %dma_start3A_1329] : memref<1000000x128xf32, #tpu.memory_space<hbm>> -> memref<1000000x128xf32, #tpu.memory_space<hbm>>
          tpu.enqueue_indirect_dma source(%dma_start3A_1330 : memref<1000000x128xf32, #tpu.memory_space<hbm>>) target(%dma_start3A_1325 : memref<16x128xf32, #tpu.memory_space<vmem>>) offsets(%dma_start3A_1327 : memref<16xi32, #tpu.memory_space<vmem>>) semaphore(%arg12 : memref<!tpu.dma_semaphore, #tpu.memory_space<semaphore_mem>>)
          %add3A_1331 = arith.constant 80 : i32
          %add3A_1332 = arith.addi %mul3A_1245, %add3A_1331 : i32
          %shift_right_logical3A_1333 = arith.constant 7 : i32
          %shift_right_logical3A_1334 = arith.shrui %add3A_1332, %shift_right_logical3A_1333 : i32
          %and3A_1335 = arith.constant 127 : i32
          %and3A_1336 = arith.andi %add3A_1332, %and3A_1335 : i32
          %multiple_of3A_1337 = tpu.assume_multiple %and3A_1336, 16 : i32
          %dma_start3A_1338 = arith.constant 0 : i32
          %dma_start3A_1339 = arith.constant 80 : i32
          %dma_start3A_1340 = arith.constant 0 : i32
          %dma_start3A_1341 = tpu.memref_slice %arg7[%dma_start3A_1338, %dma_start3A_1339, %dma_start3A_1340] : memref<2x400x128xf32, #tpu.memory_space<vmem>> -> memref<1x16x128xf32, #tpu.memory_space<vmem>>
          %dma_start3A_1342 = tpu.memref_squeeze %dma_start3A_1341 : memref<1x16x128xf32, #tpu.memory_space<vmem>> -> memref<16x128xf32, #tpu.memory_space<vmem>>
          %dma_start3A_1343 = tpu.memref_slice %arg6[%shift_right_logical3A_1334, %multiple_of3A_1337] : memref<100x128xi32, #tpu.memory_space<vmem>> -> memref<1x16xi32, #tpu.memory_space<vmem>>
          %dma_start3A_1344 = tpu.memref_squeeze %dma_start3A_1343 : memref<1x16xi32, #tpu.memory_space<vmem>> -> memref<16xi32, #tpu.memory_space<vmem>>
          %dma_start3A_1345 = arith.constant 0 : i32
          %dma_start3A_1346 = arith.constant 0 : i32
          %dma_start3A_1347 = tpu.memref_slice %arg4[%dma_start3A_1345, %dma_start3A_1346] : memref<1000000x128xf32, #tpu.memory_space<hbm>> -> memref<1000000x128xf32, #tpu.memory_space<hbm>>
          tpu.enqueue_indirect_dma source(%dma_start3A_1347 : memref<1000000x128xf32, #tpu.memory_space<hbm>>) target(%dma_start3A_1342 : memref<16x128xf32, #tpu.memory_space<vmem>>) offsets(%dma_start3A_1344 : memref<16xi32, #tpu.memory_space<vmem>>) semaphore(%arg12 : memref<!tpu.dma_semaphore, #tpu.memory_space<semaphore_mem>>)
          %add3A_1348 = arith.constant 96 : i32
          %add3A_1349 = arith.addi %mul3A_1245, %add3A_1348 : i32
          %shift_right_logical3A_1350 = arith.constant 7 : i32
          %shift_right_logical3A_1351 = arith.shrui %add3A_1349, %shift_right_logical3A_1350 : i32
          %and3A_1352 = arith.constant 127 : i32
          %and3A_1353 = arith.andi %add3A_1349, %and3A_1352 : i32
          %multiple_of3A_1354 = tpu.assume_multiple %and3A_1353, 16 : i32
          %dma_start3A_1355 = arith.constant 0 : i32
          %dma_start3A_1356 = arith.constant 96 : i32
          %dma_start3A_1357 = arith.constant 0 : i32
          %dma_start3A_1358 = tpu.memref_slice %arg7[%dma_start3A_1355, %dma_start3A_1356, %dma_start3A_1357] : memref<2x400x128xf32, #tpu.memory_space<vmem>> -> memref<1x16x128xf32, #tpu.memory_space<vmem>>
          %dma_start3A_1359 = tpu.memref_squeeze %dma_start3A_1358 : memref<1x16x128xf32, #tpu.memory_space<vmem>> -> memref<16x128xf32, #tpu.memory_space<vmem>>
          %dma_start3A_1360 = tpu.memref_slice %arg6[%shift_right_logical3A_1351, %multiple_of3A_1354] : memref<100x128xi32, #tpu.memory_space<vmem>> -> memref<1x16xi32, #tpu.memory_space<vmem>>
          %dma_start3A_1361 = tpu.memref_squeeze %dma_start3A_1360 : memref<1x16xi32, #tpu.memory_space<vmem>> -> memref<16xi32, #tpu.memory_space<vmem>>
          %dma_start3A_1362 = arith.constant 0 : i32
          %dma_start3A_1363 = arith.constant 0 : i32
          %dma_start3A_1364 = tpu.memref_slice %arg4[%dma_start3A_1362, %dma_start3A_1363] : memref<1000000x128xf32, #tpu.memory_space<hbm>> -> memref<1000000x128xf32, #tpu.memory_space<hbm>>
          tpu.enqueue_indirect_dma source(%dma_start3A_1364 : memref<1000000x128xf32, #tpu.memory_space<hbm>>) target(%dma_start3A_1359 : memref<16x128xf32, #tpu.memory_space<vmem>>) offsets(%dma_start3A_1361 : memref<16xi32, #tpu.memory_space<vmem>>) semaphore(%arg12 : memref<!tpu.dma_semaphore, #tpu.memory_space<semaphore_mem>>)
          %add3A_1365 = arith.constant 112 : i32
          %add3A_1366 = arith.addi %mul3A_1245, %add3A_1365 : i32
          %shift_right_logical3A_1367 = arith.constant 7 : i32
          %shift_right_logical3A_1368 = arith.shrui %add3A_1366, %shift_right_logical3A_1367 : i32
          %and3A_1369 = arith.constant 127 : i32
          %and3A_1370 = arith.andi %add3A_1366, %and3A_1369 : i32
          %multiple_of3A_1371 = tpu.assume_multiple %and3A_1370, 16 : i32
          %dma_start3A_1372 = arith.constant 0 : i32
          %dma_start3A_1373 = arith.constant 112 : i32
          %dma_start3A_1374 = arith.constant 0 : i32
          %dma_start3A_1375 = tpu.memref_slice %arg7[%dma_start3A_1372, %dma_start3A_1373, %dma_start3A_1374] : memref<2x400x128xf32, #tpu.memory_space<vmem>> -> memref<1x16x128xf32, #tpu.memory_space<vmem>>
          %dma_start3A_1376 = tpu.memref_squeeze %dma_start3A_1375 : memref<1x16x128xf32, #tpu.memory_space<vmem>> -> memref<16x128xf32, #tpu.memory_space<vmem>>
          %dma_start3A_1377 = tpu.memref_slice %arg6[%shift_right_logical3A_1368, %multiple_of3A_1371] : memref<100x128xi32, #tpu.memory_space<vmem>> -> memref<1x16xi32, #tpu.memory_space<vmem>>
          %dma_start3A_1378 = tpu.memref_squeeze %dma_start3A_1377 : memref<1x16xi32, #tpu.memory_space<vmem>> -> memref<16xi32, #tpu.memory_space<vmem>>
          %dma_start3A_1379 = arith.constant 0 : i32
          %dma_start3A_1380 = arith.constant 0 : i32
          %dma_start3A_1381 = tpu.memref_slice %arg4[%dma_start3A_1379, %dma_start3A_1380] : memref<1000000x128xf32, #tpu.memory_space<hbm>> -> memref<1000000x128xf32, #tpu.memory_space<hbm>>
          tpu.enqueue_indirect_dma source(%dma_start3A_1381 : memref<1000000x128xf32, #tpu.memory_space<hbm>>) target(%dma_start3A_1376 : memref<16x128xf32, #tpu.memory_space<vmem>>) offsets(%dma_start3A_1378 : memref<16xi32, #tpu.memory_space<vmem>>) semaphore(%arg12 : memref<!tpu.dma_semaphore, #tpu.memory_space<semaphore_mem>>)
          %add3A_1382 = arith.constant 128 : i32
          %add3A_1383 = arith.addi %mul3A_1245, %add3A_1382 : i32
          %shift_right_logical3A_1384 = arith.constant 7 : i32
          %shift_right_logical3A_1385 = arith.shrui %add3A_1383, %shift_right_logical3A_1384 : i32
          %and3A_1386 = arith.constant 127 : i32
          %and3A_1387 = arith.andi %add3A_1383, %and3A_1386 : i32
          %multiple_of3A_1388 = tpu.assume_multiple %and3A_1387, 16 : i32
          %dma_start3A_1389 = arith.constant 0 : i32
          %dma_start3A_1390 = arith.constant 128 : i32
          %dma_start3A_1391 = arith.constant 0 : i32
          %dma_start3A_1392 = tpu.memref_slice %arg7[%dma_start3A_1389, %dma_start3A_1390, %dma_start3A_1391] : memref<2x400x128xf32, #tpu.memory_space<vmem>> -> memref<1x16x128xf32, #tpu.memory_space<vmem>>
          %dma_start3A_1393 = tpu.memref_squeeze %dma_start3A_1392 : memref<1x16x128xf32, #tpu.memory_space<vmem>> -> memref<16x128xf32, #tpu.memory_space<vmem>>
          %dma_start3A_1394 = tpu.memref_slice %arg6[%shift_right_logical3A_1385, %multiple_of3A_1388] : memref<100x128xi32, #tpu.memory_space<vmem>> -> memref<1x16xi32, #tpu.memory_space<vmem>>
          %dma_start3A_1395 = tpu.memref_squeeze %dma_start3A_1394 : memref<1x16xi32, #tpu.memory_space<vmem>> -> memref<16xi32, #tpu.memory_space<vmem>>
          %dma_start3A_1396 = arith.constant 0 : i32
          %dma_start3A_1397 = arith.constant 0 : i32
          %dma_start3A_1398 = tpu.memref_slice %arg4[%dma_start3A_1396, %dma_start3A_1397] : memref<1000000x128xf32, #tpu.memory_space<hbm>> -> memref<1000000x128xf32, #tpu.memory_space<hbm>>
          tpu.enqueue_indirect_dma source(%dma_start3A_1398 : memref<1000000x128xf32, #tpu.memory_space<hbm>>) target(%dma_start3A_1393 : memref<16x128xf32, #tpu.memory_space<vmem>>) offsets(%dma_start3A_1395 : memref<16xi32, #tpu.memory_space<vmem>>) semaphore(%arg12 : memref<!tpu.dma_semaphore, #tpu.memory_space<semaphore_mem>>)
          %add3A_1399 = arith.constant 144 : i32
          %add3A_1400 = arith.addi %mul3A_1245, %add3A_1399 : i32
          %shift_right_logical3A_1401 = arith.constant 7 : i32
          %shift_right_logical3A_1402 = arith.shrui %add3A_1400, %shift_right_logical3A_1401 : i32
          %and3A_1403 = arith.constant 127 : i32
          %and3A_1404 = arith.andi %add3A_1400, %and3A_1403 : i32
          %multiple_of3A_1405 = tpu.assume_multiple %and3A_1404, 16 : i32
          %dma_start3A_1406 = arith.constant 0 : i32
          %dma_start3A_1407 = arith.constant 144 : i32
          %dma_start3A_1408 = arith.constant 0 : i32
          %dma_start3A_1409 = tpu.memref_slice %arg7[%dma_start3A_1406, %dma_start3A_1407, %dma_start3A_1408] : memref<2x400x128xf32, #tpu.memory_space<vmem>> -> memref<1x16x128xf32, #tpu.memory_space<vmem>>
          %dma_start3A_1410 = tpu.memref_squeeze %dma_start3A_1409 : memref<1x16x128xf32, #tpu.memory_space<vmem>> -> memref<16x128xf32, #tpu.memory_space<vmem>>
          %dma_start3A_1411 = tpu.memref_slice %arg6[%shift_right_logical3A_1402, %multiple_of3A_1405] : memref<100x128xi32, #tpu.memory_space<vmem>> -> memref<1x16xi32, #tpu.memory_space<vmem>>
          %dma_start3A_1412 = tpu.memref_squeeze %dma_start3A_1411 : memref<1x16xi32, #tpu.memory_space<vmem>> -> memref<16xi32, #tpu.memory_space<vmem>>
          %dma_start3A_1413 = arith.constant 0 : i32
          %dma_start3A_1414 = arith.constant 0 : i32
          %dma_start3A_1415 = tpu.memref_slice %arg4[%dma_start3A_1413, %dma_start3A_1414] : memref<1000000x128xf32, #tpu.memory_space<hbm>> -> memref<1000000x128xf32, #tpu.memory_space<hbm>>
          tpu.enqueue_indirect_dma source(%dma_start3A_1415 : memref<1000000x128xf32, #tpu.memory_space<hbm>>) target(%dma_start3A_1410 : memref<16x128xf32, #tpu.memory_space<vmem>>) offsets(%dma_start3A_1412 : memref<16xi32, #tpu.memory_space<vmem>>) semaphore(%arg12 : memref<!tpu.dma_semaphore, #tpu.memory_space<semaphore_mem>>)
          %add3A_1416 = arith.constant 160 : i32
          %add3A_1417 = arith.addi %mul3A_1245, %add3A_1416 : i32
          %shift_right_logical3A_1418 = arith.constant 7 : i32
          %shift_right_logical3A_1419 = arith.shrui %add3A_1417, %shift_right_logical3A_1418 : i32
          %and3A_1420 = arith.constant 127 : i32
          %and3A_1421 = arith.andi %add3A_1417, %and3A_1420 : i32
          %multiple_of3A_1422 = tpu.assume_multiple %and3A_1421, 16 : i32
          %dma_start3A_1423 = arith.constant 0 : i32
          %dma_start3A_1424 = arith.constant 160 : i32
          %dma_start3A_1425 = arith.constant 0 : i32
          %dma_start3A_1426 = tpu.memref_slice %arg7[%dma_start3A_1423, %dma_start3A_1424, %dma_start3A_1425] : memref<2x400x128xf32, #tpu.memory_space<vmem>> -> memref<1x16x128xf32, #tpu.memory_space<vmem>>
          %dma_start3A_1427 = tpu.memref_squeeze %dma_start3A_1426 : memref<1x16x128xf32, #tpu.memory_space<vmem>> -> memref<16x128xf32, #tpu.memory_space<vmem>>
          %dma_start3A_1428 = tpu.memref_slice %arg6[%shift_right_logical3A_1419, %multiple_of3A_1422] : memref<100x128xi32, #tpu.memory_space<vmem>> -> memref<1x16xi32, #tpu.memory_space<vmem>>
          %dma_start3A_1429 = tpu.memref_squeeze %dma_start3A_1428 : memref<1x16xi32, #tpu.memory_space<vmem>> -> memref<16xi32, #tpu.memory_space<vmem>>
          %dma_start3A_1430 = arith.constant 0 : i32
          %dma_start3A_1431 = arith.constant 0 : i32
          %dma_start3A_1432 = tpu.memref_slice %arg4[%dma_start3A_1430, %dma_start3A_1431] : memref<1000000x128xf32, #tpu.memory_space<hbm>> -> memref<1000000x128xf32, #tpu.memory_space<hbm>>
          tpu.enqueue_indirect_dma source(%dma_start3A_1432 : memref<1000000x128xf32, #tpu.memory_space<hbm>>) target(%dma_start3A_1427 : memref<16x128xf32, #tpu.memory_space<vmem>>) offsets(%dma_start3A_1429 : memref<16xi32, #tpu.memory_space<vmem>>) semaphore(%arg12 : memref<!tpu.dma_semaphore, #tpu.memory_space<semaphore_mem>>)
          %add3A_1433 = arith.constant 176 : i32
          %add3A_1434 = arith.addi %mul3A_1245, %add3A_1433 : i32
          %shift_right_logical3A_1435 = arith.constant 7 : i32
          %shift_right_logical3A_1436 = arith.shrui %add3A_1434, %shift_right_logical3A_1435 : i32
          %and3A_1437 = arith.constant 127 : i32
          %and3A_1438 = arith.andi %add3A_1434, %and3A_1437 : i32
          %multiple_of3A_1439 = tpu.assume_multiple %and3A_1438, 16 : i32
          %dma_start3A_1440 = arith.constant 0 : i32
          %dma_start3A_1441 = arith.constant 176 : i32
          %dma_start3A_1442 = arith.constant 0 : i32
          %dma_start3A_1443 = tpu.memref_slice %arg7[%dma_start3A_1440, %dma_start3A_1441, %dma_start3A_1442] : memref<2x400x128xf32, #tpu.memory_space<vmem>> -> memref<1x16x128xf32, #tpu.memory_space<vmem>>
          %dma_start3A_1444 = tpu.memref_squeeze %dma_start3A_1443 : memref<1x16x128xf32, #tpu.memory_space<vmem>> -> memref<16x128xf32, #tpu.memory_space<vmem>>
          %dma_start3A_1445 = tpu.memref_slice %arg6[%shift_right_logical3A_1436, %multiple_of3A_1439] : memref<100x128xi32, #tpu.memory_space<vmem>> -> memref<1x16xi32, #tpu.memory_space<vmem>>
          %dma_start3A_1446 = tpu.memref_squeeze %dma_start3A_1445 : memref<1x16xi32, #tpu.memory_space<vmem>> -> memref<16xi32, #tpu.memory_space<vmem>>
          %dma_start3A_1447 = arith.constant 0 : i32
          %dma_start3A_1448 = arith.constant 0 : i32
          %dma_start3A_1449 = tpu.memref_slice %arg4[%dma_start3A_1447, %dma_start3A_1448] : memref<1000000x128xf32, #tpu.memory_space<hbm>> -> memref<1000000x128xf32, #tpu.memory_space<hbm>>
          tpu.enqueue_indirect_dma source(%dma_start3A_1449 : memref<1000000x128xf32, #tpu.memory_space<hbm>>) target(%dma_start3A_1444 : memref<16x128xf32, #tpu.memory_space<vmem>>) offsets(%dma_start3A_1446 : memref<16xi32, #tpu.memory_space<vmem>>) semaphore(%arg12 : memref<!tpu.dma_semaphore, #tpu.memory_space<semaphore_mem>>)
          %add3A_1450 = arith.constant 192 : i32
          %add3A_1451 = arith.addi %mul3A_1245, %add3A_1450 : i32
          %shift_right_logical3A_1452 = arith.constant 7 : i32
          %shift_right_logical3A_1453 = arith.shrui %add3A_1451, %shift_right_logical3A_1452 : i32
          %and3A_1454 = arith.constant 127 : i32
          %and3A_1455 = arith.andi %add3A_1451, %and3A_1454 : i32
          %multiple_of3A_1456 = tpu.assume_multiple %and3A_1455, 16 : i32
          %dma_start3A_1457 = arith.constant 0 : i32
          %dma_start3A_1458 = arith.constant 192 : i32
          %dma_start3A_1459 = arith.constant 0 : i32
          %dma_start3A_1460 = tpu.memref_slice %arg7[%dma_start3A_1457, %dma_start3A_1458, %dma_start3A_1459] : memref<2x400x128xf32, #tpu.memory_space<vmem>> -> memref<1x16x128xf32, #tpu.memory_space<vmem>>
          %dma_start3A_1461 = tpu.memref_squeeze %dma_start3A_1460 : memref<1x16x128xf32, #tpu.memory_space<vmem>> -> memref<16x128xf32, #tpu.memory_space<vmem>>
          %dma_start3A_1462 = tpu.memref_slice %arg6[%shift_right_logical3A_1453, %multiple_of3A_1456] : memref<100x128xi32, #tpu.memory_space<vmem>> -> memref<1x16xi32, #tpu.memory_space<vmem>>
          %dma_start3A_1463 = tpu.memref_squeeze %dma_start3A_1462 : memref<1x16xi32, #tpu.memory_space<vmem>> -> memref<16xi32, #tpu.memory_space<vmem>>
          %dma_start3A_1464 = arith.constant 0 : i32
          %dma_start3A_1465 = arith.constant 0 : i32
          %dma_start3A_1466 = tpu.memref_slice %arg4[%dma_start3A_1464, %dma_start3A_1465] : memref<1000000x128xf32, #tpu.memory_space<hbm>> -> memref<1000000x128xf32, #tpu.memory_space<hbm>>
          tpu.enqueue_indirect_dma source(%dma_start3A_1466 : memref<1000000x128xf32, #tpu.memory_space<hbm>>) target(%dma_start3A_1461 : memref<16x128xf32, #tpu.memory_space<vmem>>) offsets(%dma_start3A_1463 : memref<16xi32, #tpu.memory_space<vmem>>) semaphore(%arg12 : memref<!tpu.dma_semaphore, #tpu.memory_space<semaphore_mem>>)
          %add3A_1467 = arith.constant 208 : i32
          %add3A_1468 = arith.addi %mul3A_1245, %add3A_1467 : i32
          %shift_right_logical3A_1469 = arith.constant 7 : i32
          %shift_right_logical3A_1470 = arith.shrui %add3A_1468, %shift_right_logical3A_1469 : i32
          %and3A_1471 = arith.constant 127 : i32
          %and3A_1472 = arith.andi %add3A_1468, %and3A_1471 : i32
          %multiple_of3A_1473 = tpu.assume_multiple %and3A_1472, 16 : i32
          %dma_start3A_1474 = arith.constant 0 : i32
          %dma_start3A_1475 = arith.constant 208 : i32
          %dma_start3A_1476 = arith.constant 0 : i32
          %dma_start3A_1477 = tpu.memref_slice %arg7[%dma_start3A_1474, %dma_start3A_1475, %dma_start3A_1476] : memref<2x400x128xf32, #tpu.memory_space<vmem>> -> memref<1x16x128xf32, #tpu.memory_space<vmem>>
          %dma_start3A_1478 = tpu.memref_squeeze %dma_start3A_1477 : memref<1x16x128xf32, #tpu.memory_space<vmem>> -> memref<16x128xf32, #tpu.memory_space<vmem>>
          %dma_start3A_1479 = tpu.memref_slice %arg6[%shift_right_logical3A_1470, %multiple_of3A_1473] : memref<100x128xi32, #tpu.memory_space<vmem>> -> memref<1x16xi32, #tpu.memory_space<vmem>>
          %dma_start3A_1480 = tpu.memref_squeeze %dma_start3A_1479 : memref<1x16xi32, #tpu.memory_space<vmem>> -> memref<16xi32, #tpu.memory_space<vmem>>
          %dma_start3A_1481 = arith.constant 0 : i32
          %dma_start3A_1482 = arith.constant 0 : i32
          %dma_start3A_1483 = tpu.memref_slice %arg4[%dma_start3A_1481, %dma_start3A_1482] : memref<1000000x128xf32, #tpu.memory_space<hbm>> -> memref<1000000x128xf32, #tpu.memory_space<hbm>>
          tpu.enqueue_indirect_dma source(%dma_start3A_1483 : memref<1000000x128xf32, #tpu.memory_space<hbm>>) target(%dma_start3A_1478 : memref<16x128xf32, #tpu.memory_space<vmem>>) offsets(%dma_start3A_1480 : memref<16xi32, #tpu.memory_space<vmem>>) semaphore(%arg12 : memref<!tpu.dma_semaphore, #tpu.memory_space<semaphore_mem>>)
          %add3A_1484 = arith.constant 224 : i32
          %add3A_1485 = arith.addi %mul3A_1245, %add3A_1484 : i32
          %shift_right_logical3A_1486 = arith.constant 7 : i32
          %shift_right_logical3A_1487 = arith.shrui %add3A_1485, %shift_right_logical3A_1486 : i32
          %and3A_1488 = arith.constant 127 : i32
          %and3A_1489 = arith.andi %add3A_1485, %and3A_1488 : i32
          %multiple_of3A_1490 = tpu.assume_multiple %and3A_1489, 16 : i32
          %dma_start3A_1491 = arith.constant 0 : i32
          %dma_start3A_1492 = arith.constant 224 : i32
          %dma_start3A_1493 = arith.constant 0 : i32
          %dma_start3A_1494 = tpu.memref_slice %arg7[%dma_start3A_1491, %dma_start3A_1492, %dma_start3A_1493] : memref<2x400x128xf32, #tpu.memory_space<vmem>> -> memref<1x16x128xf32, #tpu.memory_space<vmem>>
          %dma_start3A_1495 = tpu.memref_squeeze %dma_start3A_1494 : memref<1x16x128xf32, #tpu.memory_space<vmem>> -> memref<16x128xf32, #tpu.memory_space<vmem>>
          %dma_start3A_1496 = tpu.memref_slice %arg6[%shift_right_logical3A_1487, %multiple_of3A_1490] : memref<100x128xi32, #tpu.memory_space<vmem>> -> memref<1x16xi32, #tpu.memory_space<vmem>>
          %dma_start3A_1497 = tpu.memref_squeeze %dma_start3A_1496 : memref<1x16xi32, #tpu.memory_space<vmem>> -> memref<16xi32, #tpu.memory_space<vmem>>
          %dma_start3A_1498 = arith.constant 0 : i32
          %dma_start3A_1499 = arith.constant 0 : i32
          %dma_start3A_1500 = tpu.memref_slice %arg4[%dma_start3A_1498, %dma_start3A_1499] : memref<1000000x128xf32, #tpu.memory_space<hbm>> -> memref<1000000x128xf32, #tpu.memory_space<hbm>>
          tpu.enqueue_indirect_dma source(%dma_start3A_1500 : memref<1000000x128xf32, #tpu.memory_space<hbm>>) target(%dma_start3A_1495 : memref<16x128xf32, #tpu.memory_space<vmem>>) offsets(%dma_start3A_1497 : memref<16xi32, #tpu.memory_space<vmem>>) semaphore(%arg12 : memref<!tpu.dma_semaphore, #tpu.memory_space<semaphore_mem>>)
          %add3A_1501 = arith.constant 240 : i32
          %add3A_1502 = arith.addi %mul3A_1245, %add3A_1501 : i32
          %shift_right_logical3A_1503 = arith.constant 7 : i32
          %shift_right_logical3A_1504 = arith.shrui %add3A_1502, %shift_right_logical3A_1503 : i32
          %and3A_1505 = arith.constant 127 : i32
          %and3A_1506 = arith.andi %add3A_1502, %and3A_1505 : i32
          %multiple_of3A_1507 = tpu.assume_multiple %and3A_1506, 16 : i32
          %dma_start3A_1508 = arith.constant 0 : i32
          %dma_start3A_1509 = arith.constant 240 : i32
          %dma_start3A_1510 = arith.constant 0 : i32
          %dma_start3A_1511 = tpu.memref_slice %arg7[%dma_start3A_1508, %dma_start3A_1509, %dma_start3A_1510] : memref<2x400x128xf32, #tpu.memory_space<vmem>> -> memref<1x16x128xf32, #tpu.memory_space<vmem>>
          %dma_start3A_1512 = tpu.memref_squeeze %dma_start3A_1511 : memref<1x16x128xf32, #tpu.memory_space<vmem>> -> memref<16x128xf32, #tpu.memory_space<vmem>>
          %dma_start3A_1513 = tpu.memref_slice %arg6[%shift_right_logical3A_1504, %multiple_of3A_1507] : memref<100x128xi32, #tpu.memory_space<vmem>> -> memref<1x16xi32, #tpu.memory_space<vmem>>
          %dma_start3A_1514 = tpu.memref_squeeze %dma_start3A_1513 : memref<1x16xi32, #tpu.memory_space<vmem>> -> memref<16xi32, #tpu.memory_space<vmem>>
          %dma_start3A_1515 = arith.constant 0 : i32
          %dma_start3A_1516 = arith.constant 0 : i32
          %dma_start3A_1517 = tpu.memref_slice %arg4[%dma_start3A_1515, %dma_start3A_1516] : memref<1000000x128xf32, #tpu.memory_space<hbm>> -> memref<1000000x128xf32, #tpu.memory_space<hbm>>
          tpu.enqueue_indirect_dma source(%dma_start3A_1517 : memref<1000000x128xf32, #tpu.memory_space<hbm>>) target(%dma_start3A_1512 : memref<16x128xf32, #tpu.memory_space<vmem>>) offsets(%dma_start3A_1514 : memref<16xi32, #tpu.memory_space<vmem>>) semaphore(%arg12 : memref<!tpu.dma_semaphore, #tpu.memory_space<semaphore_mem>>)
          %add3A_1518 = arith.constant 256 : i32
          %add3A_1519 = arith.addi %mul3A_1245, %add3A_1518 : i32
          %shift_right_logical3A_1520 = arith.constant 7 : i32
          %shift_right_logical3A_1521 = arith.shrui %add3A_1519, %shift_right_logical3A_1520 : i32
          %and3A_1522 = arith.constant 127 : i32
          %and3A_1523 = arith.andi %add3A_1519, %and3A_1522 : i32
          %multiple_of3A_1524 = tpu.assume_multiple %and3A_1523, 16 : i32
          %dma_start3A_1525 = arith.constant 0 : i32
          %dma_start3A_1526 = arith.constant 256 : i32
          %dma_start3A_1527 = arith.constant 0 : i32
          %dma_start3A_1528 = tpu.memref_slice %arg7[%dma_start3A_1525, %dma_start3A_1526, %dma_start3A_1527] : memref<2x400x128xf32, #tpu.memory_space<vmem>> -> memref<1x16x128xf32, #tpu.memory_space<vmem>>
          %dma_start3A_1529 = tpu.memref_squeeze %dma_start3A_1528 : memref<1x16x128xf32, #tpu.memory_space<vmem>> -> memref<16x128xf32, #tpu.memory_space<vmem>>
          %dma_start3A_1530 = tpu.memref_slice %arg6[%shift_right_logical3A_1521, %multiple_of3A_1524] : memref<100x128xi32, #tpu.memory_space<vmem>> -> memref<1x16xi32, #tpu.memory_space<vmem>>
          %dma_start3A_1531 = tpu.memref_squeeze %dma_start3A_1530 : memref<1x16xi32, #tpu.memory_space<vmem>> -> memref<16xi32, #tpu.memory_space<vmem>>
          %dma_start3A_1532 = arith.constant 0 : i32
          %dma_start3A_1533 = arith.constant 0 : i32
          %dma_start3A_1534 = tpu.memref_slice %arg4[%dma_start3A_1532, %dma_start3A_1533] : memref<1000000x128xf32, #tpu.memory_space<hbm>> -> memref<1000000x128xf32, #tpu.memory_space<hbm>>
          tpu.enqueue_indirect_dma source(%dma_start3A_1534 : memref<1000000x128xf32, #tpu.memory_space<hbm>>) target(%dma_start3A_1529 : memref<16x128xf32, #tpu.memory_space<vmem>>) offsets(%dma_start3A_1531 : memref<16xi32, #tpu.memory_space<vmem>>) semaphore(%arg12 : memref<!tpu.dma_semaphore, #tpu.memory_space<semaphore_mem>>)
          %add3A_1535 = arith.constant 272 : i32
          %add3A_1536 = arith.addi %mul3A_1245, %add3A_1535 : i32
          %shift_right_logical3A_1537 = arith.constant 7 : i32
          %shift_right_logical3A_1538 = arith.shrui %add3A_1536, %shift_right_logical3A_1537 : i32
          %and3A_1539 = arith.constant 127 : i32
          %and3A_1540 = arith.andi %add3A_1536, %and3A_1539 : i32
          %multiple_of3A_1541 = tpu.assume_multiple %and3A_1540, 16 : i32
          %dma_start3A_1542 = arith.constant 0 : i32
          %dma_start3A_1543 = arith.constant 272 : i32
          %dma_start3A_1544 = arith.constant 0 : i32
          %dma_start3A_1545 = tpu.memref_slice %arg7[%dma_start3A_1542, %dma_start3A_1543, %dma_start3A_1544] : memref<2x400x128xf32, #tpu.memory_space<vmem>> -> memref<1x16x128xf32, #tpu.memory_space<vmem>>
          %dma_start3A_1546 = tpu.memref_squeeze %dma_start3A_1545 : memref<1x16x128xf32, #tpu.memory_space<vmem>> -> memref<16x128xf32, #tpu.memory_space<vmem>>
          %dma_start3A_1547 = tpu.memref_slice %arg6[%shift_right_logical3A_1538, %multiple_of3A_1541] : memref<100x128xi32, #tpu.memory_space<vmem>> -> memref<1x16xi32, #tpu.memory_space<vmem>>
          %dma_start3A_1548 = tpu.memref_squeeze %dma_start3A_1547 : memref<1x16xi32, #tpu.memory_space<vmem>> -> memref<16xi32, #tpu.memory_space<vmem>>
          %dma_start3A_1549 = arith.constant 0 : i32
          %dma_start3A_1550 = arith.constant 0 : i32
          %dma_start3A_1551 = tpu.memref_slice %arg4[%dma_start3A_1549, %dma_start3A_1550] : memref<1000000x128xf32, #tpu.memory_space<hbm>> -> memref<1000000x128xf32, #tpu.memory_space<hbm>>
          tpu.enqueue_indirect_dma source(%dma_start3A_1551 : memref<1000000x128xf32, #tpu.memory_space<hbm>>) target(%dma_start3A_1546 : memref<16x128xf32, #tpu.memory_space<vmem>>) offsets(%dma_start3A_1548 : memref<16xi32, #tpu.memory_space<vmem>>) semaphore(%arg12 : memref<!tpu.dma_semaphore, #tpu.memory_space<semaphore_mem>>)
          %add3A_1552 = arith.constant 288 : i32
          %add3A_1553 = arith.addi %mul3A_1245, %add3A_1552 : i32
          %shift_right_logical3A_1554 = arith.constant 7 : i32
          %shift_right_logical3A_1555 = arith.shrui %add3A_1553, %shift_right_logical3A_1554 : i32
          %and3A_1556 = arith.constant 127 : i32
          %and3A_1557 = arith.andi %add3A_1553, %and3A_1556 : i32
          %multiple_of3A_1558 = tpu.assume_multiple %and3A_1557, 16 : i32
          %dma_start3A_1559 = arith.constant 0 : i32
          %dma_start3A_1560 = arith.constant 288 : i32
          %dma_start3A_1561 = arith.constant 0 : i32
          %dma_start3A_1562 = tpu.memref_slice %arg7[%dma_start3A_1559, %dma_start3A_1560, %dma_start3A_1561] : memref<2x400x128xf32, #tpu.memory_space<vmem>> -> memref<1x16x128xf32, #tpu.memory_space<vmem>>
          %dma_start3A_1563 = tpu.memref_squeeze %dma_start3A_1562 : memref<1x16x128xf32, #tpu.memory_space<vmem>> -> memref<16x128xf32, #tpu.memory_space<vmem>>
          %dma_start3A_1564 = tpu.memref_slice %arg6[%shift_right_logical3A_1555, %multiple_of3A_1558] : memref<100x128xi32, #tpu.memory_space<vmem>> -> memref<1x16xi32, #tpu.memory_space<vmem>>
          %dma_start3A_1565 = tpu.memref_squeeze %dma_start3A_1564 : memref<1x16xi32, #tpu.memory_space<vmem>> -> memref<16xi32, #tpu.memory_space<vmem>>
          %dma_start3A_1566 = arith.constant 0 : i32
          %dma_start3A_1567 = arith.constant 0 : i32
          %dma_start3A_1568 = tpu.memref_slice %arg4[%dma_start3A_1566, %dma_start3A_1567] : memref<1000000x128xf32, #tpu.memory_space<hbm>> -> memref<1000000x128xf32, #tpu.memory_space<hbm>>
          tpu.enqueue_indirect_dma source(%dma_start3A_1568 : memref<1000000x128xf32, #tpu.memory_space<hbm>>) target(%dma_start3A_1563 : memref<16x128xf32, #tpu.memory_space<vmem>>) offsets(%dma_start3A_1565 : memref<16xi32, #tpu.memory_space<vmem>>) semaphore(%arg12 : memref<!tpu.dma_semaphore, #tpu.memory_space<semaphore_mem>>)
          %add3A_1569 = arith.constant 304 : i32
          %add3A_1570 = arith.addi %mul3A_1245, %add3A_1569 : i32
          %shift_right_logical3A_1571 = arith.constant 7 : i32
          %shift_right_logical3A_1572 = arith.shrui %add3A_1570, %shift_right_logical3A_1571 : i32
          %and3A_1573 = arith.constant 127 : i32
          %and3A_1574 = arith.andi %add3A_1570, %and3A_1573 : i32
          %multiple_of3A_1575 = tpu.assume_multiple %and3A_1574, 16 : i32
          %dma_start3A_1576 = arith.constant 0 : i32
          %dma_start3A_1577 = arith.constant 304 : i32
          %dma_start3A_1578 = arith.constant 0 : i32
          %dma_start3A_1579 = tpu.memref_slice %arg7[%dma_start3A_1576, %dma_start3A_1577, %dma_start3A_1578] : memref<2x400x128xf32, #tpu.memory_space<vmem>> -> memref<1x16x128xf32, #tpu.memory_space<vmem>>
          %dma_start3A_1580 = tpu.memref_squeeze %dma_start3A_1579 : memref<1x16x128xf32, #tpu.memory_space<vmem>> -> memref<16x128xf32, #tpu.memory_space<vmem>>
          %dma_start3A_1581 = tpu.memref_slice %arg6[%shift_right_logical3A_1572, %multiple_of3A_1575] : memref<100x128xi32, #tpu.memory_space<vmem>> -> memref<1x16xi32, #tpu.memory_space<vmem>>
          %dma_start3A_1582 = tpu.memref_squeeze %dma_start3A_1581 : memref<1x16xi32, #tpu.memory_space<vmem>> -> memref<16xi32, #tpu.memory_space<vmem>>
          %dma_start3A_1583 = arith.constant 0 : i32
          %dma_start3A_1584 = arith.constant 0 : i32
          %dma_start3A_1585 = tpu.memref_slice %arg4[%dma_start3A_1583, %dma_start3A_1584] : memref<1000000x128xf32, #tpu.memory_space<hbm>> -> memref<1000000x128xf32, #tpu.memory_space<hbm>>
          tpu.enqueue_indirect_dma source(%dma_start3A_1585 : memref<1000000x128xf32, #tpu.memory_space<hbm>>) target(%dma_start3A_1580 : memref<16x128xf32, #tpu.memory_space<vmem>>) offsets(%dma_start3A_1582 : memref<16xi32, #tpu.memory_space<vmem>>) semaphore(%arg12 : memref<!tpu.dma_semaphore, #tpu.memory_space<semaphore_mem>>)
          %add3A_1586 = arith.constant 320 : i32
          %add3A_1587 = arith.addi %mul3A_1245, %add3A_1586 : i32
          %shift_right_logical3A_1588 = arith.constant 7 : i32
          %shift_right_logical3A_1589 = arith.shrui %add3A_1587, %shift_right_logical3A_1588 : i32
          %and3A_1590 = arith.constant 127 : i32
          %and3A_1591 = arith.andi %add3A_1587, %and3A_1590 : i32
          %multiple_of3A_1592 = tpu.assume_multiple %and3A_1591, 16 : i32
          %dma_start3A_1593 = arith.constant 0 : i32
          %dma_start3A_1594 = arith.constant 320 : i32
          %dma_start3A_1595 = arith.constant 0 : i32
          %dma_start3A_1596 = tpu.memref_slice %arg7[%dma_start3A_1593, %dma_start3A_1594, %dma_start3A_1595] : memref<2x400x128xf32, #tpu.memory_space<vmem>> -> memref<1x16x128xf32, #tpu.memory_space<vmem>>
          %dma_start3A_1597 = tpu.memref_squeeze %dma_start3A_1596 : memref<1x16x128xf32, #tpu.memory_space<vmem>> -> memref<16x128xf32, #tpu.memory_space<vmem>>
          %dma_start3A_1598 = tpu.memref_slice %arg6[%shift_right_logical3A_1589, %multiple_of3A_1592] : memref<100x128xi32, #tpu.memory_space<vmem>> -> memref<1x16xi32, #tpu.memory_space<vmem>>
          %dma_start3A_1599 = tpu.memref_squeeze %dma_start3A_1598 : memref<1x16xi32, #tpu.memory_space<vmem>> -> memref<16xi32, #tpu.memory_space<vmem>>
          %dma_start3A_1600 = arith.constant 0 : i32
          %dma_start3A_1601 = arith.constant 0 : i32
          %dma_start3A_1602 = tpu.memref_slice %arg4[%dma_start3A_1600, %dma_start3A_1601] : memref<1000000x128xf32, #tpu.memory_space<hbm>> -> memref<1000000x128xf32, #tpu.memory_space<hbm>>
          tpu.enqueue_indirect_dma source(%dma_start3A_1602 : memref<1000000x128xf32, #tpu.memory_space<hbm>>) target(%dma_start3A_1597 : memref<16x128xf32, #tpu.memory_space<vmem>>) offsets(%dma_start3A_1599 : memref<16xi32, #tpu.memory_space<vmem>>) semaphore(%arg12 : memref<!tpu.dma_semaphore, #tpu.memory_space<semaphore_mem>>)
          %add3A_1603 = arith.constant 336 : i32
          %add3A_1604 = arith.addi %mul3A_1245, %add3A_1603 : i32
          %shift_right_logical3A_1605 = arith.constant 7 : i32
          %shift_right_logical3A_1606 = arith.shrui %add3A_1604, %shift_right_logical3A_1605 : i32
          %and3A_1607 = arith.constant 127 : i32
          %and3A_1608 = arith.andi %add3A_1604, %and3A_1607 : i32
          %multiple_of3A_1609 = tpu.assume_multiple %and3A_1608, 16 : i32
          %dma_start3A_1610 = arith.constant 0 : i32
          %dma_start3A_1611 = arith.constant 336 : i32
          %dma_start3A_1612 = arith.constant 0 : i32
          %dma_start3A_1613 = tpu.memref_slice %arg7[%dma_start3A_1610, %dma_start3A_1611, %dma_start3A_1612] : memref<2x400x128xf32, #tpu.memory_space<vmem>> -> memref<1x16x128xf32, #tpu.memory_space<vmem>>
          %dma_start3A_1614 = tpu.memref_squeeze %dma_start3A_1613 : memref<1x16x128xf32, #tpu.memory_space<vmem>> -> memref<16x128xf32, #tpu.memory_space<vmem>>
          %dma_start3A_1615 = tpu.memref_slice %arg6[%shift_right_logical3A_1606, %multiple_of3A_1609] : memref<100x128xi32, #tpu.memory_space<vmem>> -> memref<1x16xi32, #tpu.memory_space<vmem>>
          %dma_start3A_1616 = tpu.memref_squeeze %dma_start3A_1615 : memref<1x16xi32, #tpu.memory_space<vmem>> -> memref<16xi32, #tpu.memory_space<vmem>>
          %dma_start3A_1617 = arith.constant 0 : i32
          %dma_start3A_1618 = arith.constant 0 : i32
          %dma_start3A_1619 = tpu.memref_slice %arg4[%dma_start3A_1617, %dma_start3A_1618] : memref<1000000x128xf32, #tpu.memory_space<hbm>> -> memref<1000000x128xf32, #tpu.memory_space<hbm>>
          tpu.enqueue_indirect_dma source(%dma_start3A_1619 : memref<1000000x128xf32, #tpu.memory_space<hbm>>) target(%dma_start3A_1614 : memref<16x128xf32, #tpu.memory_space<vmem>>) offsets(%dma_start3A_1616 : memref<16xi32, #tpu.memory_space<vmem>>) semaphore(%arg12 : memref<!tpu.dma_semaphore, #tpu.memory_space<semaphore_mem>>)
          %add3A_1620 = arith.constant 352 : i32
          %add3A_1621 = arith.addi %mul3A_1245, %add3A_1620 : i32
          %shift_right_logical3A_1622 = arith.constant 7 : i32
          %shift_right_logical3A_1623 = arith.shrui %add3A_1621, %shift_right_logical3A_1622 : i32
          %and3A_1624 = arith.constant 127 : i32
          %and3A_1625 = arith.andi %add3A_1621, %and3A_1624 : i32
          %multiple_of3A_1626 = tpu.assume_multiple %and3A_1625, 16 : i32
          %dma_start3A_1627 = arith.constant 0 : i32
          %dma_start3A_1628 = arith.constant 352 : i32
          %dma_start3A_1629 = arith.constant 0 : i32
          %dma_start3A_1630 = tpu.memref_slice %arg7[%dma_start3A_1627, %dma_start3A_1628, %dma_start3A_1629] : memref<2x400x128xf32, #tpu.memory_space<vmem>> -> memref<1x16x128xf32, #tpu.memory_space<vmem>>
          %dma_start3A_1631 = tpu.memref_squeeze %dma_start3A_1630 : memref<1x16x128xf32, #tpu.memory_space<vmem>> -> memref<16x128xf32, #tpu.memory_space<vmem>>
          %dma_start3A_1632 = tpu.memref_slice %arg6[%shift_right_logical3A_1623, %multiple_of3A_1626] : memref<100x128xi32, #tpu.memory_space<vmem>> -> memref<1x16xi32, #tpu.memory_space<vmem>>
          %dma_start3A_1633 = tpu.memref_squeeze %dma_start3A_1632 : memref<1x16xi32, #tpu.memory_space<vmem>> -> memref<16xi32, #tpu.memory_space<vmem>>
          %dma_start3A_1634 = arith.constant 0 : i32
          %dma_start3A_1635 = arith.constant 0 : i32
          %dma_start3A_1636 = tpu.memref_slice %arg4[%dma_start3A_1634, %dma_start3A_1635] : memref<1000000x128xf32, #tpu.memory_space<hbm>> -> memref<1000000x128xf32, #tpu.memory_space<hbm>>
          tpu.enqueue_indirect_dma source(%dma_start3A_1636 : memref<1000000x128xf32, #tpu.memory_space<hbm>>) target(%dma_start3A_1631 : memref<16x128xf32, #tpu.memory_space<vmem>>) offsets(%dma_start3A_1633 : memref<16xi32, #tpu.memory_space<vmem>>) semaphore(%arg12 : memref<!tpu.dma_semaphore, #tpu.memory_space<semaphore_mem>>)
          %add3A_1637 = arith.constant 368 : i32
          %add3A_1638 = arith.addi %mul3A_1245, %add3A_1637 : i32
          %shift_right_logical3A_1639 = arith.constant 7 : i32
          %shift_right_logical3A_1640 = arith.shrui %add3A_1638, %shift_right_logical3A_1639 : i32
          %and3A_1641 = arith.constant 127 : i32
          %and3A_1642 = arith.andi %add3A_1638, %and3A_1641 : i32
          %multiple_of3A_1643 = tpu.assume_multiple %and3A_1642, 16 : i32
          %dma_start3A_1644 = arith.constant 0 : i32
          %dma_start3A_1645 = arith.constant 368 : i32
          %dma_start3A_1646 = arith.constant 0 : i32
          %dma_start3A_1647 = tpu.memref_slice %arg7[%dma_start3A_1644, %dma_start3A_1645, %dma_start3A_1646] : memref<2x400x128xf32, #tpu.memory_space<vmem>> -> memref<1x16x128xf32, #tpu.memory_space<vmem>>
          %dma_start3A_1648 = tpu.memref_squeeze %dma_start3A_1647 : memref<1x16x128xf32, #tpu.memory_space<vmem>> -> memref<16x128xf32, #tpu.memory_space<vmem>>
          %dma_start3A_1649 = tpu.memref_slice %arg6[%shift_right_logical3A_1640, %multiple_of3A_1643] : memref<100x128xi32, #tpu.memory_space<vmem>> -> memref<1x16xi32, #tpu.memory_space<vmem>>
          %dma_start3A_1650 = tpu.memref_squeeze %dma_start3A_1649 : memref<1x16xi32, #tpu.memory_space<vmem>> -> memref<16xi32, #tpu.memory_space<vmem>>
          %dma_start3A_1651 = arith.constant 0 : i32
          %dma_start3A_1652 = arith.constant 0 : i32
          %dma_start3A_1653 = tpu.memref_slice %arg4[%dma_start3A_1651, %dma_start3A_1652] : memref<1000000x128xf32, #tpu.memory_space<hbm>> -> memref<1000000x128xf32, #tpu.memory_space<hbm>>
          tpu.enqueue_indirect_dma source(%dma_start3A_1653 : memref<1000000x128xf32, #tpu.memory_space<hbm>>) target(%dma_start3A_1648 : memref<16x128xf32, #tpu.memory_space<vmem>>) offsets(%dma_start3A_1650 : memref<16xi32, #tpu.memory_space<vmem>>) semaphore(%arg12 : memref<!tpu.dma_semaphore, #tpu.memory_space<semaphore_mem>>)
          %add3A_1654 = arith.constant 384 : i32
          %add3A_1655 = arith.addi %mul3A_1245, %add3A_1654 : i32
          %shift_right_logical3A_1656 = arith.constant 7 : i32
          %shift_right_logical3A_1657 = arith.shrui %add3A_1655, %shift_right_logical3A_1656 : i32
          %and3A_1658 = arith.constant 127 : i32
          %and3A_1659 = arith.andi %add3A_1655, %and3A_1658 : i32
          %multiple_of3A_1660 = tpu.assume_multiple %and3A_1659, 16 : i32
          %dma_start3A_1661 = arith.constant 0 : i32
          %dma_start3A_1662 = arith.constant 384 : i32
          %dma_start3A_1663 = arith.constant 0 : i32
          %dma_start3A_1664 = tpu.memref_slice %arg7[%dma_start3A_1661, %dma_start3A_1662, %dma_start3A_1663] : memref<2x400x128xf32, #tpu.memory_space<vmem>> -> memref<1x16x128xf32, #tpu.memory_space<vmem>>
          %dma_start3A_1665 = tpu.memref_squeeze %dma_start3A_1664 : memref<1x16x128xf32, #tpu.memory_space<vmem>> -> memref<16x128xf32, #tpu.memory_space<vmem>>
          %dma_start3A_1666 = tpu.memref_slice %arg6[%shift_right_logical3A_1657, %multiple_of3A_1660] : memref<100x128xi32, #tpu.memory_space<vmem>> -> memref<1x16xi32, #tpu.memory_space<vmem>>
          %dma_start3A_1667 = tpu.memref_squeeze %dma_start3A_1666 : memref<1x16xi32, #tpu.memory_space<vmem>> -> memref<16xi32, #tpu.memory_space<vmem>>
          %dma_start3A_1668 = arith.constant 0 : i32
          %dma_start3A_1669 = arith.constant 0 : i32
          %dma_start3A_1670 = tpu.memref_slice %arg4[%dma_start3A_1668, %dma_start3A_1669] : memref<1000000x128xf32, #tpu.memory_space<hbm>> -> memref<1000000x128xf32, #tpu.memory_space<hbm>>
          tpu.enqueue_indirect_dma source(%dma_start3A_1670 : memref<1000000x128xf32, #tpu.memory_space<hbm>>) target(%dma_start3A_1665 : memref<16x128xf32, #tpu.memory_space<vmem>>) offsets(%dma_start3A_1667 : memref<16xi32, #tpu.memory_space<vmem>>) semaphore(%arg12 : memref<!tpu.dma_semaphore, #tpu.memory_space<semaphore_mem>>)
        } else {
        }
        %dma_wait3A_470 = arith.constant 1 : i32
        %dma_wait3A_471 = arith.constant 0 : i32
        %dma_wait3A_472 = arith.constant 0 : i32
        %dma_wait3A_473 = tpu.memref_slice %arg7[%dma_wait3A_470, %dma_wait3A_471, %dma_wait3A_472] : memref<2x400x128xf32, #tpu.memory_space<vmem>> -> memref<1x400x128xf32, #tpu.memory_space<vmem>>
        %dma_wait3A_474 = tpu.memref_squeeze %dma_wait3A_473 : memref<1x400x128xf32, #tpu.memory_space<vmem>> -> memref<400x128xf32, #tpu.memory_space<vmem>>
        %dma_wait3A_475 = arith.constant 0 : i32
        %dma_wait3A_476 = arith.constant 0 : i32
        %dma_wait3A_477 = tpu.memref_slice %arg4[%dma_wait3A_475, %dma_wait3A_476] : memref<1000000x128xf32, #tpu.memory_space<hbm>> -> memref<400x128xf32, #tpu.memory_space<hbm>>
        %dma_wait3A_478 = arith.constant 0 : i32
        %dma_wait3A_479 = arith.constant 0 : i32
        %dma_wait3A_480 = tpu.memref_slice %arg7[%dma_wait3A_470, %dma_wait3A_478, %dma_wait3A_479] : memref<2x400x128xf32, #tpu.memory_space<vmem>> -> memref<1x400x128xf32, #tpu.memory_space<vmem>>
        %dma_wait3A_481 = tpu.memref_squeeze %dma_wait3A_480 : memref<1x400x128xf32, #tpu.memory_space<vmem>> -> memref<400x128xf32, #tpu.memory_space<vmem>>
        %dma_wait3A_482 = arith.constant 0 : i32
        %dma_wait3A_483 = arith.constant 0 : i32
        %dma_wait3A_484 = tpu.memref_slice %arg4[%dma_wait3A_482, %dma_wait3A_483] : memref<1000000x128xf32, #tpu.memory_space<hbm>> -> memref<400x128xf32, #tpu.memory_space<hbm>>
        tpu.wait_dma2 semaphore(%arg13 : memref<!tpu.dma_semaphore, #tpu.memory_space<semaphore_mem>>) src(%dma_wait3A_484 : memref<400x128xf32, #tpu.memory_space<hbm>>) dst(%dma_wait3A_481 : memref<400x128xf32, #tpu.memory_space<vmem>>)
        %run_scoped3A = arith.constant 1 : i32
        "tpu.region"() ({
          %run_scoped3A_1240 = tpu.sem_alloc : memref<!tpu.dma_semaphore, #tpu.memory_space<semaphore_mem>>
          %dma_start3A_1241 = arith.constant 0 : i32
          %dma_start3A_1242 = arith.constant 0 : i32
          %dma_start3A_1243 = tpu.memref_slice %arg7[%run_scoped3A, %dma_start3A_1241, %dma_start3A_1242] : memref<2x400x128xf32, #tpu.memory_space<vmem>> -> memref<1x400x8xf32, #tpu.memory_space<vmem>>
          %dma_start3A_1244 = tpu.memref_squeeze %dma_start3A_1243 : memref<1x400x8xf32, #tpu.memory_space<vmem>> -> memref<400x8xf32, #tpu.memory_space<vmem>>
          %dma_start3A_1245 = arith.constant 0 : i32
          %dma_start3A_1246 = arith.constant 0 : i32
          %dma_start3A_1247 = tpu.memref_slice %arg11[%arg1, %dma_start3A_1245, %dma_start3A_1246] : memref<16x400x8xf32, #tpu.memory_space<vmem_shared>> -> memref<1x400x8xf32, #tpu.memory_space<vmem_shared>>
          %dma_start3A_1248 = tpu.memref_squeeze %dma_start3A_1247 : memref<1x400x8xf32, #tpu.memory_space<vmem_shared>> -> memref<400x8xf32, #tpu.memory_space<vmem_shared>>
          %dma_start3A_1249 = arith.constant 0 : i32
          %dma_start3A_1250 = arith.constant 0 : i32
          %dma_start3A_1251 = tpu.memref_slice %arg11[%arg1, %dma_start3A_1249, %dma_start3A_1250] : memref<16x400x8xf32, #tpu.memory_space<vmem_shared>> -> memref<1x400x8xf32, #tpu.memory_space<vmem_shared>>
          %dma_start3A_1252 = tpu.memref_squeeze %dma_start3A_1251 : memref<1x400x8xf32, #tpu.memory_space<vmem_shared>> -> memref<400x8xf32, #tpu.memory_space<vmem_shared>>
          %dma_start3A_1253 = arith.constant 0 : i32
          %dma_start3A_1254 = arith.constant 0 : i32
          %dma_start3A_1255 = tpu.memref_slice %arg7[%run_scoped3A, %dma_start3A_1253, %dma_start3A_1254] : memref<2x400x128xf32, #tpu.memory_space<vmem>> -> memref<1x400x8xf32, #tpu.memory_space<vmem>>
          %dma_start3A_1256 = tpu.memref_squeeze %dma_start3A_1255 : memref<1x400x8xf32, #tpu.memory_space<vmem>> -> memref<400x8xf32, #tpu.memory_space<vmem>>
          tpu.enqueue_dma source(%dma_start3A_1256 : memref<400x8xf32, #tpu.memory_space<vmem>>) target(%dma_start3A_1252 : memref<400x8xf32, #tpu.memory_space<vmem_shared>>) target_semaphore(%run_scoped3A_1240 : memref<!tpu.dma_semaphore, #tpu.memory_space<semaphore_mem>>)
          %dma_wait3A_1257 = arith.constant 0 : i32
          %dma_wait3A_1258 = arith.constant 0 : i32
          %dma_wait3A_1259 = tpu.memref_slice %arg7[%run_scoped3A, %dma_wait3A_1257, %dma_wait3A_1258] : memref<2x400x128xf32, #tpu.memory_space<vmem>> -> memref<1x400x8xf32, #tpu.memory_space<vmem>>
          %dma_wait3A_1260 = tpu.memref_squeeze %dma_wait3A_1259 : memref<1x400x8xf32, #tpu.memory_space<vmem>> -> memref<400x8xf32, #tpu.memory_space<vmem>>
          %dma_wait3A_1261 = arith.constant 0 : i32
          %dma_wait3A_1262 = arith.constant 0 : i32
          %dma_wait3A_1263 = tpu.memref_slice %arg11[%arg1, %dma_wait3A_1261, %dma_wait3A_1262] : memref<16x400x8xf32, #tpu.memory_space<vmem_shared>> -> memref<1x400x8xf32, #tpu.memory_space<vmem_shared>>
          %dma_wait3A_1264 = tpu.memref_squeeze %dma_wait3A_1263 : memref<1x400x8xf32, #tpu.memory_space<vmem_shared>> -> memref<400x8xf32, #tpu.memory_space<vmem_shared>>
          %dma_wait3A_1265 = arith.constant 0 : i32
          %dma_wait3A_1266 = arith.constant 0 : i32
          %dma_wait3A_1267 = tpu.memref_slice %arg11[%arg1, %dma_wait3A_1265, %dma_wait3A_1266] : memref<16x400x8xf32, #tpu.memory_space<vmem_shared>> -> memref<1x400x8xf32, #tpu.memory_space<vmem_shared>>
          %dma_wait3A_1268 = tpu.memref_squeeze %dma_wait3A_1267 : memref<1x400x8xf32, #tpu.memory_space<vmem_shared>> -> memref<400x8xf32, #tpu.memory_space<vmem_shared>>
          %dma_wait3A_1269 = arith.constant 0 : i32
          %dma_wait3A_1270 = arith.constant 0 : i32
          %dma_wait3A_1271 = tpu.memref_slice %arg7[%run_scoped3A, %dma_wait3A_1269, %dma_wait3A_1270] : memref<2x400x128xf32, #tpu.memory_space<vmem>> -> memref<1x400x8xf32, #tpu.memory_space<vmem>>
          %dma_wait3A_1272 = tpu.memref_squeeze %dma_wait3A_1271 : memref<1x400x8xf32, #tpu.memory_space<vmem>> -> memref<400x8xf32, #tpu.memory_space<vmem>>
          tpu.wait_dma2 semaphore(%run_scoped3A_1240 : memref<!tpu.dma_semaphore, #tpu.memory_space<semaphore_mem>>) src(%dma_wait3A_1272 : memref<400x8xf32, #tpu.memory_space<vmem>>) dst(%dma_wait3A_1268 : memref<400x8xf32, #tpu.memory_space<vmem_shared>>)
          tpu.yield
        }) : () -> ()
        %run_scoped3A_485 = arith.constant 1 : i32
        "tpu.region"() ({
          %run_scoped3A_1240 = tpu.sem_alloc : memref<!tpu.dma_semaphore, #tpu.memory_space<semaphore_mem>>
          %dma_start3A_1241 = arith.constant 0 : i32
          %dma_start3A_1242 = arith.constant 0 : i32
          %dma_start3A_1243 = tpu.memref_slice %arg8[%run_scoped3A_485, %dma_start3A_1241, %dma_start3A_1242] : memref<2x400x8xf32, #tpu.memory_space<vmem>> -> memref<1x400x8xf32, #tpu.memory_space<vmem>>
          %dma_start3A_1244 = tpu.memref_squeeze %dma_start3A_1243 : memref<1x400x8xf32, #tpu.memory_space<vmem>> -> memref<400x8xf32, #tpu.memory_space<vmem>>
          %dma_start3A_1245 = arith.constant 0 : i32
          %dma_start3A_1246 = arith.constant 0 : i32
          %dma_start3A_1247 = tpu.memref_slice %arg11[%arg1, %dma_start3A_1245, %dma_start3A_1246] : memref<16x400x8xf32, #tpu.memory_space<vmem_shared>> -> memref<1x400x8xf32, #tpu.memory_space<vmem_shared>>
          %dma_start3A_1248 = tpu.memref_squeeze %dma_start3A_1247 : memref<1x400x8xf32, #tpu.memory_space<vmem_shared>> -> memref<400x8xf32, #tpu.memory_space<vmem_shared>>
          %dma_start3A_1249 = arith.constant 0 : i32
          %dma_start3A_1250 = arith.constant 0 : i32
          %dma_start3A_1251 = tpu.memref_slice %arg8[%run_scoped3A_485, %dma_start3A_1249, %dma_start3A_1250] : memref<2x400x8xf32, #tpu.memory_space<vmem>> -> memref<1x400x8xf32, #tpu.memory_space<vmem>>
          %dma_start3A_1252 = tpu.memref_squeeze %dma_start3A_1251 : memref<1x400x8xf32, #tpu.memory_space<vmem>> -> memref<400x8xf32, #tpu.memory_space<vmem>>
          %dma_start3A_1253 = arith.constant 0 : i32
          %dma_start3A_1254 = arith.constant 0 : i32
          %dma_start3A_1255 = tpu.memref_slice %arg11[%arg1, %dma_start3A_1253, %dma_start3A_1254] : memref<16x400x8xf32, #tpu.memory_space<vmem_shared>> -> memref<1x400x8xf32, #tpu.memory_space<vmem_shared>>
          %dma_start3A_1256 = tpu.memref_squeeze %dma_start3A_1255 : memref<1x400x8xf32, #tpu.memory_space<vmem_shared>> -> memref<400x8xf32, #tpu.memory_space<vmem_shared>>
          tpu.enqueue_dma source(%dma_start3A_1256 : memref<400x8xf32, #tpu.memory_space<vmem_shared>>) target(%dma_start3A_1252 : memref<400x8xf32, #tpu.memory_space<vmem>>) target_semaphore(%run_scoped3A_1240 : memref<!tpu.dma_semaphore, #tpu.memory_space<semaphore_mem>>)
          %dma_wait3A_1257 = arith.constant 0 : i32
          %dma_wait3A_1258 = arith.constant 0 : i32
          %dma_wait3A_1259 = tpu.memref_slice %arg8[%run_scoped3A_485, %dma_wait3A_1257, %dma_wait3A_1258] : memref<2x400x8xf32, #tpu.memory_space<vmem>> -> memref<1x400x8xf32, #tpu.memory_space<vmem>>
          %dma_wait3A_1260 = tpu.memref_squeeze %dma_wait3A_1259 : memref<1x400x8xf32, #tpu.memory_space<vmem>> -> memref<400x8xf32, #tpu.memory_space<vmem>>
          %dma_wait3A_1261 = arith.constant 0 : i32
          %dma_wait3A_1262 = arith.constant 0 : i32
          %dma_wait3A_1263 = tpu.memref_slice %arg11[%arg1, %dma_wait3A_1261, %dma_wait3A_1262] : memref<16x400x8xf32, #tpu.memory_space<vmem_shared>> -> memref<1x400x8xf32, #tpu.memory_space<vmem_shared>>
          %dma_wait3A_1264 = tpu.memref_squeeze %dma_wait3A_1263 : memref<1x400x8xf32, #tpu.memory_space<vmem_shared>> -> memref<400x8xf32, #tpu.memory_space<vmem_shared>>
          %dma_wait3A_1265 = arith.constant 0 : i32
          %dma_wait3A_1266 = arith.constant 0 : i32
          %dma_wait3A_1267 = tpu.memref_slice %arg8[%run_scoped3A_485, %dma_wait3A_1265, %dma_wait3A_1266] : memref<2x400x8xf32, #tpu.memory_space<vmem>> -> memref<1x400x8xf32, #tpu.memory_space<vmem>>
          %dma_wait3A_1268 = tpu.memref_squeeze %dma_wait3A_1267 : memref<1x400x8xf32, #tpu.memory_space<vmem>> -> memref<400x8xf32, #tpu.memory_space<vmem>>
          %dma_wait3A_1269 = arith.constant 0 : i32
          %dma_wait3A_1270 = arith.constant 0 : i32
          %dma_wait3A_1271 = tpu.memref_slice %arg11[%arg1, %dma_wait3A_1269, %dma_wait3A_1270] : memref<16x400x8xf32, #tpu.memory_space<vmem_shared>> -> memref<1x400x8xf32, #tpu.memory_space<vmem_shared>>
          %dma_wait3A_1272 = tpu.memref_squeeze %dma_wait3A_1271 : memref<1x400x8xf32, #tpu.memory_space<vmem_shared>> -> memref<400x8xf32, #tpu.memory_space<vmem_shared>>
          tpu.wait_dma2 semaphore(%run_scoped3A_1240 : memref<!tpu.dma_semaphore, #tpu.memory_space<semaphore_mem>>) src(%dma_wait3A_1272 : memref<400x8xf32, #tpu.memory_space<vmem_shared>>) dst(%dma_wait3A_1268 : memref<400x8xf32, #tpu.memory_space<vmem>>)
          tpu.yield
        }) : () -> ()
        %gt3A = arith.constant 0 : i32
        %gt3A_486 = arith.cmpi sgt, %scan3A_449, %gt3A : i32
        %convert_element_type3A_487 = arith.extui %gt3A_486 : i1 to i32
        %cond3A_488 = arith.constant 0 : i32
        %cond3A_489 = arith.cmpi ne, %convert_element_type3A_487, %cond3A_488 : i32
        scf.if %cond3A_489 {
          %dma_wait3A_1240 = arith.constant 0 : i32
          %dma_wait3A_1241 = arith.constant 0 : i32
          %dma_wait3A_1242 = arith.constant 0 : i32
          %dma_wait3A_1243 = tpu.memref_slice %arg8[%dma_wait3A_1240, %dma_wait3A_1241, %dma_wait3A_1242] : memref<2x400x8xf32, #tpu.memory_space<vmem>> -> memref<1x400x8xf32, #tpu.memory_space<vmem>>
          %dma_wait3A_1244 = tpu.memref_squeeze %dma_wait3A_1243 : memref<1x400x8xf32, #tpu.memory_space<vmem>> -> memref<400x8xf32, #tpu.memory_space<vmem>>
          %dma_wait3A_1245 = arith.constant 0 : i32
          %dma_wait3A_1246 = arith.constant 0 : i32
          %dma_wait3A_1247 = tpu.memref_slice %arg3[%dma_wait3A_1245, %dma_wait3A_1246] : memref<512x8xf32, #tpu.memory_space<hbm>> -> memref<400x8xf32, #tpu.memory_space<hbm>>
          %dma_wait3A_1248 = arith.constant 0 : i32
          %dma_wait3A_1249 = arith.constant 0 : i32
          %dma_wait3A_1250 = tpu.memref_slice %arg8[%dma_wait3A_1240, %dma_wait3A_1248, %dma_wait3A_1249] : memref<2x400x8xf32, #tpu.memory_space<vmem>> -> memref<1x400x8xf32, #tpu.memory_space<vmem>>
          %dma_wait3A_1251 = tpu.memref_squeeze %dma_wait3A_1250 : memref<1x400x8xf32, #tpu.memory_space<vmem>> -> memref<400x8xf32, #tpu.memory_space<vmem>>
          %dma_wait3A_1252 = arith.constant 0 : i32
          %dma_wait3A_1253 = arith.constant 0 : i32
          %dma_wait3A_1254 = tpu.memref_slice %arg3[%dma_wait3A_1252, %dma_wait3A_1253] : memref<512x8xf32, #tpu.memory_space<hbm>> -> memref<400x8xf32, #tpu.memory_space<hbm>>
          tpu.wait_dma2 semaphore(%arg14 : memref<!tpu.dma_semaphore, #tpu.memory_space<semaphore_mem>>) src(%dma_wait3A_1254 : memref<400x8xf32, #tpu.memory_space<hbm>>) dst(%dma_wait3A_1251 : memref<400x8xf32, #tpu.memory_space<vmem>>)
        } else {
        }
        %mul3A_490 = arith.constant 512 : i32
        %mul3A_491 = arith.muli %arg1, %mul3A_490 : i32
        %mul3A_492 = arith.constant 8 : i32
        %mul3A_493 = arith.muli %scan3A_449, %mul3A_492 : i32
        %add3A_494 = arith.addi %mul3A_491, %mul3A_493 : i32
        %ge3A = arith.constant 50 : i32
        %ge3A_495 = vector.broadcast %ge3A : i32 to vector<16xi32>
        %ge3A_496 = arith.cmpi sge, %iota3A, %ge3A_495 : vector<16xi32>
        %jit3A = arith.constant 1 : i32
        %jit3A_497 = arith.constant 0 : i32
        %broadcast_in_dim3A = vector.broadcast %jit3A : i32 to vector<16xi32>
        %broadcast_in_dim3A_498 = vector.broadcast %jit3A_497 : i32 to vector<16xi32>
        %select_n3A = arith.select %ge3A_496, %broadcast_in_dim3A, %broadcast_in_dim3A_498 : vector<16xi1>, vector<16xi32>
        %add3A_499 = arith.constant 0 : i32
        %add3A_500 = arith.addi %add3A_494, %add3A_499 : i32
        %add3A_501 = vector.broadcast %add3A_500 : i32 to vector<16xi32>
        %add3A_502 = arith.addi %add3A_501, %select_n3A : vector<16xi32>
        %swap3A = arith.constant 0 : i32
        %swap3A_503 = arith.index_cast %swap3A : i32 to index
        %swap3A_504 = arith.constant 0 : index
        %swap3A_505 = tpu.vector_load %arg9[%swap3A_503, %swap3A_504] {strides = array<i32>} : memref<25x16xi32, #tpu.memory_space<vmem>>, vector<1x16xi32>,
        %swap3A_506 = vector.shape_cast %swap3A_505 : vector<1x16xi32> to vector<16xi32>
        %swap3A_507 = vector.shape_cast %add3A_502 : vector<16xi32> to vector<1x16xi32>
        tpu.vector_store %arg9[%swap3A_503, %swap3A_504], %swap3A_507 {strides = array<i32>} : memref<25x16xi32, #tpu.memory_space<vmem>>, vector<1x16xi32>,
        %ge3A_508 = arith.constant 34 : i32
        %ge3A_509 = vector.broadcast %ge3A_508 : i32 to vector<16xi32>
        %ge3A_510 = arith.cmpi sge, %iota3A, %ge3A_509 : vector<16xi32>
        %jit3A_511 = arith.constant 1 : i32
        %jit3A_512 = arith.constant 0 : i32
        %broadcast_in_dim3A_513 = vector.broadcast %jit3A_511 : i32 to vector<16xi32>
        %broadcast_in_dim3A_514 = vector.broadcast %jit3A_512 : i32 to vector<16xi32>
        %select_n3A_515 = arith.select %ge3A_510, %broadcast_in_dim3A_513, %broadcast_in_dim3A_514 : vector<16xi1>, vector<16xi32>
        %add3A_516 = arith.constant 0 : i32
        %add3A_517 = arith.addi %add3A_494, %add3A_516 : i32
        %add3A_518 = vector.broadcast %add3A_517 : i32 to vector<16xi32>
        %add3A_519 = arith.addi %add3A_518, %select_n3A_515 : vector<16xi32>
        %swap3A_520 = arith.constant 1 : i32
        %swap3A_521 = arith.index_cast %swap3A_520 : i32 to index
        %swap3A_522 = arith.constant 0 : index
        %swap3A_523 = tpu.vector_load %arg9[%swap3A_521, %swap3A_522] {strides = array<i32>} : memref<25x16xi32, #tpu.memory_space<vmem>>, vector<1x16xi32>,
        %swap3A_524 = vector.shape_cast %swap3A_523 : vector<1x16xi32> to vector<16xi32>
        %swap3A_525 = vector.shape_cast %add3A_519 : vector<16xi32> to vector<1x16xi32>
        tpu.vector_store %arg9[%swap3A_521, %swap3A_522], %swap3A_525 {strides = array<i32>} : memref<25x16xi32, #tpu.memory_space<vmem>>, vector<1x16xi32>,
        %ge3A_526 = arith.constant 18 : i32
        %ge3A_527 = vector.broadcast %ge3A_526 : i32 to vector<16xi32>
        %ge3A_528 = arith.cmpi sge, %iota3A, %ge3A_527 : vector<16xi32>
        %jit3A_529 = arith.constant 1 : i32
        %jit3A_530 = arith.constant 0 : i32
        %broadcast_in_dim3A_531 = vector.broadcast %jit3A_529 : i32 to vector<16xi32>
        %broadcast_in_dim3A_532 = vector.broadcast %jit3A_530 : i32 to vector<16xi32>
        %select_n3A_533 = arith.select %ge3A_528, %broadcast_in_dim3A_531, %broadcast_in_dim3A_532 : vector<16xi1>, vector<16xi32>
        %add3A_534 = arith.constant 0 : i32
        %add3A_535 = arith.addi %add3A_494, %add3A_534 : i32
        %add3A_536 = vector.broadcast %add3A_535 : i32 to vector<16xi32>
        %add3A_537 = arith.addi %add3A_536, %select_n3A_533 : vector<16xi32>
        %swap3A_538 = arith.constant 2 : i32
        %swap3A_539 = arith.index_cast %swap3A_538 : i32 to index
        %swap3A_540 = arith.constant 0 : index
        %swap3A_541 = tpu.vector_load %arg9[%swap3A_539, %swap3A_540] {strides = array<i32>} : memref<25x16xi32, #tpu.memory_space<vmem>>, vector<1x16xi32>,
        %swap3A_542 = vector.shape_cast %swap3A_541 : vector<1x16xi32> to vector<16xi32>
        %swap3A_543 = vector.shape_cast %add3A_537 : vector<16xi32> to vector<1x16xi32>
        tpu.vector_store %arg9[%swap3A_539, %swap3A_540], %swap3A_543 {strides = array<i32>} : memref<25x16xi32, #tpu.memory_space<vmem>>, vector<1x16xi32>,
        %ge3A_544 = arith.constant 2 : i32
        %ge3A_545 = vector.broadcast %ge3A_544 : i32 to vector<16xi32>
        %ge3A_546 = arith.cmpi sge, %iota3A, %ge3A_545 : vector<16xi32>
        %jit3A_547 = arith.constant 1 : i32
        %jit3A_548 = arith.constant 0 : i32
        %broadcast_in_dim3A_549 = vector.broadcast %jit3A_547 : i32 to vector<16xi32>
        %broadcast_in_dim3A_550 = vector.broadcast %jit3A_548 : i32 to vector<16xi32>
        %select_n3A_551 = arith.select %ge3A_546, %broadcast_in_dim3A_549, %broadcast_in_dim3A_550 : vector<16xi1>, vector<16xi32>
        %add3A_552 = arith.constant 0 : i32
        %add3A_553 = arith.addi %add3A_494, %add3A_552 : i32
        %add3A_554 = vector.broadcast %add3A_553 : i32 to vector<16xi32>
        %add3A_555 = arith.addi %add3A_554, %select_n3A_551 : vector<16xi32>
        %swap3A_556 = arith.constant 3 : i32
        %swap3A_557 = arith.index_cast %swap3A_556 : i32 to index
        %swap3A_558 = arith.constant 0 : index
        %swap3A_559 = tpu.vector_load %arg9[%swap3A_557, %swap3A_558] {strides = array<i32>} : memref<25x16xi32, #tpu.memory_space<vmem>>, vector<1x16xi32>,
        %swap3A_560 = vector.shape_cast %swap3A_559 : vector<1x16xi32> to vector<16xi32>
        %swap3A_561 = vector.shape_cast %add3A_555 : vector<16xi32> to vector<1x16xi32>
        tpu.vector_store %arg9[%swap3A_557, %swap3A_558], %swap3A_561 {strides = array<i32>} : memref<25x16xi32, #tpu.memory_space<vmem>>, vector<1x16xi32>,
        %ge3A_562 = arith.constant 36 : i32
        %ge3A_563 = vector.broadcast %ge3A_562 : i32 to vector<16xi32>
        %ge3A_564 = arith.cmpi sge, %iota3A, %ge3A_563 : vector<16xi32>
        %jit3A_565 = arith.constant 1 : i32
        %jit3A_566 = arith.constant 0 : i32
        %broadcast_in_dim3A_567 = vector.broadcast %jit3A_565 : i32 to vector<16xi32>
        %broadcast_in_dim3A_568 = vector.broadcast %jit3A_566 : i32 to vector<16xi32>
        %select_n3A_569 = arith.select %ge3A_564, %broadcast_in_dim3A_567, %broadcast_in_dim3A_568 : vector<16xi1>, vector<16xi32>
        %add3A_570 = arith.constant 1 : i32
        %add3A_571 = arith.addi %add3A_494, %add3A_570 : i32
        %add3A_572 = vector.broadcast %add3A_571 : i32 to vector<16xi32>
        %add3A_573 = arith.addi %add3A_572, %select_n3A_569 : vector<16xi32>
        %swap3A_574 = arith.constant 4 : i32
        %swap3A_575 = arith.index_cast %swap3A_574 : i32 to index
        %swap3A_576 = arith.constant 0 : index
        %swap3A_577 = tpu.vector_load %arg9[%swap3A_575, %swap3A_576] {strides = array<i32>} : memref<25x16xi32, #tpu.memory_space<vmem>>, vector<1x16xi32>,
        %swap3A_578 = vector.shape_cast %swap3A_577 : vector<1x16xi32> to vector<16xi32>
        %swap3A_579 = vector.shape_cast %add3A_573 : vector<16xi32> to vector<1x16xi32>
        tpu.vector_store %arg9[%swap3A_575, %swap3A_576], %swap3A_579 {strides = array<i32>} : memref<25x16xi32, #tpu.memory_space<vmem>>, vector<1x16xi32>,
        %ge3A_580 = arith.constant 20 : i32
        %ge3A_581 = vector.broadcast %ge3A_580 : i32 to vector<16xi32>
        %ge3A_582 = arith.cmpi sge, %iota3A, %ge3A_581 : vector<16xi32>
        %jit3A_583 = arith.constant 1 : i32
        %jit3A_584 = arith.constant 0 : i32
        %broadcast_in_dim3A_585 = vector.broadcast %jit3A_583 : i32 to vector<16xi32>
        %broadcast_in_dim3A_586 = vector.broadcast %jit3A_584 : i32 to vector<16xi32>
        %select_n3A_587 = arith.select %ge3A_582, %broadcast_in_dim3A_585, %broadcast_in_dim3A_586 : vector<16xi1>, vector<16xi32>
        %add3A_588 = arith.constant 1 : i32
        %add3A_589 = arith.addi %add3A_494, %add3A_588 : i32
        %add3A_590 = vector.broadcast %add3A_589 : i32 to vector<16xi32>
        %add3A_591 = arith.addi %add3A_590, %select_n3A_587 : vector<16xi32>
        %swap3A_592 = arith.constant 5 : i32
        %swap3A_593 = arith.index_cast %swap3A_592 : i32 to index
        %swap3A_594 = arith.constant 0 : index
        %swap3A_595 = tpu.vector_load %arg9[%swap3A_593, %swap3A_594] {strides = array<i32>} : memref<25x16xi32, #tpu.memory_space<vmem>>, vector<1x16xi32>,
        %swap3A_596 = vector.shape_cast %swap3A_595 : vector<1x16xi32> to vector<16xi32>
        %swap3A_597 = vector.shape_cast %add3A_591 : vector<16xi32> to vector<1x16xi32>
        tpu.vector_store %arg9[%swap3A_593, %swap3A_594], %swap3A_597 {strides = array<i32>} : memref<25x16xi32, #tpu.memory_space<vmem>>, vector<1x16xi32>,
        %ge3A_598 = arith.constant 4 : i32
        %ge3A_599 = vector.broadcast %ge3A_598 : i32 to vector<16xi32>
        %ge3A_600 = arith.cmpi sge, %iota3A, %ge3A_599 : vector<16xi32>
        %jit3A_601 = arith.constant 1 : i32
        %jit3A_602 = arith.constant 0 : i32
        %broadcast_in_dim3A_603 = vector.broadcast %jit3A_601 : i32 to vector<16xi32>
        %broadcast_in_dim3A_604 = vector.broadcast %jit3A_602 : i32 to vector<16xi32>
        %select_n3A_605 = arith.select %ge3A_600, %broadcast_in_dim3A_603, %broadcast_in_dim3A_604 : vector<16xi1>, vector<16xi32>
        %add3A_606 = arith.constant 1 : i32
        %add3A_607 = arith.addi %add3A_494, %add3A_606 : i32
        %add3A_608 = vector.broadcast %add3A_607 : i32 to vector<16xi32>
        %add3A_609 = arith.addi %add3A_608, %select_n3A_605 : vector<16xi32>
        %swap3A_610 = arith.constant 6 : i32
        %swap3A_611 = arith.index_cast %swap3A_610 : i32 to index
        %swap3A_612 = arith.constant 0 : index
        %swap3A_613 = tpu.vector_load %arg9[%swap3A_611, %swap3A_612] {strides = array<i32>} : memref<25x16xi32, #tpu.memory_space<vmem>>, vector<1x16xi32>,
        %swap3A_614 = vector.shape_cast %swap3A_613 : vector<1x16xi32> to vector<16xi32>
        %swap3A_615 = vector.shape_cast %add3A_609 : vector<16xi32> to vector<1x16xi32>
        tpu.vector_store %arg9[%swap3A_611, %swap3A_612], %swap3A_615 {strides = array<i32>} : memref<25x16xi32, #tpu.memory_space<vmem>>, vector<1x16xi32>,
        %ge3A_616 = arith.constant 38 : i32
        %ge3A_617 = vector.broadcast %ge3A_616 : i32 to vector<16xi32>
        %ge3A_618 = arith.cmpi sge, %iota3A, %ge3A_617 : vector<16xi32>
        %jit3A_619 = arith.constant 1 : i32
        %jit3A_620 = arith.constant 0 : i32
        %broadcast_in_dim3A_621 = vector.broadcast %jit3A_619 : i32 to vector<16xi32>
        %broadcast_in_dim3A_622 = vector.broadcast %jit3A_620 : i32 to vector<16xi32>
        %select_n3A_623 = arith.select %ge3A_618, %broadcast_in_dim3A_621, %broadcast_in_dim3A_622 : vector<16xi1>, vector<16xi32>
        %add3A_624 = arith.constant 2 : i32
        %add3A_625 = arith.addi %add3A_494, %add3A_624 : i32
        %add3A_626 = vector.broadcast %add3A_625 : i32 to vector<16xi32>
        %add3A_627 = arith.addi %add3A_626, %select_n3A_623 : vector<16xi32>
        %swap3A_628 = arith.constant 7 : i32
        %swap3A_629 = arith.index_cast %swap3A_628 : i32 to index
        %swap3A_630 = arith.constant 0 : index
        %swap3A_631 = tpu.vector_load %arg9[%swap3A_629, %swap3A_630] {strides = array<i32>} : memref<25x16xi32, #tpu.memory_space<vmem>>, vector<1x16xi32>,
        %swap3A_632 = vector.shape_cast %swap3A_631 : vector<1x16xi32> to vector<16xi32>
        %swap3A_633 = vector.shape_cast %add3A_627 : vector<16xi32> to vector<1x16xi32>
        tpu.vector_store %arg9[%swap3A_629, %swap3A_630], %swap3A_633 {strides = array<i32>} : memref<25x16xi32, #tpu.memory_space<vmem>>, vector<1x16xi32>,
        %ge3A_634 = arith.constant 22 : i32
        %ge3A_635 = vector.broadcast %ge3A_634 : i32 to vector<16xi32>
        %ge3A_636 = arith.cmpi sge, %iota3A, %ge3A_635 : vector<16xi32>
        %jit3A_637 = arith.constant 1 : i32
        %jit3A_638 = arith.constant 0 : i32
        %broadcast_in_dim3A_639 = vector.broadcast %jit3A_637 : i32 to vector<16xi32>
        %broadcast_in_dim3A_640 = vector.broadcast %jit3A_638 : i32 to vector<16xi32>
        %select_n3A_641 = arith.select %ge3A_636, %broadcast_in_dim3A_639, %broadcast_in_dim3A_640 : vector<16xi1>, vector<16xi32>
        %add3A_642 = arith.constant 2 : i32
        %add3A_643 = arith.addi %add3A_494, %add3A_642 : i32
        %add3A_644 = vector.broadcast %add3A_643 : i32 to vector<16xi32>
        %add3A_645 = arith.addi %add3A_644, %select_n3A_641 : vector<16xi32>
        %swap3A_646 = arith.constant 8 : i32
        %swap3A_647 = arith.index_cast %swap3A_646 : i32 to index
        %swap3A_648 = arith.constant 0 : index
        %swap3A_649 = tpu.vector_load %arg9[%swap3A_647, %swap3A_648] {strides = array<i32>} : memref<25x16xi32, #tpu.memory_space<vmem>>, vector<1x16xi32>,
        %swap3A_650 = vector.shape_cast %swap3A_649 : vector<1x16xi32> to vector<16xi32>
        %swap3A_651 = vector.shape_cast %add3A_645 : vector<16xi32> to vector<1x16xi32>
        tpu.vector_store %arg9[%swap3A_647, %swap3A_648], %swap3A_651 {strides = array<i32>} : memref<25x16xi32, #tpu.memory_space<vmem>>, vector<1x16xi32>,
        %ge3A_652 = arith.constant 6 : i32
        %ge3A_653 = vector.broadcast %ge3A_652 : i32 to vector<16xi32>
        %ge3A_654 = arith.cmpi sge, %iota3A, %ge3A_653 : vector<16xi32>
        %jit3A_655 = arith.constant 1 : i32
        %jit3A_656 = arith.constant 0 : i32
        %broadcast_in_dim3A_657 = vector.broadcast %jit3A_655 : i32 to vector<16xi32>
        %broadcast_in_dim3A_658 = vector.broadcast %jit3A_656 : i32 to vector<16xi32>
        %select_n3A_659 = arith.select %ge3A_654, %broadcast_in_dim3A_657, %broadcast_in_dim3A_658 : vector<16xi1>, vector<16xi32>
        %add3A_660 = arith.constant 2 : i32
        %add3A_661 = arith.addi %add3A_494, %add3A_660 : i32
        %add3A_662 = vector.broadcast %add3A_661 : i32 to vector<16xi32>
        %add3A_663 = arith.addi %add3A_662, %select_n3A_659 : vector<16xi32>
        %swap3A_664 = arith.constant 9 : i32
        %swap3A_665 = arith.index_cast %swap3A_664 : i32 to index
        %swap3A_666 = arith.constant 0 : index
        %swap3A_667 = tpu.vector_load %arg9[%swap3A_665, %swap3A_666] {strides = array<i32>} : memref<25x16xi32, #tpu.memory_space<vmem>>, vector<1x16xi32>,
        %swap3A_668 = vector.shape_cast %swap3A_667 : vector<1x16xi32> to vector<16xi32>
        %swap3A_669 = vector.shape_cast %add3A_663 : vector<16xi32> to vector<1x16xi32>
        tpu.vector_store %arg9[%swap3A_665, %swap3A_666], %swap3A_669 {strides = array<i32>} : memref<25x16xi32, #tpu.memory_space<vmem>>, vector<1x16xi32>,
        %ge3A_670 = arith.constant 40 : i32
        %ge3A_671 = vector.broadcast %ge3A_670 : i32 to vector<16xi32>
        %ge3A_672 = arith.cmpi sge, %iota3A, %ge3A_671 : vector<16xi32>
        %jit3A_673 = arith.constant 1 : i32
        %jit3A_674 = arith.constant 0 : i32
        %broadcast_in_dim3A_675 = vector.broadcast %jit3A_673 : i32 to vector<16xi32>
        %broadcast_in_dim3A_676 = vector.broadcast %jit3A_674 : i32 to vector<16xi32>
        %select_n3A_677 = arith.select %ge3A_672, %broadcast_in_dim3A_675, %broadcast_in_dim3A_676 : vector<16xi1>, vector<16xi32>
        %add3A_678 = arith.constant 3 : i32
        %add3A_679 = arith.addi %add3A_494, %add3A_678 : i32
        %add3A_680 = vector.broadcast %add3A_679 : i32 to vector<16xi32>
        %add3A_681 = arith.addi %add3A_680, %select_n3A_677 : vector<16xi32>
        %swap3A_682 = arith.constant 10 : i32
        %swap3A_683 = arith.index_cast %swap3A_682 : i32 to index
        %swap3A_684 = arith.constant 0 : index
        %swap3A_685 = tpu.vector_load %arg9[%swap3A_683, %swap3A_684] {strides = array<i32>} : memref<25x16xi32, #tpu.memory_space<vmem>>, vector<1x16xi32>,
        %swap3A_686 = vector.shape_cast %swap3A_685 : vector<1x16xi32> to vector<16xi32>
        %swap3A_687 = vector.shape_cast %add3A_681 : vector<16xi32> to vector<1x16xi32>
        tpu.vector_store %arg9[%swap3A_683, %swap3A_684], %swap3A_687 {strides = array<i32>} : memref<25x16xi32, #tpu.memory_space<vmem>>, vector<1x16xi32>,
        %ge3A_688 = arith.constant 24 : i32
        %ge3A_689 = vector.broadcast %ge3A_688 : i32 to vector<16xi32>
        %ge3A_690 = arith.cmpi sge, %iota3A, %ge3A_689 : vector<16xi32>
        %jit3A_691 = arith.constant 1 : i32
        %jit3A_692 = arith.constant 0 : i32
        %broadcast_in_dim3A_693 = vector.broadcast %jit3A_691 : i32 to vector<16xi32>
        %broadcast_in_dim3A_694 = vector.broadcast %jit3A_692 : i32 to vector<16xi32>
        %select_n3A_695 = arith.select %ge3A_690, %broadcast_in_dim3A_693, %broadcast_in_dim3A_694 : vector<16xi1>, vector<16xi32>
        %add3A_696 = arith.constant 3 : i32
        %add3A_697 = arith.addi %add3A_494, %add3A_696 : i32
        %add3A_698 = vector.broadcast %add3A_697 : i32 to vector<16xi32>
        %add3A_699 = arith.addi %add3A_698, %select_n3A_695 : vector<16xi32>
        %swap3A_700 = arith.constant 11 : i32
        %swap3A_701 = arith.index_cast %swap3A_700 : i32 to index
        %swap3A_702 = arith.constant 0 : index
        %swap3A_703 = tpu.vector_load %arg9[%swap3A_701, %swap3A_702] {strides = array<i32>} : memref<25x16xi32, #tpu.memory_space<vmem>>, vector<1x16xi32>,
        %swap3A_704 = vector.shape_cast %swap3A_703 : vector<1x16xi32> to vector<16xi32>
        %swap3A_705 = vector.shape_cast %add3A_699 : vector<16xi32> to vector<1x16xi32>
        tpu.vector_store %arg9[%swap3A_701, %swap3A_702], %swap3A_705 {strides = array<i32>} : memref<25x16xi32, #tpu.memory_space<vmem>>, vector<1x16xi32>,
        %ge3A_706 = arith.constant 8 : i32
        %ge3A_707 = vector.broadcast %ge3A_706 : i32 to vector<16xi32>
        %ge3A_708 = arith.cmpi sge, %iota3A, %ge3A_707 : vector<16xi32>
        %jit3A_709 = arith.constant 1 : i32
        %jit3A_710 = arith.constant 0 : i32
        %broadcast_in_dim3A_711 = vector.broadcast %jit3A_709 : i32 to vector<16xi32>
        %broadcast_in_dim3A_712 = vector.broadcast %jit3A_710 : i32 to vector<16xi32>
        %select_n3A_713 = arith.select %ge3A_708, %broadcast_in_dim3A_711, %broadcast_in_dim3A_712 : vector<16xi1>, vector<16xi32>
        %add3A_714 = arith.constant 3 : i32
        %add3A_715 = arith.addi %add3A_494, %add3A_714 : i32
        %add3A_716 = vector.broadcast %add3A_715 : i32 to vector<16xi32>
        %add3A_717 = arith.addi %add3A_716, %select_n3A_713 : vector<16xi32>
        %swap3A_718 = arith.constant 12 : i32
        %swap3A_719 = arith.index_cast %swap3A_718 : i32 to index
        %swap3A_720 = arith.constant 0 : index
        %swap3A_721 = tpu.vector_load %arg9[%swap3A_719, %swap3A_720] {strides = array<i32>} : memref<25x16xi32, #tpu.memory_space<vmem>>, vector<1x16xi32>,
        %swap3A_722 = vector.shape_cast %swap3A_721 : vector<1x16xi32> to vector<16xi32>
        %swap3A_723 = vector.shape_cast %add3A_717 : vector<16xi32> to vector<1x16xi32>
        tpu.vector_store %arg9[%swap3A_719, %swap3A_720], %swap3A_723 {strides = array<i32>} : memref<25x16xi32, #tpu.memory_space<vmem>>, vector<1x16xi32>,
        %ge3A_724 = arith.constant 42 : i32
        %ge3A_725 = vector.broadcast %ge3A_724 : i32 to vector<16xi32>
        %ge3A_726 = arith.cmpi sge, %iota3A, %ge3A_725 : vector<16xi32>
        %jit3A_727 = arith.constant 1 : i32
        %jit3A_728 = arith.constant 0 : i32
        %broadcast_in_dim3A_729 = vector.broadcast %jit3A_727 : i32 to vector<16xi32>
        %broadcast_in_dim3A_730 = vector.broadcast %jit3A_728 : i32 to vector<16xi32>
        %select_n3A_731 = arith.select %ge3A_726, %broadcast_in_dim3A_729, %broadcast_in_dim3A_730 : vector<16xi1>, vector<16xi32>
        %add3A_732 = arith.constant 4 : i32
        %add3A_733 = arith.addi %add3A_494, %add3A_732 : i32
        %add3A_734 = vector.broadcast %add3A_733 : i32 to vector<16xi32>
        %add3A_735 = arith.addi %add3A_734, %select_n3A_731 : vector<16xi32>
        %swap3A_736 = arith.constant 13 : i32
        %swap3A_737 = arith.index_cast %swap3A_736 : i32 to index
        %swap3A_738 = arith.constant 0 : index
        %swap3A_739 = tpu.vector_load %arg9[%swap3A_737, %swap3A_738] {strides = array<i32>} : memref<25x16xi32, #tpu.memory_space<vmem>>, vector<1x16xi32>,
        %swap3A_740 = vector.shape_cast %swap3A_739 : vector<1x16xi32> to vector<16xi32>
        %swap3A_741 = vector.shape_cast %add3A_735 : vector<16xi32> to vector<1x16xi32>
        tpu.vector_store %arg9[%swap3A_737, %swap3A_738], %swap3A_741 {strides = array<i32>} : memref<25x16xi32, #tpu.memory_space<vmem>>, vector<1x16xi32>,
        %ge3A_742 = arith.constant 26 : i32
        %ge3A_743 = vector.broadcast %ge3A_742 : i32 to vector<16xi32>
        %ge3A_744 = arith.cmpi sge, %iota3A, %ge3A_743 : vector<16xi32>
        %jit3A_745 = arith.constant 1 : i32
        %jit3A_746 = arith.constant 0 : i32
        %broadcast_in_dim3A_747 = vector.broadcast %jit3A_745 : i32 to vector<16xi32>
        %broadcast_in_dim3A_748 = vector.broadcast %jit3A_746 : i32 to vector<16xi32>
        %select_n3A_749 = arith.select %ge3A_744, %broadcast_in_dim3A_747, %broadcast_in_dim3A_748 : vector<16xi1>, vector<16xi32>
        %add3A_750 = arith.constant 4 : i32
        %add3A_751 = arith.addi %add3A_494, %add3A_750 : i32
        %add3A_752 = vector.broadcast %add3A_751 : i32 to vector<16xi32>
        %add3A_753 = arith.addi %add3A_752, %select_n3A_749 : vector<16xi32>
        %swap3A_754 = arith.constant 14 : i32
        %swap3A_755 = arith.index_cast %swap3A_754 : i32 to index
        %swap3A_756 = arith.constant 0 : index
        %swap3A_757 = tpu.vector_load %arg9[%swap3A_755, %swap3A_756] {strides = array<i32>} : memref<25x16xi32, #tpu.memory_space<vmem>>, vector<1x16xi32>,
        %swap3A_758 = vector.shape_cast %swap3A_757 : vector<1x16xi32> to vector<16xi32>
        %swap3A_759 = vector.shape_cast %add3A_753 : vector<16xi32> to vector<1x16xi32>
        tpu.vector_store %arg9[%swap3A_755, %swap3A_756], %swap3A_759 {strides = array<i32>} : memref<25x16xi32, #tpu.memory_space<vmem>>, vector<1x16xi32>,
        %ge3A_760 = arith.constant 10 : i32
        %ge3A_761 = vector.broadcast %ge3A_760 : i32 to vector<16xi32>
        %ge3A_762 = arith.cmpi sge, %iota3A, %ge3A_761 : vector<16xi32>
        %jit3A_763 = arith.constant 1 : i32
        %jit3A_764 = arith.constant 0 : i32
        %broadcast_in_dim3A_765 = vector.broadcast %jit3A_763 : i32 to vector<16xi32>
        %broadcast_in_dim3A_766 = vector.broadcast %jit3A_764 : i32 to vector<16xi32>
        %select_n3A_767 = arith.select %ge3A_762, %broadcast_in_dim3A_765, %broadcast_in_dim3A_766 : vector<16xi1>, vector<16xi32>
        %add3A_768 = arith.constant 4 : i32
        %add3A_769 = arith.addi %add3A_494, %add3A_768 : i32
        %add3A_770 = vector.broadcast %add3A_769 : i32 to vector<16xi32>
        %add3A_771 = arith.addi %add3A_770, %select_n3A_767 : vector<16xi32>
        %swap3A_772 = arith.constant 15 : i32
        %swap3A_773 = arith.index_cast %swap3A_772 : i32 to index
        %swap3A_774 = arith.constant 0 : index
        %swap3A_775 = tpu.vector_load %arg9[%swap3A_773, %swap3A_774] {strides = array<i32>} : memref<25x16xi32, #tpu.memory_space<vmem>>, vector<1x16xi32>,
        %swap3A_776 = vector.shape_cast %swap3A_775 : vector<1x16xi32> to vector<16xi32>
        %swap3A_777 = vector.shape_cast %add3A_771 : vector<16xi32> to vector<1x16xi32>
        tpu.vector_store %arg9[%swap3A_773, %swap3A_774], %swap3A_777 {strides = array<i32>} : memref<25x16xi32, #tpu.memory_space<vmem>>, vector<1x16xi32>,
        %ge3A_778 = arith.constant 44 : i32
        %ge3A_779 = vector.broadcast %ge3A_778 : i32 to vector<16xi32>
        %ge3A_780 = arith.cmpi sge, %iota3A, %ge3A_779 : vector<16xi32>
        %jit3A_781 = arith.constant 1 : i32
        %jit3A_782 = arith.constant 0 : i32
        %broadcast_in_dim3A_783 = vector.broadcast %jit3A_781 : i32 to vector<16xi32>
        %broadcast_in_dim3A_784 = vector.broadcast %jit3A_782 : i32 to vector<16xi32>
        %select_n3A_785 = arith.select %ge3A_780, %broadcast_in_dim3A_783, %broadcast_in_dim3A_784 : vector<16xi1>, vector<16xi32>
        %add3A_786 = arith.constant 5 : i32
        %add3A_787 = arith.addi %add3A_494, %add3A_786 : i32
        %add3A_788 = vector.broadcast %add3A_787 : i32 to vector<16xi32>
        %add3A_789 = arith.addi %add3A_788, %select_n3A_785 : vector<16xi32>
        %swap3A_790 = arith.constant 16 : i32
        %swap3A_791 = arith.index_cast %swap3A_790 : i32 to index
        %swap3A_792 = arith.constant 0 : index
        %swap3A_793 = tpu.vector_load %arg9[%swap3A_791, %swap3A_792] {strides = array<i32>} : memref<25x16xi32, #tpu.memory_space<vmem>>, vector<1x16xi32>,
        %swap3A_794 = vector.shape_cast %swap3A_793 : vector<1x16xi32> to vector<16xi32>
        %swap3A_795 = vector.shape_cast %add3A_789 : vector<16xi32> to vector<1x16xi32>
        tpu.vector_store %arg9[%swap3A_791, %swap3A_792], %swap3A_795 {strides = array<i32>} : memref<25x16xi32, #tpu.memory_space<vmem>>, vector<1x16xi32>,
        %ge3A_796 = arith.constant 28 : i32
        %ge3A_797 = vector.broadcast %ge3A_796 : i32 to vector<16xi32>
        %ge3A_798 = arith.cmpi sge, %iota3A, %ge3A_797 : vector<16xi32>
        %jit3A_799 = arith.constant 1 : i32
        %jit3A_800 = arith.constant 0 : i32
        %broadcast_in_dim3A_801 = vector.broadcast %jit3A_799 : i32 to vector<16xi32>
        %broadcast_in_dim3A_802 = vector.broadcast %jit3A_800 : i32 to vector<16xi32>
        %select_n3A_803 = arith.select %ge3A_798, %broadcast_in_dim3A_801, %broadcast_in_dim3A_802 : vector<16xi1>, vector<16xi32>
        %add3A_804 = arith.constant 5 : i32
        %add3A_805 = arith.addi %add3A_494, %add3A_804 : i32
        %add3A_806 = vector.broadcast %add3A_805 : i32 to vector<16xi32>
        %add3A_807 = arith.addi %add3A_806, %select_n3A_803 : vector<16xi32>
        %swap3A_808 = arith.constant 17 : i32
        %swap3A_809 = arith.index_cast %swap3A_808 : i32 to index
        %swap3A_810 = arith.constant 0 : index
        %swap3A_811 = tpu.vector_load %arg9[%swap3A_809, %swap3A_810] {strides = array<i32>} : memref<25x16xi32, #tpu.memory_space<vmem>>, vector<1x16xi32>,
        %swap3A_812 = vector.shape_cast %swap3A_811 : vector<1x16xi32> to vector<16xi32>
        %swap3A_813 = vector.shape_cast %add3A_807 : vector<16xi32> to vector<1x16xi32>
        tpu.vector_store %arg9[%swap3A_809, %swap3A_810], %swap3A_813 {strides = array<i32>} : memref<25x16xi32, #tpu.memory_space<vmem>>, vector<1x16xi32>,
        %ge3A_814 = arith.constant 12 : i32
        %ge3A_815 = vector.broadcast %ge3A_814 : i32 to vector<16xi32>
        %ge3A_816 = arith.cmpi sge, %iota3A, %ge3A_815 : vector<16xi32>
        %jit3A_817 = arith.constant 1 : i32
        %jit3A_818 = arith.constant 0 : i32
        %broadcast_in_dim3A_819 = vector.broadcast %jit3A_817 : i32 to vector<16xi32>
        %broadcast_in_dim3A_820 = vector.broadcast %jit3A_818 : i32 to vector<16xi32>
        %select_n3A_821 = arith.select %ge3A_816, %broadcast_in_dim3A_819, %broadcast_in_dim3A_820 : vector<16xi1>, vector<16xi32>
        %add3A_822 = arith.constant 5 : i32
        %add3A_823 = arith.addi %add3A_494, %add3A_822 : i32
        %add3A_824 = vector.broadcast %add3A_823 : i32 to vector<16xi32>
        %add3A_825 = arith.addi %add3A_824, %select_n3A_821 : vector<16xi32>
        %swap3A_826 = arith.constant 18 : i32
        %swap3A_827 = arith.index_cast %swap3A_826 : i32 to index
        %swap3A_828 = arith.constant 0 : index
        %swap3A_829 = tpu.vector_load %arg9[%swap3A_827, %swap3A_828] {strides = array<i32>} : memref<25x16xi32, #tpu.memory_space<vmem>>, vector<1x16xi32>,
        %swap3A_830 = vector.shape_cast %swap3A_829 : vector<1x16xi32> to vector<16xi32>
        %swap3A_831 = vector.shape_cast %add3A_825 : vector<16xi32> to vector<1x16xi32>
        tpu.vector_store %arg9[%swap3A_827, %swap3A_828], %swap3A_831 {strides = array<i32>} : memref<25x16xi32, #tpu.memory_space<vmem>>, vector<1x16xi32>,
        %ge3A_832 = arith.constant 46 : i32
        %ge3A_833 = vector.broadcast %ge3A_832 : i32 to vector<16xi32>
        %ge3A_834 = arith.cmpi sge, %iota3A, %ge3A_833 : vector<16xi32>
        %jit3A_835 = arith.constant 1 : i32
        %jit3A_836 = arith.constant 0 : i32
        %broadcast_in_dim3A_837 = vector.broadcast %jit3A_835 : i32 to vector<16xi32>
        %broadcast_in_dim3A_838 = vector.broadcast %jit3A_836 : i32 to vector<16xi32>
        %select_n3A_839 = arith.select %ge3A_834, %broadcast_in_dim3A_837, %broadcast_in_dim3A_838 : vector<16xi1>, vector<16xi32>
        %add3A_840 = arith.constant 6 : i32
        %add3A_841 = arith.addi %add3A_494, %add3A_840 : i32
        %add3A_842 = vector.broadcast %add3A_841 : i32 to vector<16xi32>
        %add3A_843 = arith.addi %add3A_842, %select_n3A_839 : vector<16xi32>
        %swap3A_844 = arith.constant 19 : i32
        %swap3A_845 = arith.index_cast %swap3A_844 : i32 to index
        %swap3A_846 = arith.constant 0 : index
        %swap3A_847 = tpu.vector_load %arg9[%swap3A_845, %swap3A_846] {strides = array<i32>} : memref<25x16xi32, #tpu.memory_space<vmem>>, vector<1x16xi32>,
        %swap3A_848 = vector.shape_cast %swap3A_847 : vector<1x16xi32> to vector<16xi32>
        %swap3A_849 = vector.shape_cast %add3A_843 : vector<16xi32> to vector<1x16xi32>
        tpu.vector_store %arg9[%swap3A_845, %swap3A_846], %swap3A_849 {strides = array<i32>} : memref<25x16xi32, #tpu.memory_space<vmem>>, vector<1x16xi32>,
        %ge3A_850 = arith.constant 30 : i32
        %ge3A_851 = vector.broadcast %ge3A_850 : i32 to vector<16xi32>
        %ge3A_852 = arith.cmpi sge, %iota3A, %ge3A_851 : vector<16xi32>
        %jit3A_853 = arith.constant 1 : i32
        %jit3A_854 = arith.constant 0 : i32
        %broadcast_in_dim3A_855 = vector.broadcast %jit3A_853 : i32 to vector<16xi32>
        %broadcast_in_dim3A_856 = vector.broadcast %jit3A_854 : i32 to vector<16xi32>
        %select_n3A_857 = arith.select %ge3A_852, %broadcast_in_dim3A_855, %broadcast_in_dim3A_856 : vector<16xi1>, vector<16xi32>
        %add3A_858 = arith.constant 6 : i32
        %add3A_859 = arith.addi %add3A_494, %add3A_858 : i32
        %add3A_860 = vector.broadcast %add3A_859 : i32 to vector<16xi32>
        %add3A_861 = arith.addi %add3A_860, %select_n3A_857 : vector<16xi32>
        %swap3A_862 = arith.constant 20 : i32
        %swap3A_863 = arith.index_cast %swap3A_862 : i32 to index
        %swap3A_864 = arith.constant 0 : index
        %swap3A_865 = tpu.vector_load %arg9[%swap3A_863, %swap3A_864] {strides = array<i32>} : memref<25x16xi32, #tpu.memory_space<vmem>>, vector<1x16xi32>,
        %swap3A_866 = vector.shape_cast %swap3A_865 : vector<1x16xi32> to vector<16xi32>
        %swap3A_867 = vector.shape_cast %add3A_861 : vector<16xi32> to vector<1x16xi32>
        tpu.vector_store %arg9[%swap3A_863, %swap3A_864], %swap3A_867 {strides = array<i32>} : memref<25x16xi32, #tpu.memory_space<vmem>>, vector<1x16xi32>,
        %ge3A_868 = arith.constant 14 : i32
        %ge3A_869 = vector.broadcast %ge3A_868 : i32 to vector<16xi32>
        %ge3A_870 = arith.cmpi sge, %iota3A, %ge3A_869 : vector<16xi32>
        %jit3A_871 = arith.constant 1 : i32
        %jit3A_872 = arith.constant 0 : i32
        %broadcast_in_dim3A_873 = vector.broadcast %jit3A_871 : i32 to vector<16xi32>
        %broadcast_in_dim3A_874 = vector.broadcast %jit3A_872 : i32 to vector<16xi32>
        %select_n3A_875 = arith.select %ge3A_870, %broadcast_in_dim3A_873, %broadcast_in_dim3A_874 : vector<16xi1>, vector<16xi32>
        %add3A_876 = arith.constant 6 : i32
        %add3A_877 = arith.addi %add3A_494, %add3A_876 : i32
        %add3A_878 = vector.broadcast %add3A_877 : i32 to vector<16xi32>
        %add3A_879 = arith.addi %add3A_878, %select_n3A_875 : vector<16xi32>
        %swap3A_880 = arith.constant 21 : i32
        %swap3A_881 = arith.index_cast %swap3A_880 : i32 to index
        %swap3A_882 = arith.constant 0 : index
        %swap3A_883 = tpu.vector_load %arg9[%swap3A_881, %swap3A_882] {strides = array<i32>} : memref<25x16xi32, #tpu.memory_space<vmem>>, vector<1x16xi32>,
        %swap3A_884 = vector.shape_cast %swap3A_883 : vector<1x16xi32> to vector<16xi32>
        %swap3A_885 = vector.shape_cast %add3A_879 : vector<16xi32> to vector<1x16xi32>
        tpu.vector_store %arg9[%swap3A_881, %swap3A_882], %swap3A_885 {strides = array<i32>} : memref<25x16xi32, #tpu.memory_space<vmem>>, vector<1x16xi32>,
        %ge3A_886 = arith.constant 48 : i32
        %ge3A_887 = vector.broadcast %ge3A_886 : i32 to vector<16xi32>
        %ge3A_888 = arith.cmpi sge, %iota3A, %ge3A_887 : vector<16xi32>
        %jit3A_889 = arith.constant 1 : i32
        %jit3A_890 = arith.constant 0 : i32
        %broadcast_in_dim3A_891 = vector.broadcast %jit3A_889 : i32 to vector<16xi32>
        %broadcast_in_dim3A_892 = vector.broadcast %jit3A_890 : i32 to vector<16xi32>
        %select_n3A_893 = arith.select %ge3A_888, %broadcast_in_dim3A_891, %broadcast_in_dim3A_892 : vector<16xi1>, vector<16xi32>
        %add3A_894 = arith.constant 7 : i32
        %add3A_895 = arith.addi %add3A_494, %add3A_894 : i32
        %add3A_896 = vector.broadcast %add3A_895 : i32 to vector<16xi32>
        %add3A_897 = arith.addi %add3A_896, %select_n3A_893 : vector<16xi32>
        %swap3A_898 = arith.constant 22 : i32
        %swap3A_899 = arith.index_cast %swap3A_898 : i32 to index
        %swap3A_900 = arith.constant 0 : index
        %swap3A_901 = tpu.vector_load %arg9[%swap3A_899, %swap3A_900] {strides = array<i32>} : memref<25x16xi32, #tpu.memory_space<vmem>>, vector<1x16xi32>,
        %swap3A_902 = vector.shape_cast %swap3A_901 : vector<1x16xi32> to vector<16xi32>
        %swap3A_903 = vector.shape_cast %add3A_897 : vector<16xi32> to vector<1x16xi32>
        tpu.vector_store %arg9[%swap3A_899, %swap3A_900], %swap3A_903 {strides = array<i32>} : memref<25x16xi32, #tpu.memory_space<vmem>>, vector<1x16xi32>,
        %ge3A_904 = arith.constant 32 : i32
        %ge3A_905 = vector.broadcast %ge3A_904 : i32 to vector<16xi32>
        %ge3A_906 = arith.cmpi sge, %iota3A, %ge3A_905 : vector<16xi32>
        %jit3A_907 = arith.constant 1 : i32
        %jit3A_908 = arith.constant 0 : i32
        %broadcast_in_dim3A_909 = vector.broadcast %jit3A_907 : i32 to vector<16xi32>
        %broadcast_in_dim3A_910 = vector.broadcast %jit3A_908 : i32 to vector<16xi32>
        %select_n3A_911 = arith.select %ge3A_906, %broadcast_in_dim3A_909, %broadcast_in_dim3A_910 : vector<16xi1>, vector<16xi32>
        %add3A_912 = arith.constant 7 : i32
        %add3A_913 = arith.addi %add3A_494, %add3A_912 : i32
        %add3A_914 = vector.broadcast %add3A_913 : i32 to vector<16xi32>
        %add3A_915 = arith.addi %add3A_914, %select_n3A_911 : vector<16xi32>
        %swap3A_916 = arith.constant 23 : i32
        %swap3A_917 = arith.index_cast %swap3A_916 : i32 to index
        %swap3A_918 = arith.constant 0 : index
        %swap3A_919 = tpu.vector_load %arg9[%swap3A_917, %swap3A_918] {strides = array<i32>} : memref<25x16xi32, #tpu.memory_space<vmem>>, vector<1x16xi32>,
        %swap3A_920 = vector.shape_cast %swap3A_919 : vector<1x16xi32> to vector<16xi32>
        %swap3A_921 = vector.shape_cast %add3A_915 : vector<16xi32> to vector<1x16xi32>
        tpu.vector_store %arg9[%swap3A_917, %swap3A_918], %swap3A_921 {strides = array<i32>} : memref<25x16xi32, #tpu.memory_space<vmem>>, vector<1x16xi32>,
        %ge3A_922 = arith.constant 16 : i32
        %ge3A_923 = vector.broadcast %ge3A_922 : i32 to vector<16xi32>
        %ge3A_924 = arith.cmpi sge, %iota3A, %ge3A_923 : vector<16xi32>
        %jit3A_925 = arith.constant 1 : i32
        %jit3A_926 = arith.constant 0 : i32
        %broadcast_in_dim3A_927 = vector.broadcast %jit3A_925 : i32 to vector<16xi32>
        %broadcast_in_dim3A_928 = vector.broadcast %jit3A_926 : i32 to vector<16xi32>
        %select_n3A_929 = arith.select %ge3A_924, %broadcast_in_dim3A_927, %broadcast_in_dim3A_928 : vector<16xi1>, vector<16xi32>
        %add3A_930 = arith.constant 7 : i32
        %add3A_931 = arith.addi %add3A_494, %add3A_930 : i32
        %add3A_932 = vector.broadcast %add3A_931 : i32 to vector<16xi32>
        %add3A_933 = arith.addi %add3A_932, %select_n3A_929 : vector<16xi32>
        %swap3A_934 = arith.constant 24 : i32
        %swap3A_935 = arith.index_cast %swap3A_934 : i32 to index
        %swap3A_936 = arith.constant 0 : index
        %swap3A_937 = tpu.vector_load %arg9[%swap3A_935, %swap3A_936] {strides = array<i32>} : memref<25x16xi32, #tpu.memory_space<vmem>>, vector<1x16xi32>,
        %swap3A_938 = vector.shape_cast %swap3A_937 : vector<1x16xi32> to vector<16xi32>
        %swap3A_939 = vector.shape_cast %add3A_933 : vector<16xi32> to vector<1x16xi32>
        tpu.vector_store %arg9[%swap3A_935, %swap3A_936], %swap3A_939 {strides = array<i32>} : memref<25x16xi32, #tpu.memory_space<vmem>>, vector<1x16xi32>,
        %dma_start3A_940 = arith.constant 1 : i32
        %dma_start3A_941 = arith.constant 0 : i32
        %dma_start3A_942 = arith.constant 0 : i32
        %dma_start3A_943 = arith.constant 0 : i32
        %dma_start3A_944 = tpu.memref_slice %arg8[%dma_start3A_940, %dma_start3A_942, %dma_start3A_943] : memref<2x400x8xf32, #tpu.memory_space<vmem>> -> memref<1x16x8xf32, #tpu.memory_space<vmem>>
        %dma_start3A_945 = tpu.memref_squeeze %dma_start3A_944 : memref<1x16x8xf32, #tpu.memory_space<vmem>> -> memref<16x8xf32, #tpu.memory_space<vmem>>
        %dma_start3A_946 = arith.constant 0 : i32
        %dma_start3A_947 = tpu.memref_slice %arg9[%dma_start3A_941, %dma_start3A_946] : memref<25x16xi32, #tpu.memory_space<vmem>> -> memref<1x16xi32, #tpu.memory_space<vmem>>
        %dma_start3A_948 = tpu.memref_squeeze %dma_start3A_947 : memref<1x16xi32, #tpu.memory_space<vmem>> -> memref<16xi32, #tpu.memory_space<vmem>>
        %dma_start3A_949 = arith.constant 0 : i32
        %dma_start3A_950 = arith.constant 0 : i32
        %dma_start3A_951 = tpu.memref_slice %arg10[%dma_start3A_949, %dma_start3A_950] : memref<8192x8xf32, #tpu.memory_space<vmem_shared>> -> memref<8192x8xf32, #tpu.memory_space<vmem_shared>>
        tpu.enqueue_indirect_dma source(%dma_start3A_945 : memref<16x8xf32, #tpu.memory_space<vmem>>) target(%dma_start3A_951 : memref<8192x8xf32, #tpu.memory_space<vmem_shared>>) offsets(%dma_start3A_948 : memref<16xi32, #tpu.memory_space<vmem>>) semaphore(%arg15 : memref<!tpu.dma_semaphore, #tpu.memory_space<semaphore_mem>>) {add = true}
        %dma_start3A_952 = arith.constant 1 : i32
        %dma_start3A_953 = arith.constant 1 : i32
        %dma_start3A_954 = arith.constant 16 : i32
        %dma_start3A_955 = arith.constant 0 : i32
        %dma_start3A_956 = tpu.memref_slice %arg8[%dma_start3A_952, %dma_start3A_954, %dma_start3A_955] : memref<2x400x8xf32, #tpu.memory_space<vmem>> -> memref<1x16x8xf32, #tpu.memory_space<vmem>>
        %dma_start3A_957 = tpu.memref_squeeze %dma_start3A_956 : memref<1x16x8xf32, #tpu.memory_space<vmem>> -> memref<16x8xf32, #tpu.memory_space<vmem>>
        %dma_start3A_958 = arith.constant 0 : i32
        %dma_start3A_959 = tpu.memref_slice %arg9[%dma_start3A_953, %dma_start3A_958] : memref<25x16xi32, #tpu.memory_space<vmem>> -> memref<1x16xi32, #tpu.memory_space<vmem>>
        %dma_start3A_960 = tpu.memref_squeeze %dma_start3A_959 : memref<1x16xi32, #tpu.memory_space<vmem>> -> memref<16xi32, #tpu.memory_space<vmem>>
        %dma_start3A_961 = arith.constant 0 : i32
        %dma_start3A_962 = arith.constant 0 : i32
        %dma_start3A_963 = tpu.memref_slice %arg10[%dma_start3A_961, %dma_start3A_962] : memref<8192x8xf32, #tpu.memory_space<vmem_shared>> -> memref<8192x8xf32, #tpu.memory_space<vmem_shared>>
        tpu.enqueue_indirect_dma source(%dma_start3A_957 : memref<16x8xf32, #tpu.memory_space<vmem>>) target(%dma_start3A_963 : memref<8192x8xf32, #tpu.memory_space<vmem_shared>>) offsets(%dma_start3A_960 : memref<16xi32, #tpu.memory_space<vmem>>) semaphore(%arg15 : memref<!tpu.dma_semaphore, #tpu.memory_space<semaphore_mem>>) {add = true}
        %dma_start3A_964 = arith.constant 1 : i32
        %dma_start3A_965 = arith.constant 2 : i32
        %dma_start3A_966 = arith.constant 32 : i32
        %dma_start3A_967 = arith.constant 0 : i32
        %dma_start3A_968 = tpu.memref_slice %arg8[%dma_start3A_964, %dma_start3A_966, %dma_start3A_967] : memref<2x400x8xf32, #tpu.memory_space<vmem>> -> memref<1x16x8xf32, #tpu.memory_space<vmem>>
        %dma_start3A_969 = tpu.memref_squeeze %dma_start3A_968 : memref<1x16x8xf32, #tpu.memory_space<vmem>> -> memref<16x8xf32, #tpu.memory_space<vmem>>
        %dma_start3A_970 = arith.constant 0 : i32
        %dma_start3A_971 = tpu.memref_slice %arg9[%dma_start3A_965, %dma_start3A_970] : memref<25x16xi32, #tpu.memory_space<vmem>> -> memref<1x16xi32, #tpu.memory_space<vmem>>
        %dma_start3A_972 = tpu.memref_squeeze %dma_start3A_971 : memref<1x16xi32, #tpu.memory_space<vmem>> -> memref<16xi32, #tpu.memory_space<vmem>>
        %dma_start3A_973 = arith.constant 0 : i32
        %dma_start3A_974 = arith.constant 0 : i32
        %dma_start3A_975 = tpu.memref_slice %arg10[%dma_start3A_973, %dma_start3A_974] : memref<8192x8xf32, #tpu.memory_space<vmem_shared>> -> memref<8192x8xf32, #tpu.memory_space<vmem_shared>>
        tpu.enqueue_indirect_dma source(%dma_start3A_969 : memref<16x8xf32, #tpu.memory_space<vmem>>) target(%dma_start3A_975 : memref<8192x8xf32, #tpu.memory_space<vmem_shared>>) offsets(%dma_start3A_972 : memref<16xi32, #tpu.memory_space<vmem>>) semaphore(%arg15 : memref<!tpu.dma_semaphore, #tpu.memory_space<semaphore_mem>>) {add = true}
        %dma_start3A_976 = arith.constant 1 : i32
        %dma_start3A_977 = arith.constant 3 : i32
        %dma_start3A_978 = arith.constant 48 : i32
        %dma_start3A_979 = arith.constant 0 : i32
        %dma_start3A_980 = tpu.memref_slice %arg8[%dma_start3A_976, %dma_start3A_978, %dma_start3A_979] : memref<2x400x8xf32, #tpu.memory_space<vmem>> -> memref<1x16x8xf32, #tpu.memory_space<vmem>>
        %dma_start3A_981 = tpu.memref_squeeze %dma_start3A_980 : memref<1x16x8xf32, #tpu.memory_space<vmem>> -> memref<16x8xf32, #tpu.memory_space<vmem>>
        %dma_start3A_982 = arith.constant 0 : i32
        %dma_start3A_983 = tpu.memref_slice %arg9[%dma_start3A_977, %dma_start3A_982] : memref<25x16xi32, #tpu.memory_space<vmem>> -> memref<1x16xi32, #tpu.memory_space<vmem>>
        %dma_start3A_984 = tpu.memref_squeeze %dma_start3A_983 : memref<1x16xi32, #tpu.memory_space<vmem>> -> memref<16xi32, #tpu.memory_space<vmem>>
        %dma_start3A_985 = arith.constant 0 : i32
        %dma_start3A_986 = arith.constant 0 : i32
        %dma_start3A_987 = tpu.memref_slice %arg10[%dma_start3A_985, %dma_start3A_986] : memref<8192x8xf32, #tpu.memory_space<vmem_shared>> -> memref<8192x8xf32, #tpu.memory_space<vmem_shared>>
        tpu.enqueue_indirect_dma source(%dma_start3A_981 : memref<16x8xf32, #tpu.memory_space<vmem>>) target(%dma_start3A_987 : memref<8192x8xf32, #tpu.memory_space<vmem_shared>>) offsets(%dma_start3A_984 : memref<16xi32, #tpu.memory_space<vmem>>) semaphore(%arg15 : memref<!tpu.dma_semaphore, #tpu.memory_space<semaphore_mem>>) {add = true}
        %dma_start3A_988 = arith.constant 1 : i32
        %dma_start3A_989 = arith.constant 4 : i32
        %dma_start3A_990 = arith.constant 64 : i32
        %dma_start3A_991 = arith.constant 0 : i32
        %dma_start3A_992 = tpu.memref_slice %arg8[%dma_start3A_988, %dma_start3A_990, %dma_start3A_991] : memref<2x400x8xf32, #tpu.memory_space<vmem>> -> memref<1x16x8xf32, #tpu.memory_space<vmem>>
        %dma_start3A_993 = tpu.memref_squeeze %dma_start3A_992 : memref<1x16x8xf32, #tpu.memory_space<vmem>> -> memref<16x8xf32, #tpu.memory_space<vmem>>
        %dma_start3A_994 = arith.constant 0 : i32
        %dma_start3A_995 = tpu.memref_slice %arg9[%dma_start3A_989, %dma_start3A_994] : memref<25x16xi32, #tpu.memory_space<vmem>> -> memref<1x16xi32, #tpu.memory_space<vmem>>
        %dma_start3A_996 = tpu.memref_squeeze %dma_start3A_995 : memref<1x16xi32, #tpu.memory_space<vmem>> -> memref<16xi32, #tpu.memory_space<vmem>>
        %dma_start3A_997 = arith.constant 0 : i32
        %dma_start3A_998 = arith.constant 0 : i32
        %dma_start3A_999 = tpu.memref_slice %arg10[%dma_start3A_997, %dma_start3A_998] : memref<8192x8xf32, #tpu.memory_space<vmem_shared>> -> memref<8192x8xf32, #tpu.memory_space<vmem_shared>>
        tpu.enqueue_indirect_dma source(%dma_start3A_993 : memref<16x8xf32, #tpu.memory_space<vmem>>) target(%dma_start3A_999 : memref<8192x8xf32, #tpu.memory_space<vmem_shared>>) offsets(%dma_start3A_996 : memref<16xi32, #tpu.memory_space<vmem>>) semaphore(%arg15 : memref<!tpu.dma_semaphore, #tpu.memory_space<semaphore_mem>>) {add = true}
        %dma_start3A_1000 = arith.constant 1 : i32
        %dma_start3A_1001 = arith.constant 5 : i32
        %dma_start3A_1002 = arith.constant 80 : i32
        %dma_start3A_1003 = arith.constant 0 : i32
        %dma_start3A_1004 = tpu.memref_slice %arg8[%dma_start3A_1000, %dma_start3A_1002, %dma_start3A_1003] : memref<2x400x8xf32, #tpu.memory_space<vmem>> -> memref<1x16x8xf32, #tpu.memory_space<vmem>>
        %dma_start3A_1005 = tpu.memref_squeeze %dma_start3A_1004 : memref<1x16x8xf32, #tpu.memory_space<vmem>> -> memref<16x8xf32, #tpu.memory_space<vmem>>
        %dma_start3A_1006 = arith.constant 0 : i32
        %dma_start3A_1007 = tpu.memref_slice %arg9[%dma_start3A_1001, %dma_start3A_1006] : memref<25x16xi32, #tpu.memory_space<vmem>> -> memref<1x16xi32, #tpu.memory_space<vmem>>
        %dma_start3A_1008 = tpu.memref_squeeze %dma_start3A_1007 : memref<1x16xi32, #tpu.memory_space<vmem>> -> memref<16xi32, #tpu.memory_space<vmem>>
        %dma_start3A_1009 = arith.constant 0 : i32
        %dma_start3A_1010 = arith.constant 0 : i32
        %dma_start3A_1011 = tpu.memref_slice %arg10[%dma_start3A_1009, %dma_start3A_1010] : memref<8192x8xf32, #tpu.memory_space<vmem_shared>> -> memref<8192x8xf32, #tpu.memory_space<vmem_shared>>
        tpu.enqueue_indirect_dma source(%dma_start3A_1005 : memref<16x8xf32, #tpu.memory_space<vmem>>) target(%dma_start3A_1011 : memref<8192x8xf32, #tpu.memory_space<vmem_shared>>) offsets(%dma_start3A_1008 : memref<16xi32, #tpu.memory_space<vmem>>) semaphore(%arg15 : memref<!tpu.dma_semaphore, #tpu.memory_space<semaphore_mem>>) {add = true}
        %dma_start3A_1012 = arith.constant 1 : i32
        %dma_start3A_1013 = arith.constant 6 : i32
        %dma_start3A_1014 = arith.constant 96 : i32
        %dma_start3A_1015 = arith.constant 0 : i32
        %dma_start3A_1016 = tpu.memref_slice %arg8[%dma_start3A_1012, %dma_start3A_1014, %dma_start3A_1015] : memref<2x400x8xf32, #tpu.memory_space<vmem>> -> memref<1x16x8xf32, #tpu.memory_space<vmem>>
        %dma_start3A_1017 = tpu.memref_squeeze %dma_start3A_1016 : memref<1x16x8xf32, #tpu.memory_space<vmem>> -> memref<16x8xf32, #tpu.memory_space<vmem>>
        %dma_start3A_1018 = arith.constant 0 : i32
        %dma_start3A_1019 = tpu.memref_slice %arg9[%dma_start3A_1013, %dma_start3A_1018] : memref<25x16xi32, #tpu.memory_space<vmem>> -> memref<1x16xi32, #tpu.memory_space<vmem>>
        %dma_start3A_1020 = tpu.memref_squeeze %dma_start3A_1019 : memref<1x16xi32, #tpu.memory_space<vmem>> -> memref<16xi32, #tpu.memory_space<vmem>>
        %dma_start3A_1021 = arith.constant 0 : i32
        %dma_start3A_1022 = arith.constant 0 : i32
        %dma_start3A_1023 = tpu.memref_slice %arg10[%dma_start3A_1021, %dma_start3A_1022] : memref<8192x8xf32, #tpu.memory_space<vmem_shared>> -> memref<8192x8xf32, #tpu.memory_space<vmem_shared>>
        tpu.enqueue_indirect_dma source(%dma_start3A_1017 : memref<16x8xf32, #tpu.memory_space<vmem>>) target(%dma_start3A_1023 : memref<8192x8xf32, #tpu.memory_space<vmem_shared>>) offsets(%dma_start3A_1020 : memref<16xi32, #tpu.memory_space<vmem>>) semaphore(%arg15 : memref<!tpu.dma_semaphore, #tpu.memory_space<semaphore_mem>>) {add = true}
        %dma_start3A_1024 = arith.constant 1 : i32
        %dma_start3A_1025 = arith.constant 7 : i32
        %dma_start3A_1026 = arith.constant 112 : i32
        %dma_start3A_1027 = arith.constant 0 : i32
        %dma_start3A_1028 = tpu.memref_slice %arg8[%dma_start3A_1024, %dma_start3A_1026, %dma_start3A_1027] : memref<2x400x8xf32, #tpu.memory_space<vmem>> -> memref<1x16x8xf32, #tpu.memory_space<vmem>>
        %dma_start3A_1029 = tpu.memref_squeeze %dma_start3A_1028 : memref<1x16x8xf32, #tpu.memory_space<vmem>> -> memref<16x8xf32, #tpu.memory_space<vmem>>
        %dma_start3A_1030 = arith.constant 0 : i32
        %dma_start3A_1031 = tpu.memref_slice %arg9[%dma_start3A_1025, %dma_start3A_1030] : memref<25x16xi32, #tpu.memory_space<vmem>> -> memref<1x16xi32, #tpu.memory_space<vmem>>
        %dma_start3A_1032 = tpu.memref_squeeze %dma_start3A_1031 : memref<1x16xi32, #tpu.memory_space<vmem>> -> memref<16xi32, #tpu.memory_space<vmem>>
        %dma_start3A_1033 = arith.constant 0 : i32
        %dma_start3A_1034 = arith.constant 0 : i32
        %dma_start3A_1035 = tpu.memref_slice %arg10[%dma_start3A_1033, %dma_start3A_1034] : memref<8192x8xf32, #tpu.memory_space<vmem_shared>> -> memref<8192x8xf32, #tpu.memory_space<vmem_shared>>
        tpu.enqueue_indirect_dma source(%dma_start3A_1029 : memref<16x8xf32, #tpu.memory_space<vmem>>) target(%dma_start3A_1035 : memref<8192x8xf32, #tpu.memory_space<vmem_shared>>) offsets(%dma_start3A_1032 : memref<16xi32, #tpu.memory_space<vmem>>) semaphore(%arg15 : memref<!tpu.dma_semaphore, #tpu.memory_space<semaphore_mem>>) {add = true}
        %dma_start3A_1036 = arith.constant 1 : i32
        %dma_start3A_1037 = arith.constant 8 : i32
        %dma_start3A_1038 = arith.constant 128 : i32
        %dma_start3A_1039 = arith.constant 0 : i32
        %dma_start3A_1040 = tpu.memref_slice %arg8[%dma_start3A_1036, %dma_start3A_1038, %dma_start3A_1039] : memref<2x400x8xf32, #tpu.memory_space<vmem>> -> memref<1x16x8xf32, #tpu.memory_space<vmem>>
        %dma_start3A_1041 = tpu.memref_squeeze %dma_start3A_1040 : memref<1x16x8xf32, #tpu.memory_space<vmem>> -> memref<16x8xf32, #tpu.memory_space<vmem>>
        %dma_start3A_1042 = arith.constant 0 : i32
        %dma_start3A_1043 = tpu.memref_slice %arg9[%dma_start3A_1037, %dma_start3A_1042] : memref<25x16xi32, #tpu.memory_space<vmem>> -> memref<1x16xi32, #tpu.memory_space<vmem>>
        %dma_start3A_1044 = tpu.memref_squeeze %dma_start3A_1043 : memref<1x16xi32, #tpu.memory_space<vmem>> -> memref<16xi32, #tpu.memory_space<vmem>>
        %dma_start3A_1045 = arith.constant 0 : i32
        %dma_start3A_1046 = arith.constant 0 : i32
        %dma_start3A_1047 = tpu.memref_slice %arg10[%dma_start3A_1045, %dma_start3A_1046] : memref<8192x8xf32, #tpu.memory_space<vmem_shared>> -> memref<8192x8xf32, #tpu.memory_space<vmem_shared>>
        tpu.enqueue_indirect_dma source(%dma_start3A_1041 : memref<16x8xf32, #tpu.memory_space<vmem>>) target(%dma_start3A_1047 : memref<8192x8xf32, #tpu.memory_space<vmem_shared>>) offsets(%dma_start3A_1044 : memref<16xi32, #tpu.memory_space<vmem>>) semaphore(%arg15 : memref<!tpu.dma_semaphore, #tpu.memory_space<semaphore_mem>>) {add = true}
        %dma_start3A_1048 = arith.constant 1 : i32
        %dma_start3A_1049 = arith.constant 9 : i32
        %dma_start3A_1050 = arith.constant 144 : i32
        %dma_start3A_1051 = arith.constant 0 : i32
        %dma_start3A_1052 = tpu.memref_slice %arg8[%dma_start3A_1048, %dma_start3A_1050, %dma_start3A_1051] : memref<2x400x8xf32, #tpu.memory_space<vmem>> -> memref<1x16x8xf32, #tpu.memory_space<vmem>>
        %dma_start3A_1053 = tpu.memref_squeeze %dma_start3A_1052 : memref<1x16x8xf32, #tpu.memory_space<vmem>> -> memref<16x8xf32, #tpu.memory_space<vmem>>
        %dma_start3A_1054 = arith.constant 0 : i32
        %dma_start3A_1055 = tpu.memref_slice %arg9[%dma_start3A_1049, %dma_start3A_1054] : memref<25x16xi32, #tpu.memory_space<vmem>> -> memref<1x16xi32, #tpu.memory_space<vmem>>
        %dma_start3A_1056 = tpu.memref_squeeze %dma_start3A_1055 : memref<1x16xi32, #tpu.memory_space<vmem>> -> memref<16xi32, #tpu.memory_space<vmem>>
        %dma_start3A_1057 = arith.constant 0 : i32
        %dma_start3A_1058 = arith.constant 0 : i32
        %dma_start3A_1059 = tpu.memref_slice %arg10[%dma_start3A_1057, %dma_start3A_1058] : memref<8192x8xf32, #tpu.memory_space<vmem_shared>> -> memref<8192x8xf32, #tpu.memory_space<vmem_shared>>
        tpu.enqueue_indirect_dma source(%dma_start3A_1053 : memref<16x8xf32, #tpu.memory_space<vmem>>) target(%dma_start3A_1059 : memref<8192x8xf32, #tpu.memory_space<vmem_shared>>) offsets(%dma_start3A_1056 : memref<16xi32, #tpu.memory_space<vmem>>) semaphore(%arg15 : memref<!tpu.dma_semaphore, #tpu.memory_space<semaphore_mem>>) {add = true}
        %dma_start3A_1060 = arith.constant 1 : i32
        %dma_start3A_1061 = arith.constant 10 : i32
        %dma_start3A_1062 = arith.constant 160 : i32
        %dma_start3A_1063 = arith.constant 0 : i32
        %dma_start3A_1064 = tpu.memref_slice %arg8[%dma_start3A_1060, %dma_start3A_1062, %dma_start3A_1063] : memref<2x400x8xf32, #tpu.memory_space<vmem>> -> memref<1x16x8xf32, #tpu.memory_space<vmem>>
        %dma_start3A_1065 = tpu.memref_squeeze %dma_start3A_1064 : memref<1x16x8xf32, #tpu.memory_space<vmem>> -> memref<16x8xf32, #tpu.memory_space<vmem>>
        %dma_start3A_1066 = arith.constant 0 : i32
        %dma_start3A_1067 = tpu.memref_slice %arg9[%dma_start3A_1061, %dma_start3A_1066] : memref<25x16xi32, #tpu.memory_space<vmem>> -> memref<1x16xi32, #tpu.memory_space<vmem>>
        %dma_start3A_1068 = tpu.memref_squeeze %dma_start3A_1067 : memref<1x16xi32, #tpu.memory_space<vmem>> -> memref<16xi32, #tpu.memory_space<vmem>>
        %dma_start3A_1069 = arith.constant 0 : i32
        %dma_start3A_1070 = arith.constant 0 : i32
        %dma_start3A_1071 = tpu.memref_slice %arg10[%dma_start3A_1069, %dma_start3A_1070] : memref<8192x8xf32, #tpu.memory_space<vmem_shared>> -> memref<8192x8xf32, #tpu.memory_space<vmem_shared>>
        tpu.enqueue_indirect_dma source(%dma_start3A_1065 : memref<16x8xf32, #tpu.memory_space<vmem>>) target(%dma_start3A_1071 : memref<8192x8xf32, #tpu.memory_space<vmem_shared>>) offsets(%dma_start3A_1068 : memref<16xi32, #tpu.memory_space<vmem>>) semaphore(%arg15 : memref<!tpu.dma_semaphore, #tpu.memory_space<semaphore_mem>>) {add = true}
        %dma_start3A_1072 = arith.constant 1 : i32
        %dma_start3A_1073 = arith.constant 11 : i32
        %dma_start3A_1074 = arith.constant 176 : i32
        %dma_start3A_1075 = arith.constant 0 : i32
        %dma_start3A_1076 = tpu.memref_slice %arg8[%dma_start3A_1072, %dma_start3A_1074, %dma_start3A_1075] : memref<2x400x8xf32, #tpu.memory_space<vmem>> -> memref<1x16x8xf32, #tpu.memory_space<vmem>>
        %dma_start3A_1077 = tpu.memref_squeeze %dma_start3A_1076 : memref<1x16x8xf32, #tpu.memory_space<vmem>> -> memref<16x8xf32, #tpu.memory_space<vmem>>
        %dma_start3A_1078 = arith.constant 0 : i32
        %dma_start3A_1079 = tpu.memref_slice %arg9[%dma_start3A_1073, %dma_start3A_1078] : memref<25x16xi32, #tpu.memory_space<vmem>> -> memref<1x16xi32, #tpu.memory_space<vmem>>
        %dma_start3A_1080 = tpu.memref_squeeze %dma_start3A_1079 : memref<1x16xi32, #tpu.memory_space<vmem>> -> memref<16xi32, #tpu.memory_space<vmem>>
        %dma_start3A_1081 = arith.constant 0 : i32
        %dma_start3A_1082 = arith.constant 0 : i32
        %dma_start3A_1083 = tpu.memref_slice %arg10[%dma_start3A_1081, %dma_start3A_1082] : memref<8192x8xf32, #tpu.memory_space<vmem_shared>> -> memref<8192x8xf32, #tpu.memory_space<vmem_shared>>
        tpu.enqueue_indirect_dma source(%dma_start3A_1077 : memref<16x8xf32, #tpu.memory_space<vmem>>) target(%dma_start3A_1083 : memref<8192x8xf32, #tpu.memory_space<vmem_shared>>) offsets(%dma_start3A_1080 : memref<16xi32, #tpu.memory_space<vmem>>) semaphore(%arg15 : memref<!tpu.dma_semaphore, #tpu.memory_space<semaphore_mem>>) {add = true}
        %dma_start3A_1084 = arith.constant 1 : i32
        %dma_start3A_1085 = arith.constant 12 : i32
        %dma_start3A_1086 = arith.constant 192 : i32
        %dma_start3A_1087 = arith.constant 0 : i32
        %dma_start3A_1088 = tpu.memref_slice %arg8[%dma_start3A_1084, %dma_start3A_1086, %dma_start3A_1087] : memref<2x400x8xf32, #tpu.memory_space<vmem>> -> memref<1x16x8xf32, #tpu.memory_space<vmem>>
        %dma_start3A_1089 = tpu.memref_squeeze %dma_start3A_1088 : memref<1x16x8xf32, #tpu.memory_space<vmem>> -> memref<16x8xf32, #tpu.memory_space<vmem>>
        %dma_start3A_1090 = arith.constant 0 : i32
        %dma_start3A_1091 = tpu.memref_slice %arg9[%dma_start3A_1085, %dma_start3A_1090] : memref<25x16xi32, #tpu.memory_space<vmem>> -> memref<1x16xi32, #tpu.memory_space<vmem>>
        %dma_start3A_1092 = tpu.memref_squeeze %dma_start3A_1091 : memref<1x16xi32, #tpu.memory_space<vmem>> -> memref<16xi32, #tpu.memory_space<vmem>>
        %dma_start3A_1093 = arith.constant 0 : i32
        %dma_start3A_1094 = arith.constant 0 : i32
        %dma_start3A_1095 = tpu.memref_slice %arg10[%dma_start3A_1093, %dma_start3A_1094] : memref<8192x8xf32, #tpu.memory_space<vmem_shared>> -> memref<8192x8xf32, #tpu.memory_space<vmem_shared>>
        tpu.enqueue_indirect_dma source(%dma_start3A_1089 : memref<16x8xf32, #tpu.memory_space<vmem>>) target(%dma_start3A_1095 : memref<8192x8xf32, #tpu.memory_space<vmem_shared>>) offsets(%dma_start3A_1092 : memref<16xi32, #tpu.memory_space<vmem>>) semaphore(%arg15 : memref<!tpu.dma_semaphore, #tpu.memory_space<semaphore_mem>>) {add = true}
        %dma_start3A_1096 = arith.constant 1 : i32
        %dma_start3A_1097 = arith.constant 13 : i32
        %dma_start3A_1098 = arith.constant 208 : i32
        %dma_start3A_1099 = arith.constant 0 : i32
        %dma_start3A_1100 = tpu.memref_slice %arg8[%dma_start3A_1096, %dma_start3A_1098, %dma_start3A_1099] : memref<2x400x8xf32, #tpu.memory_space<vmem>> -> memref<1x16x8xf32, #tpu.memory_space<vmem>>
        %dma_start3A_1101 = tpu.memref_squeeze %dma_start3A_1100 : memref<1x16x8xf32, #tpu.memory_space<vmem>> -> memref<16x8xf32, #tpu.memory_space<vmem>>
        %dma_start3A_1102 = arith.constant 0 : i32
        %dma_start3A_1103 = tpu.memref_slice %arg9[%dma_start3A_1097, %dma_start3A_1102] : memref<25x16xi32, #tpu.memory_space<vmem>> -> memref<1x16xi32, #tpu.memory_space<vmem>>
        %dma_start3A_1104 = tpu.memref_squeeze %dma_start3A_1103 : memref<1x16xi32, #tpu.memory_space<vmem>> -> memref<16xi32, #tpu.memory_space<vmem>>
        %dma_start3A_1105 = arith.constant 0 : i32
        %dma_start3A_1106 = arith.constant 0 : i32
        %dma_start3A_1107 = tpu.memref_slice %arg10[%dma_start3A_1105, %dma_start3A_1106] : memref<8192x8xf32, #tpu.memory_space<vmem_shared>> -> memref<8192x8xf32, #tpu.memory_space<vmem_shared>>
        tpu.enqueue_indirect_dma source(%dma_start3A_1101 : memref<16x8xf32, #tpu.memory_space<vmem>>) target(%dma_start3A_1107 : memref<8192x8xf32, #tpu.memory_space<vmem_shared>>) offsets(%dma_start3A_1104 : memref<16xi32, #tpu.memory_space<vmem>>) semaphore(%arg15 : memref<!tpu.dma_semaphore, #tpu.memory_space<semaphore_mem>>) {add = true}
        %dma_start3A_1108 = arith.constant 1 : i32
        %dma_start3A_1109 = arith.constant 14 : i32
        %dma_start3A_1110 = arith.constant 224 : i32
        %dma_start3A_1111 = arith.constant 0 : i32
        %dma_start3A_1112 = tpu.memref_slice %arg8[%dma_start3A_1108, %dma_start3A_1110, %dma_start3A_1111] : memref<2x400x8xf32, #tpu.memory_space<vmem>> -> memref<1x16x8xf32, #tpu.memory_space<vmem>>
        %dma_start3A_1113 = tpu.memref_squeeze %dma_start3A_1112 : memref<1x16x8xf32, #tpu.memory_space<vmem>> -> memref<16x8xf32, #tpu.memory_space<vmem>>
        %dma_start3A_1114 = arith.constant 0 : i32
        %dma_start3A_1115 = tpu.memref_slice %arg9[%dma_start3A_1109, %dma_start3A_1114] : memref<25x16xi32, #tpu.memory_space<vmem>> -> memref<1x16xi32, #tpu.memory_space<vmem>>
        %dma_start3A_1116 = tpu.memref_squeeze %dma_start3A_1115 : memref<1x16xi32, #tpu.memory_space<vmem>> -> memref<16xi32, #tpu.memory_space<vmem>>
        %dma_start3A_1117 = arith.constant 0 : i32
        %dma_start3A_1118 = arith.constant 0 : i32
        %dma_start3A_1119 = tpu.memref_slice %arg10[%dma_start3A_1117, %dma_start3A_1118] : memref<8192x8xf32, #tpu.memory_space<vmem_shared>> -> memref<8192x8xf32, #tpu.memory_space<vmem_shared>>
        tpu.enqueue_indirect_dma source(%dma_start3A_1113 : memref<16x8xf32, #tpu.memory_space<vmem>>) target(%dma_start3A_1119 : memref<8192x8xf32, #tpu.memory_space<vmem_shared>>) offsets(%dma_start3A_1116 : memref<16xi32, #tpu.memory_space<vmem>>) semaphore(%arg15 : memref<!tpu.dma_semaphore, #tpu.memory_space<semaphore_mem>>) {add = true}
        %dma_start3A_1120 = arith.constant 1 : i32
        %dma_start3A_1121 = arith.constant 15 : i32
        %dma_start3A_1122 = arith.constant 240 : i32
        %dma_start3A_1123 = arith.constant 0 : i32
        %dma_start3A_1124 = tpu.memref_slice %arg8[%dma_start3A_1120, %dma_start3A_1122, %dma_start3A_1123] : memref<2x400x8xf32, #tpu.memory_space<vmem>> -> memref<1x16x8xf32, #tpu.memory_space<vmem>>
        %dma_start3A_1125 = tpu.memref_squeeze %dma_start3A_1124 : memref<1x16x8xf32, #tpu.memory_space<vmem>> -> memref<16x8xf32, #tpu.memory_space<vmem>>
        %dma_start3A_1126 = arith.constant 0 : i32
        %dma_start3A_1127 = tpu.memref_slice %arg9[%dma_start3A_1121, %dma_start3A_1126] : memref<25x16xi32, #tpu.memory_space<vmem>> -> memref<1x16xi32, #tpu.memory_space<vmem>>
        %dma_start3A_1128 = tpu.memref_squeeze %dma_start3A_1127 : memref<1x16xi32, #tpu.memory_space<vmem>> -> memref<16xi32, #tpu.memory_space<vmem>>
        %dma_start3A_1129 = arith.constant 0 : i32
        %dma_start3A_1130 = arith.constant 0 : i32
        %dma_start3A_1131 = tpu.memref_slice %arg10[%dma_start3A_1129, %dma_start3A_1130] : memref<8192x8xf32, #tpu.memory_space<vmem_shared>> -> memref<8192x8xf32, #tpu.memory_space<vmem_shared>>
        tpu.enqueue_indirect_dma source(%dma_start3A_1125 : memref<16x8xf32, #tpu.memory_space<vmem>>) target(%dma_start3A_1131 : memref<8192x8xf32, #tpu.memory_space<vmem_shared>>) offsets(%dma_start3A_1128 : memref<16xi32, #tpu.memory_space<vmem>>) semaphore(%arg15 : memref<!tpu.dma_semaphore, #tpu.memory_space<semaphore_mem>>) {add = true}
        %dma_start3A_1132 = arith.constant 1 : i32
        %dma_start3A_1133 = arith.constant 16 : i32
        %dma_start3A_1134 = arith.constant 256 : i32
        %dma_start3A_1135 = arith.constant 0 : i32
        %dma_start3A_1136 = tpu.memref_slice %arg8[%dma_start3A_1132, %dma_start3A_1134, %dma_start3A_1135] : memref<2x400x8xf32, #tpu.memory_space<vmem>> -> memref<1x16x8xf32, #tpu.memory_space<vmem>>
        %dma_start3A_1137 = tpu.memref_squeeze %dma_start3A_1136 : memref<1x16x8xf32, #tpu.memory_space<vmem>> -> memref<16x8xf32, #tpu.memory_space<vmem>>
        %dma_start3A_1138 = arith.constant 0 : i32
        %dma_start3A_1139 = tpu.memref_slice %arg9[%dma_start3A_1133, %dma_start3A_1138] : memref<25x16xi32, #tpu.memory_space<vmem>> -> memref<1x16xi32, #tpu.memory_space<vmem>>
        %dma_start3A_1140 = tpu.memref_squeeze %dma_start3A_1139 : memref<1x16xi32, #tpu.memory_space<vmem>> -> memref<16xi32, #tpu.memory_space<vmem>>
        %dma_start3A_1141 = arith.constant 0 : i32
        %dma_start3A_1142 = arith.constant 0 : i32
        %dma_start3A_1143 = tpu.memref_slice %arg10[%dma_start3A_1141, %dma_start3A_1142] : memref<8192x8xf32, #tpu.memory_space<vmem_shared>> -> memref<8192x8xf32, #tpu.memory_space<vmem_shared>>
        tpu.enqueue_indirect_dma source(%dma_start3A_1137 : memref<16x8xf32, #tpu.memory_space<vmem>>) target(%dma_start3A_1143 : memref<8192x8xf32, #tpu.memory_space<vmem_shared>>) offsets(%dma_start3A_1140 : memref<16xi32, #tpu.memory_space<vmem>>) semaphore(%arg15 : memref<!tpu.dma_semaphore, #tpu.memory_space<semaphore_mem>>) {add = true}
        %dma_start3A_1144 = arith.constant 1 : i32
        %dma_start3A_1145 = arith.constant 17 : i32
        %dma_start3A_1146 = arith.constant 272 : i32
        %dma_start3A_1147 = arith.constant 0 : i32
        %dma_start3A_1148 = tpu.memref_slice %arg8[%dma_start3A_1144, %dma_start3A_1146, %dma_start3A_1147] : memref<2x400x8xf32, #tpu.memory_space<vmem>> -> memref<1x16x8xf32, #tpu.memory_space<vmem>>
        %dma_start3A_1149 = tpu.memref_squeeze %dma_start3A_1148 : memref<1x16x8xf32, #tpu.memory_space<vmem>> -> memref<16x8xf32, #tpu.memory_space<vmem>>
        %dma_start3A_1150 = arith.constant 0 : i32
        %dma_start3A_1151 = tpu.memref_slice %arg9[%dma_start3A_1145, %dma_start3A_1150] : memref<25x16xi32, #tpu.memory_space<vmem>> -> memref<1x16xi32, #tpu.memory_space<vmem>>
        %dma_start3A_1152 = tpu.memref_squeeze %dma_start3A_1151 : memref<1x16xi32, #tpu.memory_space<vmem>> -> memref<16xi32, #tpu.memory_space<vmem>>
        %dma_start3A_1153 = arith.constant 0 : i32
        %dma_start3A_1154 = arith.constant 0 : i32
        %dma_start3A_1155 = tpu.memref_slice %arg10[%dma_start3A_1153, %dma_start3A_1154] : memref<8192x8xf32, #tpu.memory_space<vmem_shared>> -> memref<8192x8xf32, #tpu.memory_space<vmem_shared>>
        tpu.enqueue_indirect_dma source(%dma_start3A_1149 : memref<16x8xf32, #tpu.memory_space<vmem>>) target(%dma_start3A_1155 : memref<8192x8xf32, #tpu.memory_space<vmem_shared>>) offsets(%dma_start3A_1152 : memref<16xi32, #tpu.memory_space<vmem>>) semaphore(%arg15 : memref<!tpu.dma_semaphore, #tpu.memory_space<semaphore_mem>>) {add = true}
        %dma_start3A_1156 = arith.constant 1 : i32
        %dma_start3A_1157 = arith.constant 18 : i32
        %dma_start3A_1158 = arith.constant 288 : i32
        %dma_start3A_1159 = arith.constant 0 : i32
        %dma_start3A_1160 = tpu.memref_slice %arg8[%dma_start3A_1156, %dma_start3A_1158, %dma_start3A_1159] : memref<2x400x8xf32, #tpu.memory_space<vmem>> -> memref<1x16x8xf32, #tpu.memory_space<vmem>>
        %dma_start3A_1161 = tpu.memref_squeeze %dma_start3A_1160 : memref<1x16x8xf32, #tpu.memory_space<vmem>> -> memref<16x8xf32, #tpu.memory_space<vmem>>
        %dma_start3A_1162 = arith.constant 0 : i32
        %dma_start3A_1163 = tpu.memref_slice %arg9[%dma_start3A_1157, %dma_start3A_1162] : memref<25x16xi32, #tpu.memory_space<vmem>> -> memref<1x16xi32, #tpu.memory_space<vmem>>
        %dma_start3A_1164 = tpu.memref_squeeze %dma_start3A_1163 : memref<1x16xi32, #tpu.memory_space<vmem>> -> memref<16xi32, #tpu.memory_space<vmem>>
        %dma_start3A_1165 = arith.constant 0 : i32
        %dma_start3A_1166 = arith.constant 0 : i32
        %dma_start3A_1167 = tpu.memref_slice %arg10[%dma_start3A_1165, %dma_start3A_1166] : memref<8192x8xf32, #tpu.memory_space<vmem_shared>> -> memref<8192x8xf32, #tpu.memory_space<vmem_shared>>
        tpu.enqueue_indirect_dma source(%dma_start3A_1161 : memref<16x8xf32, #tpu.memory_space<vmem>>) target(%dma_start3A_1167 : memref<8192x8xf32, #tpu.memory_space<vmem_shared>>) offsets(%dma_start3A_1164 : memref<16xi32, #tpu.memory_space<vmem>>) semaphore(%arg15 : memref<!tpu.dma_semaphore, #tpu.memory_space<semaphore_mem>>) {add = true}
        %dma_start3A_1168 = arith.constant 1 : i32
        %dma_start3A_1169 = arith.constant 19 : i32
        %dma_start3A_1170 = arith.constant 304 : i32
        %dma_start3A_1171 = arith.constant 0 : i32
        %dma_start3A_1172 = tpu.memref_slice %arg8[%dma_start3A_1168, %dma_start3A_1170, %dma_start3A_1171] : memref<2x400x8xf32, #tpu.memory_space<vmem>> -> memref<1x16x8xf32, #tpu.memory_space<vmem>>
        %dma_start3A_1173 = tpu.memref_squeeze %dma_start3A_1172 : memref<1x16x8xf32, #tpu.memory_space<vmem>> -> memref<16x8xf32, #tpu.memory_space<vmem>>
        %dma_start3A_1174 = arith.constant 0 : i32
        %dma_start3A_1175 = tpu.memref_slice %arg9[%dma_start3A_1169, %dma_start3A_1174] : memref<25x16xi32, #tpu.memory_space<vmem>> -> memref<1x16xi32, #tpu.memory_space<vmem>>
        %dma_start3A_1176 = tpu.memref_squeeze %dma_start3A_1175 : memref<1x16xi32, #tpu.memory_space<vmem>> -> memref<16xi32, #tpu.memory_space<vmem>>
        %dma_start3A_1177 = arith.constant 0 : i32
        %dma_start3A_1178 = arith.constant 0 : i32
        %dma_start3A_1179 = tpu.memref_slice %arg10[%dma_start3A_1177, %dma_start3A_1178] : memref<8192x8xf32, #tpu.memory_space<vmem_shared>> -> memref<8192x8xf32, #tpu.memory_space<vmem_shared>>
        tpu.enqueue_indirect_dma source(%dma_start3A_1173 : memref<16x8xf32, #tpu.memory_space<vmem>>) target(%dma_start3A_1179 : memref<8192x8xf32, #tpu.memory_space<vmem_shared>>) offsets(%dma_start3A_1176 : memref<16xi32, #tpu.memory_space<vmem>>) semaphore(%arg15 : memref<!tpu.dma_semaphore, #tpu.memory_space<semaphore_mem>>) {add = true}
        %dma_start3A_1180 = arith.constant 1 : i32
        %dma_start3A_1181 = arith.constant 20 : i32
        %dma_start3A_1182 = arith.constant 320 : i32
        %dma_start3A_1183 = arith.constant 0 : i32
        %dma_start3A_1184 = tpu.memref_slice %arg8[%dma_start3A_1180, %dma_start3A_1182, %dma_start3A_1183] : memref<2x400x8xf32, #tpu.memory_space<vmem>> -> memref<1x16x8xf32, #tpu.memory_space<vmem>>
        %dma_start3A_1185 = tpu.memref_squeeze %dma_start3A_1184 : memref<1x16x8xf32, #tpu.memory_space<vmem>> -> memref<16x8xf32, #tpu.memory_space<vmem>>
        %dma_start3A_1186 = arith.constant 0 : i32
        %dma_start3A_1187 = tpu.memref_slice %arg9[%dma_start3A_1181, %dma_start3A_1186] : memref<25x16xi32, #tpu.memory_space<vmem>> -> memref<1x16xi32, #tpu.memory_space<vmem>>
        %dma_start3A_1188 = tpu.memref_squeeze %dma_start3A_1187 : memref<1x16xi32, #tpu.memory_space<vmem>> -> memref<16xi32, #tpu.memory_space<vmem>>
        %dma_start3A_1189 = arith.constant 0 : i32
        %dma_start3A_1190 = arith.constant 0 : i32
        %dma_start3A_1191 = tpu.memref_slice %arg10[%dma_start3A_1189, %dma_start3A_1190] : memref<8192x8xf32, #tpu.memory_space<vmem_shared>> -> memref<8192x8xf32, #tpu.memory_space<vmem_shared>>
        tpu.enqueue_indirect_dma source(%dma_start3A_1185 : memref<16x8xf32, #tpu.memory_space<vmem>>) target(%dma_start3A_1191 : memref<8192x8xf32, #tpu.memory_space<vmem_shared>>) offsets(%dma_start3A_1188 : memref<16xi32, #tpu.memory_space<vmem>>) semaphore(%arg15 : memref<!tpu.dma_semaphore, #tpu.memory_space<semaphore_mem>>) {add = true}
        %dma_start3A_1192 = arith.constant 1 : i32
        %dma_start3A_1193 = arith.constant 21 : i32
        %dma_start3A_1194 = arith.constant 336 : i32
        %dma_start3A_1195 = arith.constant 0 : i32
        %dma_start3A_1196 = tpu.memref_slice %arg8[%dma_start3A_1192, %dma_start3A_1194, %dma_start3A_1195] : memref<2x400x8xf32, #tpu.memory_space<vmem>> -> memref<1x16x8xf32, #tpu.memory_space<vmem>>
        %dma_start3A_1197 = tpu.memref_squeeze %dma_start3A_1196 : memref<1x16x8xf32, #tpu.memory_space<vmem>> -> memref<16x8xf32, #tpu.memory_space<vmem>>
        %dma_start3A_1198 = arith.constant 0 : i32
        %dma_start3A_1199 = tpu.memref_slice %arg9[%dma_start3A_1193, %dma_start3A_1198] : memref<25x16xi32, #tpu.memory_space<vmem>> -> memref<1x16xi32, #tpu.memory_space<vmem>>
        %dma_start3A_1200 = tpu.memref_squeeze %dma_start3A_1199 : memref<1x16xi32, #tpu.memory_space<vmem>> -> memref<16xi32, #tpu.memory_space<vmem>>
        %dma_start3A_1201 = arith.constant 0 : i32
        %dma_start3A_1202 = arith.constant 0 : i32
        %dma_start3A_1203 = tpu.memref_slice %arg10[%dma_start3A_1201, %dma_start3A_1202] : memref<8192x8xf32, #tpu.memory_space<vmem_shared>> -> memref<8192x8xf32, #tpu.memory_space<vmem_shared>>
        tpu.enqueue_indirect_dma source(%dma_start3A_1197 : memref<16x8xf32, #tpu.memory_space<vmem>>) target(%dma_start3A_1203 : memref<8192x8xf32, #tpu.memory_space<vmem_shared>>) offsets(%dma_start3A_1200 : memref<16xi32, #tpu.memory_space<vmem>>) semaphore(%arg15 : memref<!tpu.dma_semaphore, #tpu.memory_space<semaphore_mem>>) {add = true}
        %dma_start3A_1204 = arith.constant 1 : i32
        %dma_start3A_1205 = arith.constant 22 : i32
        %dma_start3A_1206 = arith.constant 352 : i32
        %dma_start3A_1207 = arith.constant 0 : i32
        %dma_start3A_1208 = tpu.memref_slice %arg8[%dma_start3A_1204, %dma_start3A_1206, %dma_start3A_1207] : memref<2x400x8xf32, #tpu.memory_space<vmem>> -> memref<1x16x8xf32, #tpu.memory_space<vmem>>
        %dma_start3A_1209 = tpu.memref_squeeze %dma_start3A_1208 : memref<1x16x8xf32, #tpu.memory_space<vmem>> -> memref<16x8xf32, #tpu.memory_space<vmem>>
        %dma_start3A_1210 = arith.constant 0 : i32
        %dma_start3A_1211 = tpu.memref_slice %arg9[%dma_start3A_1205, %dma_start3A_1210] : memref<25x16xi32, #tpu.memory_space<vmem>> -> memref<1x16xi32, #tpu.memory_space<vmem>>
        %dma_start3A_1212 = tpu.memref_squeeze %dma_start3A_1211 : memref<1x16xi32, #tpu.memory_space<vmem>> -> memref<16xi32, #tpu.memory_space<vmem>>
        %dma_start3A_1213 = arith.constant 0 : i32
        %dma_start3A_1214 = arith.constant 0 : i32
        %dma_start3A_1215 = tpu.memref_slice %arg10[%dma_start3A_1213, %dma_start3A_1214] : memref<8192x8xf32, #tpu.memory_space<vmem_shared>> -> memref<8192x8xf32, #tpu.memory_space<vmem_shared>>
        tpu.enqueue_indirect_dma source(%dma_start3A_1209 : memref<16x8xf32, #tpu.memory_space<vmem>>) target(%dma_start3A_1215 : memref<8192x8xf32, #tpu.memory_space<vmem_shared>>) offsets(%dma_start3A_1212 : memref<16xi32, #tpu.memory_space<vmem>>) semaphore(%arg15 : memref<!tpu.dma_semaphore, #tpu.memory_space<semaphore_mem>>) {add = true}
        %dma_start3A_1216 = arith.constant 1 : i32
        %dma_start3A_1217 = arith.constant 23 : i32
        %dma_start3A_1218 = arith.constant 368 : i32
        %dma_start3A_1219 = arith.constant 0 : i32
        %dma_start3A_1220 = tpu.memref_slice %arg8[%dma_start3A_1216, %dma_start3A_1218, %dma_start3A_1219] : memref<2x400x8xf32, #tpu.memory_space<vmem>> -> memref<1x16x8xf32, #tpu.memory_space<vmem>>
        %dma_start3A_1221 = tpu.memref_squeeze %dma_start3A_1220 : memref<1x16x8xf32, #tpu.memory_space<vmem>> -> memref<16x8xf32, #tpu.memory_space<vmem>>
        %dma_start3A_1222 = arith.constant 0 : i32
        %dma_start3A_1223 = tpu.memref_slice %arg9[%dma_start3A_1217, %dma_start3A_1222] : memref<25x16xi32, #tpu.memory_space<vmem>> -> memref<1x16xi32, #tpu.memory_space<vmem>>
        %dma_start3A_1224 = tpu.memref_squeeze %dma_start3A_1223 : memref<1x16xi32, #tpu.memory_space<vmem>> -> memref<16xi32, #tpu.memory_space<vmem>>
        %dma_start3A_1225 = arith.constant 0 : i32
        %dma_start3A_1226 = arith.constant 0 : i32
        %dma_start3A_1227 = tpu.memref_slice %arg10[%dma_start3A_1225, %dma_start3A_1226] : memref<8192x8xf32, #tpu.memory_space<vmem_shared>> -> memref<8192x8xf32, #tpu.memory_space<vmem_shared>>
        tpu.enqueue_indirect_dma source(%dma_start3A_1221 : memref<16x8xf32, #tpu.memory_space<vmem>>) target(%dma_start3A_1227 : memref<8192x8xf32, #tpu.memory_space<vmem_shared>>) offsets(%dma_start3A_1224 : memref<16xi32, #tpu.memory_space<vmem>>) semaphore(%arg15 : memref<!tpu.dma_semaphore, #tpu.memory_space<semaphore_mem>>) {add = true}
        %dma_start3A_1228 = arith.constant 1 : i32
        %dma_start3A_1229 = arith.constant 24 : i32
        %dma_start3A_1230 = arith.constant 384 : i32
        %dma_start3A_1231 = arith.constant 0 : i32
        %dma_start3A_1232 = tpu.memref_slice %arg8[%dma_start3A_1228, %dma_start3A_1230, %dma_start3A_1231] : memref<2x400x8xf32, #tpu.memory_space<vmem>> -> memref<1x16x8xf32, #tpu.memory_space<vmem>>
        %dma_start3A_1233 = tpu.memref_squeeze %dma_start3A_1232 : memref<1x16x8xf32, #tpu.memory_space<vmem>> -> memref<16x8xf32, #tpu.memory_space<vmem>>
        %dma_start3A_1234 = arith.constant 0 : i32
        %dma_start3A_1235 = tpu.memref_slice %arg9[%dma_start3A_1229, %dma_start3A_1234] : memref<25x16xi32, #tpu.memory_space<vmem>> -> memref<1x16xi32, #tpu.memory_space<vmem>>
        %dma_start3A_1236 = tpu.memref_squeeze %dma_start3A_1235 : memref<1x16xi32, #tpu.memory_space<vmem>> -> memref<16xi32, #tpu.memory_space<vmem>>
        %dma_start3A_1237 = arith.constant 0 : i32
        %dma_start3A_1238 = arith.constant 0 : i32
        %dma_start3A_1239 = tpu.memref_slice %arg10[%dma_start3A_1237, %dma_start3A_1238] : memref<8192x8xf32, #tpu.memory_space<vmem_shared>> -> memref<8192x8xf32, #tpu.memory_space<vmem_shared>>
        tpu.enqueue_indirect_dma source(%dma_start3A_1233 : memref<16x8xf32, #tpu.memory_space<vmem>>) target(%dma_start3A_1239 : memref<8192x8xf32, #tpu.memory_space<vmem_shared>>) offsets(%dma_start3A_1236 : memref<16xi32, #tpu.memory_space<vmem>>) semaphore(%arg15 : memref<!tpu.dma_semaphore, #tpu.memory_space<semaphore_mem>>) {add = true}
      } else {
      }
    }
    %scan3A_434 = arith.constant 64 : i32
    %dma_wait3A = arith.constant 1 : i32
    %dma_wait3A_435 = arith.constant 0 : i32
    %dma_wait3A_436 = arith.constant 0 : i32
    %dma_wait3A_437 = tpu.memref_slice %arg8[%dma_wait3A, %dma_wait3A_435, %dma_wait3A_436] : memref<2x400x8xf32, #tpu.memory_space<vmem>> -> memref<1x400x8xf32, #tpu.memory_space<vmem>>
    %dma_wait3A_438 = tpu.memref_squeeze %dma_wait3A_437 : memref<1x400x8xf32, #tpu.memory_space<vmem>> -> memref<400x8xf32, #tpu.memory_space<vmem>>
    %dma_wait3A_439 = arith.constant 0 : i32
    %dma_wait3A_440 = arith.constant 0 : i32
    %dma_wait3A_441 = tpu.memref_slice %arg3[%dma_wait3A_439, %dma_wait3A_440] : memref<512x8xf32, #tpu.memory_space<hbm>> -> memref<400x8xf32, #tpu.memory_space<hbm>>
    %dma_wait3A_442 = arith.constant 0 : i32
    %dma_wait3A_443 = arith.constant 0 : i32
    %dma_wait3A_444 = tpu.memref_slice %arg8[%dma_wait3A, %dma_wait3A_442, %dma_wait3A_443] : memref<2x400x8xf32, #tpu.memory_space<vmem>> -> memref<1x400x8xf32, #tpu.memory_space<vmem>>
    %dma_wait3A_445 = tpu.memref_squeeze %dma_wait3A_444 : memref<1x400x8xf32, #tpu.memory_space<vmem>> -> memref<400x8xf32, #tpu.memory_space<vmem>>
    %dma_wait3A_446 = arith.constant 0 : i32
    %dma_wait3A_447 = arith.constant 0 : i32
    %dma_wait3A_448 = tpu.memref_slice %arg3[%dma_wait3A_446, %dma_wait3A_447] : memref<512x8xf32, #tpu.memory_space<hbm>> -> memref<400x8xf32, #tpu.memory_space<hbm>>
    tpu.wait_dma2 semaphore(%arg15 : memref<!tpu.dma_semaphore, #tpu.memory_space<semaphore_mem>>) src(%dma_wait3A_448 : memref<400x8xf32, #tpu.memory_space<hbm>>) dst(%dma_wait3A_445 : memref<400x8xf32, #tpu.memory_space<vmem>>)
    "tpu.region"() ({
      %run_scoped3A = tpu.sem_alloc : memref<!tpu.dma_semaphore, #tpu.memory_space<semaphore_mem>>
      %dma_start3A_449 = arith.constant 0 : i32
      %dma_start3A_450 = arith.constant 0 : i32
      %dma_start3A_451 = tpu.memref_slice %arg5[%add3A, %dma_start3A_449, %dma_start3A_450] : memref<32x512x8xf32, #tpu.memory_space<hbm>> -> memref<1x512x8xf32, #tpu.memory_space<hbm>>
      %dma_start3A_452 = tpu.memref_squeeze %dma_start3A_451 : memref<1x512x8xf32, #tpu.memory_space<hbm>> -> memref<512x8xf32, #tpu.memory_space<hbm>>
      %dma_start3A_453 = arith.constant 0 : i32
      %dma_start3A_454 = tpu.memref_slice %arg10[%mul3A_4, %dma_start3A_453] : memref<8192x8xf32, #tpu.memory_space<vmem_shared>> -> memref<512x8xf32, #tpu.memory_space<vmem_shared>>
      tpu.enqueue_dma source(%dma_start3A_454 : memref<512x8xf32, #tpu.memory_space<vmem_shared>>) target(%dma_start3A_452 : memref<512x8xf32, #tpu.memory_space<hbm>>) target_semaphore(%run_scoped3A : memref<!tpu.dma_semaphore, #tpu.memory_space<semaphore_mem>>)
      %dma_wait3A_455 = arith.constant 0 : i32
      %dma_wait3A_456 = arith.constant 0 : i32
      %dma_wait3A_457 = tpu.memref_slice %arg5[%add3A, %dma_wait3A_455, %dma_wait3A_456] : memref<32x512x8xf32, #tpu.memory_space<hbm>> -> memref<1x512x8xf32, #tpu.memory_space<hbm>>
      %dma_wait3A_458 = tpu.memref_squeeze %dma_wait3A_457 : memref<1x512x8xf32, #tpu.memory_space<hbm>> -> memref<512x8xf32, #tpu.memory_space<hbm>>
      %dma_wait3A_459 = arith.constant 0 : i32
      %dma_wait3A_460 = tpu.memref_slice %arg10[%mul3A_4, %dma_wait3A_459] : memref<8192x8xf32, #tpu.memory_space<vmem_shared>> -> memref<512x8xf32, #tpu.memory_space<vmem_shared>>
      tpu.wait_dma2 semaphore(%run_scoped3A : memref<!tpu.dma_semaphore, #tpu.memory_space<semaphore_mem>>) src(%dma_wait3A_460 : memref<512x8xf32, #tpu.memory_space<vmem_shared>>) dst(%dma_wait3A_458 : memref<512x8xf32, #tpu.memory_space<hbm>>)
      tpu.yield
    }) : () -> ()
    return
  }
}

</mosaic_0001>

<sc_bundles>
// kernel: _embed_sums.3.cloned.1.call-start
scs
__scs_entry_jumppad:
0x0: {  	(pc) =	sbr.rel $0x88, $3  }
0x1: {  	(tag) =	ssettag $0x0;
	lr =	simm.s32 $0x1  }
0x2: {  	[smem:$0x3F9E] =	sst lr;
	_ =	strace $0xD0000000  }
0x3: {  	_ = 	snop  }
0x4: {  	_ = 	snop  }
0x5: {  	_ = 	snop  }
0x6: {  	_ = 	snop  }
0x7: {  	_ = 	snop  }
__scs_overlays_trampoline_lowered:
0x8: {  	[smem:$0x3FAD] =	sst s0  }
0x9: {  	[smem:$0x3FAE] =	sst s1  }
0xa: {  	[smem:$0x3FAF] =	sst s2  }
0xb: {  	[smem:$0x3FB0] =	sst s3  }
0xc: {  	[smem:$0x3FB1] =	sst s4  }
0xd: {  	[smem:$0x3FB2] =	sst s5  }
0xe: {  	[smem:$0x3FB3] =	sst s6  }
0xf: {  	[smem:$0x3FB4] =	sst s7  }
0x10: {  	[smem:$0x3FB5] =	sst s8  }
0x11: {  	[smem:$0x3FB6] =	sst s9;
	s0 =	simm.s32 @!p0 $0x0  }
0x12: {  	s1 =	sld [smem:$0x3F9C];
	s0 =	simm.s32 @p0 $0x1  }
0x13: {  	[smem:$0x3FB7] =	sst s0;
	s0 =	simm.s32 @!p1 $0x0  }
0x14: {  	s2 =	sld [smem:$0x3F9B];
	s0 =	simm.s32 @p1 $0x1  }
0x15: {  	[smem:$0x3FB8] =	sst s0;
	s0 =	simm.s32 @!p2 $0x0  }
0x16: {  	s3 =	sld [smem:$0x3FDB];
	s0 =	simm.s32 @p2 $0x1  }
0x17: {  	s4 =	simm.s32 $0x1BF5;
	[smem:$0x3FBA] =	sst s0  }
0x18: {  	s0 =	sld [smem:$0x3F9D];
	_ =	swait.ge [sflag:s4], $0x0  }
0x19: {  	s7 =	sld [smem:$0x3F9E]  }
0x1a: {  	s8 =	sadd.s32 $0xFFFFE003, lr  }
0x1b: {  	s9 =	sadd.s32 $0xFFFFFEF7, lr;
	s5 =	simm.s32 $0xFFFFFFFF;
	p2 =	slt.u32 s8, $0xFFFFF086  }
0x1c: {  	p1 =	slt.u32 s9, $0xF7A;
	s5 =	simm.s32 @!p2 $0x0  }
0x1d: {  	s5 =	simm.s32 @p1 $0x1;
	p0 =	seq.s32 s7, s2  }
0x1e: {  	s7 =	smul.u32 @!p0 $0xF7A, s2;
	p2 =	seq.s32 @!p0 s5, $0x0  }
0x1f: {  	s9 =	smul.u32 $0xF7A, s1;
	s8 =	simm.s32 @!p0 $0x1BF5;
	p2 =	por !p2, p0  }
0x20: {  	[sflag:s8] =	ssyncset.s32 @!p0 $0xFFFFF086;
	s6 =	sadd.s32 @!p0 s3, s7;
	s7 =	simm.s32 @!p0 $0x108  }
0x21: {  	s3 =	sadd.s32 s3, s9;
	s6 =	sadd.s32 @!p0 $0x88, s6;
	s7 =	simm.s32 @p2 $0x1082  }
0x22: {  	[simem:s7], [sflag:s8] =	dma.local @!p0 [hbm:s6], $0xF7A  }
0x23: {  	s9 =	sor.u32 $0xD0000000, s2;
	s6 =	simm.s32 $0x108;
	_ =	swait.ge @!p0 [sflag:s8], $0x0  }
0x24: {  	s3 =	sadd.s32 $0x88, s3;
	s6 =	simm.s32 @!p1 $0x1082;
	[sflag:s4] =	ssyncset.s32 $0xFFFFF086  }
0x25: {  	[simem:s6], [sflag:s4] =	dma.local [hbm:s3], $0xF7A  }
0x26: {  	[smem:$0x3F9E] =	sst s1;
	(tag) =	ssettag s2;
	_ =	strace s9  }
0x27: {  	s1 =	sld [smem:$0x3FAE]  }
0x28: {  	s2 =	sld [smem:$0x3FAF]  }
0x29: {  	s4 =	sld [smem:$0x3FB1]  }
0x2a: {  	p0 =	seq.s32 s5, $0x0;
	s5 =	sld [smem:$0x3FB2]  }
0x2b: {  	s6 =	sld [smem:$0x3FB3]  }
0x2c: {  	s7 =	sld [smem:$0x3FB4]  }
0x2d: {  	s3 =	simm.s32 $0x108;
	s8 =	sld [smem:$0x3FB5]  }
0x2e: {  	s3 =	simm.s32 @!p0 $0x1082;
	s9 =	sld [smem:$0x3FB6]  }
0x2f: {  	lr =	sadd.s32 s0, s3;
	s0 =	sld [smem:$0x3FAD]  }
0x30: {  	s3 =	sld [smem:$0x3FB0]  }
0x31: {  	[smem:$0x3FB9] =	sst s10  }
0x32: {  	s10 =	sld [smem:$0x3FB7];
	_ =	sdelay $0x3  }
0x33: {  	p0 =	seq.s32 s10, $0x1;
	s10 =	sld [smem:$0x3FB9];
	_ =	sdelay $0x3  }
0x34: {  	[smem:$0x3FB9] =	sst s10  }
0x35: {  	s10 =	sld [smem:$0x3FB8];
	_ =	sdelay $0x3  }
0x36: {  	p1 =	seq.s32 s10, $0x1;
	s10 =	sld [smem:$0x3FB9];
	_ =	sdelay $0x3  }
0x37: {  	[smem:$0x3FB9] =	sst s10  }
0x38: {  	s10 =	sld [smem:$0x3FBA]  }
0x39: {  	_ = 	snop;
	(pc) =	sbr.ind lr, $3  }
0x3a: {  	_ = 	snop  }
0x3b: {  	_ = 	snop  }
0x3c: {  	p2 =	seq.s32 s10, $0x1;
	s10 =	sld [smem:$0x3FB9]  }
0x3d: {  	_ =	shalt  }
0x3e: {  	_ =	shalt  }
0x3f: {  	_ =	shalt  }
0x40: {  	_ =	shalt  }
0x41: {  	_ =	shalt  }
0x42: {  	_ =	shalt  }
0x43: {  	_ =	shalt  }
0x44: {  	_ =	shalt  }
0x45: {  	_ =	shalt  }
0x46: {  	_ =	shalt  }
0x47: {  	_ =	shalt  }
0x48: {  	_ =	shalt  }
0x49: {  	_ =	shalt  }
0x4a: {  	_ =	shalt  }
0x4b: {  	_ =	shalt  }
0x4c: {  	_ =	shalt  }
0x4d: {  	_ =	shalt  }
0x4e: {  	_ =	shalt  }
0x4f: {  	_ =	shalt  }
0x50: {  	_ =	shalt  }
0x51: {  	_ =	shalt  }
0x52: {  	_ =	shalt  }
0x53: {  	_ =	shalt  }
0x54: {  	_ =	shalt  }
0x55: {  	_ =	shalt  }
0x56: {  	_ =	shalt  }
0x57: {  	_ =	shalt  }
0x58: {  	_ =	shalt  }
0x59: {  	_ =	shalt  }
0x5a: {  	_ =	shalt  }
0x5b: {  	_ =	shalt  }
0x5c: {  	_ =	shalt  }
0x5d: {  	_ =	shalt  }
0x5e: {  	_ =	shalt  }
0x5f: {  	_ =	shalt  }
0x60: {  	_ =	shalt  }
0x61: {  	_ =	shalt  }
0x62: {  	_ =	shalt  }
0x63: {  	_ =	shalt  }
0x64: {  	_ =	shalt  }
0x65: {  	_ =	shalt  }
0x66: {  	_ =	shalt  }
0x67: {  	_ =	shalt  }
0x68: {  	_ =	shalt  }
0x69: {  	_ =	shalt  }
0x6a: {  	_ =	shalt  }
0x6b: {  	_ =	shalt  }
0x6c: {  	_ =	shalt  }
0x6d: {  	_ =	shalt  }
0x6e: {  	_ =	shalt  }
0x6f: {  	_ =	shalt  }
0x70: {  	_ =	shalt  }
0x71: {  	_ =	shalt  }
0x72: {  	_ =	shalt  }
0x73: {  	_ =	shalt  }
0x74: {  	_ =	shalt  }
0x75: {  	_ =	shalt  }
0x76: {  	_ =	shalt  }
0x77: {  	_ =	shalt  }
0x78: {  	_ =	shalt  }
0x79: {  	_ =	shalt  }
0x7a: {  	_ =	shalt  }
0x7b: {  	_ =	shalt  }
0x7c: {  	_ =	shalt  }
0x7d: {  	_ =	shalt  }
0x7e: {  	_ =	shalt  }
0x7f: {  	_ =	shalt  }
0x80: {  	_ =	shalt  }
0x81: {  	_ =	shalt  }
0x82: {  	_ =	shalt  }
0x83: {  	_ =	shalt  }
0x84: {  	_ =	shalt  }
0x85: {  	_ =	shalt  }
0x86: {  	_ =	shalt  }
0x87: {  	_ =	shalt  }
.Lfunc_end0:
.L_simem_size_0:
called_computation_lowered:
.L_overlay_start_0:
0x88: {  	s2 =	sld [smem:$0x3FD9]  }
0x89: {  	s3 =	sld [smem:$0x3FFE];
	_ =	sdelay $0x1  }
0x8a: {  	s1 =	srdreg.scid  }
0x8b: {  	s0 =	sand.u32 $0x1, s1  }
0x8c: {  	s17 =	sshll.u32 s0, $0xA;
	s2 =	sadd.s32 s3, s2  }
0x8d: {  	s2 =	sadd.s32 s2, s17  }
0x8e: {  	[smem:$0x3FC5] =	sst s2  }
0x8f: {  	_ = 	snop  }
0x90: {  	s2 =	sld [smem:$0x3FC9]  }
0x91: {  	s18 =	sld [smem:$0x3FC7]  }
0x92: {  	s4 =	sld [smem:$0x3FD0];
	(tm) =	ssettm $0x1  }
0x93: {  	s5 =	sld [smem:$0x3FFB];
	_ =	sdelay $0x3  }
0x94: {  	_ =	strace s5  }
0x95: {  	s5 =	sld [smem:$0x3FFC];
	_ =	sdelay $0x3  }
0x96: {  	_ =	strace s5  }
0x97: {  	s5 =	sld [smem:$0x3FFD];
	_ =	sdelay $0x3  }
0x98: {  	_ =	strace s5  }
0x99: {  	_ =	strace $0x8FFFFFFF  }
0x9a: {  	s19 =	sld [smem:$0x3FDB];
	_ =	sdelay $0x1  }
0x9b: {  	s6 =	simm.s32 $_scs_section_size  }
0x9c: {  	s7 =	simm.s32 $_size__tile_overlayer_lowered;
	s8 =	simm.s32 $_tile_overlayer_lowered  }
0x9d: {  	s22 =	simm.s32 $0x1BFF;
	s21 =	sshll.u32 s8, $0x1;
	s5 =	sadd.s32 s6, s19  }
0x9e: {  	s9 =	simm.s32 $0x0;
	s20 =	sshll.u32 s7, $0x1;
	s7 =	sadd.s32 s21, s5  }
0x9f: {  	[timem:s9], [sflag:s22] =	dma.local [hbm:s7], s20  }
0xa0: {  	_ =	swait.ge [sflag:s22], s20  }
0xa1: {  	s6 =	ssub.s32 $0x0, s20;
	[sflag:s22] =	ssyncset.done $0x0  }
0xa2: {  	[sflag:s22] =	ssyncadd.s32 s6;
	_ =	sdelay $0x1  }
0xa3: {  	s23 =	simm.s32 $0x1B8B  }
0xa4: {  	_ =	swait.ge [sflag:s23], $0x1  }
0xa5: {  	[sflag:s23] =	ssyncset.done $0x0  }
0xa6: {  	s25 =	simm.s32 $0x1B8E;
	s24 =	sld [smem:$0x3FFE];
	[sflag:s23] =	ssyncadd.s32 $0xFFFFFFFF  }
0xa7: {  	s26 =	simm.s32 $execute0_lowered;
	[smem:$0x3FD2] =	sst s25  }
0xa8: {  	s7 =	sshll.u32 s26, $0x1;
	_ =	strace $0x80000046;
	[dreg:$0x1] =	wrdreg $0xFFFFFFFF  }
0xa9: {  	s28 =	simm.s32 $_size_execute0_lowered;
	s5 =	sadd.s32 s5, s7;
	[dreg:$0x0] =	wrdreg $0x0  }
0xaa: {  	s7 =	sshll.u32 s28, $0x1;
	[dreg:$0x2] =	wrdreg s5  }
0xab: {  	[dreg:$0x3] =	wrdreg s7  }
0xac: {  	[dreg:$0x4] =	wrdreg $0xC0  }
0xad: {  	_ =	task [dreg:s9], $0x5FFFF  }
0xae: {  	[dreg:$0x1] =	wrdreg $0xFFFFFFFF  }
0xaf: {  	[dreg:$0x0] =	wrdreg $0x60  }
0xb0: {  	[dreg:$0x2] =	wrdreg s2  }
0xb1: {  	[dreg:$0x3] =	wrdreg s24  }
0xb2: {  	[dreg:$0x4] =	wrdreg s18  }
0xb3: {  	[dreg:$0x5] =	wrdreg s4  }
0xb4: {  	[dreg:$0x6] =	wrdreg $0x1DC900  }
0xb5: {  	[dreg:$0x7] =	wrdreg $0x1EC900  }
0xb6: {  	[dreg:$0x8] =	wrdreg $0x9  }
0xb7: {  	_ =	task.clear_ibuf [dreg:s9], $0x9FFFF;
	_ =	strace $0x90000046  }
0xb8: {  	s29 =	simm.s32 $0x9;
	_ =	strace $0x80000048  }
0xb9: {  	_ =	swait.ge [sflag:s29], $0x1  }
0xba: {  	[sflag:s29] =	ssyncadd.s32 $0xFFFFFFFF  }
0xbb: {  	_ =	strace $0x90000048  }
0xbc: {  	_ =	sfence  }
0xbd: {  	s30 =	sld [smem:$0x0];
	_ =	sdelay $0x2  }
0xbe: {  	s31 =	sshll.u32 s1, $0xD;
	s1 =	sshrl.u32 s1, $0x2  }
0xbf: {  	s3 =	sand.u32 $0x4000, s31;
	s1 =	sadd.s32 s1, s30  }
0xc0: {  	s0 =	sor.u32 s3, s0;
	s1 =	sshll.u32 s1, $0x11  }
0xc1: {  	s0 =	sor.u32 s1, s0  }
0xc2: {  	s0 =	sadd.s32 $0x8F2B, s0  }
0xc3: {  	[sflag:s0] =	ssyncadd.remote.s32 $0x1  }
0xc4: {  	_ =	sfence.sel $0xFFFF  }
0xc5: {  	[dreg:$0x0] =	wrdreg $0xFFFFFFFF;
	(pc) =	sbr.abs _section_cstart, $3  }
0xc6: {  	[dreg:$0x1] =	wrdreg $0xFFFFFFFF  }
0xc7: {  	_ =	task.clear_ibuf [dreg:s9], $0x2FFFF;
	_ =	strace $0x9FFFFFFF  }
0xc8: {  	(tm) =	ssettm $0x7FFFFFFF  }
0xc9: {  	_ =	shalt  }
tec
execute0_lowered:
.L_overlay_start_1:
0x0: {  	(tag) =	ssettag $0x1  }
0x1: {  	s0 =	rddreg [dreg:$0x0]  }
0x2: {  	s2 =	rddreg [dreg:$0x1]  }
0x3: {  	s1 =	rddreg [dreg:$0x2]  }
0x4: {  	s4 =	rddreg [dreg:$0x3]  }
0x5: {  	s3 =	rddreg [dreg:$0x4]  }
0x6: {  	s5 =	rddreg [dreg:$0x5];
	s6 =	srdreg.scid  }
0x7: {  	s13 =	stileid.u32;
	s8 =	simm.s32 $0x0;
	s12 =	simm.s32 $0x5  }
0x8: {  	s15 =	simm.s32 $0x10;
	s17 =	simm.s32 $0x2;
	s14 =	simm.s32 $0x1DBA0  }
0x9: {  	s28 =	simm.s32 $0x1DBB0;
	s29 =	simm.s32 $0x1DBD0;
	s16 =	simm.s32 $0x1DC20  }
0xa: {  	s31 =	simm.s32 $0x1DC40;
	s30 =	simm.s32 $0x1DC70;
	s18 =	simm.s32 $0x1DC80  }
0xb: {  	s6 =	sand.u32 $0x1, s6;
	s7 =	sshll.u32 s13, $0x1;
	[smem:$0x7FF] =	sst s8  }
0xc: {  	s2 =	sadd.s32 $0x400, s2;
	s10 =	sshll.u32 s13, $0xC;
	s11 =	smul.u32 $0x3200, s13  }
0xd: {  	s26 =	sshll.u32 s13, $0x6;
	s19 =	ssub.s32 $0x2, s6;
	s7 =	sor.u32 s6, s7  }
0xe: {  	_ =	strace $0x80000047;
	[dreg:$0x7] =	wrdreg s2;
	s6 =	sshll.u32 s13, $0x9  }
0xf: {  	s10 =	sadd.s32 s10, s3;
	s13 =	simm.s32 $0x1DBF0;
	s9 =	smul.u32 $0xC80, s7  }
0x10: {  	s2 =	simm.s32 $0x1DC10;
	s20 =	sshrl.u32 s19, $0x1;
	s22 =	smul.u32 $0x6400, s7  }
0x11: {  	s23 =	sshrl.u32 s11, $0x2;
	s7 =	sshll.u32 s7, $0x9;
	s11 =	sor.u32 $0x1C05, s26  }
0x12: {  	s21 =	ssub.s32 s19, s20;
	s24 =	sadd.s32 s4, s7;
	s20 =	sshrl.u32 s10, $0x3  }
0x13: {  	s19 =	simm.s32 $0x1CE80;
	s10 =	simm.s32 $0x1DC30;
	s7 =	simm.s32 $0x0  }
0x14: {  	[dreg:$0xb] =	wrdreg s11;
	s9 =	sadd.s32 s0, s9;
	s8 =	sshrl.u32 s22, $0x3  }
.Ltmp0:
0x15: {  	vm0 =	vcmask $0x700;
	v6 =	vimm.s32 $0x1;
	vm1 =	vcmask $0xF00;
	[dreg:$0x9] =	wrdreg s24;
	s25 =	smax.u32 s21, $0x1;
	(pc) =	sbr.rel .LBB2_1-.Ltmp0, $4  }
0x16: {  	vm12 =	vcmask $0x1700;
	v5 =	vlaneseq.u32;
	vm13 =	vcmask $0x2700;
	s21 =	simm.s32 $0x3;
	s22 =	simm.s32 $0x1DBC0;
	[dreg:$0xc] =	wrdreg s20  }
0x17: {  	vm14 =	vcmask $0x2F00;
	vm15 =	vcmask $0x3700;
	v0 =	vsel vm0, $0x0, v6;
	[dreg:$0x8] =	wrdreg s9;
	s0 =	sadd.s32 s0, s8;
	s9 =	sadd.s32 s23, s5  }
0x18: {  	v1 =	vsel vm1, $0x0, v6;
	v2 =	vsel vm12, $0x0, v6;
	v3 =	vsel vm13, $0x0, v6;
	[dreg:$0xa] =	wrdreg s25;
	s5 =	simm.s32 $0x1DBE0;
	s23 =	simm.s32 $0x1DC50  }
0x19: {  	v4 =	vsel vm14, $0x0, v6;
	v5 =	vshrl.u32 v5, $0x3;
	v6 =	vsel vm15, $0x0, v6;
	s25 =	simm.s32 $0x1DC60;
	s8 =	sadd.s32 $0x640, s0;
	s0 =	simm.s32 $0x1DC00  }
.LBB2_14:
0x1a: {  	s4 =	simm.s32 $0x4  }
0x1b: {  	_ =	swait.ge [sflag:s4], $0xC80  }
0x1c: {  	s24 =	rddreg [dreg:$0x9]  }
0x1d: {  	[sflag:s4] =	ssyncset.done $0x0;
	s11 =	rddreg [dreg:$0xb]  }
0x1e: {  	s20 =	rddreg [dreg:$0xc];
	[sflag:s4] =	ssyncadd.s32 $0xFFFFF380  }
0x1f: {  	[hbm:s24], [sflag:s11] =	dma.local [spmem:s20], $0x200  }
0x20: {  	_ =	swait.ge [sflag:s12], $0x200  }
0x21: {  	s7 =	rddreg [dreg:$0xd]  }
0x22: {  	s26 =	rddreg [dreg:$0xa];
	s7 =	sadd.s32 $0x1, s7  }
0x23: {  	p0 =	sne.s32 s7, s26  }
.Ltmp1:
0x24: {  	_ = 	snop;
	(pc) =	sbr.rel @!p0 .LBB2_15-.Ltmp1, $3  }
0x25: {  	_ =	sdelay $0x1  }
0x26: {  	[sflag:s12] =	ssyncset.done $0x0  }
0x27: {  	[sflag:s12] =	ssyncadd.s32 $0xFFFFFE00  }
.LBB2_1:
0x28: {  	[dreg:$0xd] =	wrdreg s7  }
0x29: {  	s4 =	simm.s32 $0x0;
	s24 =	rddreg [dreg:$0x8]  }
0x2a: {  	[tilespmem:s4], [sflag:$0x5] =	stream.linear.gather [hbm4b:s24+s4], $0x3200, $0x38;
	[tilespmem:$0x1F910] =	vst v63  }
0x2b: {  	_ =	swait.ge [sflag:s12], $0x3200  }
0x2c: {  	[sflag:s12] =	ssyncset.done $0x0  }
0x2d: {  	s26 =	rddreg [dreg:$0x7];
	[sflag:s12] =	ssyncadd.s32 $0xFFFFCE00  }
0x2e: {  	[spmem:s20], [sflag:s11] =	dma.local [hbm:s26], $0x200  }
0x2f: {  	_ =	swait.ge [sflag:s12], $0x200  }
0x30: {  	[sflag:s12] =	ssyncset.done $0x0  }
0x31: {  	s11 =	simm.s32 $0x3200;
	[sflag:s12] =	ssyncadd.s32 $0xFFFFFE00  }
0x32: {  	[tilespmem:s11], [sflag:$0x1] =	stream.indirect.gather [hbm4b:s1+s15], $0x80, s4, s15, $0xb8;
	[tilespmem:$0x1F910] =	vst v63  }
0x33: {  	s20 =	simm.s32 $0x3A00  }
0x34: {  	[tilespmem:s20], [sflag:$0x1] =	stream.indirect.gather [hbm4b:s1+s15], $0x80, s15, s15, $0xb8;
	[tilespmem:$0x1F910] =	vst v63  }
0x35: {  	s24 =	simm.s32 $0x20;
	s26 =	simm.s32 $0x4200  }
0x36: {  	[tilespmem:s26], [sflag:$0x1] =	stream.indirect.gather [hbm4b:s1+s15], $0x80, s24, s15, $0xb8;
	[tilespmem:$0x1F910] =	vst v63  }
0x37: {  	s11 =	simm.s32 $0x30;
	s20 =	simm.s32 $0x4A00  }
0x38: {  	[tilespmem:s20], [sflag:$0x1] =	stream.indirect.gather [hbm4b:s1+s15], $0x80, s11, s15, $0xb8;
	[tilespmem:$0x1F910] =	vst v63  }
0x39: {  	s24 =	simm.s32 $0x40;
	s26 =	simm.s32 $0x5200  }
0x3a: {  	[tilespmem:s26], [sflag:$0x1] =	stream.indirect.gather [hbm4b:s1+s15], $0x80, s24, s15, $0xb8;
	[tilespmem:$0x1F910] =	vst v63  }
0x3b: {  	s11 =	simm.s32 $0x50;
	s20 =	simm.s32 $0x5A00  }
0x3c: {  	[tilespmem:s20], [sflag:$0x1] =	stream.indirect.gather [hbm4b:s1+s15], $0x80, s11, s15, $0xb8;
	[tilespmem:$0x1F910] =	vst v63  }
0x3d: {  	s24 =	simm.s32 $0x60;
	s26 =	simm.s32 $0x6200  }
0x3e: {  	[tilespmem:s26], [sflag:$0x1] =	stream.indirect.gather [hbm4b:s1+s15], $0x80, s24, s15, $0xb8;
	[tilespmem:$0x1F910] =	vst v63  }
0x3f: {  	s11 =	simm.s32 $0x70;
	s20 =	simm.s32 $0x6A00  }
0x40: {  	[tilespmem:s20], [sflag:$0x1] =	stream.indirect.gather [hbm4b:s1+s15], $0x80, s11, s15, $0xb8;
	[tilespmem:$0x1F910] =	vst v63  }
0x41: {  	s24 =	simm.s32 $0x80;
	s26 =	simm.s32 $0x7200  }
0x42: {  	[tilespmem:s26], [sflag:$0x1] =	stream.indirect.gather [hbm4b:s1+s15], $0x80, s24, s15, $0xb8;
	[tilespmem:$0x1F910] =	vst v63  }
0x43: {  	s11 =	simm.s32 $0x90;
	s20 =	simm.s32 $0x7A00  }
0x44: {  	[tilespmem:s20], [sflag:$0x1] =	stream.indirect.gather [hbm4b:s1+s15], $0x80, s11, s15, $0xb8;
	[tilespmem:$0x1F910] =	vst v63  }
0x45: {  	s24 =	simm.s32 $0xA0;
	s26 =	simm.s32 $0x8200  }
0x46: {  	[tilespmem:s26], [sflag:$0x1] =	stream.indirect.gather [hbm4b:s1+s15], $0x80, s24, s15, $0xb8;
	[tilespmem:$0x1F910] =	vst v63  }
0x47: {  	s11 =	simm.s32 $0xB0;
	s20 =	simm.s32 $0x8A00  }
0x48: {  	[tilespmem:s20], [sflag:$0x1] =	stream.indirect.gather [hbm4b:s1+s15], $0x80, s11, s15, $0xb8;
	[tilespmem:$0x1F910] =	vst v63  }
0x49: {  	s24 =	simm.s32 $0xC0;
	s26 =	simm.s32 $0x9200  }
0x4a: {  	[tilespmem:s26], [sflag:$0x1] =	stream.indirect.gather [hbm4b:s1+s15], $0x80, s24, s15, $0xb8;
	[tilespmem:$0x1F910] =	vst v63  }
0x4b: {  	s11 =	simm.s32 $0xD0;
	s20 =	simm.s32 $0x9A00  }
0x4c: {  	[tilespmem:s20], [sflag:$0x1] =	stream.indirect.gather [hbm4b:s1+s15], $0x80, s11, s15, $0xb8;
	[tilespmem:$0x1F910] =	vst v63  }
0x4d: {  	s24 =	simm.s32 $0xE0;
	s26 =	simm.s32 $0xA200  }
0x4e: {  	[tilespmem:s26], [sflag:$0x1] =	stream.indirect.gather [hbm4b:s1+s15], $0x80, s24, s15, $0xb8;
	[tilespmem:$0x1F910] =	vst v63  }
0x4f: {  	s11 =	simm.s32 $0xF0;
	s20 =	simm.s32 $0xAA00  }
0x50: {  	[tilespmem:s20], [sflag:$0x1] =	stream.indirect.gather [hbm4b:s1+s15], $0x80, s11, s15, $0xb8;
	[tilespmem:$0x1F910] =	vst v63  }
0x51: {  	s24 =	simm.s32 $0x100;
	s26 =	simm.s32 $0xB200  }
0x52: {  	[tilespmem:s26], [sflag:$0x1] =	stream.indirect.gather [hbm4b:s1+s15], $0x80, s24, s15, $0xb8;
	[tilespmem:$0x1F910] =	vst v63  }
0x53: {  	s11 =	simm.s32 $0x110;
	s20 =	simm.s32 $0xBA00  }
0x54: {  	[tilespmem:s20], [sflag:$0x1] =	stream.indirect.gather [hbm4b:s1+s15], $0x80, s11, s15, $0xb8;
	[tilespmem:$0x1F910] =	vst v63  }
0x55: {  	s24 =	simm.s32 $0x120;
	s26 =	simm.s32 $0xC200  }
0x56: {  	[tilespmem:s26], [sflag:$0x1] =	stream.indirect.gather [hbm4b:s1+s15], $0x80, s24, s15, $0xb8;
	[tilespmem:$0x1F910] =	vst v63  }
0x57: {  	s11 =	simm.s32 $0x130;
	s20 =	simm.s32 $0xCA00  }
0x58: {  	[tilespmem:s20], [sflag:$0x1] =	stream.indirect.gather [hbm4b:s1+s15], $0x80, s11, s15, $0xb8;
	[tilespmem:$0x1F910] =	vst v63  }
0x59: {  	s24 =	simm.s32 $0x140;
	s26 =	simm.s32 $0xD200  }
0x5a: {  	[tilespmem:s26], [sflag:$0x1] =	stream.indirect.gather [hbm4b:s1+s15], $0x80, s24, s15, $0xb8;
	[tilespmem:$0x1F910] =	vst v63  }
0x5b: {  	s11 =	simm.s32 $0x150;
	s20 =	simm.s32 $0xDA00  }
0x5c: {  	[tilespmem:s20], [sflag:$0x1] =	stream.indirect.gather [hbm4b:s1+s15], $0x80, s11, s15, $0xb8;
	[tilespmem:$0x1F910] =	vst v63  }
0x5d: {  	s24 =	simm.s32 $0x160;
	s26 =	simm.s32 $0xE200  }
0x5e: {  	[tilespmem:s26], [sflag:$0x1] =	stream.indirect.gather [hbm4b:s1+s15], $0x80, s24, s15, $0xb8;
	[tilespmem:$0x1F910] =	vst v63  }
.Ltmp2:
0x5f: {  	_ = 	snop;
	(pc) =	sbr.rel .LBB2_2-.Ltmp2, $4  }
0x60: {  	s11 =	simm.s32 $0x170;
	s20 =	simm.s32 $0xEA00  }
0x61: {  	[tilespmem:s20], [sflag:$0x1] =	stream.indirect.gather [hbm4b:s1+s15], $0x80, s11, s15, $0xb8;
	[tilespmem:$0x1F910] =	vst v63  }
0x62: {  	s24 =	simm.s32 $0x180;
	s26 =	simm.s32 $0xF200;
	s20 =	simm.s32 $0x0  }
0x63: {  	[tilespmem:s26], [sflag:$0x1] =	stream.indirect.gather [hbm4b:s1+s15], $0x80, s24, s15, $0xb8;
	[tilespmem:$0x1F910] =	vst v63  }
.LBB2_13:
0x64: {  	s20 =	sadd.s32 $0x1, s20  }
0x65: {  	p0 =	sne.s32 s20, $0x40  }
.Ltmp3:
0x66: {  	_ = 	snop;
	(pc) =	sbr.rel @!p0 .LBB2_14-.Ltmp3, $1  }
0x67: {  	_ =	sdelay $0x3  }
.LBB2_2:
0x68: {  	s24 =	sand.u32 $0x1, s20  }
0x69: {  	p0 =	seq.s32 s24, $0x1  }
.Ltmp4:
0x6a: {  	_ = 	snop;
	(pc) =	sbr.rel @p0 .LBB2_8-.Ltmp4, $1  }
0x6b: {  	_ =	sdelay $0x3  }
0x6c: {  	p0 =	seq.s32 s20, $0x3F  }
.Ltmp5:
0x6d: {  	_ = 	snop;
	(pc) =	sbr.rel @p0 .LBB2_5-.Ltmp5, $1  }
0x6e: {  	_ =	sdelay $0x3  }
0x6f: {  	p0 =	sne.s32 s20, $0x1F  }
0x70: {  	s4 =	simm.s32 @!p0 $0x0  }
0x71: {  	[tilespmem:s4], [sflag:$0x5] =	stream.linear.gather @!p0 [hbm4b:s8+s4], $0x3200, $0x38;
	[tilespmem:$0x1F910] =	vst v63  }
0x72: {  	s7 =	sand.u32 $0x1E, s20;
	s4 =	simm.s32 @!p0 $0x5  }
0x73: {  	s7 =	smul.u32 $0x190, s7;
	_ =	swait.ge @!p0 [sflag:s4], $0x3200  }
0x74: {  	[sflag:s4] =	ssyncset.done @!p0 $0x0  }
0x75: {  	s11 =	simm.s32 $0xFA00;
	s19 =	sadd.s32 $0x190, s7;
	[sflag:s4] =	ssyncadd.s32 @!p0 $0xFFFFCE00  }
0x76: {  	[tilespmem:s11], [sflag:$0x2] =	stream.indirect.gather [hbm4b:s1+s15], $0x80, s19, s15, $0xb8;
	[tilespmem:$0x1F910] =	vst v63  }
0x77: {  	s14 =	simm.s32 $0x10200;
	s23 =	sadd.s32 $0x1A0, s7  }
0x78: {  	[tilespmem:s14], [sflag:$0x2] =	stream.indirect.gather [hbm4b:s1+s15], $0x80, s23, s15, $0xb8;
	[tilespmem:$0x1F910] =	vst v63  }
0x79: {  	s28 =	simm.s32 $0x10A00;
	s25 =	sadd.s32 $0x1B0, s7  }
0x7a: {  	[tilespmem:s28], [sflag:$0x2] =	stream.indirect.gather [hbm4b:s1+s15], $0x80, s25, s15, $0xb8;
	[tilespmem:$0x1F910] =	vst v63  }
0x7b: {  	s22 =	simm.s32 $0x11200;
	s26 =	sadd.s32 $0x1C0, s7  }
0x7c: {  	[tilespmem:s22], [sflag:$0x2] =	stream.indirect.gather [hbm4b:s1+s15], $0x80, s26, s15, $0xb8;
	[tilespmem:$0x1F910] =	vst v63  }
0x7d: {  	s29 =	simm.s32 $0x11A00;
	s0 =	sadd.s32 $0x1D0, s7  }
0x7e: {  	[tilespmem:s29], [sflag:$0x2] =	stream.indirect.gather [hbm4b:s1+s15], $0x80, s0, s15, $0xb8;
	[tilespmem:$0x1F910] =	vst v63  }
0x7f: {  	s5 =	simm.s32 $0x12200;
	s2 =	sadd.s32 $0x1E0, s7  }
0x80: {  	[tilespmem:s5], [sflag:$0x2] =	stream.indirect.gather [hbm4b:s1+s15], $0x80, s2, s15, $0xb8;
	[tilespmem:$0x1F910] =	vst v63  }
0x81: {  	s13 =	simm.s32 $0x12A00;
	s10 =	sadd.s32 $0x1F0, s7;
	s16 =	sadd.s32 $0x200, s7  }
0x82: {  	[tilespmem:s13], [sflag:$0x2] =	stream.indirect.gather [hbm4b:s1+s15], $0x80, s10, s15, $0xb8;
	[tilespmem:$0x1F910] =	vst v63  }
0x83: {  	s4 =	sand.u32 $0x70, s19;
	s11 =	sand.u32 $0x7F80, s16;
	s0 =	simm.s32 $0x13200  }
0x84: {  	[tilespmem:s0], [sflag:$0x2] =	stream.indirect.gather [hbm4b:s1+s15], $0x80, s16, s15, $0xb8;
	[tilespmem:$0x1F910] =	vst v63  }
0x85: {  	s31 =	simm.s32 $0x15200;
	s11 =	sor.u32 s4, s11;
	s2 =	simm.s32 $0x13A00  }
0x86: {  	[tilespmem:s2], [sflag:$0x2] =	stream.indirect.gather [hbm4b:s1+s15], $0x80, s11, s15, $0xb8;
	[tilespmem:$0x1F910] =	vst v63  }
0x87: {  	s30 =	simm.s32 $0x16A00;
	s18 =	sadd.s32 $0x220, s7;
	s16 =	simm.s32 $0x14200  }
0x88: {  	[tilespmem:s16], [sflag:$0x2] =	stream.indirect.gather [hbm4b:s1+s15], $0x80, s18, s15, $0xb8;
	[tilespmem:$0x1F910] =	vst v63  }
0x89: {  	s19 =	sadd.s32 $0x230, s7;
	s14 =	simm.s32 $0x1DBA0;
	s10 =	simm.s32 $0x14A00  }
0x8a: {  	[tilespmem:s10], [sflag:$0x2] =	stream.indirect.gather [hbm4b:s1+s15], $0x80, s19, s15, $0xb8;
	[tilespmem:$0x1F910] =	vst v63  }
0x8b: {  	s23 =	sadd.s32 $0x240, s7;
	s28 =	simm.s32 $0x1DBB0;
	s25 =	sadd.s32 $0x250, s7  }
0x8c: {  	[tilespmem:s31], [sflag:$0x2] =	stream.indirect.gather [hbm4b:s1+s15], $0x80, s23, s15, $0xb8;
	[tilespmem:$0x1F910] =	vst v63  }
0x8d: {  	s22 =	simm.s32 $0x1DBC0;
	s26 =	sadd.s32 $0x260, s7;
	s23 =	simm.s32 $0x15A00  }
0x8e: {  	[tilespmem:s23], [sflag:$0x2] =	stream.indirect.gather [hbm4b:s1+s15], $0x80, s25, s15, $0xb8;
	[tilespmem:$0x1F910] =	vst v63  }
0x8f: {  	s29 =	simm.s32 $0x1DBD0;
	s5 =	simm.s32 $0x1DBE0;
	s25 =	simm.s32 $0x16200  }
0x90: {  	[tilespmem:s25], [sflag:$0x2] =	stream.indirect.gather [hbm4b:s1+s15], $0x80, s26, s15, $0xb8;
	[tilespmem:$0x1F910] =	vst v63  }
0x91: {  	s13 =	simm.s32 $0x1DBF0;
	s18 =	sadd.s32 $0x270, s7;
	s19 =	sadd.s32 $0x280, s7  }
0x92: {  	[tilespmem:s30], [sflag:$0x2] =	stream.indirect.gather [hbm4b:s1+s15], $0x80, s18, s15, $0xb8;
	[tilespmem:$0x1F910] =	vst v63  }
0x93: {  	s0 =	simm.s32 $0x1DC00;
	s11 =	sand.u32 $0x7F80, s19;
	s18 =	simm.s32 $0x17200  }
0x94: {  	[tilespmem:s18], [sflag:$0x2] =	stream.indirect.gather [hbm4b:s1+s15], $0x80, s19, s15, $0xb8;
	[tilespmem:$0x1F910] =	vst v63  }
0x95: {  	s2 =	simm.s32 $0x1DC10;
	s11 =	sor.u32 s4, s11;
	s19 =	simm.s32 $0x17A00  }
0x96: {  	[tilespmem:s19], [sflag:$0x2] =	stream.indirect.gather [hbm4b:s1+s15], $0x80, s11, s15, $0xb8;
	[tilespmem:$0x1F910] =	vst v63  }
0x97: {  	s26 =	smov.u32 s8;
	s8 =	simm.s32 $0x18200;
	s11 =	sadd.s32 $0x2A0, s7  }
0x98: {  	[tilespmem:s8], [sflag:$0x2] =	stream.indirect.gather [hbm4b:s1+s15], $0x80, s11, s15, $0xb8;
	[tilespmem:$0x1F910] =	vst v63  }
0x99: {  	s8 =	smov.u32 s26;
	s11 =	sadd.s32 $0x2B0, s7;
	s26 =	simm.s32 $0x18A00  }
0x9a: {  	[tilespmem:s26], [sflag:$0x2] =	stream.indirect.gather [hbm4b:s1+s15], $0x80, s11, s15, $0xb8;
	[tilespmem:$0x1F910] =	vst v63  }
0x9b: {  	s16 =	simm.s32 $0x1DC20;
	s11 =	sadd.s32 $0x2C0, s7;
	s26 =	simm.s32 $0x19200  }
0x9c: {  	[tilespmem:s26], [sflag:$0x2] =	stream.indirect.gather [hbm4b:s1+s15], $0x80, s11, s15, $0xb8;
	[tilespmem:$0x1F910] =	vst v63  }
0x9d: {  	s10 =	simm.s32 $0x1DC30;
	s11 =	sadd.s32 $0x2D0, s7;
	s26 =	simm.s32 $0x19A00  }
0x9e: {  	[tilespmem:s26], [sflag:$0x2] =	stream.indirect.gather [hbm4b:s1+s15], $0x80, s11, s15, $0xb8;
	[tilespmem:$0x1F910] =	vst v63  }
0x9f: {  	s31 =	simm.s32 $0x1DC40;
	s11 =	sadd.s32 $0x2E0, s7;
	s26 =	simm.s32 $0x1A200  }
0xa0: {  	[tilespmem:s26], [sflag:$0x2] =	stream.indirect.gather [hbm4b:s1+s15], $0x80, s11, s15, $0xb8;
	[tilespmem:$0x1F910] =	vst v63  }
0xa1: {  	s23 =	simm.s32 $0x1DC50;
	s11 =	sadd.s32 $0x2F0, s7;
	s26 =	simm.s32 $0x1AA00  }
0xa2: {  	[tilespmem:s26], [sflag:$0x2] =	stream.indirect.gather [hbm4b:s1+s15], $0x80, s11, s15, $0xb8;
	[tilespmem:$0x1F910] =	vst v63  }
0xa3: {  	s25 =	simm.s32 $0x1DC60;
	s7 =	sadd.s32 $0x300, s7;
	s26 =	simm.s32 $0x1B200  }
0xa4: {  	[tilespmem:s26], [sflag:$0x2] =	stream.indirect.gather [hbm4b:s1+s15], $0x80, s7, s15, $0xb8;
	[tilespmem:$0x1F910] =	vst v63  }
0xa5: {  	s30 =	simm.s32 $0x1DC70;
	s18 =	simm.s32 $0x1DC80;
	s7 =	sand.u32 $0x7F80, s7  }
0xa6: {  	s19 =	simm.s32 $0x1CE80;
	s26 =	simm.s32 $0x1BA00;
	s4 =	sor.u32 s4, s7  }
0xa7: {  	[tilespmem:s26], [sflag:$0x2] =	stream.indirect.gather [hbm4b:s1+s15], $0x80, s4, s15, $0xb8;
	[tilespmem:$0x1F910] =	vst v63  }
.LBB2_5:
0xa8: {  	s4 =	simm.s32 $0x1  }
0xa9: {  	_ =	swait.ge [sflag:s4], $0xC800  }
0xaa: {  	[sflag:s4] =	ssyncset.done $0x0  }
0xab: {  	s7 =	sadd.s32 $0x0, s9;
	[sflag:s4] =	ssyncadd.s32 $0xFFFF3800;
	s4 =	simm.s32 $0x3200  }
0xac: {  	[spmem:s7] =	stream.linear.scatter [tilespmem:s4], [sflag:$0x5], $0x8, $0x38;
	[tilespmem:$0x1F910] =	vst v63  }
0xad: {  	s7 =	simm.s32 $0x20  }
.LBB2_6:
0xae: {  	p0 =	sne.s32 s7, $0x31E0  }
.Ltmp6:
0xaf: {  	_ = 	snop;
	(pc) =	sbr.rel @p0 .LBB2_6-.Ltmp6, $4  }
0xb0: {  	_ = 	snop  }
0xb1: {  	s11 =	sshra.s32 s7, $0x2;
	s7 =	sadd.s32 $0x20, s7  }
0xb2: {  	s4 =	sadd.s32 $0x80, s4;
	s11 =	sadd.s32 s11, s9  }
0xb3: {  	[spmem:s11] =	stream.linear.scatter [tilespmem:s4], [sflag:$0x5], $0x8, $0x38;
	[tilespmem:$0x1F910] =	vst v63  }
0xb4: {  	_ =	swait.ge [sflag:s12], $0xC80  }
0xb5: {  	[sflag:s12] =	ssyncset.done $0x0  }
0xb6: {  	s11 =	simm.s32 $0x1C200;
	[sflag:s12] =	ssyncadd.s32 $0xFFFFF380  }
0xb7: {  	[tilespmem:s11], [sflag:$0x5] =	stream.linear.gather [spmem:s9], $0xC80, $0x38;
	[tilespmem:$0x1F910] =	vst v63  }
0xb8: {  	_ =	swait.ge [sflag:s12], $0xC80  }
0xb9: {  	p0 =	seq.s32 s20, $0x0;
	[sflag:s12] =	ssyncset.done $0x0  }
0xba: {  	s4 =	simm.s32 @!p0 $0x4;
	[sflag:s12] =	ssyncadd.s32 $0xFFFFF380  }
0xbb: {  	s7 =	sshll.u32 s20, $0x3;
	_ =	swait.ge @!p0 [sflag:s4], $0xC80  }
0xbc: {  	s7 =	sadd.s32 s6, s7;
	[sflag:s4] =	ssyncset.done @!p0 $0x0  }
0xbd: {  	v7 =	vmov s7;
	[sflag:s4] =	ssyncadd.s32 @!p0 $0xFFFFF380  }
0xbe: {  	[tilespmem:$0x1DB00] =	vst v7  }
0xbf: {  	[tilespmem:$0x1DB10] =	vst v7  }
0xc0: {  	s26 =	sor.u32 $0x1, s7;
	[tilespmem:$0x1DB20] =	vst v7;
	v7 =	vor.u32 s7, v0  }
0xc1: {  	[tilespmem:$0x1DB30] =	vst v7;
	v7 =	vmov s26  }
0xc2: {  	[tilespmem:$0x1DB40] =	vst v7  }
0xc3: {  	[tilespmem:$0x1DB50] =	vst v7;
	v7 =	vadd.s32 s26, v1;
	s26 =	sor.u32 $0x2, s7  }
0xc4: {  	[tilespmem:$0x1DB60] =	vst v7;
	v7 =	vmov s26  }
0xc5: {  	[tilespmem:$0x1DB70] =	vst v7  }
0xc6: {  	[tilespmem:$0x1DB80] =	vst v7;
	v7 =	vor.u32 s26, v2;
	s26 =	sor.u32 $0x3, s7  }
0xc7: {  	[tilespmem:$0x1DB90] =	vst v7;
	v7 =	vmov s26  }
0xc8: {  	[tilespmem:$0x1DBA0] =	vst v7  }
0xc9: {  	[tilespmem:$0x1DBB0] =	vst v7;
	v7 =	vadd.s32 s26, v5;
	s26 =	sor.u32 $0x4, s7  }
0xca: {  	[tilespmem:$0x1DBC0] =	vst v7;
	v7 =	vmov s26  }
0xcb: {  	[tilespmem:$0x1DBD0] =	vst v7  }
0xcc: {  	[tilespmem:$0x1DBE0] =	vst v7;
	v7 =	vor.u32 s26, v3;
	s26 =	sor.u32 $0x5, s7  }
0xcd: {  	[tilespmem:$0x1DBF0] =	vst v7;
	v7 =	vmov s26  }
0xce: {  	[tilespmem:$0x1DC00] =	vst v7  }
0xcf: {  	[tilespmem:$0x1DC10] =	vst v7;
	v7 =	vadd.s32 s26, v4;
	s26 =	sor.u32 $0x6, s7  }
0xd0: {  	[tilespmem:$0x1DC20] =	vst v7;
	v7 =	vmov s26  }
0xd1: {  	[tilespmem:$0x1DC30] =	vst v7  }
0xd2: {  	v8 =	vor.u32 s26, v6;
	s26 =	sor.u32 $0x7, s7;
	[tilespmem:$0x1DC40] =	vst v7  }
0xd3: {  	v7 =	vmov s26;
	[tilespmem:$0x1DC50] =	vst v8  }
0xd4: {  	[tilespmem:$0x1DC60] =	vst v7  }
0xd5: {  	[tilespmem:$0x1DC70] =	vst v7  }
0xd6: {  	s7 =	simm.s32 $0x1DB00;
	[tilespmem:$0x1DC80] =	vst v7  }
0xd7: {  	[spmem:s3] =	stream.indirect.scatter.add.f32 [tilespmem:s11], [sflag:$0x3], $0x8, s7, s15, $0xb8;
	[tilespmem:$0x1F910] =	vst v63  }
0xd8: {  	s26 =	simm.s32 $0x1C280;
	s11 =	simm.s32 $0x1DB10  }
0xd9: {  	[spmem:s3] =	stream.indirect.scatter.add.f32 [tilespmem:s26], [sflag:$0x3], $0x8, s11, s15, $0xb8;
	[tilespmem:$0x1F910] =	vst v63  }
0xda: {  	s11 =	simm.s32 $0x1DB20;
	s26 =	simm.s32 $0x1C300  }
0xdb: {  	[spmem:s3] =	stream.indirect.scatter.add.f32 [tilespmem:s26], [sflag:$0x3], $0x8, s11, s15, $0xb8;
	[tilespmem:$0x1F910] =	vst v63  }
0xdc: {  	s11 =	simm.s32 $0x1DB30;
	s26 =	simm.s32 $0x1C380  }
0xdd: {  	[spmem:s3] =	stream.indirect.scatter.add.f32 [tilespmem:s26], [sflag:$0x3], $0x8, s11, s15, $0xb8;
	[tilespmem:$0x1F910] =	vst v63  }
0xde: {  	s11 =	simm.s32 $0x1DB40;
	s26 =	simm.s32 $0x1C400  }
0xdf: {  	[spmem:s3] =	stream.indirect.scatter.add.f32 [tilespmem:s26], [sflag:$0x3], $0x8, s11, s15, $0xb8;
	[tilespmem:$0x1F910] =	vst v63  }
0xe0: {  	s11 =	simm.s32 $0x1DB50;
	s26 =	simm.s32 $0x1C480  }
0xe1: {  	[spmem:s3] =	stream.indirect.scatter.add.f32 [tilespmem:s26], [sflag:$0x3], $0x8, s11, s15, $0xb8;
	[tilespmem:$0x1F910] =	vst v63  }
0xe2: {  	s11 =	simm.s32 $0x1DB60;
	s26 =	simm.s32 $0x1C500  }
0xe3: {  	[spmem:s3] =	stream.indirect.scatter.add.f32 [tilespmem:s26], [sflag:$0x3], $0x8, s11, s15, $0xb8;
	[tilespmem:$0x1F910] =	vst v63  }
0xe4: {  	s11 =	simm.s32 $0x1DB70;
	s26 =	simm.s32 $0x1C580  }
0xe5: {  	[spmem:s3] =	stream.indirect.scatter.add.f32 [tilespmem:s26], [sflag:$0x3], $0x8, s11, s15, $0xb8;
	[tilespmem:$0x1F910] =	vst v63  }
0xe6: {  	s11 =	simm.s32 $0x1DB80;
	s26 =	simm.s32 $0x1C600  }
0xe7: {  	[spmem:s3] =	stream.indirect.scatter.add.f32 [tilespmem:s26], [sflag:$0x3], $0x8, s11, s15, $0xb8;
	[tilespmem:$0x1F910] =	vst v63  }
0xe8: {  	s11 =	simm.s32 $0x1DB90;
	s26 =	simm.s32 $0x1C680  }
0xe9: {  	[spmem:s3] =	stream.indirect.scatter.add.f32 [tilespmem:s26], [sflag:$0x3], $0x8, s11, s15, $0xb8;
	[tilespmem:$0x1F910] =	vst v63  }
0xea: {  	s7 =	simm.s32 $0x1C700  }
0xeb: {  	[spmem:s3] =	stream.indirect.scatter.add.f32 [tilespmem:s7], [sflag:$0x3], $0x8, s14, s15, $0xb8;
	[tilespmem:$0x1F910] =	vst v63  }
0xec: {  	s11 =	simm.s32 $0x1C780  }
0xed: {  	[spmem:s3] =	stream.indirect.scatter.add.f32 [tilespmem:s11], [sflag:$0x3], $0x8, s28, s15, $0xb8;
	[tilespmem:$0x1F910] =	vst v63  }
0xee: {  	s26 =	simm.s32 $0x1C800  }
0xef: {  	[spmem:s3] =	stream.indirect.scatter.add.f32 [tilespmem:s26], [sflag:$0x3], $0x8, s22, s15, $0xb8;
	[tilespmem:$0x1F910] =	vst v63  }
0xf0: {  	s7 =	simm.s32 $0x1C880  }
0xf1: {  	[spmem:s3] =	stream.indirect.scatter.add.f32 [tilespmem:s7], [sflag:$0x3], $0x8, s29, s15, $0xb8;
	[tilespmem:$0x1F910] =	vst v63  }
0xf2: {  	s11 =	simm.s32 $0x1C900  }
0xf3: {  	[spmem:s3] =	stream.indirect.scatter.add.f32 [tilespmem:s11], [sflag:$0x3], $0x8, s5, s15, $0xb8;
	[tilespmem:$0x1F910] =	vst v63  }
0xf4: {  	s26 =	simm.s32 $0x1C980  }
0xf5: {  	[spmem:s3] =	stream.indirect.scatter.add.f32 [tilespmem:s26], [sflag:$0x3], $0x8, s13, s15, $0xb8;
	[tilespmem:$0x1F910] =	vst v63  }
0xf6: {  	s7 =	simm.s32 $0x1CA00  }
0xf7: {  	[spmem:s3] =	stream.indirect.scatter.add.f32 [tilespmem:s7], [sflag:$0x3], $0x8, s0, s15, $0xb8;
	[tilespmem:$0x1F910] =	vst v63  }
0xf8: {  	s11 =	simm.s32 $0x1CA80  }
0xf9: {  	[spmem:s3] =	stream.indirect.scatter.add.f32 [tilespmem:s11], [sflag:$0x3], $0x8, s2, s15, $0xb8;
	[tilespmem:$0x1F910] =	vst v63  }
0xfa: {  	s26 =	simm.s32 $0x1CB00  }
0xfb: {  	[spmem:s3] =	stream.indirect.scatter.add.f32 [tilespmem:s26], [sflag:$0x3], $0x8, s16, s15, $0xb8;
	[tilespmem:$0x1F910] =	vst v63  }
0xfc: {  	s7 =	simm.s32 $0x1CB80  }
0xfd: {  	[spmem:s3] =	stream.indirect.scatter.add.f32 [tilespmem:s7], [sflag:$0x3], $0x8, s10, s15, $0xb8;
	[tilespmem:$0x1F910] =	vst v63  }
0xfe: {  	s11 =	simm.s32 $0x1CC00  }
0xff: {  	[spmem:s3] =	stream.indirect.scatter.add.f32 [tilespmem:s11], [sflag:$0x3], $0x8, s31, s15, $0xb8;
	[tilespmem:$0x1F910] =	vst v63  }
0x100: {  	s26 =	simm.s32 $0x1CC80  }
0x101: {  	[spmem:s3] =	stream.indirect.scatter.add.f32 [tilespmem:s26], [sflag:$0x3], $0x8, s23, s15, $0xb8;
	[tilespmem:$0x1F910] =	vst v63  }
0x102: {  	p0 =	seq.s32 s24, $0x0;
	s7 =	simm.s32 $0x1CD00  }
0x103: {  	[spmem:s3] =	stream.indirect.scatter.add.f32 [tilespmem:s7], [sflag:$0x3], $0x8, s25, s15, $0xb8;
	[tilespmem:$0x1F910] =	vst v63  }
.Ltmp7:
0x104: {  	_ = 	snop;
	(pc) =	sbr.rel @p0 .LBB2_13-.Ltmp7, $4  }
0x105: {  	s11 =	simm.s32 $0x1CD80  }
0x106: {  	[spmem:s3] =	stream.indirect.scatter.add.f32 [tilespmem:s11], [sflag:$0x3], $0x8, s30, s15, $0xb8;
	[tilespmem:$0x1F910] =	vst v63  }
0x107: {  	s26 =	simm.s32 $0x1CE00  }
0x108: {  	[spmem:s3] =	stream.indirect.scatter.add.f32 [tilespmem:s26], [sflag:$0x3], $0x8, s18, s15, $0xb8;
	[tilespmem:$0x1F910] =	vst v63  }
.LBB2_8:
0x109: {  	p0 =	seq.s32 s20, $0x3F  }
.Ltmp8:
0x10a: {  	_ = 	snop;
	(pc) =	sbr.rel @p0 .LBB2_10-.Ltmp8, $1  }
0x10b: {  	_ =	sdelay $0x3  }
0x10c: {  	p0 =	sne.s32 s20, $0x1F  }
0x10d: {  	s4 =	simm.s32 @!p0 $0x0  }
0x10e: {  	[tilespmem:s4], [sflag:$0x5] =	stream.linear.gather @!p0 [hbm4b:s8+s4], $0x3200, $0x38;
	[tilespmem:$0x1F910] =	vst v63  }
0x10f: {  	s7 =	sadd.s32 $0x1, s20;
	s4 =	simm.s32 @!p0 $0x5  }
0x110: {  	s7 =	sand.u32 $0x1F, s7;
	_ =	swait.ge @!p0 [sflag:s4], $0x3200  }
0x111: {  	s7 =	smul.u32 $0x190, s7;
	[sflag:s4] =	ssyncset.done @!p0 $0x0  }
0x112: {  	s24 =	simm.s32 $0x3200;
	[sflag:s4] =	ssyncadd.s32 @!p0 $0xFFFFCE00  }
0x113: {  	[tilespmem:s24], [sflag:$0x1] =	stream.indirect.gather [hbm4b:s1+s15], $0x80, s7, s15, $0xb8;
	[tilespmem:$0x1F910] =	vst v63  }
0x114: {  	s11 =	simm.s32 $0x3A00;
	s26 =	sadd.s32 $0x10, s7  }
0x115: {  	[tilespmem:s11], [sflag:$0x1] =	stream.indirect.gather [hbm4b:s1+s15], $0x80, s26, s15, $0xb8;
	[tilespmem:$0x1F910] =	vst v63  }
0x116: {  	s24 =	sadd.s32 $0x20, s7;
	s26 =	simm.s32 $0x4200  }
0x117: {  	[tilespmem:s26], [sflag:$0x1] =	stream.indirect.gather [hbm4b:s1+s15], $0x80, s24, s15, $0xb8;
	[tilespmem:$0x1F910] =	vst v63  }
0x118: {  	s24 =	sadd.s32 $0x30, s7;
	s26 =	simm.s32 $0x4A00  }
0x119: {  	[tilespmem:s26], [sflag:$0x1] =	stream.indirect.gather [hbm4b:s1+s15], $0x80, s24, s15, $0xb8;
	[tilespmem:$0x1F910] =	vst v63  }
0x11a: {  	s24 =	sadd.s32 $0x40, s7;
	s26 =	simm.s32 $0x5200  }
0x11b: {  	[tilespmem:s26], [sflag:$0x1] =	stream.indirect.gather [hbm4b:s1+s15], $0x80, s24, s15, $0xb8;
	[tilespmem:$0x1F910] =	vst v63  }
0x11c: {  	s11 =	sadd.s32 $0x80, s7;
	s24 =	sadd.s32 $0x50, s7;
	s26 =	simm.s32 $0x5A00  }
0x11d: {  	[tilespmem:s26], [sflag:$0x1] =	stream.indirect.gather [hbm4b:s1+s15], $0x80, s24, s15, $0xb8;
	[tilespmem:$0x1F910] =	vst v63  }
0x11e: {  	s4 =	sand.u32 $0x7F80, s11;
	s24 =	sadd.s32 $0x60, s7;
	s26 =	simm.s32 $0x6200  }
0x11f: {  	[tilespmem:s26], [sflag:$0x1] =	stream.indirect.gather [hbm4b:s1+s15], $0x80, s24, s15, $0xb8;
	[tilespmem:$0x1F910] =	vst v63  }
0x120: {  	s11 =	sand.u32 $0x70, s7;
	s24 =	sadd.s32 $0x70, s7;
	s26 =	simm.s32 $0x6A00  }
0x121: {  	[tilespmem:s26], [sflag:$0x1] =	stream.indirect.gather [hbm4b:s1+s15], $0x80, s24, s15, $0xb8;
	[tilespmem:$0x1F910] =	vst v63  }
0x122: {  	s4 =	sor.u32 s11, s4;
	s24 =	simm.s32 $0x7200  }
0x123: {  	[tilespmem:s24], [sflag:$0x1] =	stream.indirect.gather [hbm4b:s1+s15], $0x80, s4, s15, $0xb8;
	[tilespmem:$0x1F910] =	vst v63  }
0x124: {  	s26 =	simm.s32 $0x7A00;
	s24 =	sadd.s32 $0x90, s7  }
0x125: {  	[tilespmem:s26], [sflag:$0x1] =	stream.indirect.gather [hbm4b:s1+s15], $0x80, s24, s15, $0xb8;
	[tilespmem:$0x1F910] =	vst v63  }
0x126: {  	s24 =	sadd.s32 $0xA0, s7;
	s26 =	simm.s32 $0x8200  }
0x127: {  	[tilespmem:s26], [sflag:$0x1] =	stream.indirect.gather [hbm4b:s1+s15], $0x80, s24, s15, $0xb8;
	[tilespmem:$0x1F910] =	vst v63  }
0x128: {  	s24 =	sadd.s32 $0xB0, s7;
	s26 =	simm.s32 $0x8A00  }
0x129: {  	[tilespmem:s26], [sflag:$0x1] =	stream.indirect.gather [hbm4b:s1+s15], $0x80, s24, s15, $0xb8;
	[tilespmem:$0x1F910] =	vst v63  }
0x12a: {  	s24 =	sadd.s32 $0xC0, s7;
	s26 =	simm.s32 $0x9200  }
0x12b: {  	[tilespmem:s26], [sflag:$0x1] =	stream.indirect.gather [hbm4b:s1+s15], $0x80, s24, s15, $0xb8;
	[tilespmem:$0x1F910] =	vst v63  }
0x12c: {  	s24 =	sadd.s32 $0xD0, s7;
	s26 =	simm.s32 $0x9A00  }
0x12d: {  	[tilespmem:s26], [sflag:$0x1] =	stream.indirect.gather [hbm4b:s1+s15], $0x80, s24, s15, $0xb8;
	[tilespmem:$0x1F910] =	vst v63  }
0x12e: {  	s24 =	sadd.s32 $0xE0, s7;
	s26 =	simm.s32 $0xA200  }
0x12f: {  	[tilespmem:s26], [sflag:$0x1] =	stream.indirect.gather [hbm4b:s1+s15], $0x80, s24, s15, $0xb8;
	[tilespmem:$0x1F910] =	vst v63  }
0x130: {  	s24 =	sadd.s32 $0xF0, s7;
	s26 =	simm.s32 $0xAA00  }
0x131: {  	[tilespmem:s26], [sflag:$0x1] =	stream.indirect.gather [hbm4b:s1+s15], $0x80, s24, s15, $0xb8;
	[tilespmem:$0x1F910] =	vst v63  }
0x132: {  	s24 =	sadd.s32 $0x100, s7  }
0x133: {  	s4 =	sand.u32 $0x7F80, s24  }
0x134: {  	s26 =	simm.s32 $0xB200;
	s4 =	sor.u32 s11, s4  }
0x135: {  	[tilespmem:s26], [sflag:$0x1] =	stream.indirect.gather [hbm4b:s1+s15], $0x80, s4, s15, $0xb8;
	[tilespmem:$0x1F910] =	vst v63  }
0x136: {  	s24 =	sadd.s32 $0x110, s7;
	s26 =	simm.s32 $0xBA00  }
0x137: {  	[tilespmem:s26], [sflag:$0x1] =	stream.indirect.gather [hbm4b:s1+s15], $0x80, s24, s15, $0xb8;
	[tilespmem:$0x1F910] =	vst v63  }
0x138: {  	s24 =	sadd.s32 $0x120, s7;
	s26 =	simm.s32 $0xC200  }
0x139: {  	[tilespmem:s26], [sflag:$0x1] =	stream.indirect.gather [hbm4b:s1+s15], $0x80, s24, s15, $0xb8;
	[tilespmem:$0x1F910] =	vst v63  }
0x13a: {  	s24 =	sadd.s32 $0x130, s7;
	s26 =	simm.s32 $0xCA00  }
0x13b: {  	[tilespmem:s26], [sflag:$0x1] =	stream.indirect.gather [hbm4b:s1+s15], $0x80, s24, s15, $0xb8;
	[tilespmem:$0x1F910] =	vst v63  }
0x13c: {  	s24 =	sadd.s32 $0x140, s7;
	s26 =	simm.s32 $0xD200  }
0x13d: {  	[tilespmem:s26], [sflag:$0x1] =	stream.indirect.gather [hbm4b:s1+s15], $0x80, s24, s15, $0xb8;
	[tilespmem:$0x1F910] =	vst v63  }
0x13e: {  	s24 =	sadd.s32 $0x150, s7;
	s26 =	simm.s32 $0xDA00  }
0x13f: {  	[tilespmem:s26], [sflag:$0x1] =	stream.indirect.gather [hbm4b:s1+s15], $0x80, s24, s15, $0xb8;
	[tilespmem:$0x1F910] =	vst v63  }
0x140: {  	s24 =	sadd.s32 $0x160, s7;
	s26 =	simm.s32 $0xE200  }
0x141: {  	[tilespmem:s26], [sflag:$0x1] =	stream.indirect.gather [hbm4b:s1+s15], $0x80, s24, s15, $0xb8;
	[tilespmem:$0x1F910] =	vst v63  }
0x142: {  	s24 =	sadd.s32 $0x170, s7;
	s26 =	simm.s32 $0xEA00  }
0x143: {  	[tilespmem:s26], [sflag:$0x1] =	stream.indirect.gather [hbm4b:s1+s15], $0x80, s24, s15, $0xb8;
	[tilespmem:$0x1F910] =	vst v63  }
0x144: {  	s24 =	sadd.s32 $0x180, s7  }
0x145: {  	s4 =	sand.u32 $0x7F80, s24  }
0x146: {  	s26 =	simm.s32 $0xF200;
	s4 =	sor.u32 s11, s4  }
0x147: {  	[tilespmem:s26], [sflag:$0x1] =	stream.indirect.gather [hbm4b:s1+s15], $0x80, s4, s15, $0xb8;
	[tilespmem:$0x1F910] =	vst v63  }
.LBB2_10:
0x148: {  	_ =	swait.ge [sflag:s17], $0xC800  }
0x149: {  	[sflag:s17] =	ssyncset.done $0x0  }
0x14a: {  	s4 =	simm.s32 $0xFA00;
	s7 =	sadd.s32 $0x0, s9;
	[sflag:s17] =	ssyncadd.s32 $0xFFFF3800  }
0x14b: {  	[spmem:s7] =	stream.linear.scatter [tilespmem:s4], [sflag:$0x5], $0x8, $0x38;
	[tilespmem:$0x1F910] =	vst v63  }
0x14c: {  	s7 =	simm.s32 $0x20  }
.LBB2_11:
0x14d: {  	p0 =	sne.s32 s7, $0x31E0  }
.Ltmp9:
0x14e: {  	_ = 	snop;
	(pc) =	sbr.rel @p0 .LBB2_11-.Ltmp9, $4  }
0x14f: {  	_ = 	snop  }
0x150: {  	s11 =	sshra.s32 s7, $0x2;
	s7 =	sadd.s32 $0x20, s7  }
0x151: {  	s4 =	sadd.s32 $0x80, s4;
	s11 =	sadd.s32 s11, s9  }
0x152: {  	[spmem:s11] =	stream.linear.scatter [tilespmem:s4], [sflag:$0x5], $0x8, $0x38;
	[tilespmem:$0x1F910] =	vst v63  }
0x153: {  	_ =	swait.ge [sflag:s12], $0xC80  }
0x154: {  	[sflag:s12] =	ssyncset.done $0x0  }
0x155: {  	[sflag:s12] =	ssyncadd.s32 $0xFFFFF380  }
0x156: {  	[tilespmem:s19], [sflag:$0x5] =	stream.linear.gather [spmem:s9], $0xC80, $0x38;
	[tilespmem:$0x1F910] =	vst v63  }
0x157: {  	_ =	swait.ge [sflag:s12], $0xC80  }
0x158: {  	[sflag:s12] =	ssyncset.done $0x0  }
0x159: {  	[sflag:s12] =	ssyncadd.s32 $0xFFFFF380  }
0x15a: {  	s4 =	sshll.u32 s20, $0x3;
	_ =	swait.ge [sflag:s21], $0xC80  }
0x15b: {  	s4 =	sadd.s32 s6, s4;
	[sflag:s21] =	ssyncset.done $0x0  }
0x15c: {  	v7 =	vmov s4;
	[sflag:s21] =	ssyncadd.s32 $0xFFFFF380  }
0x15d: {  	[tilespmem:$0x1DB00] =	vst v7  }
0x15e: {  	[tilespmem:$0x1DB10] =	vst v7  }
0x15f: {  	s7 =	sor.u32 $0x1, s4;
	[tilespmem:$0x1DB20] =	vst v7;
	v7 =	vor.u32 s4, v0  }
0x160: {  	[tilespmem:$0x1DB30] =	vst v7;
	v7 =	vmov s7  }
0x161: {  	[tilespmem:$0x1DB40] =	vst v7  }
0x162: {  	s24 =	sor.u32 $0x2, s4;
	[tilespmem:$0x1DB50] =	vst v7;
	v7 =	vadd.s32 s7, v1  }
0x163: {  	[tilespmem:$0x1DB60] =	vst v7;
	v7 =	vmov s24  }
0x164: {  	[tilespmem:$0x1DB70] =	vst v7  }
0x165: {  	s26 =	sor.u32 $0x3, s4;
	[tilespmem:$0x1DB80] =	vst v7;
	v7 =	vor.u32 s24, v2  }
0x166: {  	[tilespmem:$0x1DB90] =	vst v7;
	v7 =	vmov s26  }
0x167: {  	[tilespmem:$0x1DBA0] =	vst v7  }
0x168: {  	s11 =	sor.u32 $0x4, s4;
	[tilespmem:$0x1DBB0] =	vst v7;
	v7 =	vadd.s32 s26, v5  }
0x169: {  	[tilespmem:$0x1DBC0] =	vst v7;
	v7 =	vmov s11  }
0x16a: {  	s26 =	sor.u32 $0x6, s4;
	[tilespmem:$0x1DBD0] =	vst v7  }
0x16b: {  	v8 =	vor.u32 s26, v6;
	[tilespmem:$0x1DBE0] =	vst v7  }
0x16c: {  	s24 =	sor.u32 $0x5, s4;
	v7 =	vor.u32 s11, v3;
	[tilespmem:$0x1DC50] =	vst v8  }
0x16d: {  	[tilespmem:$0x1DBF0] =	vst v7;
	v7 =	vmov s24  }
0x16e: {  	[tilespmem:$0x1DC00] =	vst v7  }
0x16f: {  	[tilespmem:$0x1DC10] =	vst v7;
	v7 =	vadd.s32 s24, v4  }
0x170: {  	[tilespmem:$0x1DC20] =	vst v7;
	v7 =	vmov s26  }
0x171: {  	s4 =	sor.u32 $0x7, s4;
	[tilespmem:$0x1DC30] =	vst v7  }
0x172: {  	[tilespmem:$0x1DC40] =	vst v7;
	v7 =	vmov s4  }
0x173: {  	[tilespmem:$0x1DC60] =	vst v7  }
0x174: {  	[tilespmem:$0x1DC70] =	vst v7  }
0x175: {  	s11 =	simm.s32 $0x1DB00;
	[tilespmem:$0x1DC80] =	vst v7  }
0x176: {  	[spmem:s3] =	stream.indirect.scatter.add.f32 [tilespmem:s19], [sflag:$0x4], $0x8, s11, s15, $0xb8;
	[tilespmem:$0x1F910] =	vst v63  }
0x177: {  	s24 =	simm.s32 $0x1DB10;
	s26 =	simm.s32 $0x1CF00  }
0x178: {  	[spmem:s3] =	stream.indirect.scatter.add.f32 [tilespmem:s26], [sflag:$0x4], $0x8, s24, s15, $0xb8;
	[tilespmem:$0x1F910] =	vst v63  }
0x179: {  	s7 =	simm.s32 $0x1DB20;
	s11 =	simm.s32 $0x1CF80  }
0x17a: {  	[spmem:s3] =	stream.indirect.scatter.add.f32 [tilespmem:s11], [sflag:$0x4], $0x8, s7, s15, $0xb8;
	[tilespmem:$0x1F910] =	vst v63  }
0x17b: {  	s24 =	simm.s32 $0x1DB30;
	s26 =	simm.s32 $0x1D000  }
0x17c: {  	[spmem:s3] =	stream.indirect.scatter.add.f32 [tilespmem:s26], [sflag:$0x4], $0x8, s24, s15, $0xb8;
	[tilespmem:$0x1F910] =	vst v63  }
0x17d: {  	s7 =	simm.s32 $0x1DB40;
	s11 =	simm.s32 $0x1D080  }
0x17e: {  	[spmem:s3] =	stream.indirect.scatter.add.f32 [tilespmem:s11], [sflag:$0x4], $0x8, s7, s15, $0xb8;
	[tilespmem:$0x1F910] =	vst v63  }
0x17f: {  	s24 =	simm.s32 $0x1DB50;
	s26 =	simm.s32 $0x1D100  }
0x180: {  	[spmem:s3] =	stream.indirect.scatter.add.f32 [tilespmem:s26], [sflag:$0x4], $0x8, s24, s15, $0xb8;
	[tilespmem:$0x1F910] =	vst v63  }
0x181: {  	s7 =	simm.s32 $0x1DB60;
	s11 =	simm.s32 $0x1D180  }
0x182: {  	[spmem:s3] =	stream.indirect.scatter.add.f32 [tilespmem:s11], [sflag:$0x4], $0x8, s7, s15, $0xb8;
	[tilespmem:$0x1F910] =	vst v63  }
0x183: {  	s24 =	simm.s32 $0x1DB70;
	s26 =	simm.s32 $0x1D200  }
0x184: {  	[spmem:s3] =	stream.indirect.scatter.add.f32 [tilespmem:s26], [sflag:$0x4], $0x8, s24, s15, $0xb8;
	[tilespmem:$0x1F910] =	vst v63  }
0x185: {  	s7 =	simm.s32 $0x1DB80;
	s11 =	simm.s32 $0x1D280  }
0x186: {  	[spmem:s3] =	stream.indirect.scatter.add.f32 [tilespmem:s11], [sflag:$0x4], $0x8, s7, s15, $0xb8;
	[tilespmem:$0x1F910] =	vst v63  }
0x187: {  	s24 =	simm.s32 $0x1DB90;
	s26 =	simm.s32 $0x1D300  }
0x188: {  	[spmem:s3] =	stream.indirect.scatter.add.f32 [tilespmem:s26], [sflag:$0x4], $0x8, s24, s15, $0xb8;
	[tilespmem:$0x1F910] =	vst v63  }
0x189: {  	s11 =	simm.s32 $0x1D380  }
0x18a: {  	[spmem:s3] =	stream.indirect.scatter.add.f32 [tilespmem:s11], [sflag:$0x4], $0x8, s14, s15, $0xb8;
	[tilespmem:$0x1F910] =	vst v63  }
0x18b: {  	s24 =	simm.s32 $0x1D400  }
0x18c: {  	[spmem:s3] =	stream.indirect.scatter.add.f32 [tilespmem:s24], [sflag:$0x4], $0x8, s28, s15, $0xb8;
	[tilespmem:$0x1F910] =	vst v63  }
0x18d: {  	s26 =	simm.s32 $0x1D480  }
0x18e: {  	[spmem:s3] =	stream.indirect.scatter.add.f32 [tilespmem:s26], [sflag:$0x4], $0x8, s22, s15, $0xb8;
	[tilespmem:$0x1F910] =	vst v63  }
0x18f: {  	s7 =	simm.s32 $0x1D500  }
0x190: {  	[spmem:s3] =	stream.indirect.scatter.add.f32 [tilespmem:s7], [sflag:$0x4], $0x8, s29, s15, $0xb8;
	[tilespmem:$0x1F910] =	vst v63  }
0x191: {  	s11 =	simm.s32 $0x1D580  }
0x192: {  	[spmem:s3] =	stream.indirect.scatter.add.f32 [tilespmem:s11], [sflag:$0x4], $0x8, s5, s15, $0xb8;
	[tilespmem:$0x1F910] =	vst v63  }
0x193: {  	s24 =	simm.s32 $0x1D600  }
0x194: {  	[spmem:s3] =	stream.indirect.scatter.add.f32 [tilespmem:s24], [sflag:$0x4], $0x8, s13, s15, $0xb8;
	[tilespmem:$0x1F910] =	vst v63  }
0x195: {  	s26 =	simm.s32 $0x1D680  }
0x196: {  	[spmem:s3] =	stream.indirect.scatter.add.f32 [tilespmem:s26], [sflag:$0x4], $0x8, s0, s15, $0xb8;
	[tilespmem:$0x1F910] =	vst v63  }
0x197: {  	s7 =	simm.s32 $0x1D700  }
0x198: {  	[spmem:s3] =	stream.indirect.scatter.add.f32 [tilespmem:s7], [sflag:$0x4], $0x8, s2, s15, $0xb8;
	[tilespmem:$0x1F910] =	vst v63  }
0x199: {  	s11 =	simm.s32 $0x1D780  }
0x19a: {  	[spmem:s3] =	stream.indirect.scatter.add.f32 [tilespmem:s11], [sflag:$0x4], $0x8, s16, s15, $0xb8;
	[tilespmem:$0x1F910] =	vst v63  }
0x19b: {  	s24 =	simm.s32 $0x1D800  }
0x19c: {  	[spmem:s3] =	stream.indirect.scatter.add.f32 [tilespmem:s24], [sflag:$0x4], $0x8, s10, s15, $0xb8;
	[tilespmem:$0x1F910] =	vst v63  }
0x19d: {  	s26 =	simm.s32 $0x1D880  }
0x19e: {  	[spmem:s3] =	stream.indirect.scatter.add.f32 [tilespmem:s26], [sflag:$0x4], $0x8, s31, s15, $0xb8;
	[tilespmem:$0x1F910] =	vst v63  }
0x19f: {  	s7 =	simm.s32 $0x1D900  }
0x1a0: {  	[spmem:s3] =	stream.indirect.scatter.add.f32 [tilespmem:s7], [sflag:$0x4], $0x8, s23, s15, $0xb8;
	[tilespmem:$0x1F910] =	vst v63  }
0x1a1: {  	s11 =	simm.s32 $0x1D980  }
0x1a2: {  	[spmem:s3] =	stream.indirect.scatter.add.f32 [tilespmem:s11], [sflag:$0x4], $0x8, s25, s15, $0xb8;
	[tilespmem:$0x1F910] =	vst v63  }
.Ltmp10:
0x1a3: {  	_ = 	snop;
	(pc) =	sbr.rel .LBB2_13-.Ltmp10, $4  }
0x1a4: {  	s24 =	simm.s32 $0x1DA00  }
0x1a5: {  	[spmem:s3] =	stream.indirect.scatter.add.f32 [tilespmem:s24], [sflag:$0x4], $0x8, s30, s15, $0xb8;
	[tilespmem:$0x1F910] =	vst v63  }
0x1a6: {  	s26 =	simm.s32 $0x1DA80  }
0x1a7: {  	[spmem:s3] =	stream.indirect.scatter.add.f32 [tilespmem:s26], [sflag:$0x4], $0x8, s18, s15, $0xb8;
	[tilespmem:$0x1F910] =	vst v63  }
.LBB2_15:
0x1a8: {  	_ =	sfence.sel $0x180000  }
0x1a9: {  	[bflag:$0x0] =	sbarrier.arrive $0xFFFF  }
0x1aa: {  	_ =	strace $0x90000047  }
0x1ab: {  	s0 =	stileid.u32;
	[bflag:$0x2] =	sbarrier.arrive $0xFFFF  }
0x1ac: {  	p0 =	sne.s32 s0, $0x0;
	s0 =	rddreg [dreg:$0x6]  }
0x1ad: {  	s0 =	sadd.s32 @!p0 $0x100000, s0  }
0x1ae: {  	[sflag:s0] =	ssyncadd.tile.s32 @!p0 $0x1;
	_ =	shalt  }
.Lfunc_end2:
_tile_overlayer_lowered:
.L_overlay_start_2:
0x1af: {  	(tag) =	ssettag $0x2  }
0x1b0: {  	s0 =	rddreg [dreg:$0x0];
	s2 =	stileid.u32  }
0x1b1: {  	s1 =	rddreg [dreg:$0x1];
	p0 =	sne.s32 s2, $0x0  }
0x1b2: {  	s3 =	rddreg [dreg:$0x2];
	[bflag:$0x3] =	sbarrier.arrive $0xFFFF;
	s2 =	simm.s32 @!p0 $0x1C05  }
0x1b3: {  	[timem:s3], [sflag:s2] =	dma.local @!p0 [hbm:s0], s1  }
0x1b4: {  	s0 =	simm.s32 @!p0 $0x5  }
0x1b5: {  	_ =	swait.ge @!p0 [sflag:s0], s1  }
0x1b6: {  	s1 =	ssub.s32 @!p0 $0x0, s1;
	[sflag:s0] =	ssyncset.done @!p0 $0x0  }
0x1b7: {  	[sflag:s0] =	ssyncadd.s32 @!p0 s1  }
0x1b8: {  	[bflag:$0x3] =	sbarrier.arrive $0xFFFF  }
0x1b9: {  	_ =	shalt  }

</sc_bundles>
